<compile_context>
chip_gen: v7x
topology: tpu7x:2x2x1
jax: 0.10.2.dev20260603
libtpu: 0.0.44.dev20260713+nightly
codegen_flags: <defaults>
</compile_context>

<pallas_src>
import jax
import jax.numpy as jnp
from jax import lax
from jax.experimental import pallas as pl
from jax.experimental.pallas import tpu as pltpu, tpu_sc as plsc

N = 100000
E = 6400000
IN_DIM = 10
HID = 64
NUM_CLASSES = 4

NC = 2
NS = 16
NW = NC * NS
KD = 2048
DEG_T = (E // KD) // NW
DEG_REM = (E // KD) % NW
K = 512
NCHUNKS = E // K
FULL_FLOOR = NCHUNKS // NS
FULL_REM = NCHUNKS % NS
HALF_FLOOR = NCHUNKS // NW
HALF_REM2 = NCHUNKS % NW

NP = 100352
NPT = NP // NS

_MESH = plsc.VectorSubcoreMesh(
    core_axis_name="c", subcore_axis_name="s", num_cores=NC, num_subcores=NS)
_SC_PARAMS = pltpu.CompilerParams(use_tc_tiling_on_sc=False)



def _deg_body(ed, zeros_h, ones_h, out, colbuf, ones_v, hist, sem):
  del sem
  c = lax.axis_index("c")
  s = lax.axis_index("s")
  w = c * NS + s
  pltpu.sync_copy(ones_h, ones_v)
  pltpu.sync_copy(zeros_h.at[pl.ds(s * NPT, NPT)], hist.at[pl.ds(s * NPT, NPT)])
  plsc.subcore_barrier()

  def step(chunk):
    e0 = pl.multiple_of(chunk * KD, KD)
    pltpu.sync_copy(ed.at[1].at[pl.ds(e0, KD)], colbuf)
    pltpu.sync_copy(ones_v, hist.at[colbuf], add=True)

  def body(t, carry):
    step(w + NW * t)
    return carry

  lax.fori_loop(0, DEG_T, body, 0)

  @pl.when(w < DEG_REM)
  def _():
    step(NW * DEG_T + w)

  plsc.subcore_barrier()
  pltpu.sync_copy(hist.at[pl.ds(s * NPT, NPT)],
                  out.at[c].at[pl.ds(s * NPT, NPT)])


_deg_call = pl.kernel(
    _deg_body,
    compiler_params=_SC_PARAMS,
    out_type=jax.ShapeDtypeStruct((NC, NP), jnp.float32),
    mesh=_MESH,
    scratch_types=[
        pltpu.VMEM((KD,), jnp.int32),
        pltpu.VMEM((KD,), jnp.float32),
        pltpu.VMEM_SHARED((NP,), jnp.float32),
        pltpu.SemaphoreType.DMA,
    ],
)


def _spmm64_body(ed, y, zeros_h, out, ib0, ib1, ib2, st0, st1, st2, acc,
                 si0, si1, si2, sg0, sg1, sg2, ss0, ss1, ss2):
  c = lax.axis_index("c")
  s = lax.axis_index("s")
  T = FULL_FLOOR + (s < FULL_REM).astype(jnp.int32)
  for j in range(2):
    g = 2 * c + j

    def src_of(t):
      e0 = pl.multiple_of((s + NS * t) * K, K)
      return ed.at[:, pl.ds(e0, K)]

    def fire_idx(t, ib, si):
      @pl.when(t < T)
      def _():
        pltpu.async_copy(src_of(t), ib, si)

    def wait_idx(t, ib, si):
      pltpu.make_async_copy(src_of(t), ib, si).wait()

    for t0, ib, si in ((0, ib0, si0), (1, ib1, si1), (2, ib2, si2)):
      fire_idx(t0, ib, si)
    pltpu.sync_copy(zeros_h, acc.at[pl.ds(s * NPT, NPT)])
    plsc.subcore_barrier()

    def body(u, carry):
      t = 3 * u
      wait_idx(t, ib0, si0)
      hg0 = pltpu.async_copy(y.at[g].at[ib0.at[0]], st0, sg0)
      wait_idx(t + 1, ib1, si1)
      hg1 = pltpu.async_copy(y.at[g].at[ib1.at[0]], st1, sg1)
      hg0.wait()
      hs0 = pltpu.async_copy(st0, acc.at[ib0.at[1]], ss0, add=True)
      wait_idx(t + 2, ib2, si2)
      hg2 = pltpu.async_copy(y.at[g].at[ib2.at[0]], st2, sg2)
      hg1.wait()
      hs1 = pltpu.async_copy(st1, acc.at[ib1.at[1]], ss1, add=True)
      hs0.wait()
      fire_idx(t + 3, ib0, si0)
      hg2.wait()
      hs2 = pltpu.async_copy(st2, acc.at[ib2.at[1]], ss2, add=True)
      hs1.wait()
      fire_idx(t + 4, ib1, si1)
      hs2.wait()
      fire_idx(t + 5, ib2, si2)
      return carry

    lax.fori_loop(0, FULL_FLOOR // 3, body, 0)

    t = FULL_FLOOR - 1
    wait_idx(t, ib0, si0)
    pltpu.async_copy(y.at[g].at[ib0.at[0]], st0, sg0).wait()
    pltpu.async_copy(st0, acc.at[ib0.at[1]], ss0, add=True).wait()

    @pl.when(s < FULL_REM)
    def _():
      wait_idx(t + 1, ib1, si1)
      pltpu.async_copy(y.at[g].at[ib1.at[0]], st1, sg1).wait()
      pltpu.async_copy(st1, acc.at[ib1.at[1]], ss1, add=True).wait()

    plsc.subcore_barrier()
    pltpu.sync_copy(acc.at[pl.ds(s * NPT, NPT)],
                    out.at[g].at[pl.ds(s * NPT, NPT)])
    plsc.subcore_barrier()


_SPMM_SCRATCH = (
    [pltpu.VMEM((2, K), jnp.int32)] * 3
    + [pltpu.VMEM((K, 16), jnp.float32)] * 3
    + [pltpu.VMEM_SHARED((NP, 16), jnp.float32)]
    + [pltpu.SemaphoreType.DMA] * 9
)

_spmm64_call = pl.kernel(
    _spmm64_body,
    compiler_params=_SC_PARAMS,
    out_type=jax.ShapeDtypeStruct((4, NP, 16), jnp.float32),
    mesh=_MESH,
    scratch_types=_SPMM_SCRATCH,
)


def _spmm16_body(ed, y, zeros_h, out, ib0, ib1, ib2, st0, st1, st2, acc,
                 si0, si1, si2, sg0, sg1, sg2, ss0, ss1, ss2):
  c = lax.axis_index("c")
  s = lax.axis_index("s")
  w = c * NS + s
  T = HALF_FLOOR + (w < HALF_REM2).astype(jnp.int32)

  def src_of(t):
    e0 = pl.multiple_of((w + NW * t) * K, K)
    return ed.at[:, pl.ds(e0, K)]

  def fire_idx(t, ib, si):
    @pl.when(t < T)
    def _():
      pltpu.async_copy(src_of(t), ib, si)

  def wait_idx(t, ib, si):
    pltpu.make_async_copy(src_of(t), ib, si).wait()

  for t0, ib, si in ((0, ib0, si0), (1, ib1, si1), (2, ib2, si2)):
    fire_idx(t0, ib, si)
  pltpu.sync_copy(zeros_h, acc.at[pl.ds(s * NPT, NPT)])
  plsc.subcore_barrier()

  def body(u, carry):
    t = 3 * u
    wait_idx(t, ib0, si0)
    hg0 = pltpu.async_copy(y.at[ib0.at[0]], st0, sg0)
    wait_idx(t + 1, ib1, si1)
    hg1 = pltpu.async_copy(y.at[ib1.at[0]], st1, sg1)
    hg0.wait()
    hs0 = pltpu.async_copy(st0, acc.at[ib0.at[1]], ss0, add=True)
    wait_idx(t + 2, ib2, si2)
    hg2 = pltpu.async_copy(y.at[ib2.at[0]], st2, sg2)
    hg1.wait()
    hs1 = pltpu.async_copy(st1, acc.at[ib1.at[1]], ss1, add=True)
    hs0.wait()
    fire_idx(t + 3, ib0, si0)
    hg2.wait()
    hs2 = pltpu.async_copy(st2, acc.at[ib2.at[1]], ss2, add=True)
    hs1.wait()
    fire_idx(t + 4, ib1, si1)
    hs2.wait()
    fire_idx(t + 5, ib2, si2)
    return carry

  lax.fori_loop(0, HALF_FLOOR // 3, body, 0)

  @pl.when(w < HALF_REM2)
  def _():
    t = HALF_FLOOR
    wait_idx(t, ib0, si0)
    pltpu.async_copy(y.at[ib0.at[0]], st0, sg0).wait()
    pltpu.async_copy(st0, acc.at[ib0.at[1]], ss0, add=True).wait()

  plsc.subcore_barrier()
  pltpu.sync_copy(acc.at[pl.ds(s * NPT, NPT)],
                  out.at[c].at[pl.ds(s * NPT, NPT)])


_spmm16_call = pl.kernel(
    _spmm16_body,
    compiler_params=_SC_PARAMS,
    out_type=jax.ShapeDtypeStruct((NC, NP, 16), jnp.float32),
    mesh=_MESH,
    scratch_types=_SPMM_SCRATCH,
)



_R = 2000
_GRID = N // _R


def _tcA_kernel(pT, x, dis_ref, xs_ref):
  deg = pT[:, 0:1] + pT[:, 1:2] + 1.0
  dis = lax.rsqrt(deg)
  dis_ref[...] = dis
  xs_ref[...] = jnp.concatenate(
      [x[...] * dis, jnp.zeros((_R, 16 - IN_DIM), jnp.float32)], axis=1)


def _tcA(pT, x):
  return pl.pallas_call(
      _tcA_kernel,
      grid=(_GRID,),
      in_specs=[
          pl.BlockSpec((_R, NC), lambda i: (i, 0)),
          pl.BlockSpec((_R, IN_DIM), lambda i: (i, 0)),
      ],
      out_specs=[
          pl.BlockSpec((_R, 1), lambda i: (i, 0)),
          pl.BlockSpec((_R, 16), lambda i: (i, 0)),
      ],
      out_shape=[
          jax.ShapeDtypeStruct((N, 1), jnp.float32),
          jax.ShapeDtypeStruct((NP, 16), jnp.float32),
      ],
  )(pT, x)


def _tcB_kernel(t_in, xs_in, dis_in, w1p_in, b_in, w2_in, y2_ref):
  dis = dis_in[...]
  sx = t_in[0] + t_in[1] + xs_in[...]
  u = jnp.dot(sx, w1p_in[...], preferred_element_type=jnp.float32)
  h = jnp.maximum(u * dis + b_in[...], 0.0)
  xw = jnp.dot(h, w2_in[...], preferred_element_type=jnp.float32)
  for g in range(4):
    y2_ref[g] = xw[:, g * 16:(g + 1) * 16] * dis


def _tcB(t, xs, dis, w1p, b, w2):
  return pl.pallas_call(
      _tcB_kernel,
      grid=(_GRID,),
      in_specs=[
          pl.BlockSpec((NC, _R, 16), lambda i: (0, i, 0)),
          pl.BlockSpec((_R, 16), lambda i: (i, 0)),
          pl.BlockSpec((_R, 1), lambda i: (i, 0)),
          pl.BlockSpec((16, HID), lambda i: (0, 0)),
          pl.BlockSpec((1, HID), lambda i: (0, 0)),
          pl.BlockSpec((HID, HID), lambda i: (0, 0)),
      ],
      out_specs=pl.BlockSpec((4, _R, 16), lambda i: (0, i, 0)),
      out_shape=jax.ShapeDtypeStruct((4, NP, 16), jnp.float32),
  )(t, xs, dis, w1p, b, w2)


def _tcC_kernel(s_in, y_in, dis_in, b_in, w_in, y3_ref):
  dis = dis_in[...]
  h = jnp.concatenate([s_in[g] + y_in[g] for g in range(4)], axis=1)
  h = jnp.maximum(h * dis + b_in[...], 0.0)
  xw = jnp.dot(h, w_in[...], preferred_element_type=jnp.float32)
  y3_ref[...] = jnp.concatenate(
      [xw * dis, jnp.zeros((_R, 16 - NUM_CLASSES), jnp.float32)], axis=1)


def _tcC(s_in, y_in, dis, b, w):
  return pl.pallas_call(
      _tcC_kernel,
      grid=(_GRID,),
      in_specs=[
          pl.BlockSpec((4, _R, 16), lambda i: (0, i, 0)),
          pl.BlockSpec((4, _R, 16), lambda i: (0, i, 0)),
          pl.BlockSpec((_R, 1), lambda i: (i, 0)),
          pl.BlockSpec((1, HID), lambda i: (0, 0)),
          pl.BlockSpec((HID, NUM_CLASSES), lambda i: (0, 0)),
      ],
      out_specs=pl.BlockSpec((_R, 16), lambda i: (i, 0)),
      out_shape=jax.ShapeDtypeStruct((NP, 16), jnp.float32),
  )(s_in, y_in, dis, b, w)


def _tcD_kernel(t_in, y3_in, dis_in, b_in, out_ref):
  z = (t_in[0, :, 0:NUM_CLASSES] + t_in[1, :, 0:NUM_CLASSES]
       + y3_in[:, 0:NUM_CLASSES])
  z = z * dis_in[...] + b_in[...]
  m = jnp.max(z, axis=1, keepdims=True)
  u = z - m
  out_ref[...] = u - jnp.log(jnp.sum(jnp.exp(u), axis=1, keepdims=True))


def _tcD(t, y3, dis, b):
  return pl.pallas_call(
      _tcD_kernel,
      grid=(_GRID,),
      in_specs=[
          pl.BlockSpec((NC, _R, 16), lambda i: (0, i, 0)),
          pl.BlockSpec((_R, 16), lambda i: (i, 0)),
          pl.BlockSpec((_R, 1), lambda i: (i, 0)),
          pl.BlockSpec((1, NUM_CLASSES), lambda i: (0, 0)),
      ],
      out_specs=pl.BlockSpec((_R, NUM_CLASSES), lambda i: (i, 0)),
      out_shape=jax.ShapeDtypeStruct((N, NUM_CLASSES), jnp.float32),
  )(t, y3, dis, b)



def kernel(x, edge_index, W1, b1, W2, b2, W3, b3):
  zeros_hist = jnp.zeros((NP,), jnp.float32)
  zeros_acc = jnp.zeros((NPT, 16), jnp.float32)
  ones_chunk = jnp.ones((KD,), jnp.float32)
  w1p = jnp.concatenate([W1, jnp.zeros((16 - IN_DIM, HID), jnp.float32)])

  p = _deg_call(edge_index, zeros_hist, ones_chunk)
  dis, xs = _tcA(p.T[:N], x)
  t1 = _spmm16_call(edge_index, xs, zeros_acc)
  y2 = _tcB(t1, xs, dis, w1p, b1.reshape(1, HID), W2)
  s2 = _spmm64_call(edge_index, y2, zeros_acc)
  y3 = _tcC(s2, y2, dis, b2.reshape(1, HID), W3)
  t3 = _spmm16_call(edge_index, y3, zeros_acc)
  return _tcD(t3, y3, dis, b3.reshape(1, NUM_CLASSES))

# --- scband reference (transcript-rebuilt; emitter-appended) ---
"""Pipeline reference for scband-net-2791728742833 (READ-ONLY COPY).

The authoritative reference and input builder live on the scoring server;
editing this copy changes nothing except your own understanding.
"""

import jax, jax.numpy as jnp
import numpy as np

N = 100000
E = 6400000
IN_DIM = 10
HID = 64
NUM_CLASSES = 4


def setup_inputs(seed: int = 0) -> dict:
    key = jax.random.key(seed)
    ks = jax.random.split(key, 9)
    x = jax.random.normal(ks[0], (N, IN_DIM), dtype=jnp.float32)
    edge_index = jax.random.randint(ks[1], (2, E), 0, N, dtype=jnp.int32)
    W1 = jax.random.normal(ks[2], (IN_DIM, HID), dtype=jnp.float32) * (1.0 / np.sqrt(IN_DIM))
    b1 = jnp.zeros((HID,), dtype=jnp.float32)
    W2 = jax.random.normal(ks[3], (HID, HID), dtype=jnp.float32) * (1.0 / np.sqrt(HID))
    b2 = jnp.zeros((HID,), dtype=jnp.float32)
    W3 = jax.random.normal(ks[4], (HID, NUM_CLASSES), dtype=jnp.float32) * (1.0 / np.sqrt(HID))
    b3 = jnp.zeros((NUM_CLASSES,), dtype=jnp.float32)
    return {"x": x, "edge_index": edge_index, "W1": W1, "b1": b1, "W2": W2, "b2": b2, "W3": W3, "b3": b3}


def _gcn_conv(x, edge_index, W, b):
    n = x.shape[0]
    xw = x @ W
    row = edge_index[0]
    col = edge_index[1]
    sl = jnp.arange(n, dtype=row.dtype)
    row = jnp.concatenate([row, sl])
    col = jnp.concatenate([col, sl])
    deg = jax.ops.segment_sum(jnp.ones(row.shape[0], dtype=x.dtype), col, num_segments=n)
    deg_inv_sqrt = jnp.where(deg > 0, jax.lax.rsqrt(jnp.maximum(deg, 1e-12)), 0.0)
    norm = deg_inv_sqrt[row] * deg_inv_sqrt[col]
    msg = xw[row] * norm[:, None]
    out = jax.ops.segment_sum(msg, col, num_segments=n)
    return out + b


def reference(x, edge_index, W1, b1, W2, b2, W3, b3):
    h = jax.nn.relu(_gcn_conv(x, edge_index, W1, b1))
    # F.dropout with training=False (eval mode) is identity
    h = jax.nn.relu(_gcn_conv(h, edge_index, W2, b2))
    h = _gcn_conv(h, edge_index, W3, b3)
    return jax.nn.log_softmax(h, axis=1)

if __name__ == "__main__":
    import jax
    _d = setup_inputs()
    print(jax.jit(kernel)(*tuple(_d.values())))

</pallas_src>

<mosaic_0001>
#map = affine_map<(d0, d1) -> (0, 0)>
#map1 = affine_map<(d0, d1) -> (0, 0, 0)>
module attributes {stable_mosaic.version = 14 : i64} {
  func.func @_spmm64_body(%arg0: i32, %arg1: i32, %arg2: memref<2x6400000xi32, #tpu.memory_space<hbm>>, %arg3: memref<4x100352x16xf32, #tpu.memory_space<hbm>>, %arg4: memref<6272x16xf32, #tpu.memory_space<hbm>>, %arg5: memref<4x100352x16xf32, #tpu.memory_space<hbm>>, %arg6: memref<2x512xi32, #tpu.memory_space<vmem>>, %arg7: memref<2x512xi32, #tpu.memory_space<vmem>>, %arg8: memref<2x512xi32, #tpu.memory_space<vmem>>, %arg9: memref<512x16xf32, #tpu.memory_space<vmem>>, %arg10: memref<512x16xf32, #tpu.memory_space<vmem>>, %arg11: memref<512x16xf32, #tpu.memory_space<vmem>>, %arg12: memref<100352x16xf32, #tpu.memory_space<vmem_shared>>, %arg13: memref<!tpu.dma_semaphore, #tpu.memory_space<semaphore_mem>>, %arg14: memref<!tpu.dma_semaphore, #tpu.memory_space<semaphore_mem>>, %arg15: memref<!tpu.dma_semaphore, #tpu.memory_space<semaphore_mem>>, %arg16: memref<!tpu.dma_semaphore, #tpu.memory_space<semaphore_mem>>, %arg17: memref<!tpu.dma_semaphore, #tpu.memory_space<semaphore_mem>>, %arg18: memref<!tpu.dma_semaphore, #tpu.memory_space<semaphore_mem>>, %arg19: memref<!tpu.dma_semaphore, #tpu.memory_space<semaphore_mem>>, %arg20: memref<!tpu.dma_semaphore, #tpu.memory_space<semaphore_mem>>, %arg21: memref<!tpu.dma_semaphore, #tpu.memory_space<semaphore_mem>>) attributes {dimension_semantics = [#tpu.dimension_semantics<core_parallel>, #tpu.dimension_semantics<subcore_parallel>], iteration_bounds = array<i64: 2, 16>, scalar_prefetch = 0 : i64, scratch_operands = 16 : i64, tpu.core_type = #tpu.core_type<sc_vector_subcore>, window_params = [{transform_indices = #map}, {transform_indices = #map1}, {transform_indices = #map}, {transform_indices = #map1}]} {
    %lt3A = arith.constant 4 : i32
    %lt3A_0 = arith.cmpi slt, %arg1, %lt3A : i32
    %convert_element_type3A = arith.extui %lt3A_0 : i1 to i32
    %add3A = arith.constant 781 : i32
    %add3A_1 = arith.addi %add3A, %convert_element_type3A : i32
    %mul3A = arith.constant 2 : i32
    %mul3A_2 = arith.muli %mul3A, %arg0 : i32
    %add3A_3 = arith.constant 0 : i32
    %add3A_4 = arith.addi %mul3A_2, %add3A_3 : i32
    %gt3A = arith.constant 0 : i32
    %gt3A_5 = arith.cmpi sgt, %add3A_1, %gt3A : i32
    %convert_element_type3A_6 = arith.extui %gt3A_5 : i1 to i32
    %cond3A = arith.constant 0 : i32
    %cond3A_7 = arith.cmpi ne, %convert_element_type3A_6, %cond3A : i32
    scf.if %cond3A_7 {
      %add3A_162 = arith.constant 0 : i32
      %add3A_163 = arith.addi %arg1, %add3A_162 : i32
      %mul3A_164 = arith.constant 512 : i32
      %mul3A_165 = arith.muli %add3A_163, %mul3A_164 : i32
      %multiple_of3A_166 = tpu.assume_multiple %mul3A_165, 512 : i32
      %dma_start3A_167 = arith.constant 0 : i32
      %dma_start3A_168 = tpu.memref_slice %arg2[%dma_start3A_167, %multiple_of3A_166] : memref<2x6400000xi32, #tpu.memory_space<hbm>> -> memref<2x512xi32, #tpu.memory_space<hbm>>
      %dma_start3A_169 = arith.constant 0 : i32
      %dma_start3A_170 = tpu.memref_slice %arg2[%dma_start3A_169, %multiple_of3A_166] : memref<2x6400000xi32, #tpu.memory_space<hbm>> -> memref<2x512xi32, #tpu.memory_space<hbm>>
      tpu.enqueue_dma source(%dma_start3A_170 : memref<2x512xi32, #tpu.memory_space<hbm>>) target(%arg6 : memref<2x512xi32, #tpu.memory_space<vmem>>) target_semaphore(%arg13 : memref<!tpu.dma_semaphore, #tpu.memory_space<semaphore_mem>>)
    } else {
    }
    %gt3A_8 = arith.constant 1 : i32
    %gt3A_9 = arith.cmpi sgt, %add3A_1, %gt3A_8 : i32
    %convert_element_type3A_10 = arith.extui %gt3A_9 : i1 to i32
    %cond3A_11 = arith.constant 0 : i32
    %cond3A_12 = arith.cmpi ne, %convert_element_type3A_10, %cond3A_11 : i32
    scf.if %cond3A_12 {
      %add3A_162 = arith.constant 16 : i32
      %add3A_163 = arith.addi %arg1, %add3A_162 : i32
      %mul3A_164 = arith.constant 512 : i32
      %mul3A_165 = arith.muli %add3A_163, %mul3A_164 : i32
      %multiple_of3A_166 = tpu.assume_multiple %mul3A_165, 512 : i32
      %dma_start3A_167 = arith.constant 0 : i32
      %dma_start3A_168 = tpu.memref_slice %arg2[%dma_start3A_167, %multiple_of3A_166] : memref<2x6400000xi32, #tpu.memory_space<hbm>> -> memref<2x512xi32, #tpu.memory_space<hbm>>
      %dma_start3A_169 = arith.constant 0 : i32
      %dma_start3A_170 = tpu.memref_slice %arg2[%dma_start3A_169, %multiple_of3A_166] : memref<2x6400000xi32, #tpu.memory_space<hbm>> -> memref<2x512xi32, #tpu.memory_space<hbm>>
      tpu.enqueue_dma source(%dma_start3A_170 : memref<2x512xi32, #tpu.memory_space<hbm>>) target(%arg7 : memref<2x512xi32, #tpu.memory_space<vmem>>) target_semaphore(%arg14 : memref<!tpu.dma_semaphore, #tpu.memory_space<semaphore_mem>>)
    } else {
    }
    %gt3A_13 = arith.constant 2 : i32
    %gt3A_14 = arith.cmpi sgt, %add3A_1, %gt3A_13 : i32
    %convert_element_type3A_15 = arith.extui %gt3A_14 : i1 to i32
    %cond3A_16 = arith.constant 0 : i32
    %cond3A_17 = arith.cmpi ne, %convert_element_type3A_15, %cond3A_16 : i32
    scf.if %cond3A_17 {
      %add3A_162 = arith.constant 32 : i32
      %add3A_163 = arith.addi %arg1, %add3A_162 : i32
      %mul3A_164 = arith.constant 512 : i32
      %mul3A_165 = arith.muli %add3A_163, %mul3A_164 : i32
      %multiple_of3A_166 = tpu.assume_multiple %mul3A_165, 512 : i32
      %dma_start3A_167 = arith.constant 0 : i32
      %dma_start3A_168 = tpu.memref_slice %arg2[%dma_start3A_167, %multiple_of3A_166] : memref<2x6400000xi32, #tpu.memory_space<hbm>> -> memref<2x512xi32, #tpu.memory_space<hbm>>
      %dma_start3A_169 = arith.constant 0 : i32
      %dma_start3A_170 = tpu.memref_slice %arg2[%dma_start3A_169, %multiple_of3A_166] : memref<2x6400000xi32, #tpu.memory_space<hbm>> -> memref<2x512xi32, #tpu.memory_space<hbm>>
      tpu.enqueue_dma source(%dma_start3A_170 : memref<2x512xi32, #tpu.memory_space<hbm>>) target(%arg8 : memref<2x512xi32, #tpu.memory_space<vmem>>) target_semaphore(%arg15 : memref<!tpu.dma_semaphore, #tpu.memory_space<semaphore_mem>>)
    } else {
    }
    %mul3A_18 = arith.constant 6272 : i32
    %mul3A_19 = arith.muli %arg1, %mul3A_18 : i32
    "tpu.region"() ({
      %run_scoped3A = tpu.sem_alloc : memref<!tpu.dma_semaphore, #tpu.memory_space<semaphore_mem>>
      %dma_start3A_162 = arith.constant 0 : i32
      %dma_start3A_163 = tpu.memref_slice %arg12[%mul3A_19, %dma_start3A_162] : memref<100352x16xf32, #tpu.memory_space<vmem_shared>> -> memref<6272x16xf32, #tpu.memory_space<vmem_shared>>
      tpu.enqueue_dma source(%arg4 : memref<6272x16xf32, #tpu.memory_space<hbm>>) target(%dma_start3A_163 : memref<6272x16xf32, #tpu.memory_space<vmem_shared>>) target_semaphore(%run_scoped3A : memref<!tpu.dma_semaphore, #tpu.memory_space<semaphore_mem>>)
      %dma_wait3A_164 = arith.constant 0 : i32
      %dma_wait3A_165 = tpu.memref_slice %arg12[%mul3A_19, %dma_wait3A_164] : memref<100352x16xf32, #tpu.memory_space<vmem_shared>> -> memref<6272x16xf32, #tpu.memory_space<vmem_shared>>
      tpu.wait_dma2 semaphore(%run_scoped3A : memref<!tpu.dma_semaphore, #tpu.memory_space<semaphore_mem>>) src(%arg4 : memref<6272x16xf32, #tpu.memory_space<hbm>>) dst(%dma_wait3A_165 : memref<6272x16xf32, #tpu.memory_space<vmem_shared>>)
      tpu.yield
    }) : () -> ()
    %barrier3A = arith.constant 0 : index
    tpu.barrier barrier_id(%barrier3A)
    %scan3A = arith.constant 0 : i32
    %scan3A_20 = arith.constant 0 : i32
    %scan3A_21 = arith.constant 260 : i32
    %scan3A_22 = arith.addi %scan3A_20, %scan3A_21 : i32
    %scan3A_23 = arith.constant 1 : i32
    scf.for %scan3A_162 = %scan3A_20 to %scan3A_22 step %scan3A_23  : i32 {
      %mul3A_163 = arith.constant 3 : i32
      %mul3A_164 = arith.muli %mul3A_163, %scan3A_162 : i32
      %mul3A_165 = arith.constant 16 : i32
      %mul3A_166 = arith.muli %mul3A_165, %mul3A_164 : i32
      %add3A_167 = arith.addi %arg1, %mul3A_166 : i32
      %mul3A_168 = arith.constant 512 : i32
      %mul3A_169 = arith.muli %add3A_167, %mul3A_168 : i32
      %multiple_of3A_170 = tpu.assume_multiple %mul3A_169, 512 : i32
      %dma_wait3A_171 = arith.constant 0 : i32
      %dma_wait3A_172 = tpu.memref_slice %arg2[%dma_wait3A_171, %multiple_of3A_170] : memref<2x6400000xi32, #tpu.memory_space<hbm>> -> memref<2x512xi32, #tpu.memory_space<hbm>>
      %dma_wait3A_173 = arith.constant 0 : i32
      %dma_wait3A_174 = tpu.memref_slice %arg2[%dma_wait3A_173, %multiple_of3A_170] : memref<2x6400000xi32, #tpu.memory_space<hbm>> -> memref<2x512xi32, #tpu.memory_space<hbm>>
      tpu.wait_dma2 semaphore(%arg13 : memref<!tpu.dma_semaphore, #tpu.memory_space<semaphore_mem>>) src(%dma_wait3A_174 : memref<2x512xi32, #tpu.memory_space<hbm>>) dst(%arg6 : memref<2x512xi32, #tpu.memory_space<vmem>>)
      %dma_start3A_175 = arith.constant 0 : i32
      %dma_start3A_176 = arith.constant 0 : i32
      %dma_start3A_177 = tpu.memref_slice %arg6[%dma_start3A_175, %dma_start3A_176] : memref<2x512xi32, #tpu.memory_space<vmem>> -> memref<1x512xi32, #tpu.memory_space<vmem>>
      %dma_start3A_178 = tpu.memref_squeeze %dma_start3A_177 : memref<1x512xi32, #tpu.memory_space<vmem>> -> memref<512xi32, #tpu.memory_space<vmem>>
      %dma_start3A_179 = arith.constant 0 : i32
      %dma_start3A_180 = arith.constant 0 : i32
      %dma_start3A_181 = tpu.memref_slice %arg3[%add3A_4, %dma_start3A_179, %dma_start3A_180] : memref<4x100352x16xf32, #tpu.memory_space<hbm>> -> memref<1x100352x16xf32, #tpu.memory_space<hbm>>
      %dma_start3A_182 = tpu.memref_squeeze %dma_start3A_181 : memref<1x100352x16xf32, #tpu.memory_space<hbm>> -> memref<100352x16xf32, #tpu.memory_space<hbm>>
      %dma_start3A_183 = arith.constant 0 : i32
      %dma_start3A_184 = arith.constant 0 : i32
      %dma_start3A_185 = tpu.memref_slice %dma_start3A_182[%dma_start3A_183, %dma_start3A_184] : memref<100352x16xf32, #tpu.memory_space<hbm>> -> memref<100352x16xf32, #tpu.memory_space<hbm>>
      tpu.enqueue_indirect_dma source(%dma_start3A_185 : memref<100352x16xf32, #tpu.memory_space<hbm>>) target(%arg9 : memref<512x16xf32, #tpu.memory_space<vmem>>) offsets(%dma_start3A_178 : memref<512xi32, #tpu.memory_space<vmem>>) semaphore(%arg16 : memref<!tpu.dma_semaphore, #tpu.memory_space<semaphore_mem>>)
      %add3A_186 = arith.constant 1 : i32
      %add3A_187 = arith.addi %mul3A_164, %add3A_186 : i32
      %mul3A_188 = arith.constant 16 : i32
      %mul3A_189 = arith.muli %mul3A_188, %add3A_187 : i32
      %add3A_190 = arith.addi %arg1, %mul3A_189 : i32
      %mul3A_191 = arith.constant 512 : i32
      %mul3A_192 = arith.muli %add3A_190, %mul3A_191 : i32
      %multiple_of3A_193 = tpu.assume_multiple %mul3A_192, 512 : i32
      %dma_wait3A_194 = arith.constant 0 : i32
      %dma_wait3A_195 = tpu.memref_slice %arg2[%dma_wait3A_194, %multiple_of3A_193] : memref<2x6400000xi32, #tpu.memory_space<hbm>> -> memref<2x512xi32, #tpu.memory_space<hbm>>
      %dma_wait3A_196 = arith.constant 0 : i32
      %dma_wait3A_197 = tpu.memref_slice %arg2[%dma_wait3A_196, %multiple_of3A_193] : memref<2x6400000xi32, #tpu.memory_space<hbm>> -> memref<2x512xi32, #tpu.memory_space<hbm>>
      tpu.wait_dma2 semaphore(%arg14 : memref<!tpu.dma_semaphore, #tpu.memory_space<semaphore_mem>>) src(%dma_wait3A_197 : memref<2x512xi32, #tpu.memory_space<hbm>>) dst(%arg7 : memref<2x512xi32, #tpu.memory_space<vmem>>)
      %dma_start3A_198 = arith.constant 0 : i32
      %dma_start3A_199 = arith.constant 0 : i32
      %dma_start3A_200 = tpu.memref_slice %arg7[%dma_start3A_198, %dma_start3A_199] : memref<2x512xi32, #tpu.memory_space<vmem>> -> memref<1x512xi32, #tpu.memory_space<vmem>>
      %dma_start3A_201 = tpu.memref_squeeze %dma_start3A_200 : memref<1x512xi32, #tpu.memory_space<vmem>> -> memref<512xi32, #tpu.memory_space<vmem>>
      %dma_start3A_202 = arith.constant 0 : i32
      %dma_start3A_203 = arith.constant 0 : i32
      %dma_start3A_204 = tpu.memref_slice %arg3[%add3A_4, %dma_start3A_202, %dma_start3A_203] : memref<4x100352x16xf32, #tpu.memory_space<hbm>> -> memref<1x100352x16xf32, #tpu.memory_space<hbm>>
      %dma_start3A_205 = tpu.memref_squeeze %dma_start3A_204 : memref<1x100352x16xf32, #tpu.memory_space<hbm>> -> memref<100352x16xf32, #tpu.memory_space<hbm>>
      %dma_start3A_206 = arith.constant 0 : i32
      %dma_start3A_207 = arith.constant 0 : i32
      %dma_start3A_208 = tpu.memref_slice %dma_start3A_205[%dma_start3A_206, %dma_start3A_207] : memref<100352x16xf32, #tpu.memory_space<hbm>> -> memref<100352x16xf32, #tpu.memory_space<hbm>>
      tpu.enqueue_indirect_dma source(%dma_start3A_208 : memref<100352x16xf32, #tpu.memory_space<hbm>>) target(%arg10 : memref<512x16xf32, #tpu.memory_space<vmem>>) offsets(%dma_start3A_201 : memref<512xi32, #tpu.memory_space<vmem>>) semaphore(%arg17 : memref<!tpu.dma_semaphore, #tpu.memory_space<semaphore_mem>>)
      %dma_wait3A_209 = arith.constant 0 : i32
      %dma_wait3A_210 = arith.constant 0 : i32
      %dma_wait3A_211 = tpu.memref_slice %arg6[%dma_wait3A_209, %dma_wait3A_210] : memref<2x512xi32, #tpu.memory_space<vmem>> -> memref<1x512xi32, #tpu.memory_space<vmem>>
      %dma_wait3A_212 = tpu.memref_squeeze %dma_wait3A_211 : memref<1x512xi32, #tpu.memory_space<vmem>> -> memref<512xi32, #tpu.memory_space<vmem>>
      %dma_wait3A_213 = arith.constant 0 : i32
      %dma_wait3A_214 = arith.constant 0 : i32
      %dma_wait3A_215 = tpu.memref_slice %arg3[%add3A_4, %dma_wait3A_213, %dma_wait3A_214] : memref<4x100352x16xf32, #tpu.memory_space<hbm>> -> memref<1x100352x16xf32, #tpu.memory_space<hbm>>
      %dma_wait3A_216 = tpu.memref_squeeze %dma_wait3A_215 : memref<1x100352x16xf32, #tpu.memory_space<hbm>> -> memref<100352x16xf32, #tpu.memory_space<hbm>>
      %dma_wait3A_217 = arith.constant 0 : i32
      %dma_wait3A_218 = arith.constant 0 : i32
      %dma_wait3A_219 = tpu.memref_slice %dma_wait3A_216[%dma_wait3A_217, %dma_wait3A_218] : memref<100352x16xf32, #tpu.memory_space<hbm>> -> memref<100352x16xf32, #tpu.memory_space<hbm>>
      tpu.wait_indirect_dma semaphore(%arg16 : memref<!tpu.dma_semaphore, #tpu.memory_space<semaphore_mem>>) src(%dma_wait3A_219 : memref<100352x16xf32, #tpu.memory_space<hbm>>) dst(%arg9 : memref<512x16xf32, #tpu.memory_space<vmem>>)
      %dma_start3A_220 = arith.constant 1 : i32
      %dma_start3A_221 = arith.constant 0 : i32
      %dma_start3A_222 = tpu.memref_slice %arg6[%dma_start3A_220, %dma_start3A_221] : memref<2x512xi32, #tpu.memory_space<vmem>> -> memref<1x512xi32, #tpu.memory_space<vmem>>
      %dma_start3A_223 = tpu.memref_squeeze %dma_start3A_222 : memref<1x512xi32, #tpu.memory_space<vmem>> -> memref<512xi32, #tpu.memory_space<vmem>>
      %dma_start3A_224 = arith.constant 0 : i32
      %dma_start3A_225 = arith.constant 0 : i32
      %dma_start3A_226 = tpu.memref_slice %arg12[%dma_start3A_224, %dma_start3A_225] : memref<100352x16xf32, #tpu.memory_space<vmem_shared>> -> memref<100352x16xf32, #tpu.memory_space<vmem_shared>>
      tpu.enqueue_indirect_dma source(%arg9 : memref<512x16xf32, #tpu.memory_space<vmem>>) target(%dma_start3A_226 : memref<100352x16xf32, #tpu.memory_space<vmem_shared>>) offsets(%dma_start3A_223 : memref<512xi32, #tpu.memory_space<vmem>>) semaphore(%arg19 : memref<!tpu.dma_semaphore, #tpu.memory_space<semaphore_mem>>) {add = true}
      %add3A_227 = arith.constant 2 : i32
      %add3A_228 = arith.addi %mul3A_164, %add3A_227 : i32
      %mul3A_229 = arith.constant 16 : i32
      %mul3A_230 = arith.muli %mul3A_229, %add3A_228 : i32
      %add3A_231 = arith.addi %arg1, %mul3A_230 : i32
      %mul3A_232 = arith.constant 512 : i32
      %mul3A_233 = arith.muli %add3A_231, %mul3A_232 : i32
      %multiple_of3A_234 = tpu.assume_multiple %mul3A_233, 512 : i32
      %dma_wait3A_235 = arith.constant 0 : i32
      %dma_wait3A_236 = tpu.memref_slice %arg2[%dma_wait3A_235, %multiple_of3A_234] : memref<2x6400000xi32, #tpu.memory_space<hbm>> -> memref<2x512xi32, #tpu.memory_space<hbm>>
      %dma_wait3A_237 = arith.constant 0 : i32
      %dma_wait3A_238 = tpu.memref_slice %arg2[%dma_wait3A_237, %multiple_of3A_234] : memref<2x6400000xi32, #tpu.memory_space<hbm>> -> memref<2x512xi32, #tpu.memory_space<hbm>>
      tpu.wait_dma2 semaphore(%arg15 : memref<!tpu.dma_semaphore, #tpu.memory_space<semaphore_mem>>) src(%dma_wait3A_238 : memref<2x512xi32, #tpu.memory_space<hbm>>) dst(%arg8 : memref<2x512xi32, #tpu.memory_space<vmem>>)
      %dma_start3A_239 = arith.constant 0 : i32
      %dma_start3A_240 = arith.constant 0 : i32
      %dma_start3A_241 = tpu.memref_slice %arg8[%dma_start3A_239, %dma_start3A_240] : memref<2x512xi32, #tpu.memory_space<vmem>> -> memref<1x512xi32, #tpu.memory_space<vmem>>
      %dma_start3A_242 = tpu.memref_squeeze %dma_start3A_241 : memref<1x512xi32, #tpu.memory_space<vmem>> -> memref<512xi32, #tpu.memory_space<vmem>>
      %dma_start3A_243 = arith.constant 0 : i32
      %dma_start3A_244 = arith.constant 0 : i32
      %dma_start3A_245 = tpu.memref_slice %arg3[%add3A_4, %dma_start3A_243, %dma_start3A_244] : memref<4x100352x16xf32, #tpu.memory_space<hbm>> -> memref<1x100352x16xf32, #tpu.memory_space<hbm>>
      %dma_start3A_246 = tpu.memref_squeeze %dma_start3A_245 : memref<1x100352x16xf32, #tpu.memory_space<hbm>> -> memref<100352x16xf32, #tpu.memory_space<hbm>>
      %dma_start3A_247 = arith.constant 0 : i32
      %dma_start3A_248 = arith.constant 0 : i32
      %dma_start3A_249 = tpu.memref_slice %dma_start3A_246[%dma_start3A_247, %dma_start3A_248] : memref<100352x16xf32, #tpu.memory_space<hbm>> -> memref<100352x16xf32, #tpu.memory_space<hbm>>
      tpu.enqueue_indirect_dma source(%dma_start3A_249 : memref<100352x16xf32, #tpu.memory_space<hbm>>) target(%arg11 : memref<512x16xf32, #tpu.memory_space<vmem>>) offsets(%dma_start3A_242 : memref<512xi32, #tpu.memory_space<vmem>>) semaphore(%arg18 : memref<!tpu.dma_semaphore, #tpu.memory_space<semaphore_mem>>)
      %dma_wait3A_250 = arith.constant 0 : i32
      %dma_wait3A_251 = arith.constant 0 : i32
      %dma_wait3A_252 = tpu.memref_slice %arg7[%dma_wait3A_250, %dma_wait3A_251] : memref<2x512xi32, #tpu.memory_space<vmem>> -> memref<1x512xi32, #tpu.memory_space<vmem>>
      %dma_wait3A_253 = tpu.memref_squeeze %dma_wait3A_252 : memref<1x512xi32, #tpu.memory_space<vmem>> -> memref<512xi32, #tpu.memory_space<vmem>>
      %dma_wait3A_254 = arith.constant 0 : i32
      %dma_wait3A_255 = arith.constant 0 : i32
      %dma_wait3A_256 = tpu.memref_slice %arg3[%add3A_4, %dma_wait3A_254, %dma_wait3A_255] : memref<4x100352x16xf32, #tpu.memory_space<hbm>> -> memref<1x100352x16xf32, #tpu.memory_space<hbm>>
      %dma_wait3A_257 = tpu.memref_squeeze %dma_wait3A_256 : memref<1x100352x16xf32, #tpu.memory_space<hbm>> -> memref<100352x16xf32, #tpu.memory_space<hbm>>
      %dma_wait3A_258 = arith.constant 0 : i32
      %dma_wait3A_259 = arith.constant 0 : i32
      %dma_wait3A_260 = tpu.memref_slice %dma_wait3A_257[%dma_wait3A_258, %dma_wait3A_259] : memref<100352x16xf32, #tpu.memory_space<hbm>> -> memref<100352x16xf32, #tpu.memory_space<hbm>>
      tpu.wait_indirect_dma semaphore(%arg17 : memref<!tpu.dma_semaphore, #tpu.memory_space<semaphore_mem>>) src(%dma_wait3A_260 : memref<100352x16xf32, #tpu.memory_space<hbm>>) dst(%arg10 : memref<512x16xf32, #tpu.memory_space<vmem>>)
      %dma_start3A_261 = arith.constant 1 : i32
      %dma_start3A_262 = arith.constant 0 : i32
      %dma_start3A_263 = tpu.memref_slice %arg7[%dma_start3A_261, %dma_start3A_262] : memref<2x512xi32, #tpu.memory_space<vmem>> -> memref<1x512xi32, #tpu.memory_space<vmem>>
      %dma_start3A_264 = tpu.memref_squeeze %dma_start3A_263 : memref<1x512xi32, #tpu.memory_space<vmem>> -> memref<512xi32, #tpu.memory_space<vmem>>
      %dma_start3A_265 = arith.constant 0 : i32
      %dma_start3A_266 = arith.constant 0 : i32
      %dma_start3A_267 = tpu.memref_slice %arg12[%dma_start3A_265, %dma_start3A_266] : memref<100352x16xf32, #tpu.memory_space<vmem_shared>> -> memref<100352x16xf32, #tpu.memory_space<vmem_shared>>
      tpu.enqueue_indirect_dma source(%arg10 : memref<512x16xf32, #tpu.memory_space<vmem>>) target(%dma_start3A_267 : memref<100352x16xf32, #tpu.memory_space<vmem_shared>>) offsets(%dma_start3A_264 : memref<512xi32, #tpu.memory_space<vmem>>) semaphore(%arg20 : memref<!tpu.dma_semaphore, #tpu.memory_space<semaphore_mem>>) {add = true}
      %dma_wait3A_268 = arith.constant 1 : i32
      %dma_wait3A_269 = arith.constant 0 : i32
      %dma_wait3A_270 = tpu.memref_slice %arg6[%dma_wait3A_268, %dma_wait3A_269] : memref<2x512xi32, #tpu.memory_space<vmem>> -> memref<1x512xi32, #tpu.memory_space<vmem>>
      %dma_wait3A_271 = tpu.memref_squeeze %dma_wait3A_270 : memref<1x512xi32, #tpu.memory_space<vmem>> -> memref<512xi32, #tpu.memory_space<vmem>>
      %dma_wait3A_272 = arith.constant 0 : i32
      %dma_wait3A_273 = arith.constant 0 : i32
      %dma_wait3A_274 = tpu.memref_slice %arg12[%dma_wait3A_272, %dma_wait3A_273] : memref<100352x16xf32, #tpu.memory_space<vmem_shared>> -> memref<100352x16xf32, #tpu.memory_space<vmem_shared>>
      tpu.wait_indirect_dma semaphore(%arg19 : memref<!tpu.dma_semaphore, #tpu.memory_space<semaphore_mem>>) src(%arg9 : memref<512x16xf32, #tpu.memory_space<vmem>>) dst(%dma_wait3A_274 : memref<100352x16xf32, #tpu.memory_space<vmem_shared>>)
      %add3A_275 = arith.constant 3 : i32
      %add3A_276 = arith.addi %mul3A_164, %add3A_275 : i32
      %lt3A_277 = arith.cmpi slt, %add3A_276, %add3A_1 : i32
      %convert_element_type3A_278 = arith.extui %lt3A_277 : i1 to i32
      %cond3A_279 = arith.constant 0 : i32
      %cond3A_280 = arith.cmpi ne, %convert_element_type3A_278, %cond3A_279 : i32
      scf.if %cond3A_280 {
        %mul3A_325 = arith.constant 16 : i32
        %mul3A_326 = arith.muli %mul3A_325, %add3A_276 : i32
        %add3A_327 = arith.addi %arg1, %mul3A_326 : i32
        %mul3A_328 = arith.constant 512 : i32
        %mul3A_329 = arith.muli %add3A_327, %mul3A_328 : i32
        %multiple_of3A_330 = tpu.assume_multiple %mul3A_329, 512 : i32
        %dma_start3A_331 = arith.constant 0 : i32
        %dma_start3A_332 = tpu.memref_slice %arg2[%dma_start3A_331, %multiple_of3A_330] : memref<2x6400000xi32, #tpu.memory_space<hbm>> -> memref<2x512xi32, #tpu.memory_space<hbm>>
        %dma_start3A_333 = arith.constant 0 : i32
        %dma_start3A_334 = tpu.memref_slice %arg2[%dma_start3A_333, %multiple_of3A_330] : memref<2x6400000xi32, #tpu.memory_space<hbm>> -> memref<2x512xi32, #tpu.memory_space<hbm>>
        tpu.enqueue_dma source(%dma_start3A_334 : memref<2x512xi32, #tpu.memory_space<hbm>>) target(%arg6 : memref<2x512xi32, #tpu.memory_space<vmem>>) target_semaphore(%arg13 : memref<!tpu.dma_semaphore, #tpu.memory_space<semaphore_mem>>)
      } else {
      }
      %dma_wait3A_281 = arith.constant 0 : i32
      %dma_wait3A_282 = arith.constant 0 : i32
      %dma_wait3A_283 = tpu.memref_slice %arg8[%dma_wait3A_281, %dma_wait3A_282] : memref<2x512xi32, #tpu.memory_space<vmem>> -> memref<1x512xi32, #tpu.memory_space<vmem>>
      %dma_wait3A_284 = tpu.memref_squeeze %dma_wait3A_283 : memref<1x512xi32, #tpu.memory_space<vmem>> -> memref<512xi32, #tpu.memory_space<vmem>>
      %dma_wait3A_285 = arith.constant 0 : i32
      %dma_wait3A_286 = arith.constant 0 : i32
      %dma_wait3A_287 = tpu.memref_slice %arg3[%add3A_4, %dma_wait3A_285, %dma_wait3A_286] : memref<4x100352x16xf32, #tpu.memory_space<hbm>> -> memref<1x100352x16xf32, #tpu.memory_space<hbm>>
      %dma_wait3A_288 = tpu.memref_squeeze %dma_wait3A_287 : memref<1x100352x16xf32, #tpu.memory_space<hbm>> -> memref<100352x16xf32, #tpu.memory_space<hbm>>
      %dma_wait3A_289 = arith.constant 0 : i32
      %dma_wait3A_290 = arith.constant 0 : i32
      %dma_wait3A_291 = tpu.memref_slice %dma_wait3A_288[%dma_wait3A_289, %dma_wait3A_290] : memref<100352x16xf32, #tpu.memory_space<hbm>> -> memref<100352x16xf32, #tpu.memory_space<hbm>>
      tpu.wait_indirect_dma semaphore(%arg18 : memref<!tpu.dma_semaphore, #tpu.memory_space<semaphore_mem>>) src(%dma_wait3A_291 : memref<100352x16xf32, #tpu.memory_space<hbm>>) dst(%arg11 : memref<512x16xf32, #tpu.memory_space<vmem>>)
      %dma_start3A_292 = arith.constant 1 : i32
      %dma_start3A_293 = arith.constant 0 : i32
      %dma_start3A_294 = tpu.memref_slice %arg8[%dma_start3A_292, %dma_start3A_293] : memref<2x512xi32, #tpu.memory_space<vmem>> -> memref<1x512xi32, #tpu.memory_space<vmem>>
      %dma_start3A_295 = tpu.memref_squeeze %dma_start3A_294 : memref<1x512xi32, #tpu.memory_space<vmem>> -> memref<512xi32, #tpu.memory_space<vmem>>
      %dma_start3A_296 = arith.constant 0 : i32
      %dma_start3A_297 = arith.constant 0 : i32
      %dma_start3A_298 = tpu.memref_slice %arg12[%dma_start3A_296, %dma_start3A_297] : memref<100352x16xf32, #tpu.memory_space<vmem_shared>> -> memref<100352x16xf32, #tpu.memory_space<vmem_shared>>
      tpu.enqueue_indirect_dma source(%arg11 : memref<512x16xf32, #tpu.memory_space<vmem>>) target(%dma_start3A_298 : memref<100352x16xf32, #tpu.memory_space<vmem_shared>>) offsets(%dma_start3A_295 : memref<512xi32, #tpu.memory_space<vmem>>) semaphore(%arg21 : memref<!tpu.dma_semaphore, #tpu.memory_space<semaphore_mem>>) {add = true}
      %dma_wait3A_299 = arith.constant 1 : i32
      %dma_wait3A_300 = arith.constant 0 : i32
      %dma_wait3A_301 = tpu.memref_slice %arg7[%dma_wait3A_299, %dma_wait3A_300] : memref<2x512xi32, #tpu.memory_space<vmem>> -> memref<1x512xi32, #tpu.memory_space<vmem>>
      %dma_wait3A_302 = tpu.memref_squeeze %dma_wait3A_301 : memref<1x512xi32, #tpu.memory_space<vmem>> -> memref<512xi32, #tpu.memory_space<vmem>>
      %dma_wait3A_303 = arith.constant 0 : i32
      %dma_wait3A_304 = arith.constant 0 : i32
      %dma_wait3A_305 = tpu.memref_slice %arg12[%dma_wait3A_303, %dma_wait3A_304] : memref<100352x16xf32, #tpu.memory_space<vmem_shared>> -> memref<100352x16xf32, #tpu.memory_space<vmem_shared>>
      tpu.wait_indirect_dma semaphore(%arg20 : memref<!tpu.dma_semaphore, #tpu.memory_space<semaphore_mem>>) src(%arg10 : memref<512x16xf32, #tpu.memory_space<vmem>>) dst(%dma_wait3A_305 : memref<100352x16xf32, #tpu.memory_space<vmem_shared>>)
      %add3A_306 = arith.constant 4 : i32
      %add3A_307 = arith.addi %mul3A_164, %add3A_306 : i32
      %lt3A_308 = arith.cmpi slt, %add3A_307, %add3A_1 : i32
      %convert_element_type3A_309 = arith.extui %lt3A_308 : i1 to i32
      %cond3A_310 = arith.constant 0 : i32
      %cond3A_311 = arith.cmpi ne, %convert_element_type3A_309, %cond3A_310 : i32
      scf.if %cond3A_311 {
        %mul3A_325 = arith.constant 16 : i32
        %mul3A_326 = arith.muli %mul3A_325, %add3A_307 : i32
        %add3A_327 = arith.addi %arg1, %mul3A_326 : i32
        %mul3A_328 = arith.constant 512 : i32
        %mul3A_329 = arith.muli %add3A_327, %mul3A_328 : i32
        %multiple_of3A_330 = tpu.assume_multiple %mul3A_329, 512 : i32
        %dma_start3A_331 = arith.constant 0 : i32
        %dma_start3A_332 = tpu.memref_slice %arg2[%dma_start3A_331, %multiple_of3A_330] : memref<2x6400000xi32, #tpu.memory_space<hbm>> -> memref<2x512xi32, #tpu.memory_space<hbm>>
        %dma_start3A_333 = arith.constant 0 : i32
        %dma_start3A_334 = tpu.memref_slice %arg2[%dma_start3A_333, %multiple_of3A_330] : memref<2x6400000xi32, #tpu.memory_space<hbm>> -> memref<2x512xi32, #tpu.memory_space<hbm>>
        tpu.enqueue_dma source(%dma_start3A_334 : memref<2x512xi32, #tpu.memory_space<hbm>>) target(%arg7 : memref<2x512xi32, #tpu.memory_space<vmem>>) target_semaphore(%arg14 : memref<!tpu.dma_semaphore, #tpu.memory_space<semaphore_mem>>)
      } else {
      }
      %dma_wait3A_312 = arith.constant 1 : i32
      %dma_wait3A_313 = arith.constant 0 : i32
      %dma_wait3A_314 = tpu.memref_slice %arg8[%dma_wait3A_312, %dma_wait3A_313] : memref<2x512xi32, #tpu.memory_space<vmem>> -> memref<1x512xi32, #tpu.memory_space<vmem>>
      %dma_wait3A_315 = tpu.memref_squeeze %dma_wait3A_314 : memref<1x512xi32, #tpu.memory_space<vmem>> -> memref<512xi32, #tpu.memory_space<vmem>>
      %dma_wait3A_316 = arith.constant 0 : i32
      %dma_wait3A_317 = arith.constant 0 : i32
      %dma_wait3A_318 = tpu.memref_slice %arg12[%dma_wait3A_316, %dma_wait3A_317] : memref<100352x16xf32, #tpu.memory_space<vmem_shared>> -> memref<100352x16xf32, #tpu.memory_space<vmem_shared>>
      tpu.wait_indirect_dma semaphore(%arg21 : memref<!tpu.dma_semaphore, #tpu.memory_space<semaphore_mem>>) src(%arg11 : memref<512x16xf32, #tpu.memory_space<vmem>>) dst(%dma_wait3A_318 : memref<100352x16xf32, #tpu.memory_space<vmem_shared>>)
      %add3A_319 = arith.constant 5 : i32
      %add3A_320 = arith.addi %mul3A_164, %add3A_319 : i32
      %lt3A_321 = arith.cmpi slt, %add3A_320, %add3A_1 : i32
      %convert_element_type3A_322 = arith.extui %lt3A_321 : i1 to i32
      %cond3A_323 = arith.constant 0 : i32
      %cond3A_324 = arith.cmpi ne, %convert_element_type3A_322, %cond3A_323 : i32
      scf.if %cond3A_324 {
        %mul3A_325 = arith.constant 16 : i32
        %mul3A_326 = arith.muli %mul3A_325, %add3A_320 : i32
        %add3A_327 = arith.addi %arg1, %mul3A_326 : i32
        %mul3A_328 = arith.constant 512 : i32
        %mul3A_329 = arith.muli %add3A_327, %mul3A_328 : i32
        %multiple_of3A_330 = tpu.assume_multiple %mul3A_329, 512 : i32
        %dma_start3A_331 = arith.constant 0 : i32
        %dma_start3A_332 = tpu.memref_slice %arg2[%dma_start3A_331, %multiple_of3A_330] : memref<2x6400000xi32, #tpu.memory_space<hbm>> -> memref<2x512xi32, #tpu.memory_space<hbm>>
        %dma_start3A_333 = arith.constant 0 : i32
        %dma_start3A_334 = tpu.memref_slice %arg2[%dma_start3A_333, %multiple_of3A_330] : memref<2x6400000xi32, #tpu.memory_space<hbm>> -> memref<2x512xi32, #tpu.memory_space<hbm>>
        tpu.enqueue_dma source(%dma_start3A_334 : memref<2x512xi32, #tpu.memory_space<hbm>>) target(%arg8 : memref<2x512xi32, #tpu.memory_space<vmem>>) target_semaphore(%arg15 : memref<!tpu.dma_semaphore, #tpu.memory_space<semaphore_mem>>)
      } else {
      }
    }
    %scan3A_24 = arith.constant 260 : i32
    %add3A_25 = arith.constant 12480 : i32
    %add3A_26 = arith.addi %arg1, %add3A_25 : i32
    %mul3A_27 = arith.constant 512 : i32
    %mul3A_28 = arith.muli %add3A_26, %mul3A_27 : i32
    %multiple_of3A = tpu.assume_multiple %mul3A_28, 512 : i32
    %dma_wait3A = arith.constant 0 : i32
    %dma_wait3A_29 = tpu.memref_slice %arg2[%dma_wait3A, %multiple_of3A] : memref<2x6400000xi32, #tpu.memory_space<hbm>> -> memref<2x512xi32, #tpu.memory_space<hbm>>
    %dma_wait3A_30 = arith.constant 0 : i32
    %dma_wait3A_31 = tpu.memref_slice %arg2[%dma_wait3A_30, %multiple_of3A] : memref<2x6400000xi32, #tpu.memory_space<hbm>> -> memref<2x512xi32, #tpu.memory_space<hbm>>
    tpu.wait_dma2 semaphore(%arg13 : memref<!tpu.dma_semaphore, #tpu.memory_space<semaphore_mem>>) src(%dma_wait3A_31 : memref<2x512xi32, #tpu.memory_space<hbm>>) dst(%arg6 : memref<2x512xi32, #tpu.memory_space<vmem>>)
    %dma_start3A = arith.constant 0 : i32
    %dma_start3A_32 = arith.constant 0 : i32
    %dma_start3A_33 = tpu.memref_slice %arg6[%dma_start3A, %dma_start3A_32] : memref<2x512xi32, #tpu.memory_space<vmem>> -> memref<1x512xi32, #tpu.memory_space<vmem>>
    %dma_start3A_34 = tpu.memref_squeeze %dma_start3A_33 : memref<1x512xi32, #tpu.memory_space<vmem>> -> memref<512xi32, #tpu.memory_space<vmem>>
    %dma_start3A_35 = arith.constant 0 : i32
    %dma_start3A_36 = arith.constant 0 : i32
    %dma_start3A_37 = tpu.memref_slice %arg3[%add3A_4, %dma_start3A_35, %dma_start3A_36] : memref<4x100352x16xf32, #tpu.memory_space<hbm>> -> memref<1x100352x16xf32, #tpu.memory_space<hbm>>
    %dma_start3A_38 = tpu.memref_squeeze %dma_start3A_37 : memref<1x100352x16xf32, #tpu.memory_space<hbm>> -> memref<100352x16xf32, #tpu.memory_space<hbm>>
    %dma_start3A_39 = arith.constant 0 : i32
    %dma_start3A_40 = arith.constant 0 : i32
    %dma_start3A_41 = tpu.memref_slice %dma_start3A_38[%dma_start3A_39, %dma_start3A_40] : memref<100352x16xf32, #tpu.memory_space<hbm>> -> memref<100352x16xf32, #tpu.memory_space<hbm>>
    tpu.enqueue_indirect_dma source(%dma_start3A_41 : memref<100352x16xf32, #tpu.memory_space<hbm>>) target(%arg9 : memref<512x16xf32, #tpu.memory_space<vmem>>) offsets(%dma_start3A_34 : memref<512xi32, #tpu.memory_space<vmem>>) semaphore(%arg16 : memref<!tpu.dma_semaphore, #tpu.memory_space<semaphore_mem>>)
    %dma_wait3A_42 = arith.constant 0 : i32
    %dma_wait3A_43 = arith.constant 0 : i32
    %dma_wait3A_44 = tpu.memref_slice %arg6[%dma_wait3A_42, %dma_wait3A_43] : memref<2x512xi32, #tpu.memory_space<vmem>> -> memref<1x512xi32, #tpu.memory_space<vmem>>
    %dma_wait3A_45 = tpu.memref_squeeze %dma_wait3A_44 : memref<1x512xi32, #tpu.memory_space<vmem>> -> memref<512xi32, #tpu.memory_space<vmem>>
    %dma_wait3A_46 = arith.constant 0 : i32
    %dma_wait3A_47 = arith.constant 0 : i32
    %dma_wait3A_48 = tpu.memref_slice %arg3[%add3A_4, %dma_wait3A_46, %dma_wait3A_47] : memref<4x100352x16xf32, #tpu.memory_space<hbm>> -> memref<1x100352x16xf32, #tpu.memory_space<hbm>>
    %dma_wait3A_49 = tpu.memref_squeeze %dma_wait3A_48 : memref<1x100352x16xf32, #tpu.memory_space<hbm>> -> memref<100352x16xf32, #tpu.memory_space<hbm>>
    %dma_wait3A_50 = arith.constant 0 : i32
    %dma_wait3A_51 = arith.constant 0 : i32
    %dma_wait3A_52 = tpu.memref_slice %dma_wait3A_49[%dma_wait3A_50, %dma_wait3A_51] : memref<100352x16xf32, #tpu.memory_space<hbm>> -> memref<100352x16xf32, #tpu.memory_space<hbm>>
    tpu.wait_indirect_dma semaphore(%arg16 : memref<!tpu.dma_semaphore, #tpu.memory_space<semaphore_mem>>) src(%dma_wait3A_52 : memref<100352x16xf32, #tpu.memory_space<hbm>>) dst(%arg9 : memref<512x16xf32, #tpu.memory_space<vmem>>)
    %dma_start3A_53 = arith.constant 1 : i32
    %dma_start3A_54 = arith.constant 0 : i32
    %dma_start3A_55 = tpu.memref_slice %arg6[%dma_start3A_53, %dma_start3A_54] : memref<2x512xi32, #tpu.memory_space<vmem>> -> memref<1x512xi32, #tpu.memory_space<vmem>>
    %dma_start3A_56 = tpu.memref_squeeze %dma_start3A_55 : memref<1x512xi32, #tpu.memory_space<vmem>> -> memref<512xi32, #tpu.memory_space<vmem>>
    %dma_start3A_57 = arith.constant 0 : i32
    %dma_start3A_58 = arith.constant 0 : i32
    %dma_start3A_59 = tpu.memref_slice %arg12[%dma_start3A_57, %dma_start3A_58] : memref<100352x16xf32, #tpu.memory_space<vmem_shared>> -> memref<100352x16xf32, #tpu.memory_space<vmem_shared>>
    tpu.enqueue_indirect_dma source(%arg9 : memref<512x16xf32, #tpu.memory_space<vmem>>) target(%dma_start3A_59 : memref<100352x16xf32, #tpu.memory_space<vmem_shared>>) offsets(%dma_start3A_56 : memref<512xi32, #tpu.memory_space<vmem>>) semaphore(%arg19 : memref<!tpu.dma_semaphore, #tpu.memory_space<semaphore_mem>>) {add = true}
    %dma_wait3A_60 = arith.constant 1 : i32
    %dma_wait3A_61 = arith.constant 0 : i32
    %dma_wait3A_62 = tpu.memref_slice %arg6[%dma_wait3A_60, %dma_wait3A_61] : memref<2x512xi32, #tpu.memory_space<vmem>> -> memref<1x512xi32, #tpu.memory_space<vmem>>
    %dma_wait3A_63 = tpu.memref_squeeze %dma_wait3A_62 : memref<1x512xi32, #tpu.memory_space<vmem>> -> memref<512xi32, #tpu.memory_space<vmem>>
    %dma_wait3A_64 = arith.constant 0 : i32
    %dma_wait3A_65 = arith.constant 0 : i32
    %dma_wait3A_66 = tpu.memref_slice %arg12[%dma_wait3A_64, %dma_wait3A_65] : memref<100352x16xf32, #tpu.memory_space<vmem_shared>> -> memref<100352x16xf32, #tpu.memory_space<vmem_shared>>
    tpu.wait_indirect_dma semaphore(%arg19 : memref<!tpu.dma_semaphore, #tpu.memory_space<semaphore_mem>>) src(%arg9 : memref<512x16xf32, #tpu.memory_space<vmem>>) dst(%dma_wait3A_66 : memref<100352x16xf32, #tpu.memory_space<vmem_shared>>)
    %lt3A_67 = arith.constant 4 : i32
    %lt3A_68 = arith.cmpi slt, %arg1, %lt3A_67 : i32
    %convert_element_type3A_69 = arith.extui %lt3A_68 : i1 to i32
    %cond3A_70 = arith.constant 0 : i32
    %cond3A_71 = arith.cmpi ne, %convert_element_type3A_69, %cond3A_70 : i32
    scf.if %cond3A_71 {
      %add3A_162 = arith.constant 12496 : i32
      %add3A_163 = arith.addi %arg1, %add3A_162 : i32
      %mul3A_164 = arith.constant 512 : i32
      %mul3A_165 = arith.muli %add3A_163, %mul3A_164 : i32
      %multiple_of3A_166 = tpu.assume_multiple %mul3A_165, 512 : i32
      %dma_wait3A_167 = arith.constant 0 : i32
      %dma_wait3A_168 = tpu.memref_slice %arg2[%dma_wait3A_167, %multiple_of3A_166] : memref<2x6400000xi32, #tpu.memory_space<hbm>> -> memref<2x512xi32, #tpu.memory_space<hbm>>
      %dma_wait3A_169 = arith.constant 0 : i32
      %dma_wait3A_170 = tpu.memref_slice %arg2[%dma_wait3A_169, %multiple_of3A_166] : memref<2x6400000xi32, #tpu.memory_space<hbm>> -> memref<2x512xi32, #tpu.memory_space<hbm>>
      tpu.wait_dma2 semaphore(%arg14 : memref<!tpu.dma_semaphore, #tpu.memory_space<semaphore_mem>>) src(%dma_wait3A_170 : memref<2x512xi32, #tpu.memory_space<hbm>>) dst(%arg7 : memref<2x512xi32, #tpu.memory_space<vmem>>)
      %dma_start3A_171 = arith.constant 0 : i32
      %dma_start3A_172 = arith.constant 0 : i32
      %dma_start3A_173 = tpu.memref_slice %arg7[%dma_start3A_171, %dma_start3A_172] : memref<2x512xi32, #tpu.memory_space<vmem>> -> memref<1x512xi32, #tpu.memory_space<vmem>>
      %dma_start3A_174 = tpu.memref_squeeze %dma_start3A_173 : memref<1x512xi32, #tpu.memory_space<vmem>> -> memref<512xi32, #tpu.memory_space<vmem>>
      %dma_start3A_175 = arith.constant 0 : i32
      %dma_start3A_176 = arith.constant 0 : i32
      %dma_start3A_177 = tpu.memref_slice %arg3[%add3A_4, %dma_start3A_175, %dma_start3A_176] : memref<4x100352x16xf32, #tpu.memory_space<hbm>> -> memref<1x100352x16xf32, #tpu.memory_space<hbm>>
      %dma_start3A_178 = tpu.memref_squeeze %dma_start3A_177 : memref<1x100352x16xf32, #tpu.memory_space<hbm>> -> memref<100352x16xf32, #tpu.memory_space<hbm>>
      %dma_start3A_179 = arith.constant 0 : i32
      %dma_start3A_180 = arith.constant 0 : i32
      %dma_start3A_181 = tpu.memref_slice %dma_start3A_178[%dma_start3A_179, %dma_start3A_180] : memref<100352x16xf32, #tpu.memory_space<hbm>> -> memref<100352x16xf32, #tpu.memory_space<hbm>>
      tpu.enqueue_indirect_dma source(%dma_start3A_181 : memref<100352x16xf32, #tpu.memory_space<hbm>>) target(%arg10 : memref<512x16xf32, #tpu.memory_space<vmem>>) offsets(%dma_start3A_174 : memref<512xi32, #tpu.memory_space<vmem>>) semaphore(%arg17 : memref<!tpu.dma_semaphore, #tpu.memory_space<semaphore_mem>>)
      %dma_wait3A_182 = arith.constant 0 : i32
      %dma_wait3A_183 = arith.constant 0 : i32
      %dma_wait3A_184 = tpu.memref_slice %arg7[%dma_wait3A_182, %dma_wait3A_183] : memref<2x512xi32, #tpu.memory_space<vmem>> -> memref<1x512xi32, #tpu.memory_space<vmem>>
      %dma_wait3A_185 = tpu.memref_squeeze %dma_wait3A_184 : memref<1x512xi32, #tpu.memory_space<vmem>> -> memref<512xi32, #tpu.memory_space<vmem>>
      %dma_wait3A_186 = arith.constant 0 : i32
      %dma_wait3A_187 = arith.constant 0 : i32
      %dma_wait3A_188 = tpu.memref_slice %arg3[%add3A_4, %dma_wait3A_186, %dma_wait3A_187] : memref<4x100352x16xf32, #tpu.memory_space<hbm>> -> memref<1x100352x16xf32, #tpu.memory_space<hbm>>
      %dma_wait3A_189 = tpu.memref_squeeze %dma_wait3A_188 : memref<1x100352x16xf32, #tpu.memory_space<hbm>> -> memref<100352x16xf32, #tpu.memory_space<hbm>>
      %dma_wait3A_190 = arith.constant 0 : i32
      %dma_wait3A_191 = arith.constant 0 : i32
      %dma_wait3A_192 = tpu.memref_slice %dma_wait3A_189[%dma_wait3A_190, %dma_wait3A_191] : memref<100352x16xf32, #tpu.memory_space<hbm>> -> memref<100352x16xf32, #tpu.memory_space<hbm>>
      tpu.wait_indirect_dma semaphore(%arg17 : memref<!tpu.dma_semaphore, #tpu.memory_space<semaphore_mem>>) src(%dma_wait3A_192 : memref<100352x16xf32, #tpu.memory_space<hbm>>) dst(%arg10 : memref<512x16xf32, #tpu.memory_space<vmem>>)
      %dma_start3A_193 = arith.constant 1 : i32
      %dma_start3A_194 = arith.constant 0 : i32
      %dma_start3A_195 = tpu.memref_slice %arg7[%dma_start3A_193, %dma_start3A_194] : memref<2x512xi32, #tpu.memory_space<vmem>> -> memref<1x512xi32, #tpu.memory_space<vmem>>
      %dma_start3A_196 = tpu.memref_squeeze %dma_start3A_195 : memref<1x512xi32, #tpu.memory_space<vmem>> -> memref<512xi32, #tpu.memory_space<vmem>>
      %dma_start3A_197 = arith.constant 0 : i32
      %dma_start3A_198 = arith.constant 0 : i32
      %dma_start3A_199 = tpu.memref_slice %arg12[%dma_start3A_197, %dma_start3A_198] : memref<100352x16xf32, #tpu.memory_space<vmem_shared>> -> memref<100352x16xf32, #tpu.memory_space<vmem_shared>>
      tpu.enqueue_indirect_dma source(%arg10 : memref<512x16xf32, #tpu.memory_space<vmem>>) target(%dma_start3A_199 : memref<100352x16xf32, #tpu.memory_space<vmem_shared>>) offsets(%dma_start3A_196 : memref<512xi32, #tpu.memory_space<vmem>>) semaphore(%arg20 : memref<!tpu.dma_semaphore, #tpu.memory_space<semaphore_mem>>) {add = true}
      %dma_wait3A_200 = arith.constant 1 : i32
      %dma_wait3A_201 = arith.constant 0 : i32
      %dma_wait3A_202 = tpu.memref_slice %arg7[%dma_wait3A_200, %dma_wait3A_201] : memref<2x512xi32, #tpu.memory_space<vmem>> -> memref<1x512xi32, #tpu.memory_space<vmem>>
      %dma_wait3A_203 = tpu.memref_squeeze %dma_wait3A_202 : memref<1x512xi32, #tpu.memory_space<vmem>> -> memref<512xi32, #tpu.memory_space<vmem>>
      %dma_wait3A_204 = arith.constant 0 : i32
      %dma_wait3A_205 = arith.constant 0 : i32
      %dma_wait3A_206 = tpu.memref_slice %arg12[%dma_wait3A_204, %dma_wait3A_205] : memref<100352x16xf32, #tpu.memory_space<vmem_shared>> -> memref<100352x16xf32, #tpu.memory_space<vmem_shared>>
      tpu.wait_indirect_dma semaphore(%arg20 : memref<!tpu.dma_semaphore, #tpu.memory_space<semaphore_mem>>) src(%arg10 : memref<512x16xf32, #tpu.memory_space<vmem>>) dst(%dma_wait3A_206 : memref<100352x16xf32, #tpu.memory_space<vmem_shared>>)
    } else {
    }
    %barrier3A_72 = arith.constant 0 : index
    tpu.barrier barrier_id(%barrier3A_72)
    %mul3A_73 = arith.constant 6272 : i32
    %mul3A_74 = arith.muli %arg1, %mul3A_73 : i32
    %mul3A_75 = arith.constant 6272 : i32
    %mul3A_76 = arith.muli %arg1, %mul3A_75 : i32
    "tpu.region"() ({
      %run_scoped3A = tpu.sem_alloc : memref<!tpu.dma_semaphore, #tpu.memory_space<semaphore_mem>>
      %dma_start3A_162 = arith.constant 0 : i32
      %dma_start3A_163 = arith.constant 0 : i32
      %dma_start3A_164 = tpu.memref_slice %arg5[%add3A_4, %dma_start3A_162, %dma_start3A_163] : memref<4x100352x16xf32, #tpu.memory_space<hbm>> -> memref<1x100352x16xf32, #tpu.memory_space<hbm>>
      %dma_start3A_165 = tpu.memref_squeeze %dma_start3A_164 : memref<1x100352x16xf32, #tpu.memory_space<hbm>> -> memref<100352x16xf32, #tpu.memory_space<hbm>>
      %dma_start3A_166 = arith.constant 0 : i32
      %dma_start3A_167 = tpu.memref_slice %dma_start3A_165[%mul3A_76, %dma_start3A_166] : memref<100352x16xf32, #tpu.memory_space<hbm>> -> memref<6272x16xf32, #tpu.memory_space<hbm>>
      %dma_start3A_168 = arith.constant 0 : i32
      %dma_start3A_169 = tpu.memref_slice %arg12[%mul3A_74, %dma_start3A_168] : memref<100352x16xf32, #tpu.memory_space<vmem_shared>> -> memref<6272x16xf32, #tpu.memory_space<vmem_shared>>
      tpu.enqueue_dma source(%dma_start3A_169 : memref<6272x16xf32, #tpu.memory_space<vmem_shared>>) target(%dma_start3A_167 : memref<6272x16xf32, #tpu.memory_space<hbm>>) target_semaphore(%run_scoped3A : memref<!tpu.dma_semaphore, #tpu.memory_space<semaphore_mem>>)
      %dma_wait3A_170 = arith.constant 0 : i32
      %dma_wait3A_171 = arith.constant 0 : i32
      %dma_wait3A_172 = tpu.memref_slice %arg5[%add3A_4, %dma_wait3A_170, %dma_wait3A_171] : memref<4x100352x16xf32, #tpu.memory_space<hbm>> -> memref<1x100352x16xf32, #tpu.memory_space<hbm>>
      %dma_wait3A_173 = tpu.memref_squeeze %dma_wait3A_172 : memref<1x100352x16xf32, #tpu.memory_space<hbm>> -> memref<100352x16xf32, #tpu.memory_space<hbm>>
      %dma_wait3A_174 = arith.constant 0 : i32
      %dma_wait3A_175 = tpu.memref_slice %dma_wait3A_173[%mul3A_76, %dma_wait3A_174] : memref<100352x16xf32, #tpu.memory_space<hbm>> -> memref<6272x16xf32, #tpu.memory_space<hbm>>
      %dma_wait3A_176 = arith.constant 0 : i32
      %dma_wait3A_177 = tpu.memref_slice %arg12[%mul3A_74, %dma_wait3A_176] : memref<100352x16xf32, #tpu.memory_space<vmem_shared>> -> memref<6272x16xf32, #tpu.memory_space<vmem_shared>>
      tpu.wait_dma2 semaphore(%run_scoped3A : memref<!tpu.dma_semaphore, #tpu.memory_space<semaphore_mem>>) src(%dma_wait3A_177 : memref<6272x16xf32, #tpu.memory_space<vmem_shared>>) dst(%dma_wait3A_175 : memref<6272x16xf32, #tpu.memory_space<hbm>>)
      tpu.yield
    }) : () -> ()
    %barrier3A_77 = arith.constant 0 : index
    tpu.barrier barrier_id(%barrier3A_77)
    %mul3A_78 = arith.constant 2 : i32
    %mul3A_79 = arith.muli %mul3A_78, %arg0 : i32
    %add3A_80 = arith.constant 1 : i32
    %add3A_81 = arith.addi %mul3A_79, %add3A_80 : i32
    %gt3A_82 = arith.constant 0 : i32
    %gt3A_83 = arith.cmpi sgt, %add3A_1, %gt3A_82 : i32
    %convert_element_type3A_84 = arith.extui %gt3A_83 : i1 to i32
    %cond3A_85 = arith.constant 0 : i32
    %cond3A_86 = arith.cmpi ne, %convert_element_type3A_84, %cond3A_85 : i32
    scf.if %cond3A_86 {
      %add3A_162 = arith.constant 0 : i32
      %add3A_163 = arith.addi %arg1, %add3A_162 : i32
      %mul3A_164 = arith.constant 512 : i32
      %mul3A_165 = arith.muli %add3A_163, %mul3A_164 : i32
      %multiple_of3A_166 = tpu.assume_multiple %mul3A_165, 512 : i32
      %dma_start3A_167 = arith.constant 0 : i32
      %dma_start3A_168 = tpu.memref_slice %arg2[%dma_start3A_167, %multiple_of3A_166] : memref<2x6400000xi32, #tpu.memory_space<hbm>> -> memref<2x512xi32, #tpu.memory_space<hbm>>
      %dma_start3A_169 = arith.constant 0 : i32
      %dma_start3A_170 = tpu.memref_slice %arg2[%dma_start3A_169, %multiple_of3A_166] : memref<2x6400000xi32, #tpu.memory_space<hbm>> -> memref<2x512xi32, #tpu.memory_space<hbm>>
      tpu.enqueue_dma source(%dma_start3A_170 : memref<2x512xi32, #tpu.memory_space<hbm>>) target(%arg6 : memref<2x512xi32, #tpu.memory_space<vmem>>) target_semaphore(%arg13 : memref<!tpu.dma_semaphore, #tpu.memory_space<semaphore_mem>>)
    } else {
    }
    %gt3A_87 = arith.constant 1 : i32
    %gt3A_88 = arith.cmpi sgt, %add3A_1, %gt3A_87 : i32
    %convert_element_type3A_89 = arith.extui %gt3A_88 : i1 to i32
    %cond3A_90 = arith.constant 0 : i32
    %cond3A_91 = arith.cmpi ne, %convert_element_type3A_89, %cond3A_90 : i32
    scf.if %cond3A_91 {
      %add3A_162 = arith.constant 16 : i32
      %add3A_163 = arith.addi %arg1, %add3A_162 : i32
      %mul3A_164 = arith.constant 512 : i32
      %mul3A_165 = arith.muli %add3A_163, %mul3A_164 : i32
      %multiple_of3A_166 = tpu.assume_multiple %mul3A_165, 512 : i32
      %dma_start3A_167 = arith.constant 0 : i32
      %dma_start3A_168 = tpu.memref_slice %arg2[%dma_start3A_167, %multiple_of3A_166] : memref<2x6400000xi32, #tpu.memory_space<hbm>> -> memref<2x512xi32, #tpu.memory_space<hbm>>
      %dma_start3A_169 = arith.constant 0 : i32
      %dma_start3A_170 = tpu.memref_slice %arg2[%dma_start3A_169, %multiple_of3A_166] : memref<2x6400000xi32, #tpu.memory_space<hbm>> -> memref<2x512xi32, #tpu.memory_space<hbm>>
      tpu.enqueue_dma source(%dma_start3A_170 : memref<2x512xi32, #tpu.memory_space<hbm>>) target(%arg7 : memref<2x512xi32, #tpu.memory_space<vmem>>) target_semaphore(%arg14 : memref<!tpu.dma_semaphore, #tpu.memory_space<semaphore_mem>>)
    } else {
    }
    %gt3A_92 = arith.constant 2 : i32
    %gt3A_93 = arith.cmpi sgt, %add3A_1, %gt3A_92 : i32
    %convert_element_type3A_94 = arith.extui %gt3A_93 : i1 to i32
    %cond3A_95 = arith.constant 0 : i32
    %cond3A_96 = arith.cmpi ne, %convert_element_type3A_94, %cond3A_95 : i32
    scf.if %cond3A_96 {
      %add3A_162 = arith.constant 32 : i32
      %add3A_163 = arith.addi %arg1, %add3A_162 : i32
      %mul3A_164 = arith.constant 512 : i32
      %mul3A_165 = arith.muli %add3A_163, %mul3A_164 : i32
      %multiple_of3A_166 = tpu.assume_multiple %mul3A_165, 512 : i32
      %dma_start3A_167 = arith.constant 0 : i32
      %dma_start3A_168 = tpu.memref_slice %arg2[%dma_start3A_167, %multiple_of3A_166] : memref<2x6400000xi32, #tpu.memory_space<hbm>> -> memref<2x512xi32, #tpu.memory_space<hbm>>
      %dma_start3A_169 = arith.constant 0 : i32
      %dma_start3A_170 = tpu.memref_slice %arg2[%dma_start3A_169, %multiple_of3A_166] : memref<2x6400000xi32, #tpu.memory_space<hbm>> -> memref<2x512xi32, #tpu.memory_space<hbm>>
      tpu.enqueue_dma source(%dma_start3A_170 : memref<2x512xi32, #tpu.memory_space<hbm>>) target(%arg8 : memref<2x512xi32, #tpu.memory_space<vmem>>) target_semaphore(%arg15 : memref<!tpu.dma_semaphore, #tpu.memory_space<semaphore_mem>>)
    } else {
    }
    %mul3A_97 = arith.constant 6272 : i32
    %mul3A_98 = arith.muli %arg1, %mul3A_97 : i32
    "tpu.region"() ({
      %run_scoped3A = tpu.sem_alloc : memref<!tpu.dma_semaphore, #tpu.memory_space<semaphore_mem>>
      %dma_start3A_162 = arith.constant 0 : i32
      %dma_start3A_163 = tpu.memref_slice %arg12[%mul3A_98, %dma_start3A_162] : memref<100352x16xf32, #tpu.memory_space<vmem_shared>> -> memref<6272x16xf32, #tpu.memory_space<vmem_shared>>
      tpu.enqueue_dma source(%arg4 : memref<6272x16xf32, #tpu.memory_space<hbm>>) target(%dma_start3A_163 : memref<6272x16xf32, #tpu.memory_space<vmem_shared>>) target_semaphore(%run_scoped3A : memref<!tpu.dma_semaphore, #tpu.memory_space<semaphore_mem>>)
      %dma_wait3A_164 = arith.constant 0 : i32
      %dma_wait3A_165 = tpu.memref_slice %arg12[%mul3A_98, %dma_wait3A_164] : memref<100352x16xf32, #tpu.memory_space<vmem_shared>> -> memref<6272x16xf32, #tpu.memory_space<vmem_shared>>
      tpu.wait_dma2 semaphore(%run_scoped3A : memref<!tpu.dma_semaphore, #tpu.memory_space<semaphore_mem>>) src(%arg4 : memref<6272x16xf32, #tpu.memory_space<hbm>>) dst(%dma_wait3A_165 : memref<6272x16xf32, #tpu.memory_space<vmem_shared>>)
      tpu.yield
    }) : () -> ()
    %barrier3A_99 = arith.constant 0 : index
    tpu.barrier barrier_id(%barrier3A_99)
    %scan3A_100 = arith.constant 0 : i32
    %scan3A_101 = arith.constant 0 : i32
    %scan3A_102 = arith.constant 260 : i32
    %scan3A_103 = arith.addi %scan3A_101, %scan3A_102 : i32
    %scan3A_104 = arith.constant 1 : i32
    scf.for %scan3A_162 = %scan3A_101 to %scan3A_103 step %scan3A_104  : i32 {
      %mul3A_163 = arith.constant 3 : i32
      %mul3A_164 = arith.muli %mul3A_163, %scan3A_162 : i32
      %mul3A_165 = arith.constant 16 : i32
      %mul3A_166 = arith.muli %mul3A_165, %mul3A_164 : i32
      %add3A_167 = arith.addi %arg1, %mul3A_166 : i32
      %mul3A_168 = arith.constant 512 : i32
      %mul3A_169 = arith.muli %add3A_167, %mul3A_168 : i32
      %multiple_of3A_170 = tpu.assume_multiple %mul3A_169, 512 : i32
      %dma_wait3A_171 = arith.constant 0 : i32
      %dma_wait3A_172 = tpu.memref_slice %arg2[%dma_wait3A_171, %multiple_of3A_170] : memref<2x6400000xi32, #tpu.memory_space<hbm>> -> memref<2x512xi32, #tpu.memory_space<hbm>>
      %dma_wait3A_173 = arith.constant 0 : i32
      %dma_wait3A_174 = tpu.memref_slice %arg2[%dma_wait3A_173, %multiple_of3A_170] : memref<2x6400000xi32, #tpu.memory_space<hbm>> -> memref<2x512xi32, #tpu.memory_space<hbm>>
      tpu.wait_dma2 semaphore(%arg13 : memref<!tpu.dma_semaphore, #tpu.memory_space<semaphore_mem>>) src(%dma_wait3A_174 : memref<2x512xi32, #tpu.memory_space<hbm>>) dst(%arg6 : memref<2x512xi32, #tpu.memory_space<vmem>>)
      %dma_start3A_175 = arith.constant 0 : i32
      %dma_start3A_176 = arith.constant 0 : i32
      %dma_start3A_177 = tpu.memref_slice %arg6[%dma_start3A_175, %dma_start3A_176] : memref<2x512xi32, #tpu.memory_space<vmem>> -> memref<1x512xi32, #tpu.memory_space<vmem>>
      %dma_start3A_178 = tpu.memref_squeeze %dma_start3A_177 : memref<1x512xi32, #tpu.memory_space<vmem>> -> memref<512xi32, #tpu.memory_space<vmem>>
      %dma_start3A_179 = arith.constant 0 : i32
      %dma_start3A_180 = arith.constant 0 : i32
      %dma_start3A_181 = tpu.memref_slice %arg3[%add3A_81, %dma_start3A_179, %dma_start3A_180] : memref<4x100352x16xf32, #tpu.memory_space<hbm>> -> memref<1x100352x16xf32, #tpu.memory_space<hbm>>
      %dma_start3A_182 = tpu.memref_squeeze %dma_start3A_181 : memref<1x100352x16xf32, #tpu.memory_space<hbm>> -> memref<100352x16xf32, #tpu.memory_space<hbm>>
      %dma_start3A_183 = arith.constant 0 : i32
      %dma_start3A_184 = arith.constant 0 : i32
      %dma_start3A_185 = tpu.memref_slice %dma_start3A_182[%dma_start3A_183, %dma_start3A_184] : memref<100352x16xf32, #tpu.memory_space<hbm>> -> memref<100352x16xf32, #tpu.memory_space<hbm>>
      tpu.enqueue_indirect_dma source(%dma_start3A_185 : memref<100352x16xf32, #tpu.memory_space<hbm>>) target(%arg9 : memref<512x16xf32, #tpu.memory_space<vmem>>) offsets(%dma_start3A_178 : memref<512xi32, #tpu.memory_space<vmem>>) semaphore(%arg16 : memref<!tpu.dma_semaphore, #tpu.memory_space<semaphore_mem>>)
      %add3A_186 = arith.constant 1 : i32
      %add3A_187 = arith.addi %mul3A_164, %add3A_186 : i32
      %mul3A_188 = arith.constant 16 : i32
      %mul3A_189 = arith.muli %mul3A_188, %add3A_187 : i32
      %add3A_190 = arith.addi %arg1, %mul3A_189 : i32
      %mul3A_191 = arith.constant 512 : i32
      %mul3A_192 = arith.muli %add3A_190, %mul3A_191 : i32
      %multiple_of3A_193 = tpu.assume_multiple %mul3A_192, 512 : i32
      %dma_wait3A_194 = arith.constant 0 : i32
      %dma_wait3A_195 = tpu.memref_slice %arg2[%dma_wait3A_194, %multiple_of3A_193] : memref<2x6400000xi32, #tpu.memory_space<hbm>> -> memref<2x512xi32, #tpu.memory_space<hbm>>
      %dma_wait3A_196 = arith.constant 0 : i32
      %dma_wait3A_197 = tpu.memref_slice %arg2[%dma_wait3A_196, %multiple_of3A_193] : memref<2x6400000xi32, #tpu.memory_space<hbm>> -> memref<2x512xi32, #tpu.memory_space<hbm>>
      tpu.wait_dma2 semaphore(%arg14 : memref<!tpu.dma_semaphore, #tpu.memory_space<semaphore_mem>>) src(%dma_wait3A_197 : memref<2x512xi32, #tpu.memory_space<hbm>>) dst(%arg7 : memref<2x512xi32, #tpu.memory_space<vmem>>)
      %dma_start3A_198 = arith.constant 0 : i32
      %dma_start3A_199 = arith.constant 0 : i32
      %dma_start3A_200 = tpu.memref_slice %arg7[%dma_start3A_198, %dma_start3A_199] : memref<2x512xi32, #tpu.memory_space<vmem>> -> memref<1x512xi32, #tpu.memory_space<vmem>>
      %dma_start3A_201 = tpu.memref_squeeze %dma_start3A_200 : memref<1x512xi32, #tpu.memory_space<vmem>> -> memref<512xi32, #tpu.memory_space<vmem>>
      %dma_start3A_202 = arith.constant 0 : i32
      %dma_start3A_203 = arith.constant 0 : i32
      %dma_start3A_204 = tpu.memref_slice %arg3[%add3A_81, %dma_start3A_202, %dma_start3A_203] : memref<4x100352x16xf32, #tpu.memory_space<hbm>> -> memref<1x100352x16xf32, #tpu.memory_space<hbm>>
      %dma_start3A_205 = tpu.memref_squeeze %dma_start3A_204 : memref<1x100352x16xf32, #tpu.memory_space<hbm>> -> memref<100352x16xf32, #tpu.memory_space<hbm>>
      %dma_start3A_206 = arith.constant 0 : i32
      %dma_start3A_207 = arith.constant 0 : i32
      %dma_start3A_208 = tpu.memref_slice %dma_start3A_205[%dma_start3A_206, %dma_start3A_207] : memref<100352x16xf32, #tpu.memory_space<hbm>> -> memref<100352x16xf32, #tpu.memory_space<hbm>>
      tpu.enqueue_indirect_dma source(%dma_start3A_208 : memref<100352x16xf32, #tpu.memory_space<hbm>>) target(%arg10 : memref<512x16xf32, #tpu.memory_space<vmem>>) offsets(%dma_start3A_201 : memref<512xi32, #tpu.memory_space<vmem>>) semaphore(%arg17 : memref<!tpu.dma_semaphore, #tpu.memory_space<semaphore_mem>>)
      %dma_wait3A_209 = arith.constant 0 : i32
      %dma_wait3A_210 = arith.constant 0 : i32
      %dma_wait3A_211 = tpu.memref_slice %arg6[%dma_wait3A_209, %dma_wait3A_210] : memref<2x512xi32, #tpu.memory_space<vmem>> -> memref<1x512xi32, #tpu.memory_space<vmem>>
      %dma_wait3A_212 = tpu.memref_squeeze %dma_wait3A_211 : memref<1x512xi32, #tpu.memory_space<vmem>> -> memref<512xi32, #tpu.memory_space<vmem>>
      %dma_wait3A_213 = arith.constant 0 : i32
      %dma_wait3A_214 = arith.constant 0 : i32
      %dma_wait3A_215 = tpu.memref_slice %arg3[%add3A_81, %dma_wait3A_213, %dma_wait3A_214] : memref<4x100352x16xf32, #tpu.memory_space<hbm>> -> memref<1x100352x16xf32, #tpu.memory_space<hbm>>
      %dma_wait3A_216 = tpu.memref_squeeze %dma_wait3A_215 : memref<1x100352x16xf32, #tpu.memory_space<hbm>> -> memref<100352x16xf32, #tpu.memory_space<hbm>>
      %dma_wait3A_217 = arith.constant 0 : i32
      %dma_wait3A_218 = arith.constant 0 : i32
      %dma_wait3A_219 = tpu.memref_slice %dma_wait3A_216[%dma_wait3A_217, %dma_wait3A_218] : memref<100352x16xf32, #tpu.memory_space<hbm>> -> memref<100352x16xf32, #tpu.memory_space<hbm>>
      tpu.wait_indirect_dma semaphore(%arg16 : memref<!tpu.dma_semaphore, #tpu.memory_space<semaphore_mem>>) src(%dma_wait3A_219 : memref<100352x16xf32, #tpu.memory_space<hbm>>) dst(%arg9 : memref<512x16xf32, #tpu.memory_space<vmem>>)
      %dma_start3A_220 = arith.constant 1 : i32
      %dma_start3A_221 = arith.constant 0 : i32
      %dma_start3A_222 = tpu.memref_slice %arg6[%dma_start3A_220, %dma_start3A_221] : memref<2x512xi32, #tpu.memory_space<vmem>> -> memref<1x512xi32, #tpu.memory_space<vmem>>
      %dma_start3A_223 = tpu.memref_squeeze %dma_start3A_222 : memref<1x512xi32, #tpu.memory_space<vmem>> -> memref<512xi32, #tpu.memory_space<vmem>>
      %dma_start3A_224 = arith.constant 0 : i32
      %dma_start3A_225 = arith.constant 0 : i32
      %dma_start3A_226 = tpu.memref_slice %arg12[%dma_start3A_224, %dma_start3A_225] : memref<100352x16xf32, #tpu.memory_space<vmem_shared>> -> memref<100352x16xf32, #tpu.memory_space<vmem_shared>>
      tpu.enqueue_indirect_dma source(%arg9 : memref<512x16xf32, #tpu.memory_space<vmem>>) target(%dma_start3A_226 : memref<100352x16xf32, #tpu.memory_space<vmem_shared>>) offsets(%dma_start3A_223 : memref<512xi32, #tpu.memory_space<vmem>>) semaphore(%arg19 : memref<!tpu.dma_semaphore, #tpu.memory_space<semaphore_mem>>) {add = true}
      %add3A_227 = arith.constant 2 : i32
      %add3A_228 = arith.addi %mul3A_164, %add3A_227 : i32
      %mul3A_229 = arith.constant 16 : i32
      %mul3A_230 = arith.muli %mul3A_229, %add3A_228 : i32
      %add3A_231 = arith.addi %arg1, %mul3A_230 : i32
      %mul3A_232 = arith.constant 512 : i32
      %mul3A_233 = arith.muli %add3A_231, %mul3A_232 : i32
      %multiple_of3A_234 = tpu.assume_multiple %mul3A_233, 512 : i32
      %dma_wait3A_235 = arith.constant 0 : i32
      %dma_wait3A_236 = tpu.memref_slice %arg2[%dma_wait3A_235, %multiple_of3A_234] : memref<2x6400000xi32, #tpu.memory_space<hbm>> -> memref<2x512xi32, #tpu.memory_space<hbm>>
      %dma_wait3A_237 = arith.constant 0 : i32
      %dma_wait3A_238 = tpu.memref_slice %arg2[%dma_wait3A_237, %multiple_of3A_234] : memref<2x6400000xi32, #tpu.memory_space<hbm>> -> memref<2x512xi32, #tpu.memory_space<hbm>>
      tpu.wait_dma2 semaphore(%arg15 : memref<!tpu.dma_semaphore, #tpu.memory_space<semaphore_mem>>) src(%dma_wait3A_238 : memref<2x512xi32, #tpu.memory_space<hbm>>) dst(%arg8 : memref<2x512xi32, #tpu.memory_space<vmem>>)
      %dma_start3A_239 = arith.constant 0 : i32
      %dma_start3A_240 = arith.constant 0 : i32
      %dma_start3A_241 = tpu.memref_slice %arg8[%dma_start3A_239, %dma_start3A_240] : memref<2x512xi32, #tpu.memory_space<vmem>> -> memref<1x512xi32, #tpu.memory_space<vmem>>
      %dma_start3A_242 = tpu.memref_squeeze %dma_start3A_241 : memref<1x512xi32, #tpu.memory_space<vmem>> -> memref<512xi32, #tpu.memory_space<vmem>>
      %dma_start3A_243 = arith.constant 0 : i32
      %dma_start3A_244 = arith.constant 0 : i32
      %dma_start3A_245 = tpu.memref_slice %arg3[%add3A_81, %dma_start3A_243, %dma_start3A_244] : memref<4x100352x16xf32, #tpu.memory_space<hbm>> -> memref<1x100352x16xf32, #tpu.memory_space<hbm>>
      %dma_start3A_246 = tpu.memref_squeeze %dma_start3A_245 : memref<1x100352x16xf32, #tpu.memory_space<hbm>> -> memref<100352x16xf32, #tpu.memory_space<hbm>>
      %dma_start3A_247 = arith.constant 0 : i32
      %dma_start3A_248 = arith.constant 0 : i32
      %dma_start3A_249 = tpu.memref_slice %dma_start3A_246[%dma_start3A_247, %dma_start3A_248] : memref<100352x16xf32, #tpu.memory_space<hbm>> -> memref<100352x16xf32, #tpu.memory_space<hbm>>
      tpu.enqueue_indirect_dma source(%dma_start3A_249 : memref<100352x16xf32, #tpu.memory_space<hbm>>) target(%arg11 : memref<512x16xf32, #tpu.memory_space<vmem>>) offsets(%dma_start3A_242 : memref<512xi32, #tpu.memory_space<vmem>>) semaphore(%arg18 : memref<!tpu.dma_semaphore, #tpu.memory_space<semaphore_mem>>)
      %dma_wait3A_250 = arith.constant 0 : i32
      %dma_wait3A_251 = arith.constant 0 : i32
      %dma_wait3A_252 = tpu.memref_slice %arg7[%dma_wait3A_250, %dma_wait3A_251] : memref<2x512xi32, #tpu.memory_space<vmem>> -> memref<1x512xi32, #tpu.memory_space<vmem>>
      %dma_wait3A_253 = tpu.memref_squeeze %dma_wait3A_252 : memref<1x512xi32, #tpu.memory_space<vmem>> -> memref<512xi32, #tpu.memory_space<vmem>>
      %dma_wait3A_254 = arith.constant 0 : i32
      %dma_wait3A_255 = arith.constant 0 : i32
      %dma_wait3A_256 = tpu.memref_slice %arg3[%add3A_81, %dma_wait3A_254, %dma_wait3A_255] : memref<4x100352x16xf32, #tpu.memory_space<hbm>> -> memref<1x100352x16xf32, #tpu.memory_space<hbm>>
      %dma_wait3A_257 = tpu.memref_squeeze %dma_wait3A_256 : memref<1x100352x16xf32, #tpu.memory_space<hbm>> -> memref<100352x16xf32, #tpu.memory_space<hbm>>
      %dma_wait3A_258 = arith.constant 0 : i32
      %dma_wait3A_259 = arith.constant 0 : i32
      %dma_wait3A_260 = tpu.memref_slice %dma_wait3A_257[%dma_wait3A_258, %dma_wait3A_259] : memref<100352x16xf32, #tpu.memory_space<hbm>> -> memref<100352x16xf32, #tpu.memory_space<hbm>>
      tpu.wait_indirect_dma semaphore(%arg17 : memref<!tpu.dma_semaphore, #tpu.memory_space<semaphore_mem>>) src(%dma_wait3A_260 : memref<100352x16xf32, #tpu.memory_space<hbm>>) dst(%arg10 : memref<512x16xf32, #tpu.memory_space<vmem>>)
      %dma_start3A_261 = arith.constant 1 : i32
      %dma_start3A_262 = arith.constant 0 : i32
      %dma_start3A_263 = tpu.memref_slice %arg7[%dma_start3A_261, %dma_start3A_262] : memref<2x512xi32, #tpu.memory_space<vmem>> -> memref<1x512xi32, #tpu.memory_space<vmem>>
      %dma_start3A_264 = tpu.memref_squeeze %dma_start3A_263 : memref<1x512xi32, #tpu.memory_space<vmem>> -> memref<512xi32, #tpu.memory_space<vmem>>
      %dma_start3A_265 = arith.constant 0 : i32
      %dma_start3A_266 = arith.constant 0 : i32
      %dma_start3A_267 = tpu.memref_slice %arg12[%dma_start3A_265, %dma_start3A_266] : memref<100352x16xf32, #tpu.memory_space<vmem_shared>> -> memref<100352x16xf32, #tpu.memory_space<vmem_shared>>
      tpu.enqueue_indirect_dma source(%arg10 : memref<512x16xf32, #tpu.memory_space<vmem>>) target(%dma_start3A_267 : memref<100352x16xf32, #tpu.memory_space<vmem_shared>>) offsets(%dma_start3A_264 : memref<512xi32, #tpu.memory_space<vmem>>) semaphore(%arg20 : memref<!tpu.dma_semaphore, #tpu.memory_space<semaphore_mem>>) {add = true}
      %dma_wait3A_268 = arith.constant 1 : i32
      %dma_wait3A_269 = arith.constant 0 : i32
      %dma_wait3A_270 = tpu.memref_slice %arg6[%dma_wait3A_268, %dma_wait3A_269] : memref<2x512xi32, #tpu.memory_space<vmem>> -> memref<1x512xi32, #tpu.memory_space<vmem>>
      %dma_wait3A_271 = tpu.memref_squeeze %dma_wait3A_270 : memref<1x512xi32, #tpu.memory_space<vmem>> -> memref<512xi32, #tpu.memory_space<vmem>>
      %dma_wait3A_272 = arith.constant 0 : i32
      %dma_wait3A_273 = arith.constant 0 : i32
      %dma_wait3A_274 = tpu.memref_slice %arg12[%dma_wait3A_272, %dma_wait3A_273] : memref<100352x16xf32, #tpu.memory_space<vmem_shared>> -> memref<100352x16xf32, #tpu.memory_space<vmem_shared>>
      tpu.wait_indirect_dma semaphore(%arg19 : memref<!tpu.dma_semaphore, #tpu.memory_space<semaphore_mem>>) src(%arg9 : memref<512x16xf32, #tpu.memory_space<vmem>>) dst(%dma_wait3A_274 : memref<100352x16xf32, #tpu.memory_space<vmem_shared>>)
      %add3A_275 = arith.constant 3 : i32
      %add3A_276 = arith.addi %mul3A_164, %add3A_275 : i32
      %lt3A_277 = arith.cmpi slt, %add3A_276, %add3A_1 : i32
      %convert_element_type3A_278 = arith.extui %lt3A_277 : i1 to i32
      %cond3A_279 = arith.constant 0 : i32
      %cond3A_280 = arith.cmpi ne, %convert_element_type3A_278, %cond3A_279 : i32
      scf.if %cond3A_280 {
        %mul3A_325 = arith.constant 16 : i32
        %mul3A_326 = arith.muli %mul3A_325, %add3A_276 : i32
        %add3A_327 = arith.addi %arg1, %mul3A_326 : i32
        %mul3A_328 = arith.constant 512 : i32
        %mul3A_329 = arith.muli %add3A_327, %mul3A_328 : i32
        %multiple_of3A_330 = tpu.assume_multiple %mul3A_329, 512 : i32
        %dma_start3A_331 = arith.constant 0 : i32
        %dma_start3A_332 = tpu.memref_slice %arg2[%dma_start3A_331, %multiple_of3A_330] : memref<2x6400000xi32, #tpu.memory_space<hbm>> -> memref<2x512xi32, #tpu.memory_space<hbm>>
        %dma_start3A_333 = arith.constant 0 : i32
        %dma_start3A_334 = tpu.memref_slice %arg2[%dma_start3A_333, %multiple_of3A_330] : memref<2x6400000xi32, #tpu.memory_space<hbm>> -> memref<2x512xi32, #tpu.memory_space<hbm>>
        tpu.enqueue_dma source(%dma_start3A_334 : memref<2x512xi32, #tpu.memory_space<hbm>>) target(%arg6 : memref<2x512xi32, #tpu.memory_space<vmem>>) target_semaphore(%arg13 : memref<!tpu.dma_semaphore, #tpu.memory_space<semaphore_mem>>)
      } else {
      }
      %dma_wait3A_281 = arith.constant 0 : i32
      %dma_wait3A_282 = arith.constant 0 : i32
      %dma_wait3A_283 = tpu.memref_slice %arg8[%dma_wait3A_281, %dma_wait3A_282] : memref<2x512xi32, #tpu.memory_space<vmem>> -> memref<1x512xi32, #tpu.memory_space<vmem>>
      %dma_wait3A_284 = tpu.memref_squeeze %dma_wait3A_283 : memref<1x512xi32, #tpu.memory_space<vmem>> -> memref<512xi32, #tpu.memory_space<vmem>>
      %dma_wait3A_285 = arith.constant 0 : i32
      %dma_wait3A_286 = arith.constant 0 : i32
      %dma_wait3A_287 = tpu.memref_slice %arg3[%add3A_81, %dma_wait3A_285, %dma_wait3A_286] : memref<4x100352x16xf32, #tpu.memory_space<hbm>> -> memref<1x100352x16xf32, #tpu.memory_space<hbm>>
      %dma_wait3A_288 = tpu.memref_squeeze %dma_wait3A_287 : memref<1x100352x16xf32, #tpu.memory_space<hbm>> -> memref<100352x16xf32, #tpu.memory_space<hbm>>
      %dma_wait3A_289 = arith.constant 0 : i32
      %dma_wait3A_290 = arith.constant 0 : i32
      %dma_wait3A_291 = tpu.memref_slice %dma_wait3A_288[%dma_wait3A_289, %dma_wait3A_290] : memref<100352x16xf32, #tpu.memory_space<hbm>> -> memref<100352x16xf32, #tpu.memory_space<hbm>>
      tpu.wait_indirect_dma semaphore(%arg18 : memref<!tpu.dma_semaphore, #tpu.memory_space<semaphore_mem>>) src(%dma_wait3A_291 : memref<100352x16xf32, #tpu.memory_space<hbm>>) dst(%arg11 : memref<512x16xf32, #tpu.memory_space<vmem>>)
      %dma_start3A_292 = arith.constant 1 : i32
      %dma_start3A_293 = arith.constant 0 : i32
      %dma_start3A_294 = tpu.memref_slice %arg8[%dma_start3A_292, %dma_start3A_293] : memref<2x512xi32, #tpu.memory_space<vmem>> -> memref<1x512xi32, #tpu.memory_space<vmem>>
      %dma_start3A_295 = tpu.memref_squeeze %dma_start3A_294 : memref<1x512xi32, #tpu.memory_space<vmem>> -> memref<512xi32, #tpu.memory_space<vmem>>
      %dma_start3A_296 = arith.constant 0 : i32
      %dma_start3A_297 = arith.constant 0 : i32
      %dma_start3A_298 = tpu.memref_slice %arg12[%dma_start3A_296, %dma_start3A_297] : memref<100352x16xf32, #tpu.memory_space<vmem_shared>> -> memref<100352x16xf32, #tpu.memory_space<vmem_shared>>
      tpu.enqueue_indirect_dma source(%arg11 : memref<512x16xf32, #tpu.memory_space<vmem>>) target(%dma_start3A_298 : memref<100352x16xf32, #tpu.memory_space<vmem_shared>>) offsets(%dma_start3A_295 : memref<512xi32, #tpu.memory_space<vmem>>) semaphore(%arg21 : memref<!tpu.dma_semaphore, #tpu.memory_space<semaphore_mem>>) {add = true}
      %dma_wait3A_299 = arith.constant 1 : i32
      %dma_wait3A_300 = arith.constant 0 : i32
      %dma_wait3A_301 = tpu.memref_slice %arg7[%dma_wait3A_299, %dma_wait3A_300] : memref<2x512xi32, #tpu.memory_space<vmem>> -> memref<1x512xi32, #tpu.memory_space<vmem>>
      %dma_wait3A_302 = tpu.memref_squeeze %dma_wait3A_301 : memref<1x512xi32, #tpu.memory_space<vmem>> -> memref<512xi32, #tpu.memory_space<vmem>>
      %dma_wait3A_303 = arith.constant 0 : i32
      %dma_wait3A_304 = arith.constant 0 : i32
      %dma_wait3A_305 = tpu.memref_slice %arg12[%dma_wait3A_303, %dma_wait3A_304] : memref<100352x16xf32, #tpu.memory_space<vmem_shared>> -> memref<100352x16xf32, #tpu.memory_space<vmem_shared>>
      tpu.wait_indirect_dma semaphore(%arg20 : memref<!tpu.dma_semaphore, #tpu.memory_space<semaphore_mem>>) src(%arg10 : memref<512x16xf32, #tpu.memory_space<vmem>>) dst(%dma_wait3A_305 : memref<100352x16xf32, #tpu.memory_space<vmem_shared>>)
      %add3A_306 = arith.constant 4 : i32
      %add3A_307 = arith.addi %mul3A_164, %add3A_306 : i32
      %lt3A_308 = arith.cmpi slt, %add3A_307, %add3A_1 : i32
      %convert_element_type3A_309 = arith.extui %lt3A_308 : i1 to i32
      %cond3A_310 = arith.constant 0 : i32
      %cond3A_311 = arith.cmpi ne, %convert_element_type3A_309, %cond3A_310 : i32
      scf.if %cond3A_311 {
        %mul3A_325 = arith.constant 16 : i32
        %mul3A_326 = arith.muli %mul3A_325, %add3A_307 : i32
        %add3A_327 = arith.addi %arg1, %mul3A_326 : i32
        %mul3A_328 = arith.constant 512 : i32
        %mul3A_329 = arith.muli %add3A_327, %mul3A_328 : i32
        %multiple_of3A_330 = tpu.assume_multiple %mul3A_329, 512 : i32
        %dma_start3A_331 = arith.constant 0 : i32
        %dma_start3A_332 = tpu.memref_slice %arg2[%dma_start3A_331, %multiple_of3A_330] : memref<2x6400000xi32, #tpu.memory_space<hbm>> -> memref<2x512xi32, #tpu.memory_space<hbm>>
        %dma_start3A_333 = arith.constant 0 : i32
        %dma_start3A_334 = tpu.memref_slice %arg2[%dma_start3A_333, %multiple_of3A_330] : memref<2x6400000xi32, #tpu.memory_space<hbm>> -> memref<2x512xi32, #tpu.memory_space<hbm>>
        tpu.enqueue_dma source(%dma_start3A_334 : memref<2x512xi32, #tpu.memory_space<hbm>>) target(%arg7 : memref<2x512xi32, #tpu.memory_space<vmem>>) target_semaphore(%arg14 : memref<!tpu.dma_semaphore, #tpu.memory_space<semaphore_mem>>)
      } else {
      }
      %dma_wait3A_312 = arith.constant 1 : i32
      %dma_wait3A_313 = arith.constant 0 : i32
      %dma_wait3A_314 = tpu.memref_slice %arg8[%dma_wait3A_312, %dma_wait3A_313] : memref<2x512xi32, #tpu.memory_space<vmem>> -> memref<1x512xi32, #tpu.memory_space<vmem>>
      %dma_wait3A_315 = tpu.memref_squeeze %dma_wait3A_314 : memref<1x512xi32, #tpu.memory_space<vmem>> -> memref<512xi32, #tpu.memory_space<vmem>>
      %dma_wait3A_316 = arith.constant 0 : i32
      %dma_wait3A_317 = arith.constant 0 : i32
      %dma_wait3A_318 = tpu.memref_slice %arg12[%dma_wait3A_316, %dma_wait3A_317] : memref<100352x16xf32, #tpu.memory_space<vmem_shared>> -> memref<100352x16xf32, #tpu.memory_space<vmem_shared>>
      tpu.wait_indirect_dma semaphore(%arg21 : memref<!tpu.dma_semaphore, #tpu.memory_space<semaphore_mem>>) src(%arg11 : memref<512x16xf32, #tpu.memory_space<vmem>>) dst(%dma_wait3A_318 : memref<100352x16xf32, #tpu.memory_space<vmem_shared>>)
      %add3A_319 = arith.constant 5 : i32
      %add3A_320 = arith.addi %mul3A_164, %add3A_319 : i32
      %lt3A_321 = arith.cmpi slt, %add3A_320, %add3A_1 : i32
      %convert_element_type3A_322 = arith.extui %lt3A_321 : i1 to i32
      %cond3A_323 = arith.constant 0 : i32
      %cond3A_324 = arith.cmpi ne, %convert_element_type3A_322, %cond3A_323 : i32
      scf.if %cond3A_324 {
        %mul3A_325 = arith.constant 16 : i32
        %mul3A_326 = arith.muli %mul3A_325, %add3A_320 : i32
        %add3A_327 = arith.addi %arg1, %mul3A_326 : i32
        %mul3A_328 = arith.constant 512 : i32
        %mul3A_329 = arith.muli %add3A_327, %mul3A_328 : i32
        %multiple_of3A_330 = tpu.assume_multiple %mul3A_329, 512 : i32
        %dma_start3A_331 = arith.constant 0 : i32
        %dma_start3A_332 = tpu.memref_slice %arg2[%dma_start3A_331, %multiple_of3A_330] : memref<2x6400000xi32, #tpu.memory_space<hbm>> -> memref<2x512xi32, #tpu.memory_space<hbm>>
        %dma_start3A_333 = arith.constant 0 : i32
        %dma_start3A_334 = tpu.memref_slice %arg2[%dma_start3A_333, %multiple_of3A_330] : memref<2x6400000xi32, #tpu.memory_space<hbm>> -> memref<2x512xi32, #tpu.memory_space<hbm>>
        tpu.enqueue_dma source(%dma_start3A_334 : memref<2x512xi32, #tpu.memory_space<hbm>>) target(%arg8 : memref<2x512xi32, #tpu.memory_space<vmem>>) target_semaphore(%arg15 : memref<!tpu.dma_semaphore, #tpu.memory_space<semaphore_mem>>)
      } else {
      }
    }
    %scan3A_105 = arith.constant 260 : i32
    %add3A_106 = arith.constant 12480 : i32
    %add3A_107 = arith.addi %arg1, %add3A_106 : i32
    %mul3A_108 = arith.constant 512 : i32
    %mul3A_109 = arith.muli %add3A_107, %mul3A_108 : i32
    %multiple_of3A_110 = tpu.assume_multiple %mul3A_109, 512 : i32
    %dma_wait3A_111 = arith.constant 0 : i32
    %dma_wait3A_112 = tpu.memref_slice %arg2[%dma_wait3A_111, %multiple_of3A_110] : memref<2x6400000xi32, #tpu.memory_space<hbm>> -> memref<2x512xi32, #tpu.memory_space<hbm>>
    %dma_wait3A_113 = arith.constant 0 : i32
    %dma_wait3A_114 = tpu.memref_slice %arg2[%dma_wait3A_113, %multiple_of3A_110] : memref<2x6400000xi32, #tpu.memory_space<hbm>> -> memref<2x512xi32, #tpu.memory_space<hbm>>
    tpu.wait_dma2 semaphore(%arg13 : memref<!tpu.dma_semaphore, #tpu.memory_space<semaphore_mem>>) src(%dma_wait3A_114 : memref<2x512xi32, #tpu.memory_space<hbm>>) dst(%arg6 : memref<2x512xi32, #tpu.memory_space<vmem>>)
    %dma_start3A_115 = arith.constant 0 : i32
    %dma_start3A_116 = arith.constant 0 : i32
    %dma_start3A_117 = tpu.memref_slice %arg6[%dma_start3A_115, %dma_start3A_116] : memref<2x512xi32, #tpu.memory_space<vmem>> -> memref<1x512xi32, #tpu.memory_space<vmem>>
    %dma_start3A_118 = tpu.memref_squeeze %dma_start3A_117 : memref<1x512xi32, #tpu.memory_space<vmem>> -> memref<512xi32, #tpu.memory_space<vmem>>
    %dma_start3A_119 = arith.constant 0 : i32
    %dma_start3A_120 = arith.constant 0 : i32
    %dma_start3A_121 = tpu.memref_slice %arg3[%add3A_81, %dma_start3A_119, %dma_start3A_120] : memref<4x100352x16xf32, #tpu.memory_space<hbm>> -> memref<1x100352x16xf32, #tpu.memory_space<hbm>>
    %dma_start3A_122 = tpu.memref_squeeze %dma_start3A_121 : memref<1x100352x16xf32, #tpu.memory_space<hbm>> -> memref<100352x16xf32, #tpu.memory_space<hbm>>
    %dma_start3A_123 = arith.constant 0 : i32
    %dma_start3A_124 = arith.constant 0 : i32
    %dma_start3A_125 = tpu.memref_slice %dma_start3A_122[%dma_start3A_123, %dma_start3A_124] : memref<100352x16xf32, #tpu.memory_space<hbm>> -> memref<100352x16xf32, #tpu.memory_space<hbm>>
    tpu.enqueue_indirect_dma source(%dma_start3A_125 : memref<100352x16xf32, #tpu.memory_space<hbm>>) target(%arg9 : memref<512x16xf32, #tpu.memory_space<vmem>>) offsets(%dma_start3A_118 : memref<512xi32, #tpu.memory_space<vmem>>) semaphore(%arg16 : memref<!tpu.dma_semaphore, #tpu.memory_space<semaphore_mem>>)
    %dma_wait3A_126 = arith.constant 0 : i32
    %dma_wait3A_127 = arith.constant 0 : i32
    %dma_wait3A_128 = tpu.memref_slice %arg6[%dma_wait3A_126, %dma_wait3A_127] : memref<2x512xi32, #tpu.memory_space<vmem>> -> memref<1x512xi32, #tpu.memory_space<vmem>>
    %dma_wait3A_129 = tpu.memref_squeeze %dma_wait3A_128 : memref<1x512xi32, #tpu.memory_space<vmem>> -> memref<512xi32, #tpu.memory_space<vmem>>
    %dma_wait3A_130 = arith.constant 0 : i32
    %dma_wait3A_131 = arith.constant 0 : i32
    %dma_wait3A_132 = tpu.memref_slice %arg3[%add3A_81, %dma_wait3A_130, %dma_wait3A_131] : memref<4x100352x16xf32, #tpu.memory_space<hbm>> -> memref<1x100352x16xf32, #tpu.memory_space<hbm>>
    %dma_wait3A_133 = tpu.memref_squeeze %dma_wait3A_132 : memref<1x100352x16xf32, #tpu.memory_space<hbm>> -> memref<100352x16xf32, #tpu.memory_space<hbm>>
    %dma_wait3A_134 = arith.constant 0 : i32
    %dma_wait3A_135 = arith.constant 0 : i32
    %dma_wait3A_136 = tpu.memref_slice %dma_wait3A_133[%dma_wait3A_134, %dma_wait3A_135] : memref<100352x16xf32, #tpu.memory_space<hbm>> -> memref<100352x16xf32, #tpu.memory_space<hbm>>
    tpu.wait_indirect_dma semaphore(%arg16 : memref<!tpu.dma_semaphore, #tpu.memory_space<semaphore_mem>>) src(%dma_wait3A_136 : memref<100352x16xf32, #tpu.memory_space<hbm>>) dst(%arg9 : memref<512x16xf32, #tpu.memory_space<vmem>>)
    %dma_start3A_137 = arith.constant 1 : i32
    %dma_start3A_138 = arith.constant 0 : i32
    %dma_start3A_139 = tpu.memref_slice %arg6[%dma_start3A_137, %dma_start3A_138] : memref<2x512xi32, #tpu.memory_space<vmem>> -> memref<1x512xi32, #tpu.memory_space<vmem>>
    %dma_start3A_140 = tpu.memref_squeeze %dma_start3A_139 : memref<1x512xi32, #tpu.memory_space<vmem>> -> memref<512xi32, #tpu.memory_space<vmem>>
    %dma_start3A_141 = arith.constant 0 : i32
    %dma_start3A_142 = arith.constant 0 : i32
    %dma_start3A_143 = tpu.memref_slice %arg12[%dma_start3A_141, %dma_start3A_142] : memref<100352x16xf32, #tpu.memory_space<vmem_shared>> -> memref<100352x16xf32, #tpu.memory_space<vmem_shared>>
    tpu.enqueue_indirect_dma source(%arg9 : memref<512x16xf32, #tpu.memory_space<vmem>>) target(%dma_start3A_143 : memref<100352x16xf32, #tpu.memory_space<vmem_shared>>) offsets(%dma_start3A_140 : memref<512xi32, #tpu.memory_space<vmem>>) semaphore(%arg19 : memref<!tpu.dma_semaphore, #tpu.memory_space<semaphore_mem>>) {add = true}
    %dma_wait3A_144 = arith.constant 1 : i32
    %dma_wait3A_145 = arith.constant 0 : i32
    %dma_wait3A_146 = tpu.memref_slice %arg6[%dma_wait3A_144, %dma_wait3A_145] : memref<2x512xi32, #tpu.memory_space<vmem>> -> memref<1x512xi32, #tpu.memory_space<vmem>>
    %dma_wait3A_147 = tpu.memref_squeeze %dma_wait3A_146 : memref<1x512xi32, #tpu.memory_space<vmem>> -> memref<512xi32, #tpu.memory_space<vmem>>
    %dma_wait3A_148 = arith.constant 0 : i32
    %dma_wait3A_149 = arith.constant 0 : i32
    %dma_wait3A_150 = tpu.memref_slice %arg12[%dma_wait3A_148, %dma_wait3A_149] : memref<100352x16xf32, #tpu.memory_space<vmem_shared>> -> memref<100352x16xf32, #tpu.memory_space<vmem_shared>>
    tpu.wait_indirect_dma semaphore(%arg19 : memref<!tpu.dma_semaphore, #tpu.memory_space<semaphore_mem>>) src(%arg9 : memref<512x16xf32, #tpu.memory_space<vmem>>) dst(%dma_wait3A_150 : memref<100352x16xf32, #tpu.memory_space<vmem_shared>>)
    %lt3A_151 = arith.constant 4 : i32
    %lt3A_152 = arith.cmpi slt, %arg1, %lt3A_151 : i32
    %convert_element_type3A_153 = arith.extui %lt3A_152 : i1 to i32
    %cond3A_154 = arith.constant 0 : i32
    %cond3A_155 = arith.cmpi ne, %convert_element_type3A_153, %cond3A_154 : i32
    scf.if %cond3A_155 {
      %add3A_162 = arith.constant 12496 : i32
      %add3A_163 = arith.addi %arg1, %add3A_162 : i32
      %mul3A_164 = arith.constant 512 : i32
      %mul3A_165 = arith.muli %add3A_163, %mul3A_164 : i32
      %multiple_of3A_166 = tpu.assume_multiple %mul3A_165, 512 : i32
      %dma_wait3A_167 = arith.constant 0 : i32
      %dma_wait3A_168 = tpu.memref_slice %arg2[%dma_wait3A_167, %multiple_of3A_166] : memref<2x6400000xi32, #tpu.memory_space<hbm>> -> memref<2x512xi32, #tpu.memory_space<hbm>>
      %dma_wait3A_169 = arith.constant 0 : i32
      %dma_wait3A_170 = tpu.memref_slice %arg2[%dma_wait3A_169, %multiple_of3A_166] : memref<2x6400000xi32, #tpu.memory_space<hbm>> -> memref<2x512xi32, #tpu.memory_space<hbm>>
      tpu.wait_dma2 semaphore(%arg14 : memref<!tpu.dma_semaphore, #tpu.memory_space<semaphore_mem>>) src(%dma_wait3A_170 : memref<2x512xi32, #tpu.memory_space<hbm>>) dst(%arg7 : memref<2x512xi32, #tpu.memory_space<vmem>>)
      %dma_start3A_171 = arith.constant 0 : i32
      %dma_start3A_172 = arith.constant 0 : i32
      %dma_start3A_173 = tpu.memref_slice %arg7[%dma_start3A_171, %dma_start3A_172] : memref<2x512xi32, #tpu.memory_space<vmem>> -> memref<1x512xi32, #tpu.memory_space<vmem>>
      %dma_start3A_174 = tpu.memref_squeeze %dma_start3A_173 : memref<1x512xi32, #tpu.memory_space<vmem>> -> memref<512xi32, #tpu.memory_space<vmem>>
      %dma_start3A_175 = arith.constant 0 : i32
      %dma_start3A_176 = arith.constant 0 : i32
      %dma_start3A_177 = tpu.memref_slice %arg3[%add3A_81, %dma_start3A_175, %dma_start3A_176] : memref<4x100352x16xf32, #tpu.memory_space<hbm>> -> memref<1x100352x16xf32, #tpu.memory_space<hbm>>
      %dma_start3A_178 = tpu.memref_squeeze %dma_start3A_177 : memref<1x100352x16xf32, #tpu.memory_space<hbm>> -> memref<100352x16xf32, #tpu.memory_space<hbm>>
      %dma_start3A_179 = arith.constant 0 : i32
      %dma_start3A_180 = arith.constant 0 : i32
      %dma_start3A_181 = tpu.memref_slice %dma_start3A_178[%dma_start3A_179, %dma_start3A_180] : memref<100352x16xf32, #tpu.memory_space<hbm>> -> memref<100352x16xf32, #tpu.memory_space<hbm>>
      tpu.enqueue_indirect_dma source(%dma_start3A_181 : memref<100352x16xf32, #tpu.memory_space<hbm>>) target(%arg10 : memref<512x16xf32, #tpu.memory_space<vmem>>) offsets(%dma_start3A_174 : memref<512xi32, #tpu.memory_space<vmem>>) semaphore(%arg17 : memref<!tpu.dma_semaphore, #tpu.memory_space<semaphore_mem>>)
      %dma_wait3A_182 = arith.constant 0 : i32
      %dma_wait3A_183 = arith.constant 0 : i32
      %dma_wait3A_184 = tpu.memref_slice %arg7[%dma_wait3A_182, %dma_wait3A_183] : memref<2x512xi32, #tpu.memory_space<vmem>> -> memref<1x512xi32, #tpu.memory_space<vmem>>
      %dma_wait3A_185 = tpu.memref_squeeze %dma_wait3A_184 : memref<1x512xi32, #tpu.memory_space<vmem>> -> memref<512xi32, #tpu.memory_space<vmem>>
      %dma_wait3A_186 = arith.constant 0 : i32
      %dma_wait3A_187 = arith.constant 0 : i32
      %dma_wait3A_188 = tpu.memref_slice %arg3[%add3A_81, %dma_wait3A_186, %dma_wait3A_187] : memref<4x100352x16xf32, #tpu.memory_space<hbm>> -> memref<1x100352x16xf32, #tpu.memory_space<hbm>>
      %dma_wait3A_189 = tpu.memref_squeeze %dma_wait3A_188 : memref<1x100352x16xf32, #tpu.memory_space<hbm>> -> memref<100352x16xf32, #tpu.memory_space<hbm>>
      %dma_wait3A_190 = arith.constant 0 : i32
      %dma_wait3A_191 = arith.constant 0 : i32
      %dma_wait3A_192 = tpu.memref_slice %dma_wait3A_189[%dma_wait3A_190, %dma_wait3A_191] : memref<100352x16xf32, #tpu.memory_space<hbm>> -> memref<100352x16xf32, #tpu.memory_space<hbm>>
      tpu.wait_indirect_dma semaphore(%arg17 : memref<!tpu.dma_semaphore, #tpu.memory_space<semaphore_mem>>) src(%dma_wait3A_192 : memref<100352x16xf32, #tpu.memory_space<hbm>>) dst(%arg10 : memref<512x16xf32, #tpu.memory_space<vmem>>)
      %dma_start3A_193 = arith.constant 1 : i32
      %dma_start3A_194 = arith.constant 0 : i32
      %dma_start3A_195 = tpu.memref_slice %arg7[%dma_start3A_193, %dma_start3A_194] : memref<2x512xi32, #tpu.memory_space<vmem>> -> memref<1x512xi32, #tpu.memory_space<vmem>>
      %dma_start3A_196 = tpu.memref_squeeze %dma_start3A_195 : memref<1x512xi32, #tpu.memory_space<vmem>> -> memref<512xi32, #tpu.memory_space<vmem>>
      %dma_start3A_197 = arith.constant 0 : i32
      %dma_start3A_198 = arith.constant 0 : i32
      %dma_start3A_199 = tpu.memref_slice %arg12[%dma_start3A_197, %dma_start3A_198] : memref<100352x16xf32, #tpu.memory_space<vmem_shared>> -> memref<100352x16xf32, #tpu.memory_space<vmem_shared>>
      tpu.enqueue_indirect_dma source(%arg10 : memref<512x16xf32, #tpu.memory_space<vmem>>) target(%dma_start3A_199 : memref<100352x16xf32, #tpu.memory_space<vmem_shared>>) offsets(%dma_start3A_196 : memref<512xi32, #tpu.memory_space<vmem>>) semaphore(%arg20 : memref<!tpu.dma_semaphore, #tpu.memory_space<semaphore_mem>>) {add = true}
      %dma_wait3A_200 = arith.constant 1 : i32
      %dma_wait3A_201 = arith.constant 0 : i32
      %dma_wait3A_202 = tpu.memref_slice %arg7[%dma_wait3A_200, %dma_wait3A_201] : memref<2x512xi32, #tpu.memory_space<vmem>> -> memref<1x512xi32, #tpu.memory_space<vmem>>
      %dma_wait3A_203 = tpu.memref_squeeze %dma_wait3A_202 : memref<1x512xi32, #tpu.memory_space<vmem>> -> memref<512xi32, #tpu.memory_space<vmem>>
      %dma_wait3A_204 = arith.constant 0 : i32
      %dma_wait3A_205 = arith.constant 0 : i32
      %dma_wait3A_206 = tpu.memref_slice %arg12[%dma_wait3A_204, %dma_wait3A_205] : memref<100352x16xf32, #tpu.memory_space<vmem_shared>> -> memref<100352x16xf32, #tpu.memory_space<vmem_shared>>
      tpu.wait_indirect_dma semaphore(%arg20 : memref<!tpu.dma_semaphore, #tpu.memory_space<semaphore_mem>>) src(%arg10 : memref<512x16xf32, #tpu.memory_space<vmem>>) dst(%dma_wait3A_206 : memref<100352x16xf32, #tpu.memory_space<vmem_shared>>)
    } else {
    }
    %barrier3A_156 = arith.constant 0 : index
    tpu.barrier barrier_id(%barrier3A_156)
    %mul3A_157 = arith.constant 6272 : i32
    %mul3A_158 = arith.muli %arg1, %mul3A_157 : i32
    %mul3A_159 = arith.constant 6272 : i32
    %mul3A_160 = arith.muli %arg1, %mul3A_159 : i32
    "tpu.region"() ({
      %run_scoped3A = tpu.sem_alloc : memref<!tpu.dma_semaphore, #tpu.memory_space<semaphore_mem>>
      %dma_start3A_162 = arith.constant 0 : i32
      %dma_start3A_163 = arith.constant 0 : i32
      %dma_start3A_164 = tpu.memref_slice %arg5[%add3A_81, %dma_start3A_162, %dma_start3A_163] : memref<4x100352x16xf32, #tpu.memory_space<hbm>> -> memref<1x100352x16xf32, #tpu.memory_space<hbm>>
      %dma_start3A_165 = tpu.memref_squeeze %dma_start3A_164 : memref<1x100352x16xf32, #tpu.memory_space<hbm>> -> memref<100352x16xf32, #tpu.memory_space<hbm>>
      %dma_start3A_166 = arith.constant 0 : i32
      %dma_start3A_167 = tpu.memref_slice %dma_start3A_165[%mul3A_160, %dma_start3A_166] : memref<100352x16xf32, #tpu.memory_space<hbm>> -> memref<6272x16xf32, #tpu.memory_space<hbm>>
      %dma_start3A_168 = arith.constant 0 : i32
      %dma_start3A_169 = tpu.memref_slice %arg12[%mul3A_158, %dma_start3A_168] : memref<100352x16xf32, #tpu.memory_space<vmem_shared>> -> memref<6272x16xf32, #tpu.memory_space<vmem_shared>>
      tpu.enqueue_dma source(%dma_start3A_169 : memref<6272x16xf32, #tpu.memory_space<vmem_shared>>) target(%dma_start3A_167 : memref<6272x16xf32, #tpu.memory_space<hbm>>) target_semaphore(%run_scoped3A : memref<!tpu.dma_semaphore, #tpu.memory_space<semaphore_mem>>)
      %dma_wait3A_170 = arith.constant 0 : i32
      %dma_wait3A_171 = arith.constant 0 : i32
      %dma_wait3A_172 = tpu.memref_slice %arg5[%add3A_81, %dma_wait3A_170, %dma_wait3A_171] : memref<4x100352x16xf32, #tpu.memory_space<hbm>> -> memref<1x100352x16xf32, #tpu.memory_space<hbm>>
      %dma_wait3A_173 = tpu.memref_squeeze %dma_wait3A_172 : memref<1x100352x16xf32, #tpu.memory_space<hbm>> -> memref<100352x16xf32, #tpu.memory_space<hbm>>
      %dma_wait3A_174 = arith.constant 0 : i32
      %dma_wait3A_175 = tpu.memref_slice %dma_wait3A_173[%mul3A_160, %dma_wait3A_174] : memref<100352x16xf32, #tpu.memory_space<hbm>> -> memref<6272x16xf32, #tpu.memory_space<hbm>>
      %dma_wait3A_176 = arith.constant 0 : i32
      %dma_wait3A_177 = tpu.memref_slice %arg12[%mul3A_158, %dma_wait3A_176] : memref<100352x16xf32, #tpu.memory_space<vmem_shared>> -> memref<6272x16xf32, #tpu.memory_space<vmem_shared>>
      tpu.wait_dma2 semaphore(%run_scoped3A : memref<!tpu.dma_semaphore, #tpu.memory_space<semaphore_mem>>) src(%dma_wait3A_177 : memref<6272x16xf32, #tpu.memory_space<vmem_shared>>) dst(%dma_wait3A_175 : memref<6272x16xf32, #tpu.memory_space<hbm>>)
      tpu.yield
    }) : () -> ()
    %barrier3A_161 = arith.constant 0 : index
    tpu.barrier barrier_id(%barrier3A_161)
    return
  }
}

#map = affine_map<(d0, d1) -> (0, 0)>
#map1 = affine_map<(d0, d1) -> (0, 0, 0)>
module attributes {stable_mosaic.version = 14 : i64} {
  func.func @_spmm16_body(%arg0: i32, %arg1: i32, %arg2: memref<2x6400000xi32, #tpu.memory_space<hbm>>, %arg3: memref<100352x16xf32, #tpu.memory_space<hbm>>, %arg4: memref<6272x16xf32, #tpu.memory_space<hbm>>, %arg5: memref<2x100352x16xf32, #tpu.memory_space<hbm>>, %arg6: memref<2x512xi32, #tpu.memory_space<vmem>>, %arg7: memref<2x512xi32, #tpu.memory_space<vmem>>, %arg8: memref<2x512xi32, #tpu.memory_space<vmem>>, %arg9: memref<512x16xf32, #tpu.memory_space<vmem>>, %arg10: memref<512x16xf32, #tpu.memory_space<vmem>>, %arg11: memref<512x16xf32, #tpu.memory_space<vmem>>, %arg12: memref<100352x16xf32, #tpu.memory_space<vmem_shared>>, %arg13: memref<!tpu.dma_semaphore, #tpu.memory_space<semaphore_mem>>, %arg14: memref<!tpu.dma_semaphore, #tpu.memory_space<semaphore_mem>>, %arg15: memref<!tpu.dma_semaphore, #tpu.memory_space<semaphore_mem>>, %arg16: memref<!tpu.dma_semaphore, #tpu.memory_space<semaphore_mem>>, %arg17: memref<!tpu.dma_semaphore, #tpu.memory_space<semaphore_mem>>, %arg18: memref<!tpu.dma_semaphore, #tpu.memory_space<semaphore_mem>>, %arg19: memref<!tpu.dma_semaphore, #tpu.memory_space<semaphore_mem>>, %arg20: memref<!tpu.dma_semaphore, #tpu.memory_space<semaphore_mem>>, %arg21: memref<!tpu.dma_semaphore, #tpu.memory_space<semaphore_mem>>) attributes {dimension_semantics = [#tpu.dimension_semantics<core_parallel>, #tpu.dimension_semantics<subcore_parallel>], iteration_bounds = array<i64: 2, 16>, scalar_prefetch = 0 : i64, scratch_operands = 16 : i64, tpu.core_type = #tpu.core_type<sc_vector_subcore>, window_params = [{transform_indices = #map}, {transform_indices = #map}, {transform_indices = #map}, {transform_indices = #map1}]} {
    %mul3A = arith.constant 16 : i32
    %mul3A_0 = arith.muli %arg0, %mul3A : i32
    %add3A = arith.addi %mul3A_0, %arg1 : i32
    %lt3A = arith.constant 20 : i32
    %lt3A_1 = arith.cmpi slt, %add3A, %lt3A : i32
    %convert_element_type3A = arith.extui %lt3A_1 : i1 to i32
    %add3A_2 = arith.constant 390 : i32
    %add3A_3 = arith.addi %add3A_2, %convert_element_type3A : i32
    %gt3A = arith.constant 0 : i32
    %gt3A_4 = arith.cmpi sgt, %add3A_3, %gt3A : i32
    %convert_element_type3A_5 = arith.extui %gt3A_4 : i1 to i32
    %cond3A = arith.constant 0 : i32
    %cond3A_6 = arith.cmpi ne, %convert_element_type3A_5, %cond3A : i32
    scf.if %cond3A_6 {
      %add3A_34 = arith.constant 0 : i32
      %add3A_35 = arith.addi %add3A, %add3A_34 : i32
      %mul3A_36 = arith.constant 512 : i32
      %mul3A_37 = arith.muli %add3A_35, %mul3A_36 : i32
      %multiple_of3A = tpu.assume_multiple %mul3A_37, 512 : i32
      %dma_start3A = arith.constant 0 : i32
      %dma_start3A_38 = tpu.memref_slice %arg2[%dma_start3A, %multiple_of3A] : memref<2x6400000xi32, #tpu.memory_space<hbm>> -> memref<2x512xi32, #tpu.memory_space<hbm>>
      %dma_start3A_39 = arith.constant 0 : i32
      %dma_start3A_40 = tpu.memref_slice %arg2[%dma_start3A_39, %multiple_of3A] : memref<2x6400000xi32, #tpu.memory_space<hbm>> -> memref<2x512xi32, #tpu.memory_space<hbm>>
      tpu.enqueue_dma source(%dma_start3A_40 : memref<2x512xi32, #tpu.memory_space<hbm>>) target(%arg6 : memref<2x512xi32, #tpu.memory_space<vmem>>) target_semaphore(%arg13 : memref<!tpu.dma_semaphore, #tpu.memory_space<semaphore_mem>>)
    } else {
    }
    %gt3A_7 = arith.constant 1 : i32
    %gt3A_8 = arith.cmpi sgt, %add3A_3, %gt3A_7 : i32
    %convert_element_type3A_9 = arith.extui %gt3A_8 : i1 to i32
    %cond3A_10 = arith.constant 0 : i32
    %cond3A_11 = arith.cmpi ne, %convert_element_type3A_9, %cond3A_10 : i32
    scf.if %cond3A_11 {
      %add3A_34 = arith.constant 32 : i32
      %add3A_35 = arith.addi %add3A, %add3A_34 : i32
      %mul3A_36 = arith.constant 512 : i32
      %mul3A_37 = arith.muli %add3A_35, %mul3A_36 : i32
      %multiple_of3A = tpu.assume_multiple %mul3A_37, 512 : i32
      %dma_start3A = arith.constant 0 : i32
      %dma_start3A_38 = tpu.memref_slice %arg2[%dma_start3A, %multiple_of3A] : memref<2x6400000xi32, #tpu.memory_space<hbm>> -> memref<2x512xi32, #tpu.memory_space<hbm>>
      %dma_start3A_39 = arith.constant 0 : i32
      %dma_start3A_40 = tpu.memref_slice %arg2[%dma_start3A_39, %multiple_of3A] : memref<2x6400000xi32, #tpu.memory_space<hbm>> -> memref<2x512xi32, #tpu.memory_space<hbm>>
      tpu.enqueue_dma source(%dma_start3A_40 : memref<2x512xi32, #tpu.memory_space<hbm>>) target(%arg7 : memref<2x512xi32, #tpu.memory_space<vmem>>) target_semaphore(%arg14 : memref<!tpu.dma_semaphore, #tpu.memory_space<semaphore_mem>>)
    } else {
    }
    %gt3A_12 = arith.constant 2 : i32
    %gt3A_13 = arith.cmpi sgt, %add3A_3, %gt3A_12 : i32
    %convert_element_type3A_14 = arith.extui %gt3A_13 : i1 to i32
    %cond3A_15 = arith.constant 0 : i32
    %cond3A_16 = arith.cmpi ne, %convert_element_type3A_14, %cond3A_15 : i32
    scf.if %cond3A_16 {
      %add3A_34 = arith.constant 64 : i32
      %add3A_35 = arith.addi %add3A, %add3A_34 : i32
      %mul3A_36 = arith.constant 512 : i32
      %mul3A_37 = arith.muli %add3A_35, %mul3A_36 : i32
      %multiple_of3A = tpu.assume_multiple %mul3A_37, 512 : i32
      %dma_start3A = arith.constant 0 : i32
      %dma_start3A_38 = tpu.memref_slice %arg2[%dma_start3A, %multiple_of3A] : memref<2x6400000xi32, #tpu.memory_space<hbm>> -> memref<2x512xi32, #tpu.memory_space<hbm>>
      %dma_start3A_39 = arith.constant 0 : i32
      %dma_start3A_40 = tpu.memref_slice %arg2[%dma_start3A_39, %multiple_of3A] : memref<2x6400000xi32, #tpu.memory_space<hbm>> -> memref<2x512xi32, #tpu.memory_space<hbm>>
      tpu.enqueue_dma source(%dma_start3A_40 : memref<2x512xi32, #tpu.memory_space<hbm>>) target(%arg8 : memref<2x512xi32, #tpu.memory_space<vmem>>) target_semaphore(%arg15 : memref<!tpu.dma_semaphore, #tpu.memory_space<semaphore_mem>>)
    } else {
    }
    %mul3A_17 = arith.constant 6272 : i32
    %mul3A_18 = arith.muli %arg1, %mul3A_17 : i32
    "tpu.region"() ({
      %run_scoped3A = tpu.sem_alloc : memref<!tpu.dma_semaphore, #tpu.memory_space<semaphore_mem>>
      %dma_start3A = arith.constant 0 : i32
      %dma_start3A_34 = tpu.memref_slice %arg12[%mul3A_18, %dma_start3A] : memref<100352x16xf32, #tpu.memory_space<vmem_shared>> -> memref<6272x16xf32, #tpu.memory_space<vmem_shared>>
      tpu.enqueue_dma source(%arg4 : memref<6272x16xf32, #tpu.memory_space<hbm>>) target(%dma_start3A_34 : memref<6272x16xf32, #tpu.memory_space<vmem_shared>>) target_semaphore(%run_scoped3A : memref<!tpu.dma_semaphore, #tpu.memory_space<semaphore_mem>>)
      %dma_wait3A = arith.constant 0 : i32
      %dma_wait3A_35 = tpu.memref_slice %arg12[%mul3A_18, %dma_wait3A] : memref<100352x16xf32, #tpu.memory_space<vmem_shared>> -> memref<6272x16xf32, #tpu.memory_space<vmem_shared>>
      tpu.wait_dma2 semaphore(%run_scoped3A : memref<!tpu.dma_semaphore, #tpu.memory_space<semaphore_mem>>) src(%arg4 : memref<6272x16xf32, #tpu.memory_space<hbm>>) dst(%dma_wait3A_35 : memref<6272x16xf32, #tpu.memory_space<vmem_shared>>)
      tpu.yield
    }) : () -> ()
    %barrier3A = arith.constant 0 : index
    tpu.barrier barrier_id(%barrier3A)
    %scan3A = arith.constant 0 : i32
    %scan3A_19 = arith.constant 0 : i32
    %scan3A_20 = arith.constant 130 : i32
    %scan3A_21 = arith.addi %scan3A_19, %scan3A_20 : i32
    %scan3A_22 = arith.constant 1 : i32
    scf.for %scan3A_34 = %scan3A_19 to %scan3A_21 step %scan3A_22  : i32 {
      %mul3A_35 = arith.constant 3 : i32
      %mul3A_36 = arith.muli %mul3A_35, %scan3A_34 : i32
      %mul3A_37 = arith.constant 32 : i32
      %mul3A_38 = arith.muli %mul3A_37, %mul3A_36 : i32
      %add3A_39 = arith.addi %add3A, %mul3A_38 : i32
      %mul3A_40 = arith.constant 512 : i32
      %mul3A_41 = arith.muli %add3A_39, %mul3A_40 : i32
      %multiple_of3A = tpu.assume_multiple %mul3A_41, 512 : i32
      %dma_wait3A = arith.constant 0 : i32
      %dma_wait3A_42 = tpu.memref_slice %arg2[%dma_wait3A, %multiple_of3A] : memref<2x6400000xi32, #tpu.memory_space<hbm>> -> memref<2x512xi32, #tpu.memory_space<hbm>>
      %dma_wait3A_43 = arith.constant 0 : i32
      %dma_wait3A_44 = tpu.memref_slice %arg2[%dma_wait3A_43, %multiple_of3A] : memref<2x6400000xi32, #tpu.memory_space<hbm>> -> memref<2x512xi32, #tpu.memory_space<hbm>>
      tpu.wait_dma2 semaphore(%arg13 : memref<!tpu.dma_semaphore, #tpu.memory_space<semaphore_mem>>) src(%dma_wait3A_44 : memref<2x512xi32, #tpu.memory_space<hbm>>) dst(%arg6 : memref<2x512xi32, #tpu.memory_space<vmem>>)
      %dma_start3A = arith.constant 0 : i32
      %dma_start3A_45 = arith.constant 0 : i32
      %dma_start3A_46 = tpu.memref_slice %arg6[%dma_start3A, %dma_start3A_45] : memref<2x512xi32, #tpu.memory_space<vmem>> -> memref<1x512xi32, #tpu.memory_space<vmem>>
      %dma_start3A_47 = tpu.memref_squeeze %dma_start3A_46 : memref<1x512xi32, #tpu.memory_space<vmem>> -> memref<512xi32, #tpu.memory_space<vmem>>
      %dma_start3A_48 = arith.constant 0 : i32
      %dma_start3A_49 = arith.constant 0 : i32
      %dma_start3A_50 = tpu.memref_slice %arg3[%dma_start3A_48, %dma_start3A_49] : memref<100352x16xf32, #tpu.memory_space<hbm>> -> memref<100352x16xf32, #tpu.memory_space<hbm>>
      tpu.enqueue_indirect_dma source(%dma_start3A_50 : memref<100352x16xf32, #tpu.memory_space<hbm>>) target(%arg9 : memref<512x16xf32, #tpu.memory_space<vmem>>) offsets(%dma_start3A_47 : memref<512xi32, #tpu.memory_space<vmem>>) semaphore(%arg16 : memref<!tpu.dma_semaphore, #tpu.memory_space<semaphore_mem>>)
      %add3A_51 = arith.constant 1 : i32
      %add3A_52 = arith.addi %mul3A_36, %add3A_51 : i32
      %mul3A_53 = arith.constant 32 : i32
      %mul3A_54 = arith.muli %mul3A_53, %add3A_52 : i32
      %add3A_55 = arith.addi %add3A, %mul3A_54 : i32
      %mul3A_56 = arith.constant 512 : i32
      %mul3A_57 = arith.muli %add3A_55, %mul3A_56 : i32
      %multiple_of3A_58 = tpu.assume_multiple %mul3A_57, 512 : i32
      %dma_wait3A_59 = arith.constant 0 : i32
      %dma_wait3A_60 = tpu.memref_slice %arg2[%dma_wait3A_59, %multiple_of3A_58] : memref<2x6400000xi32, #tpu.memory_space<hbm>> -> memref<2x512xi32, #tpu.memory_space<hbm>>
      %dma_wait3A_61 = arith.constant 0 : i32
      %dma_wait3A_62 = tpu.memref_slice %arg2[%dma_wait3A_61, %multiple_of3A_58] : memref<2x6400000xi32, #tpu.memory_space<hbm>> -> memref<2x512xi32, #tpu.memory_space<hbm>>
      tpu.wait_dma2 semaphore(%arg14 : memref<!tpu.dma_semaphore, #tpu.memory_space<semaphore_mem>>) src(%dma_wait3A_62 : memref<2x512xi32, #tpu.memory_space<hbm>>) dst(%arg7 : memref<2x512xi32, #tpu.memory_space<vmem>>)
      %dma_start3A_63 = arith.constant 0 : i32
      %dma_start3A_64 = arith.constant 0 : i32
      %dma_start3A_65 = tpu.memref_slice %arg7[%dma_start3A_63, %dma_start3A_64] : memref<2x512xi32, #tpu.memory_space<vmem>> -> memref<1x512xi32, #tpu.memory_space<vmem>>
      %dma_start3A_66 = tpu.memref_squeeze %dma_start3A_65 : memref<1x512xi32, #tpu.memory_space<vmem>> -> memref<512xi32, #tpu.memory_space<vmem>>
      %dma_start3A_67 = arith.constant 0 : i32
      %dma_start3A_68 = arith.constant 0 : i32
      %dma_start3A_69 = tpu.memref_slice %arg3[%dma_start3A_67, %dma_start3A_68] : memref<100352x16xf32, #tpu.memory_space<hbm>> -> memref<100352x16xf32, #tpu.memory_space<hbm>>
      tpu.enqueue_indirect_dma source(%dma_start3A_69 : memref<100352x16xf32, #tpu.memory_space<hbm>>) target(%arg10 : memref<512x16xf32, #tpu.memory_space<vmem>>) offsets(%dma_start3A_66 : memref<512xi32, #tpu.memory_space<vmem>>) semaphore(%arg17 : memref<!tpu.dma_semaphore, #tpu.memory_space<semaphore_mem>>)
      %dma_wait3A_70 = arith.constant 0 : i32
      %dma_wait3A_71 = arith.constant 0 : i32
      %dma_wait3A_72 = tpu.memref_slice %arg6[%dma_wait3A_70, %dma_wait3A_71] : memref<2x512xi32, #tpu.memory_space<vmem>> -> memref<1x512xi32, #tpu.memory_space<vmem>>
      %dma_wait3A_73 = tpu.memref_squeeze %dma_wait3A_72 : memref<1x512xi32, #tpu.memory_space<vmem>> -> memref<512xi32, #tpu.memory_space<vmem>>
      %dma_wait3A_74 = arith.constant 0 : i32
      %dma_wait3A_75 = arith.constant 0 : i32
      %dma_wait3A_76 = tpu.memref_slice %arg3[%dma_wait3A_74, %dma_wait3A_75] : memref<100352x16xf32, #tpu.memory_space<hbm>> -> memref<100352x16xf32, #tpu.memory_space<hbm>>
      tpu.wait_indirect_dma semaphore(%arg16 : memref<!tpu.dma_semaphore, #tpu.memory_space<semaphore_mem>>) src(%dma_wait3A_76 : memref<100352x16xf32, #tpu.memory_space<hbm>>) dst(%arg9 : memref<512x16xf32, #tpu.memory_space<vmem>>)
      %dma_start3A_77 = arith.constant 1 : i32
      %dma_start3A_78 = arith.constant 0 : i32
      %dma_start3A_79 = tpu.memref_slice %arg6[%dma_start3A_77, %dma_start3A_78] : memref<2x512xi32, #tpu.memory_space<vmem>> -> memref<1x512xi32, #tpu.memory_space<vmem>>
      %dma_start3A_80 = tpu.memref_squeeze %dma_start3A_79 : memref<1x512xi32, #tpu.memory_space<vmem>> -> memref<512xi32, #tpu.memory_space<vmem>>
      %dma_start3A_81 = arith.constant 0 : i32
      %dma_start3A_82 = arith.constant 0 : i32
      %dma_start3A_83 = tpu.memref_slice %arg12[%dma_start3A_81, %dma_start3A_82] : memref<100352x16xf32, #tpu.memory_space<vmem_shared>> -> memref<100352x16xf32, #tpu.memory_space<vmem_shared>>
      tpu.enqueue_indirect_dma source(%arg9 : memref<512x16xf32, #tpu.memory_space<vmem>>) target(%dma_start3A_83 : memref<100352x16xf32, #tpu.memory_space<vmem_shared>>) offsets(%dma_start3A_80 : memref<512xi32, #tpu.memory_space<vmem>>) semaphore(%arg19 : memref<!tpu.dma_semaphore, #tpu.memory_space<semaphore_mem>>) {add = true}
      %add3A_84 = arith.constant 2 : i32
      %add3A_85 = arith.addi %mul3A_36, %add3A_84 : i32
      %mul3A_86 = arith.constant 32 : i32
      %mul3A_87 = arith.muli %mul3A_86, %add3A_85 : i32
      %add3A_88 = arith.addi %add3A, %mul3A_87 : i32
      %mul3A_89 = arith.constant 512 : i32
      %mul3A_90 = arith.muli %add3A_88, %mul3A_89 : i32
      %multiple_of3A_91 = tpu.assume_multiple %mul3A_90, 512 : i32
      %dma_wait3A_92 = arith.constant 0 : i32
      %dma_wait3A_93 = tpu.memref_slice %arg2[%dma_wait3A_92, %multiple_of3A_91] : memref<2x6400000xi32, #tpu.memory_space<hbm>> -> memref<2x512xi32, #tpu.memory_space<hbm>>
      %dma_wait3A_94 = arith.constant 0 : i32
      %dma_wait3A_95 = tpu.memref_slice %arg2[%dma_wait3A_94, %multiple_of3A_91] : memref<2x6400000xi32, #tpu.memory_space<hbm>> -> memref<2x512xi32, #tpu.memory_space<hbm>>
      tpu.wait_dma2 semaphore(%arg15 : memref<!tpu.dma_semaphore, #tpu.memory_space<semaphore_mem>>) src(%dma_wait3A_95 : memref<2x512xi32, #tpu.memory_space<hbm>>) dst(%arg8 : memref<2x512xi32, #tpu.memory_space<vmem>>)
      %dma_start3A_96 = arith.constant 0 : i32
      %dma_start3A_97 = arith.constant 0 : i32
      %dma_start3A_98 = tpu.memref_slice %arg8[%dma_start3A_96, %dma_start3A_97] : memref<2x512xi32, #tpu.memory_space<vmem>> -> memref<1x512xi32, #tpu.memory_space<vmem>>
      %dma_start3A_99 = tpu.memref_squeeze %dma_start3A_98 : memref<1x512xi32, #tpu.memory_space<vmem>> -> memref<512xi32, #tpu.memory_space<vmem>>
      %dma_start3A_100 = arith.constant 0 : i32
      %dma_start3A_101 = arith.constant 0 : i32
      %dma_start3A_102 = tpu.memref_slice %arg3[%dma_start3A_100, %dma_start3A_101] : memref<100352x16xf32, #tpu.memory_space<hbm>> -> memref<100352x16xf32, #tpu.memory_space<hbm>>
      tpu.enqueue_indirect_dma source(%dma_start3A_102 : memref<100352x16xf32, #tpu.memory_space<hbm>>) target(%arg11 : memref<512x16xf32, #tpu.memory_space<vmem>>) offsets(%dma_start3A_99 : memref<512xi32, #tpu.memory_space<vmem>>) semaphore(%arg18 : memref<!tpu.dma_semaphore, #tpu.memory_space<semaphore_mem>>)
      %dma_wait3A_103 = arith.constant 0 : i32
      %dma_wait3A_104 = arith.constant 0 : i32
      %dma_wait3A_105 = tpu.memref_slice %arg7[%dma_wait3A_103, %dma_wait3A_104] : memref<2x512xi32, #tpu.memory_space<vmem>> -> memref<1x512xi32, #tpu.memory_space<vmem>>
      %dma_wait3A_106 = tpu.memref_squeeze %dma_wait3A_105 : memref<1x512xi32, #tpu.memory_space<vmem>> -> memref<512xi32, #tpu.memory_space<vmem>>
      %dma_wait3A_107 = arith.constant 0 : i32
      %dma_wait3A_108 = arith.constant 0 : i32
      %dma_wait3A_109 = tpu.memref_slice %arg3[%dma_wait3A_107, %dma_wait3A_108] : memref<100352x16xf32, #tpu.memory_space<hbm>> -> memref<100352x16xf32, #tpu.memory_space<hbm>>
      tpu.wait_indirect_dma semaphore(%arg17 : memref<!tpu.dma_semaphore, #tpu.memory_space<semaphore_mem>>) src(%dma_wait3A_109 : memref<100352x16xf32, #tpu.memory_space<hbm>>) dst(%arg10 : memref<512x16xf32, #tpu.memory_space<vmem>>)
      %dma_start3A_110 = arith.constant 1 : i32
      %dma_start3A_111 = arith.constant 0 : i32
      %dma_start3A_112 = tpu.memref_slice %arg7[%dma_start3A_110, %dma_start3A_111] : memref<2x512xi32, #tpu.memory_space<vmem>> -> memref<1x512xi32, #tpu.memory_space<vmem>>
      %dma_start3A_113 = tpu.memref_squeeze %dma_start3A_112 : memref<1x512xi32, #tpu.memory_space<vmem>> -> memref<512xi32, #tpu.memory_space<vmem>>
      %dma_start3A_114 = arith.constant 0 : i32
      %dma_start3A_115 = arith.constant 0 : i32
      %dma_start3A_116 = tpu.memref_slice %arg12[%dma_start3A_114, %dma_start3A_115] : memref<100352x16xf32, #tpu.memory_space<vmem_shared>> -> memref<100352x16xf32, #tpu.memory_space<vmem_shared>>
      tpu.enqueue_indirect_dma source(%arg10 : memref<512x16xf32, #tpu.memory_space<vmem>>) target(%dma_start3A_116 : memref<100352x16xf32, #tpu.memory_space<vmem_shared>>) offsets(%dma_start3A_113 : memref<512xi32, #tpu.memory_space<vmem>>) semaphore(%arg20 : memref<!tpu.dma_semaphore, #tpu.memory_space<semaphore_mem>>) {add = true}
      %dma_wait3A_117 = arith.constant 1 : i32
      %dma_wait3A_118 = arith.constant 0 : i32
      %dma_wait3A_119 = tpu.memref_slice %arg6[%dma_wait3A_117, %dma_wait3A_118] : memref<2x512xi32, #tpu.memory_space<vmem>> -> memref<1x512xi32, #tpu.memory_space<vmem>>
      %dma_wait3A_120 = tpu.memref_squeeze %dma_wait3A_119 : memref<1x512xi32, #tpu.memory_space<vmem>> -> memref<512xi32, #tpu.memory_space<vmem>>
      %dma_wait3A_121 = arith.constant 0 : i32
      %dma_wait3A_122 = arith.constant 0 : i32
      %dma_wait3A_123 = tpu.memref_slice %arg12[%dma_wait3A_121, %dma_wait3A_122] : memref<100352x16xf32, #tpu.memory_space<vmem_shared>> -> memref<100352x16xf32, #tpu.memory_space<vmem_shared>>
      tpu.wait_indirect_dma semaphore(%arg19 : memref<!tpu.dma_semaphore, #tpu.memory_space<semaphore_mem>>) src(%arg9 : memref<512x16xf32, #tpu.memory_space<vmem>>) dst(%dma_wait3A_123 : memref<100352x16xf32, #tpu.memory_space<vmem_shared>>)
      %add3A_124 = arith.constant 3 : i32
      %add3A_125 = arith.addi %mul3A_36, %add3A_124 : i32
      %lt3A_126 = arith.cmpi slt, %add3A_125, %add3A_3 : i32
      %convert_element_type3A_127 = arith.extui %lt3A_126 : i1 to i32
      %cond3A_128 = arith.constant 0 : i32
      %cond3A_129 = arith.cmpi ne, %convert_element_type3A_127, %cond3A_128 : i32
      scf.if %cond3A_129 {
        %mul3A_170 = arith.constant 32 : i32
        %mul3A_171 = arith.muli %mul3A_170, %add3A_125 : i32
        %add3A_172 = arith.addi %add3A, %mul3A_171 : i32
        %mul3A_173 = arith.constant 512 : i32
        %mul3A_174 = arith.muli %add3A_172, %mul3A_173 : i32
        %multiple_of3A_175 = tpu.assume_multiple %mul3A_174, 512 : i32
        %dma_start3A_176 = arith.constant 0 : i32
        %dma_start3A_177 = tpu.memref_slice %arg2[%dma_start3A_176, %multiple_of3A_175] : memref<2x6400000xi32, #tpu.memory_space<hbm>> -> memref<2x512xi32, #tpu.memory_space<hbm>>
        %dma_start3A_178 = arith.constant 0 : i32
        %dma_start3A_179 = tpu.memref_slice %arg2[%dma_start3A_178, %multiple_of3A_175] : memref<2x6400000xi32, #tpu.memory_space<hbm>> -> memref<2x512xi32, #tpu.memory_space<hbm>>
        tpu.enqueue_dma source(%dma_start3A_179 : memref<2x512xi32, #tpu.memory_space<hbm>>) target(%arg6 : memref<2x512xi32, #tpu.memory_space<vmem>>) target_semaphore(%arg13 : memref<!tpu.dma_semaphore, #tpu.memory_space<semaphore_mem>>)
      } else {
      }
      %dma_wait3A_130 = arith.constant 0 : i32
      %dma_wait3A_131 = arith.constant 0 : i32
      %dma_wait3A_132 = tpu.memref_slice %arg8[%dma_wait3A_130, %dma_wait3A_131] : memref<2x512xi32, #tpu.memory_space<vmem>> -> memref<1x512xi32, #tpu.memory_space<vmem>>
      %dma_wait3A_133 = tpu.memref_squeeze %dma_wait3A_132 : memref<1x512xi32, #tpu.memory_space<vmem>> -> memref<512xi32, #tpu.memory_space<vmem>>
      %dma_wait3A_134 = arith.constant 0 : i32
      %dma_wait3A_135 = arith.constant 0 : i32
      %dma_wait3A_136 = tpu.memref_slice %arg3[%dma_wait3A_134, %dma_wait3A_135] : memref<100352x16xf32, #tpu.memory_space<hbm>> -> memref<100352x16xf32, #tpu.memory_space<hbm>>
      tpu.wait_indirect_dma semaphore(%arg18 : memref<!tpu.dma_semaphore, #tpu.memory_space<semaphore_mem>>) src(%dma_wait3A_136 : memref<100352x16xf32, #tpu.memory_space<hbm>>) dst(%arg11 : memref<512x16xf32, #tpu.memory_space<vmem>>)
      %dma_start3A_137 = arith.constant 1 : i32
      %dma_start3A_138 = arith.constant 0 : i32
      %dma_start3A_139 = tpu.memref_slice %arg8[%dma_start3A_137, %dma_start3A_138] : memref<2x512xi32, #tpu.memory_space<vmem>> -> memref<1x512xi32, #tpu.memory_space<vmem>>
      %dma_start3A_140 = tpu.memref_squeeze %dma_start3A_139 : memref<1x512xi32, #tpu.memory_space<vmem>> -> memref<512xi32, #tpu.memory_space<vmem>>
      %dma_start3A_141 = arith.constant 0 : i32
      %dma_start3A_142 = arith.constant 0 : i32
      %dma_start3A_143 = tpu.memref_slice %arg12[%dma_start3A_141, %dma_start3A_142] : memref<100352x16xf32, #tpu.memory_space<vmem_shared>> -> memref<100352x16xf32, #tpu.memory_space<vmem_shared>>
      tpu.enqueue_indirect_dma source(%arg11 : memref<512x16xf32, #tpu.memory_space<vmem>>) target(%dma_start3A_143 : memref<100352x16xf32, #tpu.memory_space<vmem_shared>>) offsets(%dma_start3A_140 : memref<512xi32, #tpu.memory_space<vmem>>) semaphore(%arg21 : memref<!tpu.dma_semaphore, #tpu.memory_space<semaphore_mem>>) {add = true}
      %dma_wait3A_144 = arith.constant 1 : i32
      %dma_wait3A_145 = arith.constant 0 : i32
      %dma_wait3A_146 = tpu.memref_slice %arg7[%dma_wait3A_144, %dma_wait3A_145] : memref<2x512xi32, #tpu.memory_space<vmem>> -> memref<1x512xi32, #tpu.memory_space<vmem>>
      %dma_wait3A_147 = tpu.memref_squeeze %dma_wait3A_146 : memref<1x512xi32, #tpu.memory_space<vmem>> -> memref<512xi32, #tpu.memory_space<vmem>>
      %dma_wait3A_148 = arith.constant 0 : i32
      %dma_wait3A_149 = arith.constant 0 : i32
      %dma_wait3A_150 = tpu.memref_slice %arg12[%dma_wait3A_148, %dma_wait3A_149] : memref<100352x16xf32, #tpu.memory_space<vmem_shared>> -> memref<100352x16xf32, #tpu.memory_space<vmem_shared>>
      tpu.wait_indirect_dma semaphore(%arg20 : memref<!tpu.dma_semaphore, #tpu.memory_space<semaphore_mem>>) src(%arg10 : memref<512x16xf32, #tpu.memory_space<vmem>>) dst(%dma_wait3A_150 : memref<100352x16xf32, #tpu.memory_space<vmem_shared>>)
      %add3A_151 = arith.constant 4 : i32
      %add3A_152 = arith.addi %mul3A_36, %add3A_151 : i32
      %lt3A_153 = arith.cmpi slt, %add3A_152, %add3A_3 : i32
      %convert_element_type3A_154 = arith.extui %lt3A_153 : i1 to i32
      %cond3A_155 = arith.constant 0 : i32
      %cond3A_156 = arith.cmpi ne, %convert_element_type3A_154, %cond3A_155 : i32
      scf.if %cond3A_156 {
        %mul3A_170 = arith.constant 32 : i32
        %mul3A_171 = arith.muli %mul3A_170, %add3A_152 : i32
        %add3A_172 = arith.addi %add3A, %mul3A_171 : i32
        %mul3A_173 = arith.constant 512 : i32
        %mul3A_174 = arith.muli %add3A_172, %mul3A_173 : i32
        %multiple_of3A_175 = tpu.assume_multiple %mul3A_174, 512 : i32
        %dma_start3A_176 = arith.constant 0 : i32
        %dma_start3A_177 = tpu.memref_slice %arg2[%dma_start3A_176, %multiple_of3A_175] : memref<2x6400000xi32, #tpu.memory_space<hbm>> -> memref<2x512xi32, #tpu.memory_space<hbm>>
        %dma_start3A_178 = arith.constant 0 : i32
        %dma_start3A_179 = tpu.memref_slice %arg2[%dma_start3A_178, %multiple_of3A_175] : memref<2x6400000xi32, #tpu.memory_space<hbm>> -> memref<2x512xi32, #tpu.memory_space<hbm>>
        tpu.enqueue_dma source(%dma_start3A_179 : memref<2x512xi32, #tpu.memory_space<hbm>>) target(%arg7 : memref<2x512xi32, #tpu.memory_space<vmem>>) target_semaphore(%arg14 : memref<!tpu.dma_semaphore, #tpu.memory_space<semaphore_mem>>)
      } else {
      }
      %dma_wait3A_157 = arith.constant 1 : i32
      %dma_wait3A_158 = arith.constant 0 : i32
      %dma_wait3A_159 = tpu.memref_slice %arg8[%dma_wait3A_157, %dma_wait3A_158] : memref<2x512xi32, #tpu.memory_space<vmem>> -> memref<1x512xi32, #tpu.memory_space<vmem>>
      %dma_wait3A_160 = tpu.memref_squeeze %dma_wait3A_159 : memref<1x512xi32, #tpu.memory_space<vmem>> -> memref<512xi32, #tpu.memory_space<vmem>>
      %dma_wait3A_161 = arith.constant 0 : i32
      %dma_wait3A_162 = arith.constant 0 : i32
      %dma_wait3A_163 = tpu.memref_slice %arg12[%dma_wait3A_161, %dma_wait3A_162] : memref<100352x16xf32, #tpu.memory_space<vmem_shared>> -> memref<100352x16xf32, #tpu.memory_space<vmem_shared>>
      tpu.wait_indirect_dma semaphore(%arg21 : memref<!tpu.dma_semaphore, #tpu.memory_space<semaphore_mem>>) src(%arg11 : memref<512x16xf32, #tpu.memory_space<vmem>>) dst(%dma_wait3A_163 : memref<100352x16xf32, #tpu.memory_space<vmem_shared>>)
      %add3A_164 = arith.constant 5 : i32
      %add3A_165 = arith.addi %mul3A_36, %add3A_164 : i32
      %lt3A_166 = arith.cmpi slt, %add3A_165, %add3A_3 : i32
      %convert_element_type3A_167 = arith.extui %lt3A_166 : i1 to i32
      %cond3A_168 = arith.constant 0 : i32
      %cond3A_169 = arith.cmpi ne, %convert_element_type3A_167, %cond3A_168 : i32
      scf.if %cond3A_169 {
        %mul3A_170 = arith.constant 32 : i32
        %mul3A_171 = arith.muli %mul3A_170, %add3A_165 : i32
        %add3A_172 = arith.addi %add3A, %mul3A_171 : i32
        %mul3A_173 = arith.constant 512 : i32
        %mul3A_174 = arith.muli %add3A_172, %mul3A_173 : i32
        %multiple_of3A_175 = tpu.assume_multiple %mul3A_174, 512 : i32
        %dma_start3A_176 = arith.constant 0 : i32
        %dma_start3A_177 = tpu.memref_slice %arg2[%dma_start3A_176, %multiple_of3A_175] : memref<2x6400000xi32, #tpu.memory_space<hbm>> -> memref<2x512xi32, #tpu.memory_space<hbm>>
        %dma_start3A_178 = arith.constant 0 : i32
        %dma_start3A_179 = tpu.memref_slice %arg2[%dma_start3A_178, %multiple_of3A_175] : memref<2x6400000xi32, #tpu.memory_space<hbm>> -> memref<2x512xi32, #tpu.memory_space<hbm>>
        tpu.enqueue_dma source(%dma_start3A_179 : memref<2x512xi32, #tpu.memory_space<hbm>>) target(%arg8 : memref<2x512xi32, #tpu.memory_space<vmem>>) target_semaphore(%arg15 : memref<!tpu.dma_semaphore, #tpu.memory_space<semaphore_mem>>)
      } else {
      }
    }
    %scan3A_23 = arith.constant 130 : i32
    %lt3A_24 = arith.constant 20 : i32
    %lt3A_25 = arith.cmpi slt, %add3A, %lt3A_24 : i32
    %convert_element_type3A_26 = arith.extui %lt3A_25 : i1 to i32
    %cond3A_27 = arith.constant 0 : i32
    %cond3A_28 = arith.cmpi ne, %convert_element_type3A_26, %cond3A_27 : i32
    scf.if %cond3A_28 {
      %add3A_34 = arith.constant 12480 : i32
      %add3A_35 = arith.addi %add3A, %add3A_34 : i32
      %mul3A_36 = arith.constant 512 : i32
      %mul3A_37 = arith.muli %add3A_35, %mul3A_36 : i32
      %multiple_of3A = tpu.assume_multiple %mul3A_37, 512 : i32
      %dma_wait3A = arith.constant 0 : i32
      %dma_wait3A_38 = tpu.memref_slice %arg2[%dma_wait3A, %multiple_of3A] : memref<2x6400000xi32, #tpu.memory_space<hbm>> -> memref<2x512xi32, #tpu.memory_space<hbm>>
      %dma_wait3A_39 = arith.constant 0 : i32
      %dma_wait3A_40 = tpu.memref_slice %arg2[%dma_wait3A_39, %multiple_of3A] : memref<2x6400000xi32, #tpu.memory_space<hbm>> -> memref<2x512xi32, #tpu.memory_space<hbm>>
      tpu.wait_dma2 semaphore(%arg13 : memref<!tpu.dma_semaphore, #tpu.memory_space<semaphore_mem>>) src(%dma_wait3A_40 : memref<2x512xi32, #tpu.memory_space<hbm>>) dst(%arg6 : memref<2x512xi32, #tpu.memory_space<vmem>>)
      %dma_start3A = arith.constant 0 : i32
      %dma_start3A_41 = arith.constant 0 : i32
      %dma_start3A_42 = tpu.memref_slice %arg6[%dma_start3A, %dma_start3A_41] : memref<2x512xi32, #tpu.memory_space<vmem>> -> memref<1x512xi32, #tpu.memory_space<vmem>>
      %dma_start3A_43 = tpu.memref_squeeze %dma_start3A_42 : memref<1x512xi32, #tpu.memory_space<vmem>> -> memref<512xi32, #tpu.memory_space<vmem>>
      %dma_start3A_44 = arith.constant 0 : i32
      %dma_start3A_45 = arith.constant 0 : i32
      %dma_start3A_46 = tpu.memref_slice %arg3[%dma_start3A_44, %dma_start3A_45] : memref<100352x16xf32, #tpu.memory_space<hbm>> -> memref<100352x16xf32, #tpu.memory_space<hbm>>
      tpu.enqueue_indirect_dma source(%dma_start3A_46 : memref<100352x16xf32, #tpu.memory_space<hbm>>) target(%arg9 : memref<512x16xf32, #tpu.memory_space<vmem>>) offsets(%dma_start3A_43 : memref<512xi32, #tpu.memory_space<vmem>>) semaphore(%arg16 : memref<!tpu.dma_semaphore, #tpu.memory_space<semaphore_mem>>)
      %dma_wait3A_47 = arith.constant 0 : i32
      %dma_wait3A_48 = arith.constant 0 : i32
      %dma_wait3A_49 = tpu.memref_slice %arg6[%dma_wait3A_47, %dma_wait3A_48] : memref<2x512xi32, #tpu.memory_space<vmem>> -> memref<1x512xi32, #tpu.memory_space<vmem>>
      %dma_wait3A_50 = tpu.memref_squeeze %dma_wait3A_49 : memref<1x512xi32, #tpu.memory_space<vmem>> -> memref<512xi32, #tpu.memory_space<vmem>>
      %dma_wait3A_51 = arith.constant 0 : i32
      %dma_wait3A_52 = arith.constant 0 : i32
      %dma_wait3A_53 = tpu.memref_slice %arg3[%dma_wait3A_51, %dma_wait3A_52] : memref<100352x16xf32, #tpu.memory_space<hbm>> -> memref<100352x16xf32, #tpu.memory_space<hbm>>
      tpu.wait_indirect_dma semaphore(%arg16 : memref<!tpu.dma_semaphore, #tpu.memory_space<semaphore_mem>>) src(%dma_wait3A_53 : memref<100352x16xf32, #tpu.memory_space<hbm>>) dst(%arg9 : memref<512x16xf32, #tpu.memory_space<vmem>>)
      %dma_start3A_54 = arith.constant 1 : i32
      %dma_start3A_55 = arith.constant 0 : i32
      %dma_start3A_56 = tpu.memref_slice %arg6[%dma_start3A_54, %dma_start3A_55] : memref<2x512xi32, #tpu.memory_space<vmem>> -> memref<1x512xi32, #tpu.memory_space<vmem>>
      %dma_start3A_57 = tpu.memref_squeeze %dma_start3A_56 : memref<1x512xi32, #tpu.memory_space<vmem>> -> memref<512xi32, #tpu.memory_space<vmem>>
      %dma_start3A_58 = arith.constant 0 : i32
      %dma_start3A_59 = arith.constant 0 : i32
      %dma_start3A_60 = tpu.memref_slice %arg12[%dma_start3A_58, %dma_start3A_59] : memref<100352x16xf32, #tpu.memory_space<vmem_shared>> -> memref<100352x16xf32, #tpu.memory_space<vmem_shared>>
      tpu.enqueue_indirect_dma source(%arg9 : memref<512x16xf32, #tpu.memory_space<vmem>>) target(%dma_start3A_60 : memref<100352x16xf32, #tpu.memory_space<vmem_shared>>) offsets(%dma_start3A_57 : memref<512xi32, #tpu.memory_space<vmem>>) semaphore(%arg19 : memref<!tpu.dma_semaphore, #tpu.memory_space<semaphore_mem>>) {add = true}
      %dma_wait3A_61 = arith.constant 1 : i32
      %dma_wait3A_62 = arith.constant 0 : i32
      %dma_wait3A_63 = tpu.memref_slice %arg6[%dma_wait3A_61, %dma_wait3A_62] : memref<2x512xi32, #tpu.memory_space<vmem>> -> memref<1x512xi32, #tpu.memory_space<vmem>>
      %dma_wait3A_64 = tpu.memref_squeeze %dma_wait3A_63 : memref<1x512xi32, #tpu.memory_space<vmem>> -> memref<512xi32, #tpu.memory_space<vmem>>
      %dma_wait3A_65 = arith.constant 0 : i32
      %dma_wait3A_66 = arith.constant 0 : i32
      %dma_wait3A_67 = tpu.memref_slice %arg12[%dma_wait3A_65, %dma_wait3A_66] : memref<100352x16xf32, #tpu.memory_space<vmem_shared>> -> memref<100352x16xf32, #tpu.memory_space<vmem_shared>>
      tpu.wait_indirect_dma semaphore(%arg19 : memref<!tpu.dma_semaphore, #tpu.memory_space<semaphore_mem>>) src(%arg9 : memref<512x16xf32, #tpu.memory_space<vmem>>) dst(%dma_wait3A_67 : memref<100352x16xf32, #tpu.memory_space<vmem_shared>>)
    } else {
    }
    %barrier3A_29 = arith.constant 0 : index
    tpu.barrier barrier_id(%barrier3A_29)
    %mul3A_30 = arith.constant 6272 : i32
    %mul3A_31 = arith.muli %arg1, %mul3A_30 : i32
    %mul3A_32 = arith.constant 6272 : i32
    %mul3A_33 = arith.muli %arg1, %mul3A_32 : i32
    "tpu.region"() ({
      %run_scoped3A = tpu.sem_alloc : memref<!tpu.dma_semaphore, #tpu.memory_space<semaphore_mem>>
      %dma_start3A = arith.constant 0 : i32
      %dma_start3A_34 = arith.constant 0 : i32
      %dma_start3A_35 = tpu.memref_slice %arg5[%arg0, %dma_start3A, %dma_start3A_34] : memref<2x100352x16xf32, #tpu.memory_space<hbm>> -> memref<1x100352x16xf32, #tpu.memory_space<hbm>>
      %dma_start3A_36 = tpu.memref_squeeze %dma_start3A_35 : memref<1x100352x16xf32, #tpu.memory_space<hbm>> -> memref<100352x16xf32, #tpu.memory_space<hbm>>
      %dma_start3A_37 = arith.constant 0 : i32
      %dma_start3A_38 = tpu.memref_slice %dma_start3A_36[%mul3A_33, %dma_start3A_37] : memref<100352x16xf32, #tpu.memory_space<hbm>> -> memref<6272x16xf32, #tpu.memory_space<hbm>>
      %dma_start3A_39 = arith.constant 0 : i32
      %dma_start3A_40 = tpu.memref_slice %arg12[%mul3A_31, %dma_start3A_39] : memref<100352x16xf32, #tpu.memory_space<vmem_shared>> -> memref<6272x16xf32, #tpu.memory_space<vmem_shared>>
      tpu.enqueue_dma source(%dma_start3A_40 : memref<6272x16xf32, #tpu.memory_space<vmem_shared>>) target(%dma_start3A_38 : memref<6272x16xf32, #tpu.memory_space<hbm>>) target_semaphore(%run_scoped3A : memref<!tpu.dma_semaphore, #tpu.memory_space<semaphore_mem>>)
      %dma_wait3A = arith.constant 0 : i32
      %dma_wait3A_41 = arith.constant 0 : i32
      %dma_wait3A_42 = tpu.memref_slice %arg5[%arg0, %dma_wait3A, %dma_wait3A_41] : memref<2x100352x16xf32, #tpu.memory_space<hbm>> -> memref<1x100352x16xf32, #tpu.memory_space<hbm>>
      %dma_wait3A_43 = tpu.memref_squeeze %dma_wait3A_42 : memref<1x100352x16xf32, #tpu.memory_space<hbm>> -> memref<100352x16xf32, #tpu.memory_space<hbm>>
      %dma_wait3A_44 = arith.constant 0 : i32
      %dma_wait3A_45 = tpu.memref_slice %dma_wait3A_43[%mul3A_33, %dma_wait3A_44] : memref<100352x16xf32, #tpu.memory_space<hbm>> -> memref<6272x16xf32, #tpu.memory_space<hbm>>
      %dma_wait3A_46 = arith.constant 0 : i32
      %dma_wait3A_47 = tpu.memref_slice %arg12[%mul3A_31, %dma_wait3A_46] : memref<100352x16xf32, #tpu.memory_space<vmem_shared>> -> memref<6272x16xf32, #tpu.memory_space<vmem_shared>>
      tpu.wait_dma2 semaphore(%run_scoped3A : memref<!tpu.dma_semaphore, #tpu.memory_space<semaphore_mem>>) src(%dma_wait3A_47 : memref<6272x16xf32, #tpu.memory_space<vmem_shared>>) dst(%dma_wait3A_45 : memref<6272x16xf32, #tpu.memory_space<hbm>>)
      tpu.yield
    }) : () -> ()
    return
  }
}

#map = affine_map<(d0, d1) -> (0, 0)>
#map1 = affine_map<(d0, d1) -> (0)>
module attributes {stable_mosaic.version = 14 : i64} {
  func.func @_deg_body(%arg0: i32, %arg1: i32, %arg2: memref<2x6400000xi32, #tpu.memory_space<hbm>>, %arg3: memref<100352xf32, #tpu.memory_space<hbm>>, %arg4: memref<2048xf32, #tpu.memory_space<hbm>>, %arg5: memref<2x100352xf32, #tpu.memory_space<hbm>>, %arg6: memref<2048xi32, #tpu.memory_space<vmem>>, %arg7: memref<2048xf32, #tpu.memory_space<vmem>>, %arg8: memref<100352xf32, #tpu.memory_space<vmem_shared>>, %arg9: memref<!tpu.dma_semaphore, #tpu.memory_space<semaphore_mem>>) attributes {dimension_semantics = [#tpu.dimension_semantics<core_parallel>, #tpu.dimension_semantics<subcore_parallel>], iteration_bounds = array<i64: 2, 16>, scalar_prefetch = 0 : i64, scratch_operands = 4 : i64, tpu.core_type = #tpu.core_type<sc_vector_subcore>, window_params = [{transform_indices = #map}, {transform_indices = #map1}, {transform_indices = #map1}, {transform_indices = #map}]} {
    %mul3A = arith.constant 16 : i32
    %mul3A_0 = arith.muli %arg0, %mul3A : i32
    %add3A = arith.addi %mul3A_0, %arg1 : i32
    "tpu.region"() ({
      %run_scoped3A = tpu.sem_alloc : memref<!tpu.dma_semaphore, #tpu.memory_space<semaphore_mem>>
      tpu.enqueue_dma source(%arg4 : memref<2048xf32, #tpu.memory_space<hbm>>) target(%arg7 : memref<2048xf32, #tpu.memory_space<vmem>>) target_semaphore(%run_scoped3A : memref<!tpu.dma_semaphore, #tpu.memory_space<semaphore_mem>>)
      tpu.wait_dma2 semaphore(%run_scoped3A : memref<!tpu.dma_semaphore, #tpu.memory_space<semaphore_mem>>) src(%arg4 : memref<2048xf32, #tpu.memory_space<hbm>>) dst(%arg7 : memref<2048xf32, #tpu.memory_space<vmem>>)
      tpu.yield
    }) : () -> ()
    %mul3A_1 = arith.constant 6272 : i32
    %mul3A_2 = arith.muli %arg1, %mul3A_1 : i32
    %mul3A_3 = arith.constant 6272 : i32
    %mul3A_4 = arith.muli %arg1, %mul3A_3 : i32
    "tpu.region"() ({
      %run_scoped3A = tpu.sem_alloc : memref<!tpu.dma_semaphore, #tpu.memory_space<semaphore_mem>>
      %dma_start3A = tpu.memref_slice %arg8[%mul3A_4] : memref<100352xf32, #tpu.memory_space<vmem_shared>> -> memref<6272xf32, #tpu.memory_space<vmem_shared>>
      %dma_start3A_17 = tpu.memref_slice %arg3[%mul3A_2] : memref<100352xf32, #tpu.memory_space<hbm>> -> memref<6272xf32, #tpu.memory_space<hbm>>
      tpu.enqueue_dma source(%dma_start3A_17 : memref<6272xf32, #tpu.memory_space<hbm>>) target(%dma_start3A : memref<6272xf32, #tpu.memory_space<vmem_shared>>) target_semaphore(%run_scoped3A : memref<!tpu.dma_semaphore, #tpu.memory_space<semaphore_mem>>)
      %dma_wait3A = tpu.memref_slice %arg8[%mul3A_4] : memref<100352xf32, #tpu.memory_space<vmem_shared>> -> memref<6272xf32, #tpu.memory_space<vmem_shared>>
      %dma_wait3A_18 = tpu.memref_slice %arg3[%mul3A_2] : memref<100352xf32, #tpu.memory_space<hbm>> -> memref<6272xf32, #tpu.memory_space<hbm>>
      tpu.wait_dma2 semaphore(%run_scoped3A : memref<!tpu.dma_semaphore, #tpu.memory_space<semaphore_mem>>) src(%dma_wait3A_18 : memref<6272xf32, #tpu.memory_space<hbm>>) dst(%dma_wait3A : memref<6272xf32, #tpu.memory_space<vmem_shared>>)
      tpu.yield
    }) : () -> ()
    %barrier3A = arith.constant 0 : index
    tpu.barrier barrier_id(%barrier3A)
    %scan3A = arith.constant 0 : i32
    %scan3A_5 = arith.constant 0 : i32
    %scan3A_6 = arith.constant 97 : i32
    %scan3A_7 = arith.addi %scan3A_5, %scan3A_6 : i32
    %scan3A_8 = arith.constant 1 : i32
    scf.for %scan3A_17 = %scan3A_5 to %scan3A_7 step %scan3A_8  : i32 {
      %mul3A_18 = arith.constant 32 : i32
      %mul3A_19 = arith.muli %mul3A_18, %scan3A_17 : i32
      %add3A_20 = arith.addi %add3A, %mul3A_19 : i32
      %mul3A_21 = arith.constant 2048 : i32
      %mul3A_22 = arith.muli %add3A_20, %mul3A_21 : i32
      %multiple_of3A = tpu.assume_multiple %mul3A_22, 2048 : i32
      %run_scoped3A = arith.constant 1 : i32
      "tpu.region"() ({
        %run_scoped3A_23 = tpu.sem_alloc : memref<!tpu.dma_semaphore, #tpu.memory_space<semaphore_mem>>
        %dma_start3A = arith.constant 0 : i32
        %dma_start3A_24 = tpu.memref_slice %arg2[%run_scoped3A, %dma_start3A] : memref<2x6400000xi32, #tpu.memory_space<hbm>> -> memref<1x6400000xi32, #tpu.memory_space<hbm>>
        %dma_start3A_25 = tpu.memref_squeeze %dma_start3A_24 : memref<1x6400000xi32, #tpu.memory_space<hbm>> -> memref<6400000xi32, #tpu.memory_space<hbm>>
        %dma_start3A_26 = tpu.memref_slice %dma_start3A_25[%multiple_of3A] : memref<6400000xi32, #tpu.memory_space<hbm>> -> memref<2048xi32, #tpu.memory_space<hbm>>
        %dma_start3A_27 = arith.constant 0 : i32
        %dma_start3A_28 = tpu.memref_slice %arg2[%run_scoped3A, %dma_start3A_27] : memref<2x6400000xi32, #tpu.memory_space<hbm>> -> memref<1x6400000xi32, #tpu.memory_space<hbm>>
        %dma_start3A_29 = tpu.memref_squeeze %dma_start3A_28 : memref<1x6400000xi32, #tpu.memory_space<hbm>> -> memref<6400000xi32, #tpu.memory_space<hbm>>
        %dma_start3A_30 = tpu.memref_slice %dma_start3A_29[%multiple_of3A] : memref<6400000xi32, #tpu.memory_space<hbm>> -> memref<2048xi32, #tpu.memory_space<hbm>>
        tpu.enqueue_dma source(%dma_start3A_30 : memref<2048xi32, #tpu.memory_space<hbm>>) target(%arg6 : memref<2048xi32, #tpu.memory_space<vmem>>) target_semaphore(%run_scoped3A_23 : memref<!tpu.dma_semaphore, #tpu.memory_space<semaphore_mem>>)
        %dma_wait3A = arith.constant 0 : i32
        %dma_wait3A_31 = tpu.memref_slice %arg2[%run_scoped3A, %dma_wait3A] : memref<2x6400000xi32, #tpu.memory_space<hbm>> -> memref<1x6400000xi32, #tpu.memory_space<hbm>>
        %dma_wait3A_32 = tpu.memref_squeeze %dma_wait3A_31 : memref<1x6400000xi32, #tpu.memory_space<hbm>> -> memref<6400000xi32, #tpu.memory_space<hbm>>
        %dma_wait3A_33 = tpu.memref_slice %dma_wait3A_32[%multiple_of3A] : memref<6400000xi32, #tpu.memory_space<hbm>> -> memref<2048xi32, #tpu.memory_space<hbm>>
        %dma_wait3A_34 = arith.constant 0 : i32
        %dma_wait3A_35 = tpu.memref_slice %arg2[%run_scoped3A, %dma_wait3A_34] : memref<2x6400000xi32, #tpu.memory_space<hbm>> -> memref<1x6400000xi32, #tpu.memory_space<hbm>>
        %dma_wait3A_36 = tpu.memref_squeeze %dma_wait3A_35 : memref<1x6400000xi32, #tpu.memory_space<hbm>> -> memref<6400000xi32, #tpu.memory_space<hbm>>
        %dma_wait3A_37 = tpu.memref_slice %dma_wait3A_36[%multiple_of3A] : memref<6400000xi32, #tpu.memory_space<hbm>> -> memref<2048xi32, #tpu.memory_space<hbm>>
        tpu.wait_dma2 semaphore(%run_scoped3A_23 : memref<!tpu.dma_semaphore, #tpu.memory_space<semaphore_mem>>) src(%dma_wait3A_37 : memref<2048xi32, #tpu.memory_space<hbm>>) dst(%arg6 : memref<2048xi32, #tpu.memory_space<vmem>>)
        tpu.yield
      }) : () -> ()
      "tpu.region"() ({
        %run_scoped3A_23 = tpu.sem_alloc : memref<!tpu.dma_semaphore, #tpu.memory_space<semaphore_mem>>
        %dma_start3A = arith.constant 0 : i32
        %dma_start3A_24 = tpu.memref_slice %arg8[%dma_start3A] : memref<100352xf32, #tpu.memory_space<vmem_shared>> -> memref<100352xf32, #tpu.memory_space<vmem_shared>>
        tpu.enqueue_indirect_dma source(%arg7 : memref<2048xf32, #tpu.memory_space<vmem>>) target(%dma_start3A_24 : memref<100352xf32, #tpu.memory_space<vmem_shared>>) offsets(%arg6 : memref<2048xi32, #tpu.memory_space<vmem>>) semaphore(%run_scoped3A_23 : memref<!tpu.dma_semaphore, #tpu.memory_space<semaphore_mem>>) {add = true}
        %dma_wait3A = arith.constant 0 : i32
        %dma_wait3A_25 = tpu.memref_slice %arg8[%dma_wait3A] : memref<100352xf32, #tpu.memory_space<vmem_shared>> -> memref<100352xf32, #tpu.memory_space<vmem_shared>>
        tpu.wait_indirect_dma semaphore(%run_scoped3A_23 : memref<!tpu.dma_semaphore, #tpu.memory_space<semaphore_mem>>) src(%arg7 : memref<2048xf32, #tpu.memory_space<vmem>>) dst(%dma_wait3A_25 : memref<100352xf32, #tpu.memory_space<vmem_shared>>)
        tpu.yield
      }) : () -> ()
    }
    %scan3A_9 = arith.constant 97 : i32
    %lt3A = arith.constant 21 : i32
    %lt3A_10 = arith.cmpi slt, %add3A, %lt3A : i32
    %convert_element_type3A = arith.extui %lt3A_10 : i1 to i32
    %cond3A = arith.constant 0 : i32
    %cond3A_11 = arith.cmpi ne, %convert_element_type3A, %cond3A : i32
    scf.if %cond3A_11 {
      %add3A_17 = arith.constant 3104 : i32
      %add3A_18 = arith.addi %add3A_17, %add3A : i32
      %mul3A_19 = arith.constant 2048 : i32
      %mul3A_20 = arith.muli %add3A_18, %mul3A_19 : i32
      %multiple_of3A = tpu.assume_multiple %mul3A_20, 2048 : i32
      %run_scoped3A = arith.constant 1 : i32
      "tpu.region"() ({
        %run_scoped3A_21 = tpu.sem_alloc : memref<!tpu.dma_semaphore, #tpu.memory_space<semaphore_mem>>
        %dma_start3A = arith.constant 0 : i32
        %dma_start3A_22 = tpu.memref_slice %arg2[%run_scoped3A, %dma_start3A] : memref<2x6400000xi32, #tpu.memory_space<hbm>> -> memref<1x6400000xi32, #tpu.memory_space<hbm>>
        %dma_start3A_23 = tpu.memref_squeeze %dma_start3A_22 : memref<1x6400000xi32, #tpu.memory_space<hbm>> -> memref<6400000xi32, #tpu.memory_space<hbm>>
        %dma_start3A_24 = tpu.memref_slice %dma_start3A_23[%multiple_of3A] : memref<6400000xi32, #tpu.memory_space<hbm>> -> memref<2048xi32, #tpu.memory_space<hbm>>
        %dma_start3A_25 = arith.constant 0 : i32
        %dma_start3A_26 = tpu.memref_slice %arg2[%run_scoped3A, %dma_start3A_25] : memref<2x6400000xi32, #tpu.memory_space<hbm>> -> memref<1x6400000xi32, #tpu.memory_space<hbm>>
        %dma_start3A_27 = tpu.memref_squeeze %dma_start3A_26 : memref<1x6400000xi32, #tpu.memory_space<hbm>> -> memref<6400000xi32, #tpu.memory_space<hbm>>
        %dma_start3A_28 = tpu.memref_slice %dma_start3A_27[%multiple_of3A] : memref<6400000xi32, #tpu.memory_space<hbm>> -> memref<2048xi32, #tpu.memory_space<hbm>>
        tpu.enqueue_dma source(%dma_start3A_28 : memref<2048xi32, #tpu.memory_space<hbm>>) target(%arg6 : memref<2048xi32, #tpu.memory_space<vmem>>) target_semaphore(%run_scoped3A_21 : memref<!tpu.dma_semaphore, #tpu.memory_space<semaphore_mem>>)
        %dma_wait3A = arith.constant 0 : i32
        %dma_wait3A_29 = tpu.memref_slice %arg2[%run_scoped3A, %dma_wait3A] : memref<2x6400000xi32, #tpu.memory_space<hbm>> -> memref<1x6400000xi32, #tpu.memory_space<hbm>>
        %dma_wait3A_30 = tpu.memref_squeeze %dma_wait3A_29 : memref<1x6400000xi32, #tpu.memory_space<hbm>> -> memref<6400000xi32, #tpu.memory_space<hbm>>
        %dma_wait3A_31 = tpu.memref_slice %dma_wait3A_30[%multiple_of3A] : memref<6400000xi32, #tpu.memory_space<hbm>> -> memref<2048xi32, #tpu.memory_space<hbm>>
        %dma_wait3A_32 = arith.constant 0 : i32
        %dma_wait3A_33 = tpu.memref_slice %arg2[%run_scoped3A, %dma_wait3A_32] : memref<2x6400000xi32, #tpu.memory_space<hbm>> -> memref<1x6400000xi32, #tpu.memory_space<hbm>>
        %dma_wait3A_34 = tpu.memref_squeeze %dma_wait3A_33 : memref<1x6400000xi32, #tpu.memory_space<hbm>> -> memref<6400000xi32, #tpu.memory_space<hbm>>
        %dma_wait3A_35 = tpu.memref_slice %dma_wait3A_34[%multiple_of3A] : memref<6400000xi32, #tpu.memory_space<hbm>> -> memref<2048xi32, #tpu.memory_space<hbm>>
        tpu.wait_dma2 semaphore(%run_scoped3A_21 : memref<!tpu.dma_semaphore, #tpu.memory_space<semaphore_mem>>) src(%dma_wait3A_35 : memref<2048xi32, #tpu.memory_space<hbm>>) dst(%arg6 : memref<2048xi32, #tpu.memory_space<vmem>>)
        tpu.yield
      }) : () -> ()
      "tpu.region"() ({
        %run_scoped3A_21 = tpu.sem_alloc : memref<!tpu.dma_semaphore, #tpu.memory_space<semaphore_mem>>
        %dma_start3A = arith.constant 0 : i32
        %dma_start3A_22 = tpu.memref_slice %arg8[%dma_start3A] : memref<100352xf32, #tpu.memory_space<vmem_shared>> -> memref<100352xf32, #tpu.memory_space<vmem_shared>>
        tpu.enqueue_indirect_dma source(%arg7 : memref<2048xf32, #tpu.memory_space<vmem>>) target(%dma_start3A_22 : memref<100352xf32, #tpu.memory_space<vmem_shared>>) offsets(%arg6 : memref<2048xi32, #tpu.memory_space<vmem>>) semaphore(%run_scoped3A_21 : memref<!tpu.dma_semaphore, #tpu.memory_space<semaphore_mem>>) {add = true}
        %dma_wait3A = arith.constant 0 : i32
        %dma_wait3A_23 = tpu.memref_slice %arg8[%dma_wait3A] : memref<100352xf32, #tpu.memory_space<vmem_shared>> -> memref<100352xf32, #tpu.memory_space<vmem_shared>>
        tpu.wait_indirect_dma semaphore(%run_scoped3A_21 : memref<!tpu.dma_semaphore, #tpu.memory_space<semaphore_mem>>) src(%arg7 : memref<2048xf32, #tpu.memory_space<vmem>>) dst(%dma_wait3A_23 : memref<100352xf32, #tpu.memory_space<vmem_shared>>)
        tpu.yield
      }) : () -> ()
    } else {
    }
    %barrier3A_12 = arith.constant 0 : index
    tpu.barrier barrier_id(%barrier3A_12)
    %mul3A_13 = arith.constant 6272 : i32
    %mul3A_14 = arith.muli %arg1, %mul3A_13 : i32
    %mul3A_15 = arith.constant 6272 : i32
    %mul3A_16 = arith.muli %arg1, %mul3A_15 : i32
    "tpu.region"() ({
      %run_scoped3A = tpu.sem_alloc : memref<!tpu.dma_semaphore, #tpu.memory_space<semaphore_mem>>
      %dma_start3A = arith.constant 0 : i32
      %dma_start3A_17 = tpu.memref_slice %arg5[%arg0, %dma_start3A] : memref<2x100352xf32, #tpu.memory_space<hbm>> -> memref<1x100352xf32, #tpu.memory_space<hbm>>
      %dma_start3A_18 = tpu.memref_squeeze %dma_start3A_17 : memref<1x100352xf32, #tpu.memory_space<hbm>> -> memref<100352xf32, #tpu.memory_space<hbm>>
      %dma_start3A_19 = tpu.memref_slice %dma_start3A_18[%mul3A_16] : memref<100352xf32, #tpu.memory_space<hbm>> -> memref<6272xf32, #tpu.memory_space<hbm>>
      %dma_start3A_20 = tpu.memref_slice %arg8[%mul3A_14] : memref<100352xf32, #tpu.memory_space<vmem_shared>> -> memref<6272xf32, #tpu.memory_space<vmem_shared>>
      tpu.enqueue_dma source(%dma_start3A_20 : memref<6272xf32, #tpu.memory_space<vmem_shared>>) target(%dma_start3A_19 : memref<6272xf32, #tpu.memory_space<hbm>>) target_semaphore(%run_scoped3A : memref<!tpu.dma_semaphore, #tpu.memory_space<semaphore_mem>>)
      %dma_wait3A = arith.constant 0 : i32
      %dma_wait3A_21 = tpu.memref_slice %arg5[%arg0, %dma_wait3A] : memref<2x100352xf32, #tpu.memory_space<hbm>> -> memref<1x100352xf32, #tpu.memory_space<hbm>>
      %dma_wait3A_22 = tpu.memref_squeeze %dma_wait3A_21 : memref<1x100352xf32, #tpu.memory_space<hbm>> -> memref<100352xf32, #tpu.memory_space<hbm>>
      %dma_wait3A_23 = tpu.memref_slice %dma_wait3A_22[%mul3A_16] : memref<100352xf32, #tpu.memory_space<hbm>> -> memref<6272xf32, #tpu.memory_space<hbm>>
      %dma_wait3A_24 = tpu.memref_slice %arg8[%mul3A_14] : memref<100352xf32, #tpu.memory_space<vmem_shared>> -> memref<6272xf32, #tpu.memory_space<vmem_shared>>
      tpu.wait_dma2 semaphore(%run_scoped3A : memref<!tpu.dma_semaphore, #tpu.memory_space<semaphore_mem>>) src(%dma_wait3A_24 : memref<6272xf32, #tpu.memory_space<vmem_shared>>) dst(%dma_wait3A_23 : memref<6272xf32, #tpu.memory_space<hbm>>)
      tpu.yield
    }) : () -> ()
    return
  }
}

#map = affine_map<(d0, d1) -> (0, 0)>
#map1 = affine_map<(d0, d1) -> (0, 0, 0)>
module attributes {stable_mosaic.version = 14 : i64} {
  func.func @_spmm16_body(%arg0: i32, %arg1: i32, %arg2: memref<2x6400000xi32, #tpu.memory_space<hbm>>, %arg3: memref<100352x16xf32, #tpu.memory_space<hbm>>, %arg4: memref<6272x16xf32, #tpu.memory_space<hbm>>, %arg5: memref<2x100352x16xf32, #tpu.memory_space<hbm>>, %arg6: memref<2x512xi32, #tpu.memory_space<vmem>>, %arg7: memref<2x512xi32, #tpu.memory_space<vmem>>, %arg8: memref<2x512xi32, #tpu.memory_space<vmem>>, %arg9: memref<512x16xf32, #tpu.memory_space<vmem>>, %arg10: memref<512x16xf32, #tpu.memory_space<vmem>>, %arg11: memref<512x16xf32, #tpu.memory_space<vmem>>, %arg12: memref<100352x16xf32, #tpu.memory_space<vmem_shared>>, %arg13: memref<!tpu.dma_semaphore, #tpu.memory_space<semaphore_mem>>, %arg14: memref<!tpu.dma_semaphore, #tpu.memory_space<semaphore_mem>>, %arg15: memref<!tpu.dma_semaphore, #tpu.memory_space<semaphore_mem>>, %arg16: memref<!tpu.dma_semaphore, #tpu.memory_space<semaphore_mem>>, %arg17: memref<!tpu.dma_semaphore, #tpu.memory_space<semaphore_mem>>, %arg18: memref<!tpu.dma_semaphore, #tpu.memory_space<semaphore_mem>>, %arg19: memref<!tpu.dma_semaphore, #tpu.memory_space<semaphore_mem>>, %arg20: memref<!tpu.dma_semaphore, #tpu.memory_space<semaphore_mem>>, %arg21: memref<!tpu.dma_semaphore, #tpu.memory_space<semaphore_mem>>) attributes {dimension_semantics = [#tpu.dimension_semantics<core_parallel>, #tpu.dimension_semantics<subcore_parallel>], iteration_bounds = array<i64: 2, 16>, scalar_prefetch = 0 : i64, scratch_operands = 16 : i64, tpu.core_type = #tpu.core_type<sc_vector_subcore>, window_params = [{transform_indices = #map}, {transform_indices = #map}, {transform_indices = #map}, {transform_indices = #map1}]} {
    %mul3A = arith.constant 16 : i32
    %mul3A_0 = arith.muli %arg0, %mul3A : i32
    %add3A = arith.addi %mul3A_0, %arg1 : i32
    %lt3A = arith.constant 20 : i32
    %lt3A_1 = arith.cmpi slt, %add3A, %lt3A : i32
    %convert_element_type3A = arith.extui %lt3A_1 : i1 to i32
    %add3A_2 = arith.constant 390 : i32
    %add3A_3 = arith.addi %add3A_2, %convert_element_type3A : i32
    %gt3A = arith.constant 0 : i32
    %gt3A_4 = arith.cmpi sgt, %add3A_3, %gt3A : i32
    %convert_element_type3A_5 = arith.extui %gt3A_4 : i1 to i32
    %cond3A = arith.constant 0 : i32
    %cond3A_6 = arith.cmpi ne, %convert_element_type3A_5, %cond3A : i32
    scf.if %cond3A_6 {
      %add3A_34 = arith.constant 0 : i32
      %add3A_35 = arith.addi %add3A, %add3A_34 : i32
      %mul3A_36 = arith.constant 512 : i32
      %mul3A_37 = arith.muli %add3A_35, %mul3A_36 : i32
      %multiple_of3A = tpu.assume_multiple %mul3A_37, 512 : i32
      %dma_start3A = arith.constant 0 : i32
      %dma_start3A_38 = tpu.memref_slice %arg2[%dma_start3A, %multiple_of3A] : memref<2x6400000xi32, #tpu.memory_space<hbm>> -> memref<2x512xi32, #tpu.memory_space<hbm>>
      %dma_start3A_39 = arith.constant 0 : i32
      %dma_start3A_40 = tpu.memref_slice %arg2[%dma_start3A_39, %multiple_of3A] : memref<2x6400000xi32, #tpu.memory_space<hbm>> -> memref<2x512xi32, #tpu.memory_space<hbm>>
      tpu.enqueue_dma source(%dma_start3A_40 : memref<2x512xi32, #tpu.memory_space<hbm>>) target(%arg6 : memref<2x512xi32, #tpu.memory_space<vmem>>) target_semaphore(%arg13 : memref<!tpu.dma_semaphore, #tpu.memory_space<semaphore_mem>>)
    } else {
    }
    %gt3A_7 = arith.constant 1 : i32
    %gt3A_8 = arith.cmpi sgt, %add3A_3, %gt3A_7 : i32
    %convert_element_type3A_9 = arith.extui %gt3A_8 : i1 to i32
    %cond3A_10 = arith.constant 0 : i32
    %cond3A_11 = arith.cmpi ne, %convert_element_type3A_9, %cond3A_10 : i32
    scf.if %cond3A_11 {
      %add3A_34 = arith.constant 32 : i32
      %add3A_35 = arith.addi %add3A, %add3A_34 : i32
      %mul3A_36 = arith.constant 512 : i32
      %mul3A_37 = arith.muli %add3A_35, %mul3A_36 : i32
      %multiple_of3A = tpu.assume_multiple %mul3A_37, 512 : i32
      %dma_start3A = arith.constant 0 : i32
      %dma_start3A_38 = tpu.memref_slice %arg2[%dma_start3A, %multiple_of3A] : memref<2x6400000xi32, #tpu.memory_space<hbm>> -> memref<2x512xi32, #tpu.memory_space<hbm>>
      %dma_start3A_39 = arith.constant 0 : i32
      %dma_start3A_40 = tpu.memref_slice %arg2[%dma_start3A_39, %multiple_of3A] : memref<2x6400000xi32, #tpu.memory_space<hbm>> -> memref<2x512xi32, #tpu.memory_space<hbm>>
      tpu.enqueue_dma source(%dma_start3A_40 : memref<2x512xi32, #tpu.memory_space<hbm>>) target(%arg7 : memref<2x512xi32, #tpu.memory_space<vmem>>) target_semaphore(%arg14 : memref<!tpu.dma_semaphore, #tpu.memory_space<semaphore_mem>>)
    } else {
    }
    %gt3A_12 = arith.constant 2 : i32
    %gt3A_13 = arith.cmpi sgt, %add3A_3, %gt3A_12 : i32
    %convert_element_type3A_14 = arith.extui %gt3A_13 : i1 to i32
    %cond3A_15 = arith.constant 0 : i32
    %cond3A_16 = arith.cmpi ne, %convert_element_type3A_14, %cond3A_15 : i32
    scf.if %cond3A_16 {
      %add3A_34 = arith.constant 64 : i32
      %add3A_35 = arith.addi %add3A, %add3A_34 : i32
      %mul3A_36 = arith.constant 512 : i32
      %mul3A_37 = arith.muli %add3A_35, %mul3A_36 : i32
      %multiple_of3A = tpu.assume_multiple %mul3A_37, 512 : i32
      %dma_start3A = arith.constant 0 : i32
      %dma_start3A_38 = tpu.memref_slice %arg2[%dma_start3A, %multiple_of3A] : memref<2x6400000xi32, #tpu.memory_space<hbm>> -> memref<2x512xi32, #tpu.memory_space<hbm>>
      %dma_start3A_39 = arith.constant 0 : i32
      %dma_start3A_40 = tpu.memref_slice %arg2[%dma_start3A_39, %multiple_of3A] : memref<2x6400000xi32, #tpu.memory_space<hbm>> -> memref<2x512xi32, #tpu.memory_space<hbm>>
      tpu.enqueue_dma source(%dma_start3A_40 : memref<2x512xi32, #tpu.memory_space<hbm>>) target(%arg8 : memref<2x512xi32, #tpu.memory_space<vmem>>) target_semaphore(%arg15 : memref<!tpu.dma_semaphore, #tpu.memory_space<semaphore_mem>>)
    } else {
    }
    %mul3A_17 = arith.constant 6272 : i32
    %mul3A_18 = arith.muli %arg1, %mul3A_17 : i32
    "tpu.region"() ({
      %run_scoped3A = tpu.sem_alloc : memref<!tpu.dma_semaphore, #tpu.memory_space<semaphore_mem>>
      %dma_start3A = arith.constant 0 : i32
      %dma_start3A_34 = tpu.memref_slice %arg12[%mul3A_18, %dma_start3A] : memref<100352x16xf32, #tpu.memory_space<vmem_shared>> -> memref<6272x16xf32, #tpu.memory_space<vmem_shared>>
      tpu.enqueue_dma source(%arg4 : memref<6272x16xf32, #tpu.memory_space<hbm>>) target(%dma_start3A_34 : memref<6272x16xf32, #tpu.memory_space<vmem_shared>>) target_semaphore(%run_scoped3A : memref<!tpu.dma_semaphore, #tpu.memory_space<semaphore_mem>>)
      %dma_wait3A = arith.constant 0 : i32
      %dma_wait3A_35 = tpu.memref_slice %arg12[%mul3A_18, %dma_wait3A] : memref<100352x16xf32, #tpu.memory_space<vmem_shared>> -> memref<6272x16xf32, #tpu.memory_space<vmem_shared>>
      tpu.wait_dma2 semaphore(%run_scoped3A : memref<!tpu.dma_semaphore, #tpu.memory_space<semaphore_mem>>) src(%arg4 : memref<6272x16xf32, #tpu.memory_space<hbm>>) dst(%dma_wait3A_35 : memref<6272x16xf32, #tpu.memory_space<vmem_shared>>)
      tpu.yield
    }) : () -> ()
    %barrier3A = arith.constant 0 : index
    tpu.barrier barrier_id(%barrier3A)
    %scan3A = arith.constant 0 : i32
    %scan3A_19 = arith.constant 0 : i32
    %scan3A_20 = arith.constant 130 : i32
    %scan3A_21 = arith.addi %scan3A_19, %scan3A_20 : i32
    %scan3A_22 = arith.constant 1 : i32
    scf.for %scan3A_34 = %scan3A_19 to %scan3A_21 step %scan3A_22  : i32 {
      %mul3A_35 = arith.constant 3 : i32
      %mul3A_36 = arith.muli %mul3A_35, %scan3A_34 : i32
      %mul3A_37 = arith.constant 32 : i32
      %mul3A_38 = arith.muli %mul3A_37, %mul3A_36 : i32
      %add3A_39 = arith.addi %add3A, %mul3A_38 : i32
      %mul3A_40 = arith.constant 512 : i32
      %mul3A_41 = arith.muli %add3A_39, %mul3A_40 : i32
      %multiple_of3A = tpu.assume_multiple %mul3A_41, 512 : i32
      %dma_wait3A = arith.constant 0 : i32
      %dma_wait3A_42 = tpu.memref_slice %arg2[%dma_wait3A, %multiple_of3A] : memref<2x6400000xi32, #tpu.memory_space<hbm>> -> memref<2x512xi32, #tpu.memory_space<hbm>>
      %dma_wait3A_43 = arith.constant 0 : i32
      %dma_wait3A_44 = tpu.memref_slice %arg2[%dma_wait3A_43, %multiple_of3A] : memref<2x6400000xi32, #tpu.memory_space<hbm>> -> memref<2x512xi32, #tpu.memory_space<hbm>>
      tpu.wait_dma2 semaphore(%arg13 : memref<!tpu.dma_semaphore, #tpu.memory_space<semaphore_mem>>) src(%dma_wait3A_44 : memref<2x512xi32, #tpu.memory_space<hbm>>) dst(%arg6 : memref<2x512xi32, #tpu.memory_space<vmem>>)
      %dma_start3A = arith.constant 0 : i32
      %dma_start3A_45 = arith.constant 0 : i32
      %dma_start3A_46 = tpu.memref_slice %arg6[%dma_start3A, %dma_start3A_45] : memref<2x512xi32, #tpu.memory_space<vmem>> -> memref<1x512xi32, #tpu.memory_space<vmem>>
      %dma_start3A_47 = tpu.memref_squeeze %dma_start3A_46 : memref<1x512xi32, #tpu.memory_space<vmem>> -> memref<512xi32, #tpu.memory_space<vmem>>
      %dma_start3A_48 = arith.constant 0 : i32
      %dma_start3A_49 = arith.constant 0 : i32
      %dma_start3A_50 = tpu.memref_slice %arg3[%dma_start3A_48, %dma_start3A_49] : memref<100352x16xf32, #tpu.memory_space<hbm>> -> memref<100352x16xf32, #tpu.memory_space<hbm>>
      tpu.enqueue_indirect_dma source(%dma_start3A_50 : memref<100352x16xf32, #tpu.memory_space<hbm>>) target(%arg9 : memref<512x16xf32, #tpu.memory_space<vmem>>) offsets(%dma_start3A_47 : memref<512xi32, #tpu.memory_space<vmem>>) semaphore(%arg16 : memref<!tpu.dma_semaphore, #tpu.memory_space<semaphore_mem>>)
      %add3A_51 = arith.constant 1 : i32
      %add3A_52 = arith.addi %mul3A_36, %add3A_51 : i32
      %mul3A_53 = arith.constant 32 : i32
      %mul3A_54 = arith.muli %mul3A_53, %add3A_52 : i32
      %add3A_55 = arith.addi %add3A, %mul3A_54 : i32
      %mul3A_56 = arith.constant 512 : i32
      %mul3A_57 = arith.muli %add3A_55, %mul3A_56 : i32
      %multiple_of3A_58 = tpu.assume_multiple %mul3A_57, 512 : i32
      %dma_wait3A_59 = arith.constant 0 : i32
      %dma_wait3A_60 = tpu.memref_slice %arg2[%dma_wait3A_59, %multiple_of3A_58] : memref<2x6400000xi32, #tpu.memory_space<hbm>> -> memref<2x512xi32, #tpu.memory_space<hbm>>
      %dma_wait3A_61 = arith.constant 0 : i32
      %dma_wait3A_62 = tpu.memref_slice %arg2[%dma_wait3A_61, %multiple_of3A_58] : memref<2x6400000xi32, #tpu.memory_space<hbm>> -> memref<2x512xi32, #tpu.memory_space<hbm>>
      tpu.wait_dma2 semaphore(%arg14 : memref<!tpu.dma_semaphore, #tpu.memory_space<semaphore_mem>>) src(%dma_wait3A_62 : memref<2x512xi32, #tpu.memory_space<hbm>>) dst(%arg7 : memref<2x512xi32, #tpu.memory_space<vmem>>)
      %dma_start3A_63 = arith.constant 0 : i32
      %dma_start3A_64 = arith.constant 0 : i32
      %dma_start3A_65 = tpu.memref_slice %arg7[%dma_start3A_63, %dma_start3A_64] : memref<2x512xi32, #tpu.memory_space<vmem>> -> memref<1x512xi32, #tpu.memory_space<vmem>>
      %dma_start3A_66 = tpu.memref_squeeze %dma_start3A_65 : memref<1x512xi32, #tpu.memory_space<vmem>> -> memref<512xi32, #tpu.memory_space<vmem>>
      %dma_start3A_67 = arith.constant 0 : i32
      %dma_start3A_68 = arith.constant 0 : i32
      %dma_start3A_69 = tpu.memref_slice %arg3[%dma_start3A_67, %dma_start3A_68] : memref<100352x16xf32, #tpu.memory_space<hbm>> -> memref<100352x16xf32, #tpu.memory_space<hbm>>
      tpu.enqueue_indirect_dma source(%dma_start3A_69 : memref<100352x16xf32, #tpu.memory_space<hbm>>) target(%arg10 : memref<512x16xf32, #tpu.memory_space<vmem>>) offsets(%dma_start3A_66 : memref<512xi32, #tpu.memory_space<vmem>>) semaphore(%arg17 : memref<!tpu.dma_semaphore, #tpu.memory_space<semaphore_mem>>)
      %dma_wait3A_70 = arith.constant 0 : i32
      %dma_wait3A_71 = arith.constant 0 : i32
      %dma_wait3A_72 = tpu.memref_slice %arg6[%dma_wait3A_70, %dma_wait3A_71] : memref<2x512xi32, #tpu.memory_space<vmem>> -> memref<1x512xi32, #tpu.memory_space<vmem>>
      %dma_wait3A_73 = tpu.memref_squeeze %dma_wait3A_72 : memref<1x512xi32, #tpu.memory_space<vmem>> -> memref<512xi32, #tpu.memory_space<vmem>>
      %dma_wait3A_74 = arith.constant 0 : i32
      %dma_wait3A_75 = arith.constant 0 : i32
      %dma_wait3A_76 = tpu.memref_slice %arg3[%dma_wait3A_74, %dma_wait3A_75] : memref<100352x16xf32, #tpu.memory_space<hbm>> -> memref<100352x16xf32, #tpu.memory_space<hbm>>
      tpu.wait_indirect_dma semaphore(%arg16 : memref<!tpu.dma_semaphore, #tpu.memory_space<semaphore_mem>>) src(%dma_wait3A_76 : memref<100352x16xf32, #tpu.memory_space<hbm>>) dst(%arg9 : memref<512x16xf32, #tpu.memory_space<vmem>>)
      %dma_start3A_77 = arith.constant 1 : i32
      %dma_start3A_78 = arith.constant 0 : i32
      %dma_start3A_79 = tpu.memref_slice %arg6[%dma_start3A_77, %dma_start3A_78] : memref<2x512xi32, #tpu.memory_space<vmem>> -> memref<1x512xi32, #tpu.memory_space<vmem>>
      %dma_start3A_80 = tpu.memref_squeeze %dma_start3A_79 : memref<1x512xi32, #tpu.memory_space<vmem>> -> memref<512xi32, #tpu.memory_space<vmem>>
      %dma_start3A_81 = arith.constant 0 : i32
      %dma_start3A_82 = arith.constant 0 : i32
      %dma_start3A_83 = tpu.memref_slice %arg12[%dma_start3A_81, %dma_start3A_82] : memref<100352x16xf32, #tpu.memory_space<vmem_shared>> -> memref<100352x16xf32, #tpu.memory_space<vmem_shared>>
      tpu.enqueue_indirect_dma source(%arg9 : memref<512x16xf32, #tpu.memory_space<vmem>>) target(%dma_start3A_83 : memref<100352x16xf32, #tpu.memory_space<vmem_shared>>) offsets(%dma_start3A_80 : memref<512xi32, #tpu.memory_space<vmem>>) semaphore(%arg19 : memref<!tpu.dma_semaphore, #tpu.memory_space<semaphore_mem>>) {add = true}
      %add3A_84 = arith.constant 2 : i32
      %add3A_85 = arith.addi %mul3A_36, %add3A_84 : i32
      %mul3A_86 = arith.constant 32 : i32
      %mul3A_87 = arith.muli %mul3A_86, %add3A_85 : i32
      %add3A_88 = arith.addi %add3A, %mul3A_87 : i32
      %mul3A_89 = arith.constant 512 : i32
      %mul3A_90 = arith.muli %add3A_88, %mul3A_89 : i32
      %multiple_of3A_91 = tpu.assume_multiple %mul3A_90, 512 : i32
      %dma_wait3A_92 = arith.constant 0 : i32
      %dma_wait3A_93 = tpu.memref_slice %arg2[%dma_wait3A_92, %multiple_of3A_91] : memref<2x6400000xi32, #tpu.memory_space<hbm>> -> memref<2x512xi32, #tpu.memory_space<hbm>>
      %dma_wait3A_94 = arith.constant 0 : i32
      %dma_wait3A_95 = tpu.memref_slice %arg2[%dma_wait3A_94, %multiple_of3A_91] : memref<2x6400000xi32, #tpu.memory_space<hbm>> -> memref<2x512xi32, #tpu.memory_space<hbm>>
      tpu.wait_dma2 semaphore(%arg15 : memref<!tpu.dma_semaphore, #tpu.memory_space<semaphore_mem>>) src(%dma_wait3A_95 : memref<2x512xi32, #tpu.memory_space<hbm>>) dst(%arg8 : memref<2x512xi32, #tpu.memory_space<vmem>>)
      %dma_start3A_96 = arith.constant 0 : i32
      %dma_start3A_97 = arith.constant 0 : i32
      %dma_start3A_98 = tpu.memref_slice %arg8[%dma_start3A_96, %dma_start3A_97] : memref<2x512xi32, #tpu.memory_space<vmem>> -> memref<1x512xi32, #tpu.memory_space<vmem>>
      %dma_start3A_99 = tpu.memref_squeeze %dma_start3A_98 : memref<1x512xi32, #tpu.memory_space<vmem>> -> memref<512xi32, #tpu.memory_space<vmem>>
      %dma_start3A_100 = arith.constant 0 : i32
      %dma_start3A_101 = arith.constant 0 : i32
      %dma_start3A_102 = tpu.memref_slice %arg3[%dma_start3A_100, %dma_start3A_101] : memref<100352x16xf32, #tpu.memory_space<hbm>> -> memref<100352x16xf32, #tpu.memory_space<hbm>>
      tpu.enqueue_indirect_dma source(%dma_start3A_102 : memref<100352x16xf32, #tpu.memory_space<hbm>>) target(%arg11 : memref<512x16xf32, #tpu.memory_space<vmem>>) offsets(%dma_start3A_99 : memref<512xi32, #tpu.memory_space<vmem>>) semaphore(%arg18 : memref<!tpu.dma_semaphore, #tpu.memory_space<semaphore_mem>>)
      %dma_wait3A_103 = arith.constant 0 : i32
      %dma_wait3A_104 = arith.constant 0 : i32
      %dma_wait3A_105 = tpu.memref_slice %arg7[%dma_wait3A_103, %dma_wait3A_104] : memref<2x512xi32, #tpu.memory_space<vmem>> -> memref<1x512xi32, #tpu.memory_space<vmem>>
      %dma_wait3A_106 = tpu.memref_squeeze %dma_wait3A_105 : memref<1x512xi32, #tpu.memory_space<vmem>> -> memref<512xi32, #tpu.memory_space<vmem>>
      %dma_wait3A_107 = arith.constant 0 : i32
      %dma_wait3A_108 = arith.constant 0 : i32
      %dma_wait3A_109 = tpu.memref_slice %arg3[%dma_wait3A_107, %dma_wait3A_108] : memref<100352x16xf32, #tpu.memory_space<hbm>> -> memref<100352x16xf32, #tpu.memory_space<hbm>>
      tpu.wait_indirect_dma semaphore(%arg17 : memref<!tpu.dma_semaphore, #tpu.memory_space<semaphore_mem>>) src(%dma_wait3A_109 : memref<100352x16xf32, #tpu.memory_space<hbm>>) dst(%arg10 : memref<512x16xf32, #tpu.memory_space<vmem>>)
      %dma_start3A_110 = arith.constant 1 : i32
      %dma_start3A_111 = arith.constant 0 : i32
      %dma_start3A_112 = tpu.memref_slice %arg7[%dma_start3A_110, %dma_start3A_111] : memref<2x512xi32, #tpu.memory_space<vmem>> -> memref<1x512xi32, #tpu.memory_space<vmem>>
      %dma_start3A_113 = tpu.memref_squeeze %dma_start3A_112 : memref<1x512xi32, #tpu.memory_space<vmem>> -> memref<512xi32, #tpu.memory_space<vmem>>
      %dma_start3A_114 = arith.constant 0 : i32
      %dma_start3A_115 = arith.constant 0 : i32
      %dma_start3A_116 = tpu.memref_slice %arg12[%dma_start3A_114, %dma_start3A_115] : memref<100352x16xf32, #tpu.memory_space<vmem_shared>> -> memref<100352x16xf32, #tpu.memory_space<vmem_shared>>
      tpu.enqueue_indirect_dma source(%arg10 : memref<512x16xf32, #tpu.memory_space<vmem>>) target(%dma_start3A_116 : memref<100352x16xf32, #tpu.memory_space<vmem_shared>>) offsets(%dma_start3A_113 : memref<512xi32, #tpu.memory_space<vmem>>) semaphore(%arg20 : memref<!tpu.dma_semaphore, #tpu.memory_space<semaphore_mem>>) {add = true}
      %dma_wait3A_117 = arith.constant 1 : i32
      %dma_wait3A_118 = arith.constant 0 : i32
      %dma_wait3A_119 = tpu.memref_slice %arg6[%dma_wait3A_117, %dma_wait3A_118] : memref<2x512xi32, #tpu.memory_space<vmem>> -> memref<1x512xi32, #tpu.memory_space<vmem>>
      %dma_wait3A_120 = tpu.memref_squeeze %dma_wait3A_119 : memref<1x512xi32, #tpu.memory_space<vmem>> -> memref<512xi32, #tpu.memory_space<vmem>>
      %dma_wait3A_121 = arith.constant 0 : i32
      %dma_wait3A_122 = arith.constant 0 : i32
      %dma_wait3A_123 = tpu.memref_slice %arg12[%dma_wait3A_121, %dma_wait3A_122] : memref<100352x16xf32, #tpu.memory_space<vmem_shared>> -> memref<100352x16xf32, #tpu.memory_space<vmem_shared>>
      tpu.wait_indirect_dma semaphore(%arg19 : memref<!tpu.dma_semaphore, #tpu.memory_space<semaphore_mem>>) src(%arg9 : memref<512x16xf32, #tpu.memory_space<vmem>>) dst(%dma_wait3A_123 : memref<100352x16xf32, #tpu.memory_space<vmem_shared>>)
      %add3A_124 = arith.constant 3 : i32
      %add3A_125 = arith.addi %mul3A_36, %add3A_124 : i32
      %lt3A_126 = arith.cmpi slt, %add3A_125, %add3A_3 : i32
      %convert_element_type3A_127 = arith.extui %lt3A_126 : i1 to i32
      %cond3A_128 = arith.constant 0 : i32
      %cond3A_129 = arith.cmpi ne, %convert_element_type3A_127, %cond3A_128 : i32
      scf.if %cond3A_129 {
        %mul3A_170 = arith.constant 32 : i32
        %mul3A_171 = arith.muli %mul3A_170, %add3A_125 : i32
        %add3A_172 = arith.addi %add3A, %mul3A_171 : i32
        %mul3A_173 = arith.constant 512 : i32
        %mul3A_174 = arith.muli %add3A_172, %mul3A_173 : i32
        %multiple_of3A_175 = tpu.assume_multiple %mul3A_174, 512 : i32
        %dma_start3A_176 = arith.constant 0 : i32
        %dma_start3A_177 = tpu.memref_slice %arg2[%dma_start3A_176, %multiple_of3A_175] : memref<2x6400000xi32, #tpu.memory_space<hbm>> -> memref<2x512xi32, #tpu.memory_space<hbm>>
        %dma_start3A_178 = arith.constant 0 : i32
        %dma_start3A_179 = tpu.memref_slice %arg2[%dma_start3A_178, %multiple_of3A_175] : memref<2x6400000xi32, #tpu.memory_space<hbm>> -> memref<2x512xi32, #tpu.memory_space<hbm>>
        tpu.enqueue_dma source(%dma_start3A_179 : memref<2x512xi32, #tpu.memory_space<hbm>>) target(%arg6 : memref<2x512xi32, #tpu.memory_space<vmem>>) target_semaphore(%arg13 : memref<!tpu.dma_semaphore, #tpu.memory_space<semaphore_mem>>)
      } else {
      }
      %dma_wait3A_130 = arith.constant 0 : i32
      %dma_wait3A_131 = arith.constant 0 : i32
      %dma_wait3A_132 = tpu.memref_slice %arg8[%dma_wait3A_130, %dma_wait3A_131] : memref<2x512xi32, #tpu.memory_space<vmem>> -> memref<1x512xi32, #tpu.memory_space<vmem>>
      %dma_wait3A_133 = tpu.memref_squeeze %dma_wait3A_132 : memref<1x512xi32, #tpu.memory_space<vmem>> -> memref<512xi32, #tpu.memory_space<vmem>>
      %dma_wait3A_134 = arith.constant 0 : i32
      %dma_wait3A_135 = arith.constant 0 : i32
      %dma_wait3A_136 = tpu.memref_slice %arg3[%dma_wait3A_134, %dma_wait3A_135] : memref<100352x16xf32, #tpu.memory_space<hbm>> -> memref<100352x16xf32, #tpu.memory_space<hbm>>
      tpu.wait_indirect_dma semaphore(%arg18 : memref<!tpu.dma_semaphore, #tpu.memory_space<semaphore_mem>>) src(%dma_wait3A_136 : memref<100352x16xf32, #tpu.memory_space<hbm>>) dst(%arg11 : memref<512x16xf32, #tpu.memory_space<vmem>>)
      %dma_start3A_137 = arith.constant 1 : i32
      %dma_start3A_138 = arith.constant 0 : i32
      %dma_start3A_139 = tpu.memref_slice %arg8[%dma_start3A_137, %dma_start3A_138] : memref<2x512xi32, #tpu.memory_space<vmem>> -> memref<1x512xi32, #tpu.memory_space<vmem>>
      %dma_start3A_140 = tpu.memref_squeeze %dma_start3A_139 : memref<1x512xi32, #tpu.memory_space<vmem>> -> memref<512xi32, #tpu.memory_space<vmem>>
      %dma_start3A_141 = arith.constant 0 : i32
      %dma_start3A_142 = arith.constant 0 : i32
      %dma_start3A_143 = tpu.memref_slice %arg12[%dma_start3A_141, %dma_start3A_142] : memref<100352x16xf32, #tpu.memory_space<vmem_shared>> -> memref<100352x16xf32, #tpu.memory_space<vmem_shared>>
      tpu.enqueue_indirect_dma source(%arg11 : memref<512x16xf32, #tpu.memory_space<vmem>>) target(%dma_start3A_143 : memref<100352x16xf32, #tpu.memory_space<vmem_shared>>) offsets(%dma_start3A_140 : memref<512xi32, #tpu.memory_space<vmem>>) semaphore(%arg21 : memref<!tpu.dma_semaphore, #tpu.memory_space<semaphore_mem>>) {add = true}
      %dma_wait3A_144 = arith.constant 1 : i32
      %dma_wait3A_145 = arith.constant 0 : i32
      %dma_wait3A_146 = tpu.memref_slice %arg7[%dma_wait3A_144, %dma_wait3A_145] : memref<2x512xi32, #tpu.memory_space<vmem>> -> memref<1x512xi32, #tpu.memory_space<vmem>>
      %dma_wait3A_147 = tpu.memref_squeeze %dma_wait3A_146 : memref<1x512xi32, #tpu.memory_space<vmem>> -> memref<512xi32, #tpu.memory_space<vmem>>
      %dma_wait3A_148 = arith.constant 0 : i32
      %dma_wait3A_149 = arith.constant 0 : i32
      %dma_wait3A_150 = tpu.memref_slice %arg12[%dma_wait3A_148, %dma_wait3A_149] : memref<100352x16xf32, #tpu.memory_space<vmem_shared>> -> memref<100352x16xf32, #tpu.memory_space<vmem_shared>>
      tpu.wait_indirect_dma semaphore(%arg20 : memref<!tpu.dma_semaphore, #tpu.memory_space<semaphore_mem>>) src(%arg10 : memref<512x16xf32, #tpu.memory_space<vmem>>) dst(%dma_wait3A_150 : memref<100352x16xf32, #tpu.memory_space<vmem_shared>>)
      %add3A_151 = arith.constant 4 : i32
      %add3A_152 = arith.addi %mul3A_36, %add3A_151 : i32
      %lt3A_153 = arith.cmpi slt, %add3A_152, %add3A_3 : i32
      %convert_element_type3A_154 = arith.extui %lt3A_153 : i1 to i32
      %cond3A_155 = arith.constant 0 : i32
      %cond3A_156 = arith.cmpi ne, %convert_element_type3A_154, %cond3A_155 : i32
      scf.if %cond3A_156 {
        %mul3A_170 = arith.constant 32 : i32
        %mul3A_171 = arith.muli %mul3A_170, %add3A_152 : i32
        %add3A_172 = arith.addi %add3A, %mul3A_171 : i32
        %mul3A_173 = arith.constant 512 : i32
        %mul3A_174 = arith.muli %add3A_172, %mul3A_173 : i32
        %multiple_of3A_175 = tpu.assume_multiple %mul3A_174, 512 : i32
        %dma_start3A_176 = arith.constant 0 : i32
        %dma_start3A_177 = tpu.memref_slice %arg2[%dma_start3A_176, %multiple_of3A_175] : memref<2x6400000xi32, #tpu.memory_space<hbm>> -> memref<2x512xi32, #tpu.memory_space<hbm>>
        %dma_start3A_178 = arith.constant 0 : i32
        %dma_start3A_179 = tpu.memref_slice %arg2[%dma_start3A_178, %multiple_of3A_175] : memref<2x6400000xi32, #tpu.memory_space<hbm>> -> memref<2x512xi32, #tpu.memory_space<hbm>>
        tpu.enqueue_dma source(%dma_start3A_179 : memref<2x512xi32, #tpu.memory_space<hbm>>) target(%arg7 : memref<2x512xi32, #tpu.memory_space<vmem>>) target_semaphore(%arg14 : memref<!tpu.dma_semaphore, #tpu.memory_space<semaphore_mem>>)
      } else {
      }
      %dma_wait3A_157 = arith.constant 1 : i32
      %dma_wait3A_158 = arith.constant 0 : i32
      %dma_wait3A_159 = tpu.memref_slice %arg8[%dma_wait3A_157, %dma_wait3A_158] : memref<2x512xi32, #tpu.memory_space<vmem>> -> memref<1x512xi32, #tpu.memory_space<vmem>>
      %dma_wait3A_160 = tpu.memref_squeeze %dma_wait3A_159 : memref<1x512xi32, #tpu.memory_space<vmem>> -> memref<512xi32, #tpu.memory_space<vmem>>
      %dma_wait3A_161 = arith.constant 0 : i32
      %dma_wait3A_162 = arith.constant 0 : i32
      %dma_wait3A_163 = tpu.memref_slice %arg12[%dma_wait3A_161, %dma_wait3A_162] : memref<100352x16xf32, #tpu.memory_space<vmem_shared>> -> memref<100352x16xf32, #tpu.memory_space<vmem_shared>>
      tpu.wait_indirect_dma semaphore(%arg21 : memref<!tpu.dma_semaphore, #tpu.memory_space<semaphore_mem>>) src(%arg11 : memref<512x16xf32, #tpu.memory_space<vmem>>) dst(%dma_wait3A_163 : memref<100352x16xf32, #tpu.memory_space<vmem_shared>>)
      %add3A_164 = arith.constant 5 : i32
      %add3A_165 = arith.addi %mul3A_36, %add3A_164 : i32
      %lt3A_166 = arith.cmpi slt, %add3A_165, %add3A_3 : i32
      %convert_element_type3A_167 = arith.extui %lt3A_166 : i1 to i32
      %cond3A_168 = arith.constant 0 : i32
      %cond3A_169 = arith.cmpi ne, %convert_element_type3A_167, %cond3A_168 : i32
      scf.if %cond3A_169 {
        %mul3A_170 = arith.constant 32 : i32
        %mul3A_171 = arith.muli %mul3A_170, %add3A_165 : i32
        %add3A_172 = arith.addi %add3A, %mul3A_171 : i32
        %mul3A_173 = arith.constant 512 : i32
        %mul3A_174 = arith.muli %add3A_172, %mul3A_173 : i32
        %multiple_of3A_175 = tpu.assume_multiple %mul3A_174, 512 : i32
        %dma_start3A_176 = arith.constant 0 : i32
        %dma_start3A_177 = tpu.memref_slice %arg2[%dma_start3A_176, %multiple_of3A_175] : memref<2x6400000xi32, #tpu.memory_space<hbm>> -> memref<2x512xi32, #tpu.memory_space<hbm>>
        %dma_start3A_178 = arith.constant 0 : i32
        %dma_start3A_179 = tpu.memref_slice %arg2[%dma_start3A_178, %multiple_of3A_175] : memref<2x6400000xi32, #tpu.memory_space<hbm>> -> memref<2x512xi32, #tpu.memory_space<hbm>>
        tpu.enqueue_dma source(%dma_start3A_179 : memref<2x512xi32, #tpu.memory_space<hbm>>) target(%arg8 : memref<2x512xi32, #tpu.memory_space<vmem>>) target_semaphore(%arg15 : memref<!tpu.dma_semaphore, #tpu.memory_space<semaphore_mem>>)
      } else {
      }
    }
    %scan3A_23 = arith.constant 130 : i32
    %lt3A_24 = arith.constant 20 : i32
    %lt3A_25 = arith.cmpi slt, %add3A, %lt3A_24 : i32
    %convert_element_type3A_26 = arith.extui %lt3A_25 : i1 to i32
    %cond3A_27 = arith.constant 0 : i32
    %cond3A_28 = arith.cmpi ne, %convert_element_type3A_26, %cond3A_27 : i32
    scf.if %cond3A_28 {
      %add3A_34 = arith.constant 12480 : i32
      %add3A_35 = arith.addi %add3A, %add3A_34 : i32
      %mul3A_36 = arith.constant 512 : i32
      %mul3A_37 = arith.muli %add3A_35, %mul3A_36 : i32
      %multiple_of3A = tpu.assume_multiple %mul3A_37, 512 : i32
      %dma_wait3A = arith.constant 0 : i32
      %dma_wait3A_38 = tpu.memref_slice %arg2[%dma_wait3A, %multiple_of3A] : memref<2x6400000xi32, #tpu.memory_space<hbm>> -> memref<2x512xi32, #tpu.memory_space<hbm>>
      %dma_wait3A_39 = arith.constant 0 : i32
      %dma_wait3A_40 = tpu.memref_slice %arg2[%dma_wait3A_39, %multiple_of3A] : memref<2x6400000xi32, #tpu.memory_space<hbm>> -> memref<2x512xi32, #tpu.memory_space<hbm>>
      tpu.wait_dma2 semaphore(%arg13 : memref<!tpu.dma_semaphore, #tpu.memory_space<semaphore_mem>>) src(%dma_wait3A_40 : memref<2x512xi32, #tpu.memory_space<hbm>>) dst(%arg6 : memref<2x512xi32, #tpu.memory_space<vmem>>)
      %dma_start3A = arith.constant 0 : i32
      %dma_start3A_41 = arith.constant 0 : i32
      %dma_start3A_42 = tpu.memref_slice %arg6[%dma_start3A, %dma_start3A_41] : memref<2x512xi32, #tpu.memory_space<vmem>> -> memref<1x512xi32, #tpu.memory_space<vmem>>
      %dma_start3A_43 = tpu.memref_squeeze %dma_start3A_42 : memref<1x512xi32, #tpu.memory_space<vmem>> -> memref<512xi32, #tpu.memory_space<vmem>>
      %dma_start3A_44 = arith.constant 0 : i32
      %dma_start3A_45 = arith.constant 0 : i32
      %dma_start3A_46 = tpu.memref_slice %arg3[%dma_start3A_44, %dma_start3A_45] : memref<100352x16xf32, #tpu.memory_space<hbm>> -> memref<100352x16xf32, #tpu.memory_space<hbm>>
      tpu.enqueue_indirect_dma source(%dma_start3A_46 : memref<100352x16xf32, #tpu.memory_space<hbm>>) target(%arg9 : memref<512x16xf32, #tpu.memory_space<vmem>>) offsets(%dma_start3A_43 : memref<512xi32, #tpu.memory_space<vmem>>) semaphore(%arg16 : memref<!tpu.dma_semaphore, #tpu.memory_space<semaphore_mem>>)
      %dma_wait3A_47 = arith.constant 0 : i32
      %dma_wait3A_48 = arith.constant 0 : i32
      %dma_wait3A_49 = tpu.memref_slice %arg6[%dma_wait3A_47, %dma_wait3A_48] : memref<2x512xi32, #tpu.memory_space<vmem>> -> memref<1x512xi32, #tpu.memory_space<vmem>>
      %dma_wait3A_50 = tpu.memref_squeeze %dma_wait3A_49 : memref<1x512xi32, #tpu.memory_space<vmem>> -> memref<512xi32, #tpu.memory_space<vmem>>
      %dma_wait3A_51 = arith.constant 0 : i32
      %dma_wait3A_52 = arith.constant 0 : i32
      %dma_wait3A_53 = tpu.memref_slice %arg3[%dma_wait3A_51, %dma_wait3A_52] : memref<100352x16xf32, #tpu.memory_space<hbm>> -> memref<100352x16xf32, #tpu.memory_space<hbm>>
      tpu.wait_indirect_dma semaphore(%arg16 : memref<!tpu.dma_semaphore, #tpu.memory_space<semaphore_mem>>) src(%dma_wait3A_53 : memref<100352x16xf32, #tpu.memory_space<hbm>>) dst(%arg9 : memref<512x16xf32, #tpu.memory_space<vmem>>)
      %dma_start3A_54 = arith.constant 1 : i32
      %dma_start3A_55 = arith.constant 0 : i32
      %dma_start3A_56 = tpu.memref_slice %arg6[%dma_start3A_54, %dma_start3A_55] : memref<2x512xi32, #tpu.memory_space<vmem>> -> memref<1x512xi32, #tpu.memory_space<vmem>>
      %dma_start3A_57 = tpu.memref_squeeze %dma_start3A_56 : memref<1x512xi32, #tpu.memory_space<vmem>> -> memref<512xi32, #tpu.memory_space<vmem>>
      %dma_start3A_58 = arith.constant 0 : i32
      %dma_start3A_59 = arith.constant 0 : i32
      %dma_start3A_60 = tpu.memref_slice %arg12[%dma_start3A_58, %dma_start3A_59] : memref<100352x16xf32, #tpu.memory_space<vmem_shared>> -> memref<100352x16xf32, #tpu.memory_space<vmem_shared>>
      tpu.enqueue_indirect_dma source(%arg9 : memref<512x16xf32, #tpu.memory_space<vmem>>) target(%dma_start3A_60 : memref<100352x16xf32, #tpu.memory_space<vmem_shared>>) offsets(%dma_start3A_57 : memref<512xi32, #tpu.memory_space<vmem>>) semaphore(%arg19 : memref<!tpu.dma_semaphore, #tpu.memory_space<semaphore_mem>>) {add = true}
      %dma_wait3A_61 = arith.constant 1 : i32
      %dma_wait3A_62 = arith.constant 0 : i32
      %dma_wait3A_63 = tpu.memref_slice %arg6[%dma_wait3A_61, %dma_wait3A_62] : memref<2x512xi32, #tpu.memory_space<vmem>> -> memref<1x512xi32, #tpu.memory_space<vmem>>
      %dma_wait3A_64 = tpu.memref_squeeze %dma_wait3A_63 : memref<1x512xi32, #tpu.memory_space<vmem>> -> memref<512xi32, #tpu.memory_space<vmem>>
      %dma_wait3A_65 = arith.constant 0 : i32
      %dma_wait3A_66 = arith.constant 0 : i32
      %dma_wait3A_67 = tpu.memref_slice %arg12[%dma_wait3A_65, %dma_wait3A_66] : memref<100352x16xf32, #tpu.memory_space<vmem_shared>> -> memref<100352x16xf32, #tpu.memory_space<vmem_shared>>
      tpu.wait_indirect_dma semaphore(%arg19 : memref<!tpu.dma_semaphore, #tpu.memory_space<semaphore_mem>>) src(%arg9 : memref<512x16xf32, #tpu.memory_space<vmem>>) dst(%dma_wait3A_67 : memref<100352x16xf32, #tpu.memory_space<vmem_shared>>)
    } else {
    }
    %barrier3A_29 = arith.constant 0 : index
    tpu.barrier barrier_id(%barrier3A_29)
    %mul3A_30 = arith.constant 6272 : i32
    %mul3A_31 = arith.muli %arg1, %mul3A_30 : i32
    %mul3A_32 = arith.constant 6272 : i32
    %mul3A_33 = arith.muli %arg1, %mul3A_32 : i32
    "tpu.region"() ({
      %run_scoped3A = tpu.sem_alloc : memref<!tpu.dma_semaphore, #tpu.memory_space<semaphore_mem>>
      %dma_start3A = arith.constant 0 : i32
      %dma_start3A_34 = arith.constant 0 : i32
      %dma_start3A_35 = tpu.memref_slice %arg5[%arg0, %dma_start3A, %dma_start3A_34] : memref<2x100352x16xf32, #tpu.memory_space<hbm>> -> memref<1x100352x16xf32, #tpu.memory_space<hbm>>
      %dma_start3A_36 = tpu.memref_squeeze %dma_start3A_35 : memref<1x100352x16xf32, #tpu.memory_space<hbm>> -> memref<100352x16xf32, #tpu.memory_space<hbm>>
      %dma_start3A_37 = arith.constant 0 : i32
      %dma_start3A_38 = tpu.memref_slice %dma_start3A_36[%mul3A_33, %dma_start3A_37] : memref<100352x16xf32, #tpu.memory_space<hbm>> -> memref<6272x16xf32, #tpu.memory_space<hbm>>
      %dma_start3A_39 = arith.constant 0 : i32
      %dma_start3A_40 = tpu.memref_slice %arg12[%mul3A_31, %dma_start3A_39] : memref<100352x16xf32, #tpu.memory_space<vmem_shared>> -> memref<6272x16xf32, #tpu.memory_space<vmem_shared>>
      tpu.enqueue_dma source(%dma_start3A_40 : memref<6272x16xf32, #tpu.memory_space<vmem_shared>>) target(%dma_start3A_38 : memref<6272x16xf32, #tpu.memory_space<hbm>>) target_semaphore(%run_scoped3A : memref<!tpu.dma_semaphore, #tpu.memory_space<semaphore_mem>>)
      %dma_wait3A = arith.constant 0 : i32
      %dma_wait3A_41 = arith.constant 0 : i32
      %dma_wait3A_42 = tpu.memref_slice %arg5[%arg0, %dma_wait3A, %dma_wait3A_41] : memref<2x100352x16xf32, #tpu.memory_space<hbm>> -> memref<1x100352x16xf32, #tpu.memory_space<hbm>>
      %dma_wait3A_43 = tpu.memref_squeeze %dma_wait3A_42 : memref<1x100352x16xf32, #tpu.memory_space<hbm>> -> memref<100352x16xf32, #tpu.memory_space<hbm>>
      %dma_wait3A_44 = arith.constant 0 : i32
      %dma_wait3A_45 = tpu.memref_slice %dma_wait3A_43[%mul3A_33, %dma_wait3A_44] : memref<100352x16xf32, #tpu.memory_space<hbm>> -> memref<6272x16xf32, #tpu.memory_space<hbm>>
      %dma_wait3A_46 = arith.constant 0 : i32
      %dma_wait3A_47 = tpu.memref_slice %arg12[%mul3A_31, %dma_wait3A_46] : memref<100352x16xf32, #tpu.memory_space<vmem_shared>> -> memref<6272x16xf32, #tpu.memory_space<vmem_shared>>
      tpu.wait_dma2 semaphore(%run_scoped3A : memref<!tpu.dma_semaphore, #tpu.memory_space<semaphore_mem>>) src(%dma_wait3A_47 : memref<6272x16xf32, #tpu.memory_space<vmem_shared>>) dst(%dma_wait3A_45 : memref<6272x16xf32, #tpu.memory_space<hbm>>)
      tpu.yield
    }) : () -> ()
    return
  }
}

module attributes {stable_mosaic.version = 14 : i64} {
  func.func @_tcA_kernel(%arg0: i32, %arg1: memref<2000x2xf32, #tpu.memory_space<vmem>>, %arg2: memref<2000x10xf32, #tpu.memory_space<vmem>>, %arg3: memref<2000x1xf32, #tpu.memory_space<vmem>>, %arg4: memref<2000x16xf32, #tpu.memory_space<vmem>>) attributes {dimension_semantics = [#tpu.dimension_semantics<arbitrary>], iteration_bounds = array<i64: 50>, scalar_prefetch = 0 : i64, scratch_operands = 0 : i64, tpu.core_type = #tpu.core_type<tc>, window_params = [{transform_indices = @transform_0, window_bounds = array<i64: 2000, 2>}, {transform_indices = @transform_1, window_bounds = array<i64: 2000, 10>}, {transform_indices = @transform_2, window_bounds = array<i64: 2000, 1>}, {transform_indices = @transform_3, window_bounds = array<i64: 2000, 16>}]} {
    %get3A = arith.constant 0 : index
    %get3A_0 = arith.constant 0 : index
    %get3A_1 = vector.load %arg1[%get3A, %get3A_0] : memref<2000x2xf32, #tpu.memory_space<vmem>>, vector<2000x1xf32>
    %get3A_2 = arith.constant 0 : index
    %get3A_3 = arith.constant 1 : index
    %get3A_4 = vector.load %arg1[%get3A_2, %get3A_3] : memref<2000x2xf32, #tpu.memory_space<vmem>>, vector<2000x1xf32>
    %add3A = arith.addf %get3A_1, %get3A_4 : vector<2000x1xf32>
    %add3A_5 = arith.constant 1.000000e+00 : f32
    %add3A_6 = vector.broadcast %add3A_5 : f32 to vector<2000x1xf32>
    %add3A_7 = arith.addf %add3A, %add3A_6 : vector<2000x1xf32>
    %rsqrt3A = math.rsqrt %add3A_7 : vector<2000x1xf32>
    %swap3A = arith.constant 0 : index
    %swap3A_8 = arith.constant 0 : index
    %swap3A_9 = vector.load %arg3[%swap3A, %swap3A_8] : memref<2000x1xf32, #tpu.memory_space<vmem>>, vector<2000x1xf32>
    tpu.vector_store %arg3[%swap3A, %swap3A_8], %rsqrt3A {strides = array<i32>} : memref<2000x1xf32, #tpu.memory_space<vmem>>, vector<2000x1xf32>,
    %get3A_10 = arith.constant 0 : index
    %get3A_11 = arith.constant 0 : index
    %get3A_12 = vector.load %arg2[%get3A_10, %get3A_11] : memref<2000x10xf32, #tpu.memory_space<vmem>>, vector<2000x10xf32>
    %mul3A = vector.broadcast %rsqrt3A : vector<2000x1xf32> to vector<2000x10xf32>
    %mul3A_13 = arith.mulf %get3A_12, %mul3A : vector<2000x10xf32>
    %broadcast_in_dim3A = arith.constant 0.000000e+00 : f32
    %broadcast_in_dim3A_14 = vector.broadcast %broadcast_in_dim3A : f32 to vector<2000x6xf32>
    %concatenate3A = tpu.concatenate %mul3A_13, %broadcast_in_dim3A_14 in 1 : vector<2000x10xf32>, vector<2000x6xf32> -> vector<2000x16xf32>
    %swap3A_15 = arith.constant 0 : index
    %swap3A_16 = arith.constant 0 : index
    %swap3A_17 = vector.load %arg4[%swap3A_15, %swap3A_16] : memref<2000x16xf32, #tpu.memory_space<vmem>>, vector<2000x16xf32>
    tpu.vector_store %arg4[%swap3A_15, %swap3A_16], %concatenate3A {strides = array<i32>} : memref<2000x16xf32, #tpu.memory_space<vmem>>, vector<2000x16xf32>,
    return
  }
  func.func @transform_0(%arg0: i32) -> (i32, i32) {
    %c0_i32 = arith.constant 0 : i32
    %c0_i32_0 = arith.constant 0 : i32
    return %arg0, %c0_i32 : i32, i32
  }
  func.func @transform_1(%arg0: i32) -> (i32, i32) {
    %c0_i32 = arith.constant 0 : i32
    %c0_i32_0 = arith.constant 0 : i32
    return %arg0, %c0_i32 : i32, i32
  }
  func.func @transform_2(%arg0: i32) -> (i32, i32) {
    %c0_i32 = arith.constant 0 : i32
    %c0_i32_0 = arith.constant 0 : i32
    return %arg0, %c0_i32 : i32, i32
  }
  func.func @transform_3(%arg0: i32) -> (i32, i32) {
    %c0_i32 = arith.constant 0 : i32
    %c0_i32_0 = arith.constant 0 : i32
    return %arg0, %c0_i32 : i32, i32
  }
}

module attributes {stable_mosaic.version = 14 : i64} {
  func.func @_tcB_kernel(%arg0: i32, %arg1: memref<2x2000x16xf32, #tpu.memory_space<vmem>>, %arg2: memref<2000x16xf32, #tpu.memory_space<vmem>>, %arg3: memref<2000x1xf32, #tpu.memory_space<vmem>>, %arg4: memref<16x64xf32, #tpu.memory_space<vmem>>, %arg5: memref<1x64xf32, #tpu.memory_space<vmem>>, %arg6: memref<64x64xf32, #tpu.memory_space<vmem>>, %arg7: memref<4x2000x16xf32, #tpu.memory_space<vmem>>) attributes {dimension_semantics = [#tpu.dimension_semantics<arbitrary>], iteration_bounds = array<i64: 50>, scalar_prefetch = 0 : i64, scratch_operands = 0 : i64, tpu.core_type = #tpu.core_type<tc>, window_params = [{transform_indices = @transform_0, window_bounds = array<i64: 2, 2000, 16>}, {transform_indices = @transform_1, window_bounds = array<i64: 2000, 16>}, {transform_indices = @transform_2, window_bounds = array<i64: 2000, 1>}, {pipeline_mode = #tpu.pipeline_mode<synchronous>, transform_indices = @transform_3, window_bounds = array<i64: 16, 64>}, {pipeline_mode = #tpu.pipeline_mode<synchronous>, transform_indices = @transform_4, window_bounds = array<i64: 1, 64>}, {pipeline_mode = #tpu.pipeline_mode<synchronous>, transform_indices = @transform_5, window_bounds = array<i64: 64, 64>}, {transform_indices = @transform_6, window_bounds = array<i64: 4, 2000, 16>}]} {
    %get3A = arith.constant 0 : index
    %get3A_0 = arith.constant 0 : index
    %get3A_1 = vector.load %arg3[%get3A, %get3A_0] : memref<2000x1xf32, #tpu.memory_space<vmem>>, vector<2000x1xf32>
    %get3A_2 = arith.constant 0 : index
    %get3A_3 = arith.constant 0 : index
    %get3A_4 = arith.constant 0 : index
    %get3A_5 = vector.load %arg1[%get3A_2, %get3A_3, %get3A_4] : memref<2x2000x16xf32, #tpu.memory_space<vmem>>, vector<1x2000x16xf32>
    %get3A_6 = vector.shape_cast %get3A_5 : vector<1x2000x16xf32> to vector<2000x16xf32>
    %get3A_7 = arith.constant 1 : index
    %get3A_8 = arith.constant 0 : index
    %get3A_9 = arith.constant 0 : index
    %get3A_10 = vector.load %arg1[%get3A_7, %get3A_8, %get3A_9] : memref<2x2000x16xf32, #tpu.memory_space<vmem>>, vector<1x2000x16xf32>
    %get3A_11 = vector.shape_cast %get3A_10 : vector<1x2000x16xf32> to vector<2000x16xf32>
    %add3A = arith.addf %get3A_6, %get3A_11 : vector<2000x16xf32>
    %get3A_12 = arith.constant 0 : index
    %get3A_13 = arith.constant 0 : index
    %get3A_14 = vector.load %arg2[%get3A_12, %get3A_13] : memref<2000x16xf32, #tpu.memory_space<vmem>>, vector<2000x16xf32>
    %add3A_15 = arith.addf %add3A, %get3A_14 : vector<2000x16xf32>
    %get3A_16 = arith.constant 0 : index
    %get3A_17 = arith.constant 0 : index
    %get3A_18 = vector.load %arg4[%get3A_16, %get3A_17] : memref<16x64xf32, #tpu.memory_space<vmem>>, vector<16x64xf32>
    %dot_general3A = arith.constant dense<0.000000e+00> : vector<2000x64xf32>
    %dot_general3A_19 = tpu.matmul %add3A_15, %get3A_18, %dot_general3A {dimension_numbers = #tpu.dot_dimension_numbers<[1], [0], [0], [1], [0, 0, 1, 1], [], []>, transpose_lhs_hint = false} : vector<2000x16xf32>, vector<16x64xf32>, vector<2000x64xf32> -> vector<2000x64xf32>
    %mul3A = vector.broadcast %get3A_1 : vector<2000x1xf32> to vector<2000x64xf32>
    %mul3A_20 = arith.mulf %dot_general3A_19, %mul3A : vector<2000x64xf32>
    %get3A_21 = arith.constant 0 : index
    %get3A_22 = arith.constant 0 : index
    %get3A_23 = vector.load %arg5[%get3A_21, %get3A_22] : memref<1x64xf32, #tpu.memory_space<vmem>>, vector<1x64xf32>
    %add3A_24 = vector.broadcast %get3A_23 : vector<1x64xf32> to vector<2000x64xf32>
    %add3A_25 = arith.addf %mul3A_20, %add3A_24 : vector<2000x64xf32>
    %max3A = arith.constant 0.000000e+00 : f32
    %max3A_26 = vector.broadcast %max3A : f32 to vector<2000x64xf32>
    %max3A_27 = arith.maximumf %add3A_25, %max3A_26 : vector<2000x64xf32>
    %get3A_28 = arith.constant 0 : index
    %get3A_29 = arith.constant 0 : index
    %get3A_30 = vector.load %arg6[%get3A_28, %get3A_29] : memref<64x64xf32, #tpu.memory_space<vmem>>, vector<64x64xf32>
    %dot_general3A_31 = arith.constant dense<0.000000e+00> : vector<2000x64xf32>
    %dot_general3A_32 = tpu.matmul %max3A_27, %get3A_30, %dot_general3A_31 {dimension_numbers = #tpu.dot_dimension_numbers<[1], [0], [0], [1], [0, 0, 1, 1], [], []>, transpose_lhs_hint = false} : vector<2000x64xf32>, vector<64x64xf32>, vector<2000x64xf32> -> vector<2000x64xf32>
    %slice3A = vector.extract_strided_slice %dot_general3A_32 {offsets = [0, 0], sizes = [2000, 16], strides = [1, 1]} : vector<2000x64xf32> to vector<2000x16xf32>
    %mul3A_33 = vector.broadcast %get3A_1 : vector<2000x1xf32> to vector<2000x16xf32>
    %mul3A_34 = arith.mulf %slice3A, %mul3A_33 : vector<2000x16xf32>
    %swap3A = arith.constant 0 : index
    %swap3A_35 = arith.constant 0 : index
    %swap3A_36 = arith.constant 0 : index
    %swap3A_37 = vector.load %arg7[%swap3A, %swap3A_35, %swap3A_36] : memref<4x2000x16xf32, #tpu.memory_space<vmem>>, vector<1x2000x16xf32>
    %swap3A_38 = vector.shape_cast %swap3A_37 : vector<1x2000x16xf32> to vector<2000x16xf32>
    %swap3A_39 = vector.shape_cast %mul3A_34 : vector<2000x16xf32> to vector<1x2000x16xf32>
    tpu.vector_store %arg7[%swap3A, %swap3A_35, %swap3A_36], %swap3A_39 {strides = array<i32>} : memref<4x2000x16xf32, #tpu.memory_space<vmem>>, vector<1x2000x16xf32>,
    %slice3A_40 = vector.extract_strided_slice %dot_general3A_32 {offsets = [0, 16], sizes = [2000, 16], strides = [1, 1]} : vector<2000x64xf32> to vector<2000x16xf32>
    %mul3A_41 = vector.broadcast %get3A_1 : vector<2000x1xf32> to vector<2000x16xf32>
    %mul3A_42 = arith.mulf %slice3A_40, %mul3A_41 : vector<2000x16xf32>
    %swap3A_43 = arith.constant 1 : index
    %swap3A_44 = arith.constant 0 : index
    %swap3A_45 = arith.constant 0 : index
    %swap3A_46 = vector.load %arg7[%swap3A_43, %swap3A_44, %swap3A_45] : memref<4x2000x16xf32, #tpu.memory_space<vmem>>, vector<1x2000x16xf32>
    %swap3A_47 = vector.shape_cast %swap3A_46 : vector<1x2000x16xf32> to vector<2000x16xf32>
    %swap3A_48 = vector.shape_cast %mul3A_42 : vector<2000x16xf32> to vector<1x2000x16xf32>
    tpu.vector_store %arg7[%swap3A_43, %swap3A_44, %swap3A_45], %swap3A_48 {strides = array<i32>} : memref<4x2000x16xf32, #tpu.memory_space<vmem>>, vector<1x2000x16xf32>,
    %slice3A_49 = vector.extract_strided_slice %dot_general3A_32 {offsets = [0, 32], sizes = [2000, 16], strides = [1, 1]} : vector<2000x64xf32> to vector<2000x16xf32>
    %mul3A_50 = vector.broadcast %get3A_1 : vector<2000x1xf32> to vector<2000x16xf32>
    %mul3A_51 = arith.mulf %slice3A_49, %mul3A_50 : vector<2000x16xf32>
    %swap3A_52 = arith.constant 2 : index
    %swap3A_53 = arith.constant 0 : index
    %swap3A_54 = arith.constant 0 : index
    %swap3A_55 = vector.load %arg7[%swap3A_52, %swap3A_53, %swap3A_54] : memref<4x2000x16xf32, #tpu.memory_space<vmem>>, vector<1x2000x16xf32>
    %swap3A_56 = vector.shape_cast %swap3A_55 : vector<1x2000x16xf32> to vector<2000x16xf32>
    %swap3A_57 = vector.shape_cast %mul3A_51 : vector<2000x16xf32> to vector<1x2000x16xf32>
    tpu.vector_store %arg7[%swap3A_52, %swap3A_53, %swap3A_54], %swap3A_57 {strides = array<i32>} : memref<4x2000x16xf32, #tpu.memory_space<vmem>>, vector<1x2000x16xf32>,
    %slice3A_58 = vector.extract_strided_slice %dot_general3A_32 {offsets = [0, 48], sizes = [2000, 16], strides = [1, 1]} : vector<2000x64xf32> to vector<2000x16xf32>
    %mul3A_59 = vector.broadcast %get3A_1 : vector<2000x1xf32> to vector<2000x16xf32>
    %mul3A_60 = arith.mulf %slice3A_58, %mul3A_59 : vector<2000x16xf32>
    %swap3A_61 = arith.constant 3 : index
    %swap3A_62 = arith.constant 0 : index
    %swap3A_63 = arith.constant 0 : index
    %swap3A_64 = vector.load %arg7[%swap3A_61, %swap3A_62, %swap3A_63] : memref<4x2000x16xf32, #tpu.memory_space<vmem>>, vector<1x2000x16xf32>
    %swap3A_65 = vector.shape_cast %swap3A_64 : vector<1x2000x16xf32> to vector<2000x16xf32>
    %swap3A_66 = vector.shape_cast %mul3A_60 : vector<2000x16xf32> to vector<1x2000x16xf32>
    tpu.vector_store %arg7[%swap3A_61, %swap3A_62, %swap3A_63], %swap3A_66 {strides = array<i32>} : memref<4x2000x16xf32, #tpu.memory_space<vmem>>, vector<1x2000x16xf32>,
    return
  }
  func.func @transform_0(%arg0: i32) -> (i32, i32, i32) {
    %c0_i32 = arith.constant 0 : i32
    %c0_i32_0 = arith.constant 0 : i32
    %c0_i32_1 = arith.constant 0 : i32
    return %c0_i32, %arg0, %c0_i32_0 : i32, i32, i32
  }
  func.func @transform_1(%arg0: i32) -> (i32, i32) {
    %c0_i32 = arith.constant 0 : i32
    %c0_i32_0 = arith.constant 0 : i32
    return %arg0, %c0_i32 : i32, i32
  }
  func.func @transform_2(%arg0: i32) -> (i32, i32) {
    %c0_i32 = arith.constant 0 : i32
    %c0_i32_0 = arith.constant 0 : i32
    return %arg0, %c0_i32 : i32, i32
  }
  func.func @transform_3(%arg0: i32) -> (i32, i32) {
    %c0_i32 = arith.constant 0 : i32
    %c0_i32_0 = arith.constant 0 : i32
    %c0_i32_1 = arith.constant 0 : i32
    return %c0_i32, %c0_i32_0 : i32, i32
  }
  func.func @transform_4(%arg0: i32) -> (i32, i32) {
    %c0_i32 = arith.constant 0 : i32
    %c0_i32_0 = arith.constant 0 : i32
    %c0_i32_1 = arith.constant 0 : i32
    return %c0_i32, %c0_i32_0 : i32, i32
  }
  func.func @transform_5(%arg0: i32) -> (i32, i32) {
    %c0_i32 = arith.constant 0 : i32
    %c0_i32_0 = arith.constant 0 : i32
    %c0_i32_1 = arith.constant 0 : i32
    return %c0_i32, %c0_i32_0 : i32, i32
  }
  func.func @transform_6(%arg0: i32) -> (i32, i32, i32) {
    %c0_i32 = arith.constant 0 : i32
    %c0_i32_0 = arith.constant 0 : i32
    %c0_i32_1 = arith.constant 0 : i32
    return %c0_i32, %arg0, %c0_i32_0 : i32, i32, i32
  }
}

module attributes {stable_mosaic.version = 14 : i64} {
  func.func @_tcC_kernel(%arg0: i32, %arg1: memref<4x2000x16xf32, #tpu.memory_space<vmem>>, %arg2: memref<4x2000x16xf32, #tpu.memory_space<vmem>>, %arg3: memref<2000x1xf32, #tpu.memory_space<vmem>>, %arg4: memref<1x64xf32, #tpu.memory_space<vmem>>, %arg5: memref<64x4xf32, #tpu.memory_space<vmem>>, %arg6: memref<2000x16xf32, #tpu.memory_space<vmem>>) attributes {dimension_semantics = [#tpu.dimension_semantics<arbitrary>], iteration_bounds = array<i64: 50>, scalar_prefetch = 0 : i64, scratch_operands = 0 : i64, tpu.core_type = #tpu.core_type<tc>, window_params = [{transform_indices = @transform_0, window_bounds = array<i64: 4, 2000, 16>}, {transform_indices = @transform_1, window_bounds = array<i64: 4, 2000, 16>}, {transform_indices = @transform_2, window_bounds = array<i64: 2000, 1>}, {pipeline_mode = #tpu.pipeline_mode<synchronous>, transform_indices = @transform_3, window_bounds = array<i64: 1, 64>}, {pipeline_mode = #tpu.pipeline_mode<synchronous>, transform_indices = @transform_4, window_bounds = array<i64: 64, 4>}, {transform_indices = @transform_5, window_bounds = array<i64: 2000, 16>}]} {
    %get3A = arith.constant 0 : index
    %get3A_0 = arith.constant 0 : index
    %get3A_1 = vector.load %arg3[%get3A, %get3A_0] : memref<2000x1xf32, #tpu.memory_space<vmem>>, vector<2000x1xf32>
    %get3A_2 = arith.constant 0 : index
    %get3A_3 = arith.constant 0 : index
    %get3A_4 = arith.constant 0 : index
    %get3A_5 = vector.load %arg1[%get3A_2, %get3A_3, %get3A_4] : memref<4x2000x16xf32, #tpu.memory_space<vmem>>, vector<1x2000x16xf32>
    %get3A_6 = vector.shape_cast %get3A_5 : vector<1x2000x16xf32> to vector<2000x16xf32>
    %get3A_7 = arith.constant 0 : index
    %get3A_8 = arith.constant 0 : index
    %get3A_9 = arith.constant 0 : index
    %get3A_10 = vector.load %arg2[%get3A_7, %get3A_8, %get3A_9] : memref<4x2000x16xf32, #tpu.memory_space<vmem>>, vector<1x2000x16xf32>
    %get3A_11 = vector.shape_cast %get3A_10 : vector<1x2000x16xf32> to vector<2000x16xf32>
    %add3A = arith.addf %get3A_6, %get3A_11 : vector<2000x16xf32>
    %get3A_12 = arith.constant 1 : index
    %get3A_13 = arith.constant 0 : index
    %get3A_14 = arith.constant 0 : index
    %get3A_15 = vector.load %arg1[%get3A_12, %get3A_13, %get3A_14] : memref<4x2000x16xf32, #tpu.memory_space<vmem>>, vector<1x2000x16xf32>
    %get3A_16 = vector.shape_cast %get3A_15 : vector<1x2000x16xf32> to vector<2000x16xf32>
    %get3A_17 = arith.constant 1 : index
    %get3A_18 = arith.constant 0 : index
    %get3A_19 = arith.constant 0 : index
    %get3A_20 = vector.load %arg2[%get3A_17, %get3A_18, %get3A_19] : memref<4x2000x16xf32, #tpu.memory_space<vmem>>, vector<1x2000x16xf32>
    %get3A_21 = vector.shape_cast %get3A_20 : vector<1x2000x16xf32> to vector<2000x16xf32>
    %add3A_22 = arith.addf %get3A_16, %get3A_21 : vector<2000x16xf32>
    %get3A_23 = arith.constant 2 : index
    %get3A_24 = arith.constant 0 : index
    %get3A_25 = arith.constant 0 : index
    %get3A_26 = vector.load %arg1[%get3A_23, %get3A_24, %get3A_25] : memref<4x2000x16xf32, #tpu.memory_space<vmem>>, vector<1x2000x16xf32>
    %get3A_27 = vector.shape_cast %get3A_26 : vector<1x2000x16xf32> to vector<2000x16xf32>
    %get3A_28 = arith.constant 2 : index
    %get3A_29 = arith.constant 0 : index
    %get3A_30 = arith.constant 0 : index
    %get3A_31 = vector.load %arg2[%get3A_28, %get3A_29, %get3A_30] : memref<4x2000x16xf32, #tpu.memory_space<vmem>>, vector<1x2000x16xf32>
    %get3A_32 = vector.shape_cast %get3A_31 : vector<1x2000x16xf32> to vector<2000x16xf32>
    %add3A_33 = arith.addf %get3A_27, %get3A_32 : vector<2000x16xf32>
    %get3A_34 = arith.constant 3 : index
    %get3A_35 = arith.constant 0 : index
    %get3A_36 = arith.constant 0 : index
    %get3A_37 = vector.load %arg1[%get3A_34, %get3A_35, %get3A_36] : memref<4x2000x16xf32, #tpu.memory_space<vmem>>, vector<1x2000x16xf32>
    %get3A_38 = vector.shape_cast %get3A_37 : vector<1x2000x16xf32> to vector<2000x16xf32>
    %get3A_39 = arith.constant 3 : index
    %get3A_40 = arith.constant 0 : index
    %get3A_41 = arith.constant 0 : index
    %get3A_42 = vector.load %arg2[%get3A_39, %get3A_40, %get3A_41] : memref<4x2000x16xf32, #tpu.memory_space<vmem>>, vector<1x2000x16xf32>
    %get3A_43 = vector.shape_cast %get3A_42 : vector<1x2000x16xf32> to vector<2000x16xf32>
    %add3A_44 = arith.addf %get3A_38, %get3A_43 : vector<2000x16xf32>
    %concatenate3A = tpu.concatenate %add3A, %add3A_22, %add3A_33, %add3A_44 in 1 : vector<2000x16xf32>, vector<2000x16xf32>, vector<2000x16xf32>, vector<2000x16xf32> -> vector<2000x64xf32>
    %mul3A = vector.broadcast %get3A_1 : vector<2000x1xf32> to vector<2000x64xf32>
    %mul3A_45 = arith.mulf %concatenate3A, %mul3A : vector<2000x64xf32>
    %get3A_46 = arith.constant 0 : index
    %get3A_47 = arith.constant 0 : index
    %get3A_48 = vector.load %arg4[%get3A_46, %get3A_47] : memref<1x64xf32, #tpu.memory_space<vmem>>, vector<1x64xf32>
    %add3A_49 = vector.broadcast %get3A_48 : vector<1x64xf32> to vector<2000x64xf32>
    %add3A_50 = arith.addf %mul3A_45, %add3A_49 : vector<2000x64xf32>
    %max3A = arith.constant 0.000000e+00 : f32
    %max3A_51 = vector.broadcast %max3A : f32 to vector<2000x64xf32>
    %max3A_52 = arith.maximumf %add3A_50, %max3A_51 : vector<2000x64xf32>
    %get3A_53 = arith.constant 0 : index
    %get3A_54 = arith.constant 0 : index
    %get3A_55 = vector.load %arg5[%get3A_53, %get3A_54] : memref<64x4xf32, #tpu.memory_space<vmem>>, vector<64x4xf32>
    %dot_general3A = arith.constant dense<0.000000e+00> : vector<2000x4xf32>
    %dot_general3A_56 = tpu.matmul %max3A_52, %get3A_55, %dot_general3A {dimension_numbers = #tpu.dot_dimension_numbers<[1], [0], [0], [1], [0, 0, 1, 1], [], []>, transpose_lhs_hint = false} : vector<2000x64xf32>, vector<64x4xf32>, vector<2000x4xf32> -> vector<2000x4xf32>
    %mul3A_57 = vector.broadcast %get3A_1 : vector<2000x1xf32> to vector<2000x4xf32>
    %mul3A_58 = arith.mulf %dot_general3A_56, %mul3A_57 : vector<2000x4xf32>
    %broadcast_in_dim3A = arith.constant 0.000000e+00 : f32
    %broadcast_in_dim3A_59 = vector.broadcast %broadcast_in_dim3A : f32 to vector<2000x12xf32>
    %concatenate3A_60 = tpu.concatenate %mul3A_58, %broadcast_in_dim3A_59 in 1 : vector<2000x4xf32>, vector<2000x12xf32> -> vector<2000x16xf32>
    %swap3A = arith.constant 0 : index
    %swap3A_61 = arith.constant 0 : index
    %swap3A_62 = vector.load %arg6[%swap3A, %swap3A_61] : memref<2000x16xf32, #tpu.memory_space<vmem>>, vector<2000x16xf32>
    tpu.vector_store %arg6[%swap3A, %swap3A_61], %concatenate3A_60 {strides = array<i32>} : memref<2000x16xf32, #tpu.memory_space<vmem>>, vector<2000x16xf32>,
    return
  }
  func.func @transform_0(%arg0: i32) -> (i32, i32, i32) {
    %c0_i32 = arith.constant 0 : i32
    %c0_i32_0 = arith.constant 0 : i32
    %c0_i32_1 = arith.constant 0 : i32
    return %c0_i32, %arg0, %c0_i32_0 : i32, i32, i32
  }
  func.func @transform_1(%arg0: i32) -> (i32, i32, i32) {
    %c0_i32 = arith.constant 0 : i32
    %c0_i32_0 = arith.constant 0 : i32
    %c0_i32_1 = arith.constant 0 : i32
    return %c0_i32, %arg0, %c0_i32_0 : i32, i32, i32
  }
  func.func @transform_2(%arg0: i32) -> (i32, i32) {
    %c0_i32 = arith.constant 0 : i32
    %c0_i32_0 = arith.constant 0 : i32
    return %arg0, %c0_i32 : i32, i32
  }
  func.func @transform_3(%arg0: i32) -> (i32, i32) {
    %c0_i32 = arith.constant 0 : i32
    %c0_i32_0 = arith.constant 0 : i32
    %c0_i32_1 = arith.constant 0 : i32
    return %c0_i32, %c0_i32_0 : i32, i32
  }
  func.func @transform_4(%arg0: i32) -> (i32, i32) {
    %c0_i32 = arith.constant 0 : i32
    %c0_i32_0 = arith.constant 0 : i32
    %c0_i32_1 = arith.constant 0 : i32
    return %c0_i32, %c0_i32_0 : i32, i32
  }
  func.func @transform_5(%arg0: i32) -> (i32, i32) {
    %c0_i32 = arith.constant 0 : i32
    %c0_i32_0 = arith.constant 0 : i32
    return %arg0, %c0_i32 : i32, i32
  }
}

module attributes {stable_mosaic.version = 14 : i64} {
  func.func @_tcD_kernel(%arg0: i32, %arg1: memref<2x2000x16xf32, #tpu.memory_space<vmem>>, %arg2: memref<2000x16xf32, #tpu.memory_space<vmem>>, %arg3: memref<2000x1xf32, #tpu.memory_space<vmem>>, %arg4: memref<1x4xf32, #tpu.memory_space<vmem>>, %arg5: memref<2000x4xf32, #tpu.memory_space<vmem>>) attributes {dimension_semantics = [#tpu.dimension_semantics<arbitrary>], iteration_bounds = array<i64: 50>, scalar_prefetch = 0 : i64, scratch_operands = 0 : i64, tpu.core_type = #tpu.core_type<tc>, window_params = [{transform_indices = @transform_0, window_bounds = array<i64: 2, 2000, 16>}, {transform_indices = @transform_1, window_bounds = array<i64: 2000, 16>}, {transform_indices = @transform_2, window_bounds = array<i64: 2000, 1>}, {pipeline_mode = #tpu.pipeline_mode<synchronous>, transform_indices = @transform_3, window_bounds = array<i64: 1, 4>}, {transform_indices = @transform_4, window_bounds = array<i64: 2000, 4>}]} {
    %get3A = arith.constant 0 : index
    %get3A_0 = arith.constant 0 : index
    %get3A_1 = arith.constant 0 : index
    %get3A_2 = vector.load %arg1[%get3A, %get3A_0, %get3A_1] : memref<2x2000x16xf32, #tpu.memory_space<vmem>>, vector<1x2000x4xf32>
    %get3A_3 = vector.shape_cast %get3A_2 : vector<1x2000x4xf32> to vector<2000x4xf32>
    %get3A_4 = arith.constant 1 : index
    %get3A_5 = arith.constant 0 : index
    %get3A_6 = arith.constant 0 : index
    %get3A_7 = vector.load %arg1[%get3A_4, %get3A_5, %get3A_6] : memref<2x2000x16xf32, #tpu.memory_space<vmem>>, vector<1x2000x4xf32>
    %get3A_8 = vector.shape_cast %get3A_7 : vector<1x2000x4xf32> to vector<2000x4xf32>
    %add3A = arith.addf %get3A_3, %get3A_8 : vector<2000x4xf32>
    %get3A_9 = arith.constant 0 : index
    %get3A_10 = arith.constant 0 : index
    %get3A_11 = vector.load %arg2[%get3A_9, %get3A_10] : memref<2000x16xf32, #tpu.memory_space<vmem>>, vector<2000x4xf32>
    %add3A_12 = arith.addf %add3A, %get3A_11 : vector<2000x4xf32>
    %get3A_13 = arith.constant 0 : index
    %get3A_14 = arith.constant 0 : index
    %get3A_15 = vector.load %arg3[%get3A_13, %get3A_14] : memref<2000x1xf32, #tpu.memory_space<vmem>>, vector<2000x1xf32>
    %mul3A = vector.broadcast %get3A_15 : vector<2000x1xf32> to vector<2000x4xf32>
    %mul3A_16 = arith.mulf %add3A_12, %mul3A : vector<2000x4xf32>
    %get3A_17 = arith.constant 0 : index
    %get3A_18 = arith.constant 0 : index
    %get3A_19 = vector.load %arg4[%get3A_17, %get3A_18] : memref<1x4xf32, #tpu.memory_space<vmem>>, vector<1x4xf32>
    %add3A_20 = vector.broadcast %get3A_19 : vector<1x4xf32> to vector<2000x4xf32>
    %add3A_21 = arith.addf %mul3A_16, %add3A_20 : vector<2000x4xf32>
    %reduce_max3A = arith.constant dense<0xFF800000> : vector<2000xf32>
    %reduce_max3A_22 = vector.multi_reduction <maximumf>, %add3A_21, %reduce_max3A [1] : vector<2000x4xf32> to vector<2000xf32>
    %broadcast_in_dim3A = vector.shape_cast %reduce_max3A_22 : vector<2000xf32> to vector<2000x1xf32>
    %sub3A = vector.broadcast %broadcast_in_dim3A : vector<2000x1xf32> to vector<2000x4xf32>
    %sub3A_23 = arith.subf %add3A_21, %sub3A : vector<2000x4xf32>
    %exp3A = math.exp %sub3A_23 : vector<2000x4xf32>
    %reduce_sum3A = arith.constant dense<0.000000e+00> : vector<2000xf32>
    %reduce_sum3A_24 = vector.multi_reduction <add>, %exp3A, %reduce_sum3A [1] : vector<2000x4xf32> to vector<2000xf32>
    %broadcast_in_dim3A_25 = vector.shape_cast %reduce_sum3A_24 : vector<2000xf32> to vector<2000x1xf32>
    %log3A = math.log %broadcast_in_dim3A_25 : vector<2000x1xf32>
    %sub3A_26 = vector.broadcast %log3A : vector<2000x1xf32> to vector<2000x4xf32>
    %sub3A_27 = arith.subf %sub3A_23, %sub3A_26 : vector<2000x4xf32>
    %swap3A = arith.constant 0 : index
    %swap3A_28 = arith.constant 0 : index
    %swap3A_29 = vector.load %arg5[%swap3A, %swap3A_28] : memref<2000x4xf32, #tpu.memory_space<vmem>>, vector<2000x4xf32>
    tpu.vector_store %arg5[%swap3A, %swap3A_28], %sub3A_27 {strides = array<i32>} : memref<2000x4xf32, #tpu.memory_space<vmem>>, vector<2000x4xf32>,
    return
  }
  func.func @transform_0(%arg0: i32) -> (i32, i32, i32) {
    %c0_i32 = arith.constant 0 : i32
    %c0_i32_0 = arith.constant 0 : i32
    %c0_i32_1 = arith.constant 0 : i32
    return %c0_i32, %arg0, %c0_i32_0 : i32, i32, i32
  }
  func.func @transform_1(%arg0: i32) -> (i32, i32) {
    %c0_i32 = arith.constant 0 : i32
    %c0_i32_0 = arith.constant 0 : i32
    return %arg0, %c0_i32 : i32, i32
  }
  func.func @transform_2(%arg0: i32) -> (i32, i32) {
    %c0_i32 = arith.constant 0 : i32
    %c0_i32_0 = arith.constant 0 : i32
    return %arg0, %c0_i32 : i32, i32
  }
  func.func @transform_3(%arg0: i32) -> (i32, i32) {
    %c0_i32 = arith.constant 0 : i32
    %c0_i32_0 = arith.constant 0 : i32
    %c0_i32_1 = arith.constant 0 : i32
    return %c0_i32, %c0_i32_0 : i32, i32
  }
  func.func @transform_4(%arg0: i32) -> (i32, i32) {
    %c0_i32 = arith.constant 0 : i32
    %c0_i32_0 = arith.constant 0 : i32
    return %arg0, %c0_i32 : i32, i32
  }
}

</mosaic_0001>

<sc_bundles>
// kernel: kernel.10.cloned.1.call-start
scs
__scs_entry_jumppad:
0x0: {  	(pc) =	sbr.rel $0x88, $3  }
0x1: {  	(tag) =	ssettag $0x0;
	lr =	simm.s32 $0x1  }
0x2: {  	[smem:$0x3F99] =	sst lr;
	_ =	strace $0xD0000000  }
0x3: {  	_ = 	snop  }
0x4: {  	_ = 	snop  }
0x5: {  	_ = 	snop  }
0x6: {  	_ = 	snop  }
0x7: {  	_ = 	snop  }
__scs_overlays_trampoline_lowered:
0x8: {  	[smem:$0x3FA8] =	sst s0  }
0x9: {  	[smem:$0x3FA9] =	sst s1  }
0xa: {  	[smem:$0x3FAA] =	sst s2  }
0xb: {  	[smem:$0x3FAB] =	sst s3  }
0xc: {  	[smem:$0x3FAC] =	sst s4  }
0xd: {  	[smem:$0x3FAD] =	sst s5  }
0xe: {  	[smem:$0x3FAE] =	sst s6  }
0xf: {  	[smem:$0x3FAF] =	sst s7  }
0x10: {  	[smem:$0x3FB0] =	sst s8  }
0x11: {  	[smem:$0x3FB1] =	sst s9;
	s0 =	simm.s32 @!p0 $0x0  }
0x12: {  	s1 =	sld [smem:$0x3F97];
	s0 =	simm.s32 @p0 $0x1  }
0x13: {  	[smem:$0x3FB2] =	sst s0;
	s0 =	simm.s32 @!p1 $0x0  }
0x14: {  	s2 =	sld [smem:$0x3F96];
	s0 =	simm.s32 @p1 $0x1  }
0x15: {  	[smem:$0x3FB3] =	sst s0;
	s0 =	simm.s32 @!p2 $0x0  }
0x16: {  	s3 =	sld [smem:$0x3FDB];
	s0 =	simm.s32 @p2 $0x1  }
0x17: {  	s4 =	simm.s32 $0x1BF5;
	[smem:$0x3FB5] =	sst s0  }
0x18: {  	s0 =	sld [smem:$0x3F98];
	_ =	swait.ge [sflag:s4], $0x0  }
0x19: {  	s7 =	sld [smem:$0x3F99]  }
0x1a: {  	s8 =	sadd.s32 $0xFFFFE003, lr  }
0x1b: {  	s9 =	sadd.s32 $0xFFFFFEF7, lr;
	s5 =	simm.s32 $0xFFFFFFFF;
	p2 =	slt.u32 s8, $0xFFFFF086  }
0x1c: {  	p1 =	slt.u32 s9, $0xF7A;
	s5 =	simm.s32 @!p2 $0x0  }
0x1d: {  	s5 =	simm.s32 @p1 $0x1;
	p0 =	seq.s32 s7, s2  }
0x1e: {  	s7 =	smul.u32 @!p0 $0xF7A, s2;
	p2 =	seq.s32 @!p0 s5, $0x0  }
0x1f: {  	s9 =	smul.u32 $0xF7A, s1;
	s8 =	simm.s32 @!p0 $0x1BF5;
	p2 =	por !p2, p0  }
0x20: {  	[sflag:s8] =	ssyncset.s32 @!p0 $0xFFFFF086;
	s6 =	sadd.s32 @!p0 s3, s7;
	s7 =	simm.s32 @!p0 $0x108  }
0x21: {  	s3 =	sadd.s32 s3, s9;
	s6 =	sadd.s32 @!p0 $0x88, s6;
	s7 =	simm.s32 @p2 $0x1082  }
0x22: {  	[simem:s7], [sflag:s8] =	dma.local @!p0 [hbm:s6], $0xF7A  }
0x23: {  	s9 =	sor.u32 $0xD0000000, s2;
	s6 =	simm.s32 $0x108;
	_ =	swait.ge @!p0 [sflag:s8], $0x0  }
0x24: {  	s3 =	sadd.s32 $0x88, s3;
	s6 =	simm.s32 @!p1 $0x1082;
	[sflag:s4] =	ssyncset.s32 $0xFFFFF086  }
0x25: {  	[simem:s6], [sflag:s4] =	dma.local [hbm:s3], $0xF7A  }
0x26: {  	[smem:$0x3F99] =	sst s1;
	(tag) =	ssettag s2;
	_ =	strace s9  }
0x27: {  	s1 =	sld [smem:$0x3FA9]  }
0x28: {  	s2 =	sld [smem:$0x3FAA]  }
0x29: {  	s4 =	sld [smem:$0x3FAC]  }
0x2a: {  	p0 =	seq.s32 s5, $0x0;
	s5 =	sld [smem:$0x3FAD]  }
0x2b: {  	s6 =	sld [smem:$0x3FAE]  }
0x2c: {  	s7 =	sld [smem:$0x3FAF]  }
0x2d: {  	s3 =	simm.s32 $0x108;
	s8 =	sld [smem:$0x3FB0]  }
0x2e: {  	s3 =	simm.s32 @!p0 $0x1082;
	s9 =	sld [smem:$0x3FB1]  }
0x2f: {  	lr =	sadd.s32 s0, s3;
	s0 =	sld [smem:$0x3FA8]  }
0x30: {  	s3 =	sld [smem:$0x3FAB]  }
0x31: {  	[smem:$0x3FB4] =	sst s10  }
0x32: {  	s10 =	sld [smem:$0x3FB2];
	_ =	sdelay $0x3  }
0x33: {  	p0 =	seq.s32 s10, $0x1;
	s10 =	sld [smem:$0x3FB4];
	_ =	sdelay $0x3  }
0x34: {  	[smem:$0x3FB4] =	sst s10  }
0x35: {  	s10 =	sld [smem:$0x3FB3];
	_ =	sdelay $0x3  }
0x36: {  	p1 =	seq.s32 s10, $0x1;
	s10 =	sld [smem:$0x3FB4];
	_ =	sdelay $0x3  }
0x37: {  	[smem:$0x3FB4] =	sst s10  }
0x38: {  	s10 =	sld [smem:$0x3FB5]  }
0x39: {  	_ = 	snop;
	(pc) =	sbr.ind lr, $3  }
0x3a: {  	_ = 	snop  }
0x3b: {  	_ = 	snop  }
0x3c: {  	p2 =	seq.s32 s10, $0x1;
	s10 =	sld [smem:$0x3FB4]  }
0x3d: {  	_ =	shalt  }
0x3e: {  	_ =	shalt  }
0x3f: {  	_ =	shalt  }
0x40: {  	_ =	shalt  }
0x41: {  	_ =	shalt  }
0x42: {  	_ =	shalt  }
0x43: {  	_ =	shalt  }
0x44: {  	_ =	shalt  }
0x45: {  	_ =	shalt  }
0x46: {  	_ =	shalt  }
0x47: {  	_ =	shalt  }
0x48: {  	_ =	shalt  }
0x49: {  	_ =	shalt  }
0x4a: {  	_ =	shalt  }
0x4b: {  	_ =	shalt  }
0x4c: {  	_ =	shalt  }
0x4d: {  	_ =	shalt  }
0x4e: {  	_ =	shalt  }
0x4f: {  	_ =	shalt  }
0x50: {  	_ =	shalt  }
0x51: {  	_ =	shalt  }
0x52: {  	_ =	shalt  }
0x53: {  	_ =	shalt  }
0x54: {  	_ =	shalt  }
0x55: {  	_ =	shalt  }
0x56: {  	_ =	shalt  }
0x57: {  	_ =	shalt  }
0x58: {  	_ =	shalt  }
0x59: {  	_ =	shalt  }
0x5a: {  	_ =	shalt  }
0x5b: {  	_ =	shalt  }
0x5c: {  	_ =	shalt  }
0x5d: {  	_ =	shalt  }
0x5e: {  	_ =	shalt  }
0x5f: {  	_ =	shalt  }
0x60: {  	_ =	shalt  }
0x61: {  	_ =	shalt  }
0x62: {  	_ =	shalt  }
0x63: {  	_ =	shalt  }
0x64: {  	_ =	shalt  }
0x65: {  	_ =	shalt  }
0x66: {  	_ =	shalt  }
0x67: {  	_ =	shalt  }
0x68: {  	_ =	shalt  }
0x69: {  	_ =	shalt  }
0x6a: {  	_ =	shalt  }
0x6b: {  	_ =	shalt  }
0x6c: {  	_ =	shalt  }
0x6d: {  	_ =	shalt  }
0x6e: {  	_ =	shalt  }
0x6f: {  	_ =	shalt  }
0x70: {  	_ =	shalt  }
0x71: {  	_ =	shalt  }
0x72: {  	_ =	shalt  }
0x73: {  	_ =	shalt  }
0x74: {  	_ =	shalt  }
0x75: {  	_ =	shalt  }
0x76: {  	_ =	shalt  }
0x77: {  	_ =	shalt  }
0x78: {  	_ =	shalt  }
0x79: {  	_ =	shalt  }
0x7a: {  	_ =	shalt  }
0x7b: {  	_ =	shalt  }
0x7c: {  	_ =	shalt  }
0x7d: {  	_ =	shalt  }
0x7e: {  	_ =	shalt  }
0x7f: {  	_ =	shalt  }
0x80: {  	_ =	shalt  }
0x81: {  	_ =	shalt  }
0x82: {  	_ =	shalt  }
0x83: {  	_ =	shalt  }
0x84: {  	_ =	shalt  }
0x85: {  	_ =	shalt  }
0x86: {  	_ =	shalt  }
0x87: {  	_ =	shalt  }
.Lfunc_end0:
.L_simem_size_0:
called_computation.1_lowered:
.L_overlay_start_0:
0x88: {  	s2 =	sld [smem:$0x3FD9]  }
0x89: {  	s3 =	sld [smem:$0x3FFE];
	_ =	sdelay $0x1  }
0x8a: {  	s1 =	srdreg.scid  }
0x8b: {  	s0 =	sand.u32 $0x1, s1  }
0x8c: {  	s17 =	sshll.u32 s0, $0xA;
	s2 =	sadd.s32 s3, s2  }
0x8d: {  	s2 =	sadd.s32 s2, s17  }
0x8e: {  	[smem:$0x3FC0] =	sst s2  }
0x8f: {  	_ = 	snop  }
0x90: {  	s2 =	sld [smem:$0x3FD0];
	(tm) =	ssettm $0x1  }
0x91: {  	s18 =	sld [smem:$0x3FFB];
	_ =	sdelay $0x3  }
0x92: {  	_ =	strace s18  }
0x93: {  	s3 =	sld [smem:$0x3FFC];
	_ =	sdelay $0x3  }
0x94: {  	_ =	strace s3  }
0x95: {  	s3 =	sld [smem:$0x3FFD];
	_ =	sdelay $0x3  }
0x96: {  	_ =	strace s3  }
0x97: {  	_ =	strace $0x8FFFFFFF  }
0x98: {  	s19 =	sld [smem:$0x3FDB];
	_ =	sdelay $0x1  }
0x99: {  	s4 =	simm.s32 $_scs_section_size  }
0x9a: {  	s5 =	simm.s32 $_size__tile_overlayer_lowered;
	s6 =	simm.s32 $_tile_overlayer_lowered  }
0x9b: {  	s22 =	simm.s32 $0x1BFF;
	s21 =	sshll.u32 s6, $0x1;
	s3 =	sadd.s32 s4, s19  }
0x9c: {  	s7 =	simm.s32 $0x0;
	s20 =	sshll.u32 s5, $0x1;
	s5 =	sadd.s32 s21, s3  }
0x9d: {  	[timem:s7], [sflag:s22] =	dma.local [hbm:s5], s20  }
0x9e: {  	_ =	swait.ge [sflag:s22], s20  }
0x9f: {  	s4 =	ssub.s32 $0x0, s20;
	[sflag:s22] =	ssyncset.done $0x0  }
0xa0: {  	[sflag:s22] =	ssyncadd.s32 s4;
	_ =	sdelay $0x1  }
0xa1: {  	s23 =	simm.s32 $0x1B8B  }
0xa2: {  	_ =	swait.ge [sflag:s23], $0x1  }
0xa3: {  	[sflag:s23] =	ssyncset.done $0x0  }
0xa4: {  	s25 =	simm.s32 $0x1B8E;
	s24 =	sld [smem:$0x3FFE];
	[sflag:s23] =	ssyncadd.s32 $0xFFFFFFFF  }
0xa5: {  	s26 =	simm.s32 $execute0_lowered;
	[smem:$0x3FD2] =	sst s25  }
0xa6: {  	s5 =	sshll.u32 s26, $0x1;
	_ =	strace $0x80000049;
	[dreg:$0x1] =	wrdreg $0xFFFFFFFF  }
0xa7: {  	s28 =	simm.s32 $_size_execute0_lowered;
	s3 =	sadd.s32 s3, s5;
	[dreg:$0x0] =	wrdreg $0x0  }
0xa8: {  	s5 =	sshll.u32 s28, $0x1;
	[dreg:$0x2] =	wrdreg s3  }
0xa9: {  	[dreg:$0x3] =	wrdreg s5  }
0xaa: {  	[dreg:$0x4] =	wrdreg $0xC0  }
0xab: {  	_ =	task [dreg:s7], $0x5FFFF  }
0xac: {  	[dreg:$0x1] =	wrdreg $0xFFFFFFFF  }
0xad: {  	[dreg:$0x0] =	wrdreg $0x60  }
0xae: {  	[dreg:$0x2] =	wrdreg s24  }
0xaf: {  	[dreg:$0x3] =	wrdreg s2  }
0xb0: {  	[dreg:$0x4] =	wrdreg $0x10000  }
0xb1: {  	[dreg:$0x5] =	wrdreg $0x9  }
0xb2: {  	_ =	task.clear_ibuf [dreg:s7], $0x6FFFF;
	_ =	strace $0x90000049  }
0xb3: {  	s29 =	simm.s32 $0x9;
	_ =	strace $0x8000004B  }
0xb4: {  	_ =	swait.ge [sflag:s29], $0x1  }
0xb5: {  	[sflag:s29] =	ssyncadd.s32 $0xFFFFFFFF  }
0xb6: {  	_ =	strace $0x9000004B  }
0xb7: {  	_ =	sfence  }
0xb8: {  	s30 =	sld [smem:$0x0];
	_ =	sdelay $0x2  }
0xb9: {  	s31 =	sshll.u32 s1, $0xD;
	s1 =	sshrl.u32 s1, $0x2  }
0xba: {  	s3 =	sand.u32 $0x4000, s31;
	s1 =	sadd.s32 s1, s30  }
0xbb: {  	s0 =	sor.u32 s3, s0;
	s1 =	sshll.u32 s1, $0x11  }
0xbc: {  	s0 =	sor.u32 s1, s0  }
0xbd: {  	s0 =	sadd.s32 $0x8F2B, s0  }
0xbe: {  	[sflag:s0] =	ssyncadd.remote.s32 $0x1  }
0xbf: {  	_ =	sfence.sel $0xFFFF  }
0xc0: {  	[dreg:$0x0] =	wrdreg $0xFFFFFFFF;
	(pc) =	sbr.abs _section_cstart, $3  }
0xc1: {  	[dreg:$0x1] =	wrdreg $0xFFFFFFFF  }
0xc2: {  	_ =	task.clear_ibuf [dreg:s7], $0x2FFFF;
	_ =	strace $0x9FFFFFFF  }
0xc3: {  	(tm) =	ssettm $0x7FFFFFFF  }
tec
execute0_lowered:
.L_overlay_start_1:
0x0: {  	(tag) =	ssettag $0x1  }
0x1: {  	s6 =	rddreg [dreg:$0x0]  }
0x2: {  	s7 =	rddreg [dreg:$0x1]  }
0x3: {  	s2 =	rddreg [dreg:$0x2]  }
0x4: {  	s0 =	rddreg [dreg:$0x3]  }
0x5: {  	s1 =	stileid.u32;
	s3 =	simm.s32 $0x0;
	s4 =	srdreg.scid  }
0x6: {  	s5 =	smul.u32 $0x1880, s1;
	[smem:$0x7FF] =	sst s3;
	s8 =	sand.u32 $0x1, s4  }
0x7: {  	s4 =	sadd.s32 $0x188E00, s6;
	s16 =	sadd.s32 $0xC5900, s6;
	s30 =	sshll.u32 s1, $0x8  }
0x8: {  	s31 =	sshll.u32 s1, $0x6;
	_ =	strace $0x8000004A;
	s9 =	ssub.s32 $0x2, s8  }
0x9: {  	s12 =	sshll.u32 s8, $0x4;
	s15 =	smul.u32 $0x3100, s8;
	s29 =	sshll.u32 s8, $0xC  }
0xa: {  	s8 =	simm.s32 $0x1;
	s13 =	sshrl.u32 s5, $0x3;
	s11 =	sshrl.u32 s9, $0x1  }
0xb: {  	s12 =	sor.u32 s1, s12;
	s28 =	sadd.s32 s5, s2;
	s17 =	sor.u32 s30, s29  }
0xc: {  	s10 =	sadd.s32 s13, s6;
	s9 =	ssub.s32 s9, s11;
	s14 =	sshll.u32 s12, $0x8  }
0xd: {  	s15 =	sadd.s32 s7, s15;
	s7 =	simm.s32 $0x800;
	s11 =	sadd.s32 s16, s17  }
0xe: {  	p0 =	sgt.u32 s12, $0x14;
	s5 =	sadd.s32 $0x189000, s10;
	s14 =	sor.u32 $0xC2000, s14  }
0xf: {  	s6 =	smax.u32 s9, $0x1;
	s9 =	sor.u32 $0x1C01, s31;
	s10 =	sshrl.u32 s28, $0x3  }
0x10: {  	s13 =	sadd.s32 s13, s15;
	s12 =	sadd.s32 @!p0 s16, s14;
	s14 =	simm.s32 $0x0  }
.LBB2_1:
0x11: {  	[tilespmem:s7], [sflag:$0x1] =	stream.linear.gather [hbm4b:s4+s3], $0x800, $0x38;
	[tilespmem:$0x2880] =	vst v63  }
0x12: {  	_ =	swait.ge [sflag:s8], $0x800  }
0x13: {  	[sflag:s8] =	ssyncset.done $0x0  }
0x14: {  	[sflag:s8] =	ssyncadd.s32 $0xFFFFF800  }
0x15: {  	[spmem:s10], [sflag:s9] =	dma.local [hbm:s5], $0x310  }
0x16: {  	_ =	swait.ge [sflag:s8], $0x310  }
0x17: {  	[sflag:s8] =	ssyncset.done $0x0  }
0x18: {  	[sflag:s8] =	ssyncadd.s32 $0xFFFFFCF0  }
0x19: {  	s15 =	sadd.s32 $0x0, s11;
	[bflag:$0x0] =	sbarrier.arrive $0xFFFF  }
0x1a: {  	[tilespmem:s3], [sflag:$0x1] =	stream.linear.gather [hbm4b:s15+s3], $0x800, $0x38;
	[tilespmem:$0x2880] =	vst v63  }
0x1b: {  	_ =	swait.ge [sflag:s8], $0x800  }
0x1c: {  	[sflag:s8] =	ssyncset.done $0x0  }
0x1d: {  	[sflag:s8] =	ssyncadd.s32 $0xFFFFF800  }
0x1e: {  	[spmem:s2] =	stream.indirect.scatter.add.f32 [tilespmem:s7], [sflag:$0x1], $0x1, s3, s7, $0xb8;
	[tilespmem:$0x2880] =	vst v63  }
0x1f: {  	_ =	swait.ge [sflag:s8], $0x800  }
0x20: {  	s16 =	simm.s32 $0x4000;
	s15 =	simm.s32 $0x2000;
	[sflag:s8] =	ssyncset.done $0x0  }
.LBB2_2:
0x21: {  	s17 =	sadd.s32 s15, s11  }
0x22: {  	[sflag:s8] =	ssyncadd.s32 $0xFFFFF800;
	s15 =	smov.u32 s16;
	s18 =	sadd.s32 $0x2000, s16  }
0x23: {  	[tilespmem:s3], [sflag:$0x1] =	stream.linear.gather [hbm4b:s17+s3], $0x800, $0x38;
	[tilespmem:$0x2880] =	vst v63  }
0x24: {  	p1 =	sne.s32 s16, $0xC0000;
	_ =	swait.ge [sflag:s8], $0x800  }
.Ltmp0:
0x25: {  	[sflag:s8] =	ssyncset.done $0x0;
	(pc) =	sbr.rel @p1 .LBB2_2-.Ltmp0, $4  }
0x26: {  	[sflag:s8] =	ssyncadd.s32 $0xFFFFF800  }
0x27: {  	[spmem:s2] =	stream.indirect.scatter.add.f32 [tilespmem:s7], [sflag:$0x1], $0x1, s3, s7, $0xb8;
	[tilespmem:$0x2880] =	vst v63  }
0x28: {  	_ =	swait.ge [sflag:s8], $0x800  }
0x29: {  	s16 =	smov.u32 s18;
	[sflag:s8] =	ssyncset.done $0x0  }
0x2a: {  	s15 =	sadd.s32 s15, s11;
	[sflag:s8] =	ssyncadd.s32 $0xFFFFF800  }
0x2b: {  	[tilespmem:s3], [sflag:$0x1] =	stream.linear.gather [hbm4b:s15+s3], $0x800, $0x38;
	[tilespmem:$0x2880] =	vst v63  }
0x2c: {  	_ =	swait.ge [sflag:s8], $0x800  }
0x2d: {  	[sflag:s8] =	ssyncset.done $0x0  }
0x2e: {  	[sflag:s8] =	ssyncadd.s32 $0xFFFFF800  }
0x2f: {  	[spmem:s2] =	stream.indirect.scatter.add.f32 [tilespmem:s7], [sflag:$0x1], $0x1, s3, s7, $0xb8;
	[tilespmem:$0x2880] =	vst v63  }
0x30: {  	_ =	swait.ge [sflag:s8], $0x800  }
0x31: {  	[sflag:s8] =	ssyncset.done $0x0  }
0x32: {  	s16 =	simm.s32 @!p0 $0x1;
	s15 =	simm.s32 @!p0 $0x0;
	[sflag:s8] =	ssyncadd.s32 $0xFFFFF800  }
0x33: {  	[tilespmem:s15], [sflag:$0x1] =	stream.linear.gather @!p0 [hbm4b:s12+s15], $0x800, $0x38;
	[tilespmem:$0x2880] =	vst v63  }
0x34: {  	_ =	swait.ge @!p0 [sflag:s16], $0x800  }
0x35: {  	[sflag:s16] =	ssyncset.done @!p0 $0x0  }
0x36: {  	s17 =	simm.s32 @!p0 $0x800;
	[sflag:s16] =	ssyncadd.s32 @!p0 $0xFFFFF800  }
0x37: {  	[spmem:s2] =	stream.indirect.scatter.add.f32 @!p0 [tilespmem:s17], [sflag:$0x1], $0x1, s15, s17, $0xb8;
	[tilespmem:$0x2880] =	vst v63  }
0x38: {  	_ =	swait.ge @!p0 [sflag:s16], $0x800  }
0x39: {  	s14 =	sadd.s32 $0x1, s14;
	[sflag:s16] =	ssyncset.done @!p0 $0x0  }
0x3a: {  	p1 =	sne.s32 s14, s6;
	[sflag:s16] =	ssyncadd.s32 @!p0 $0xFFFFF800  }
.Ltmp1:
0x3b: {  	[bflag:$0x0] =	sbarrier.arrive $0xFFFF;
	(pc) =	sbr.rel @p1 .LBB2_1-.Ltmp1, $4  }
0x3c: {  	[hbm:s13], [sflag:s9] =	dma.local [spmem:s10], $0x310  }
0x3d: {  	_ =	swait.ge [sflag:s8], $0x310  }
0x3e: {  	[sflag:s8] =	ssyncset.done $0x0  }
0x3f: {  	[sflag:s8] =	ssyncadd.s32 $0xFFFFFCF0  }
0x40: {  	_ =	sfence.sel $0x180000  }
0x41: {  	[bflag:$0x0] =	sbarrier.arrive $0xFFFF  }
0x42: {  	p0 =	sne.s32 s1, $0x0;
	_ =	strace $0x9000004A  }
0x43: {  	s0 =	sadd.s32 @!p0 $0x100000, s0;
	[bflag:$0x2] =	sbarrier.arrive $0xFFFF  }
0x44: {  	[sflag:s0] =	ssyncadd.tile.s32 @!p0 $0x1;
	_ =	shalt  }
.Lfunc_end2:
_tile_overlayer_lowered:
.L_overlay_start_2:
0x45: {  	(tag) =	ssettag $0x2  }
0x46: {  	s0 =	rddreg [dreg:$0x0];
	s2 =	stileid.u32  }
0x47: {  	s1 =	rddreg [dreg:$0x1];
	p0 =	sne.s32 s2, $0x0  }
0x48: {  	s3 =	rddreg [dreg:$0x2];
	[bflag:$0x3] =	sbarrier.arrive $0xFFFF;
	s2 =	simm.s32 @!p0 $0x1C01  }
0x49: {  	[timem:s3], [sflag:s2] =	dma.local @!p0 [hbm:s0], s1  }
0x4a: {  	s0 =	simm.s32 @!p0 $0x1  }
0x4b: {  	_ =	swait.ge @!p0 [sflag:s0], s1  }
0x4c: {  	s1 =	ssub.s32 @!p0 $0x0, s1;
	[sflag:s0] =	ssyncset.done @!p0 $0x0  }
0x4d: {  	[sflag:s0] =	ssyncadd.s32 @!p0 s1  }
0x4e: {  	[bflag:$0x3] =	sbarrier.arrive $0xFFFF  }
0x4f: {  	_ =	shalt  }

// kernel: kernel.13.cloned.1.call-start
scs
__scs_entry_jumppad:
0x0: {  	(pc) =	sbr.rel $0x88, $3  }
0x1: {  	(tag) =	ssettag $0x0;
	lr =	simm.s32 $0x1  }
0x2: {  	[smem:$0x3F99] =	sst lr;
	_ =	strace $0xD0000000  }
0x3: {  	_ = 	snop  }
0x4: {  	_ = 	snop  }
0x5: {  	_ = 	snop  }
0x6: {  	_ = 	snop  }
0x7: {  	_ = 	snop  }
__scs_overlays_trampoline_lowered:
0x8: {  	[smem:$0x3FA8] =	sst s0  }
0x9: {  	[smem:$0x3FA9] =	sst s1  }
0xa: {  	[smem:$0x3FAA] =	sst s2  }
0xb: {  	[smem:$0x3FAB] =	sst s3  }
0xc: {  	[smem:$0x3FAC] =	sst s4  }
0xd: {  	[smem:$0x3FAD] =	sst s5  }
0xe: {  	[smem:$0x3FAE] =	sst s6  }
0xf: {  	[smem:$0x3FAF] =	sst s7  }
0x10: {  	[smem:$0x3FB0] =	sst s8  }
0x11: {  	[smem:$0x3FB1] =	sst s9;
	s0 =	simm.s32 @!p0 $0x0  }
0x12: {  	s1 =	sld [smem:$0x3F97];
	s0 =	simm.s32 @p0 $0x1  }
0x13: {  	[smem:$0x3FB2] =	sst s0;
	s0 =	simm.s32 @!p1 $0x0  }
0x14: {  	s2 =	sld [smem:$0x3F96];
	s0 =	simm.s32 @p1 $0x1  }
0x15: {  	[smem:$0x3FB3] =	sst s0;
	s0 =	simm.s32 @!p2 $0x0  }
0x16: {  	s3 =	sld [smem:$0x3FDB];
	s0 =	simm.s32 @p2 $0x1  }
0x17: {  	s4 =	simm.s32 $0x1BF5;
	[smem:$0x3FB5] =	sst s0  }
0x18: {  	s0 =	sld [smem:$0x3F98];
	_ =	swait.ge [sflag:s4], $0x0  }
0x19: {  	s7 =	sld [smem:$0x3F99]  }
0x1a: {  	s8 =	sadd.s32 $0xFFFFE003, lr  }
0x1b: {  	s9 =	sadd.s32 $0xFFFFFEF7, lr;
	s5 =	simm.s32 $0xFFFFFFFF;
	p2 =	slt.u32 s8, $0xFFFFF086  }
0x1c: {  	p1 =	slt.u32 s9, $0xF7A;
	s5 =	simm.s32 @!p2 $0x0  }
0x1d: {  	s5 =	simm.s32 @p1 $0x1;
	p0 =	seq.s32 s7, s2  }
0x1e: {  	s7 =	smul.u32 @!p0 $0xF7A, s2;
	p2 =	seq.s32 @!p0 s5, $0x0  }
0x1f: {  	s9 =	smul.u32 $0xF7A, s1;
	s8 =	simm.s32 @!p0 $0x1BF5;
	p2 =	por !p2, p0  }
0x20: {  	[sflag:s8] =	ssyncset.s32 @!p0 $0xFFFFF086;
	s6 =	sadd.s32 @!p0 s3, s7;
	s7 =	simm.s32 @!p0 $0x108  }
0x21: {  	s3 =	sadd.s32 s3, s9;
	s6 =	sadd.s32 @!p0 $0x88, s6;
	s7 =	simm.s32 @p2 $0x1082  }
0x22: {  	[simem:s7], [sflag:s8] =	dma.local @!p0 [hbm:s6], $0xF7A  }
0x23: {  	s9 =	sor.u32 $0xD0000000, s2;
	s6 =	simm.s32 $0x108;
	_ =	swait.ge @!p0 [sflag:s8], $0x0  }
0x24: {  	s3 =	sadd.s32 $0x88, s3;
	s6 =	simm.s32 @!p1 $0x1082;
	[sflag:s4] =	ssyncset.s32 $0xFFFFF086  }
0x25: {  	[simem:s6], [sflag:s4] =	dma.local [hbm:s3], $0xF7A  }
0x26: {  	[smem:$0x3F99] =	sst s1;
	(tag) =	ssettag s2;
	_ =	strace s9  }
0x27: {  	s1 =	sld [smem:$0x3FA9]  }
0x28: {  	s2 =	sld [smem:$0x3FAA]  }
0x29: {  	s4 =	sld [smem:$0x3FAC]  }
0x2a: {  	p0 =	seq.s32 s5, $0x0;
	s5 =	sld [smem:$0x3FAD]  }
0x2b: {  	s6 =	sld [smem:$0x3FAE]  }
0x2c: {  	s7 =	sld [smem:$0x3FAF]  }
0x2d: {  	s3 =	simm.s32 $0x108;
	s8 =	sld [smem:$0x3FB0]  }
0x2e: {  	s3 =	simm.s32 @!p0 $0x1082;
	s9 =	sld [smem:$0x3FB1]  }
0x2f: {  	lr =	sadd.s32 s0, s3;
	s0 =	sld [smem:$0x3FA8]  }
0x30: {  	s3 =	sld [smem:$0x3FAB]  }
0x31: {  	[smem:$0x3FB4] =	sst s10  }
0x32: {  	s10 =	sld [smem:$0x3FB2];
	_ =	sdelay $0x3  }
0x33: {  	p0 =	seq.s32 s10, $0x1;
	s10 =	sld [smem:$0x3FB4];
	_ =	sdelay $0x3  }
0x34: {  	[smem:$0x3FB4] =	sst s10  }
0x35: {  	s10 =	sld [smem:$0x3FB3];
	_ =	sdelay $0x3  }
0x36: {  	p1 =	seq.s32 s10, $0x1;
	s10 =	sld [smem:$0x3FB4];
	_ =	sdelay $0x3  }
0x37: {  	[smem:$0x3FB4] =	sst s10  }
0x38: {  	s10 =	sld [smem:$0x3FB5]  }
0x39: {  	_ = 	snop;
	(pc) =	sbr.ind lr, $3  }
0x3a: {  	_ = 	snop  }
0x3b: {  	_ = 	snop  }
0x3c: {  	p2 =	seq.s32 s10, $0x1;
	s10 =	sld [smem:$0x3FB4]  }
0x3d: {  	_ =	shalt  }
0x3e: {  	_ =	shalt  }
0x3f: {  	_ =	shalt  }
0x40: {  	_ =	shalt  }
0x41: {  	_ =	shalt  }
0x42: {  	_ =	shalt  }
0x43: {  	_ =	shalt  }
0x44: {  	_ =	shalt  }
0x45: {  	_ =	shalt  }
0x46: {  	_ =	shalt  }
0x47: {  	_ =	shalt  }
0x48: {  	_ =	shalt  }
0x49: {  	_ =	shalt  }
0x4a: {  	_ =	shalt  }
0x4b: {  	_ =	shalt  }
0x4c: {  	_ =	shalt  }
0x4d: {  	_ =	shalt  }
0x4e: {  	_ =	shalt  }
0x4f: {  	_ =	shalt  }
0x50: {  	_ =	shalt  }
0x51: {  	_ =	shalt  }
0x52: {  	_ =	shalt  }
0x53: {  	_ =	shalt  }
0x54: {  	_ =	shalt  }
0x55: {  	_ =	shalt  }
0x56: {  	_ =	shalt  }
0x57: {  	_ =	shalt  }
0x58: {  	_ =	shalt  }
0x59: {  	_ =	shalt  }
0x5a: {  	_ =	shalt  }
0x5b: {  	_ =	shalt  }
0x5c: {  	_ =	shalt  }
0x5d: {  	_ =	shalt  }
0x5e: {  	_ =	shalt  }
0x5f: {  	_ =	shalt  }
0x60: {  	_ =	shalt  }
0x61: {  	_ =	shalt  }
0x62: {  	_ =	shalt  }
0x63: {  	_ =	shalt  }
0x64: {  	_ =	shalt  }
0x65: {  	_ =	shalt  }
0x66: {  	_ =	shalt  }
0x67: {  	_ =	shalt  }
0x68: {  	_ =	shalt  }
0x69: {  	_ =	shalt  }
0x6a: {  	_ =	shalt  }
0x6b: {  	_ =	shalt  }
0x6c: {  	_ =	shalt  }
0x6d: {  	_ =	shalt  }
0x6e: {  	_ =	shalt  }
0x6f: {  	_ =	shalt  }
0x70: {  	_ =	shalt  }
0x71: {  	_ =	shalt  }
0x72: {  	_ =	shalt  }
0x73: {  	_ =	shalt  }
0x74: {  	_ =	shalt  }
0x75: {  	_ =	shalt  }
0x76: {  	_ =	shalt  }
0x77: {  	_ =	shalt  }
0x78: {  	_ =	shalt  }
0x79: {  	_ =	shalt  }
0x7a: {  	_ =	shalt  }
0x7b: {  	_ =	shalt  }
0x7c: {  	_ =	shalt  }
0x7d: {  	_ =	shalt  }
0x7e: {  	_ =	shalt  }
0x7f: {  	_ =	shalt  }
0x80: {  	_ =	shalt  }
0x81: {  	_ =	shalt  }
0x82: {  	_ =	shalt  }
0x83: {  	_ =	shalt  }
0x84: {  	_ =	shalt  }
0x85: {  	_ =	shalt  }
0x86: {  	_ =	shalt  }
0x87: {  	_ =	shalt  }
.Lfunc_end0:
.L_simem_size_0:
called_computation.2_lowered:
.L_overlay_start_0:
0x88: {  	s2 =	sld [smem:$0x3FD9]  }
0x89: {  	s3 =	sld [smem:$0x3FFE];
	_ =	sdelay $0x1  }
0x8a: {  	s1 =	srdreg.scid  }
0x8b: {  	s0 =	sand.u32 $0x1, s1  }
0x8c: {  	s16 =	sshll.u32 s0, $0xA;
	s2 =	sadd.s32 s3, s2  }
0x8d: {  	s2 =	sadd.s32 s2, s16  }
0x8e: {  	[smem:$0x3FC0] =	sst s2  }
0x8f: {  	_ = 	snop  }
0x90: {  	(tm) =	ssettm $0x1  }
0x91: {  	s17 =	sld [smem:$0x3FFB];
	_ =	sdelay $0x3  }
0x92: {  	_ =	strace s17  }
0x93: {  	s2 =	sld [smem:$0x3FFC];
	_ =	sdelay $0x3  }
0x94: {  	_ =	strace s2  }
0x95: {  	s2 =	sld [smem:$0x3FFD];
	_ =	sdelay $0x3  }
0x96: {  	_ =	strace s2  }
0x97: {  	_ =	strace $0x8FFFFFFF  }
0x98: {  	s18 =	sld [smem:$0x3FDB];
	_ =	sdelay $0x1  }
0x99: {  	s19 =	simm.s32 $_scs_section_size  }
0x9a: {  	s4 =	simm.s32 $_size__tile_overlayer_lowered;
	s5 =	simm.s32 $_tile_overlayer_lowered  }
0x9b: {  	s22 =	simm.s32 $0x1BFF;
	s21 =	sshll.u32 s5, $0x1;
	s2 =	sadd.s32 s19, s18  }
0x9c: {  	s6 =	simm.s32 $0x0;
	s20 =	sshll.u32 s4, $0x1;
	s4 =	sadd.s32 s21, s2  }
0x9d: {  	[timem:s6], [sflag:s22] =	dma.local [hbm:s4], s20  }
0x9e: {  	_ =	swait.ge [sflag:s22], s20  }
0x9f: {  	s3 =	ssub.s32 $0x0, s20;
	[sflag:s22] =	ssyncset.done $0x0  }
0xa0: {  	[sflag:s22] =	ssyncadd.s32 s3;
	_ =	sdelay $0x1  }
0xa1: {  	s23 =	simm.s32 $0x1B8B  }
0xa2: {  	_ =	swait.ge [sflag:s23], $0x1  }
0xa3: {  	[sflag:s23] =	ssyncset.done $0x0  }
0xa4: {  	s25 =	simm.s32 $0x1B8E;
	s24 =	sld [smem:$0x3FFE];
	[sflag:s23] =	ssyncadd.s32 $0xFFFFFFFF  }
0xa5: {  	s26 =	simm.s32 $execute0_lowered;
	[smem:$0x3FD2] =	sst s25  }
0xa6: {  	s4 =	sshll.u32 s26, $0x1;
	_ =	strace $0x8000004C;
	[dreg:$0x1] =	wrdreg $0xFFFFFFFF  }
0xa7: {  	s28 =	simm.s32 $_size_execute0_lowered;
	s2 =	sadd.s32 s2, s4;
	[dreg:$0x0] =	wrdreg $0x0  }
0xa8: {  	s4 =	sshll.u32 s28, $0x1;
	[dreg:$0x2] =	wrdreg s2  }
0xa9: {  	[dreg:$0x3] =	wrdreg s4  }
0xaa: {  	[dreg:$0x4] =	wrdreg $0xC0  }
0xab: {  	_ =	task [dreg:s6], $0x5FFFF  }
0xac: {  	[dreg:$0x1] =	wrdreg $0xFFFFFFFF  }
0xad: {  	[dreg:$0x0] =	wrdreg $0x60  }
0xae: {  	[dreg:$0x2] =	wrdreg s24  }
0xaf: {  	[dreg:$0x3] =	wrdreg $0x6C000  }
0xb0: {  	[dreg:$0x4] =	wrdreg $0x9  }
0xb1: {  	_ =	task.clear_ibuf [dreg:s6], $0x5FFFF;
	_ =	strace $0x9000004C  }
0xb2: {  	s29 =	simm.s32 $0x9;
	_ =	strace $0x8000004E  }
0xb3: {  	_ =	swait.ge [sflag:s29], $0x1  }
0xb4: {  	[sflag:s29] =	ssyncadd.s32 $0xFFFFFFFF  }
0xb5: {  	_ =	strace $0x9000004E  }
0xb6: {  	_ =	sfence  }
0xb7: {  	s30 =	sld [smem:$0x0];
	_ =	sdelay $0x2  }
0xb8: {  	s31 =	sshll.u32 s1, $0xD;
	s1 =	sshrl.u32 s1, $0x2  }
0xb9: {  	s3 =	sand.u32 $0x4000, s31;
	s1 =	sadd.s32 s1, s30  }
0xba: {  	s0 =	sor.u32 s3, s0;
	s1 =	sshll.u32 s1, $0x11  }
0xbb: {  	s0 =	sor.u32 s1, s0  }
0xbc: {  	s0 =	sadd.s32 $0x8F2B, s0  }
0xbd: {  	[sflag:s0] =	ssyncadd.remote.s32 $0x1  }
0xbe: {  	_ =	sfence.sel $0xFFFF  }
0xbf: {  	[dreg:$0x0] =	wrdreg $0xFFFFFFFF;
	(pc) =	sbr.abs _section_cstart, $3  }
0xc0: {  	[dreg:$0x1] =	wrdreg $0xFFFFFFFF  }
0xc1: {  	_ =	task.clear_ibuf [dreg:s6], $0x2FFFF;
	_ =	strace $0x9FFFFFFF  }
0xc2: {  	(tm) =	ssettm $0x7FFFFFFF  }
0xc3: {  	_ =	shalt  }
tec
execute0_lowered:
.L_overlay_start_1:
0x0: {  	(tag) =	ssettag $0x1  }
0x1: {  	s0 =	rddreg [dreg:$0x0]  }
0x2: {  	s1 =	rddreg [dreg:$0x1]  }
0x3: {  	s2 =	simm.s32 $0x0;
	s3 =	srdreg.scid;
	s11 =	stileid.u32  }
0x4: {  	s13 =	simm.s32 $0x200;
	s14 =	simm.s32 $0x61A800;
	s15 =	simm.s32 $0x400  }
0x5: {  	s16 =	simm.s32 $0x800;
	s18 =	simm.s32 $0xA;
	s19 =	simm.s32 $0x1  }
0x6: {  	s20 =	simm.s32 $0xC00;
	s21 =	simm.s32 $0x2;
	s22 =	simm.s32 $0x2C00  }
0x7: {  	s28 =	simm.s32 $0x5;
	s29 =	simm.s32 $0x600;
	s30 =	simm.s32 $0x7  }
0x8: {  	s31 =	simm.s32 $0x6;
	[smem:$0x7FF] =	sst s2;
	s5 =	sadd.s32 $0x2400, s0  }
0x9: {  	s3 =	sand.u32 $0x1, s3;
	s4 =	sadd.s32 $0x18C200, s0;
	s8 =	sadd.s32 $0x189000, s0  }
0xa: {  	s10 =	smul.u32 $0x18800, s11;
	s12 =	sshll.u32 s11, $0x6;
	_ =	strace $0x8000004D  }
0xb: {  	s6 =	smul.u32 $0x31000, s3;
	s7 =	sshll.u32 s3, $0x4;
	[dreg:$0x3] =	wrdreg s8  }
0xc: {  	s23 =	ssub.s32 $0x2, s3;
	s3 =	sshll.u32 s3, $0xA;
	s7 =	sor.u32 s11, s7  }
0xd: {  	s9 =	sshrl.u32 s23, $0x1;
	s17 =	sadd.s32 s10, s1;
	s10 =	sshrl.u32 s10, $0x3  }
0xe: {  	s3 =	sadd.s32 s3, s5;
	s0 =	sadd.s32 s6, s0;
	s24 =	sshll.u32 s7, $0x6  }
0xf: {  	s8 =	ssub.s32 s23, s9;
	s9 =	sor.u32 $0x1C0A, s12;
	s12 =	sadd.s32 s12, s3  }
0x10: {  	s17 =	sshrl.u32 s17, $0x3;
	p0 =	sgt.u32 s7, $0x13;
	s23 =	simm.s32 $0x4  }
0x11: {  	s3 =	simm.s32 $0x8;
	s7 =	simm.s32 $0x0;
	s8 =	smax.u32 s8, $0x1  }
0x12: {  	s6 =	sadd.s32 s5, s24;
	s0 =	sadd.s32 $0x1BD200, s0;
	[dreg:$0x7] =	wrdreg s8  }
0x13: {  	s5 =	simm.s32 $0x9;
	s25 =	sadd.s32 $0x800, s6;
	[dreg:$0x4] =	wrdreg s6  }
0x14: {  	s26 =	sadd.s32 $0x1000, s6;
	s6 =	sadd.s32 $0xC3000, s6;
	[dreg:$0x5] =	wrdreg s25  }
0x15: {  	s24 =	sadd.s32 s10, s0;
	s0 =	simm.s32 $0xA00;
	[dreg:$0x6] =	wrdreg s26  }
0x16: {  	[dreg:$0x8] =	wrdreg s6;
	s25 =	simm.s32 $0x3;
	s26 =	simm.s32 $0x4C00  }
.LBB2_1:
0x17: {  	s6 =	rddreg [dreg:$0x4]  }
0x18: {  	s11 =	rddreg [dreg:$0x5]  }
0x19: {  	[tilespmem:s2], [sflag:$0x1] =	stream.strided.gather [hbm4b:s6+s13], $0x400, s14, s13, $0x38;
	[tilespmem:$0x1F400] =	vst v63  }
0x1a: {  	s8 =	rddreg [dreg:$0x6]  }
0x1b: {  	[tilespmem:s15], [sflag:$0x2] =	stream.strided.gather [hbm4b:s11+s13], $0x400, s14, s13, $0x38;
	[tilespmem:$0x1F400] =	vst v63  }
0x1c: {  	s10 =	rddreg [dreg:$0x3]  }
0x1d: {  	[tilespmem:s16], [sflag:$0x3] =	stream.strided.gather [hbm4b:s8+s13], $0x400, s14, s13, $0x38;
	[tilespmem:$0x1F400] =	vst v63  }
0x1e: {  	[spmem:s17], [sflag:s9] =	dma.local [hbm:s10], $0x3100  }
0x1f: {  	_ =	swait.ge [sflag:s18], $0x3100  }
0x20: {  	[sflag:s18] =	ssyncset.done $0x0  }
0x21: {  	[sflag:s18] =	ssyncadd.s32 $0xFFFFCF00  }
0x22: {  	[bflag:$0x0] =	sbarrier.arrive $0xFFFF  }
0x23: {  	_ =	swait.ge [sflag:s19], $0x400  }
0x24: {  	[sflag:s19] =	ssyncset.done $0x0  }
0x25: {  	[sflag:s19] =	ssyncadd.s32 $0xFFFFFC00  }
0x26: {  	[tilespmem:s20], [sflag:$0x4] =	stream.indirect.gather [hbm4b:s4+s13], $0x10, s2, s13, $0xb8;
	[tilespmem:$0x1F400] =	vst v63  }
0x27: {  	_ =	swait.ge [sflag:s21], $0x400  }
0x28: {  	[sflag:s21] =	ssyncset.done $0x0  }
0x29: {  	[sflag:s21] =	ssyncadd.s32 $0xFFFFFC00  }
0x2a: {  	[tilespmem:s22], [sflag:$0x5] =	stream.indirect.gather [hbm4b:s4+s13], $0x10, s15, s13, $0xb8;
	[tilespmem:$0x1F400] =	vst v63  }
0x2b: {  	_ =	swait.ge [sflag:s23], $0x2000  }
0x2c: {  	[sflag:s23] =	ssyncset.done $0x0  }
0x2d: {  	[sflag:s23] =	ssyncadd.s32 $0xFFFFE000  }
0x2e: {  	[spmem:s1] =	stream.indirect.scatter.add.f32 [tilespmem:s20], [sflag:$0x7], $0x10, s13, s13, $0xb8;
	[tilespmem:$0x1F400] =	vst v63  }
0x2f: {  	_ =	swait.ge [sflag:s25], $0x400  }
0x30: {  	[sflag:s25] =	ssyncset.done $0x0  }
0x31: {  	[sflag:s25] =	ssyncadd.s32 $0xFFFFFC00  }
0x32: {  	[tilespmem:s26], [sflag:$0x6] =	stream.indirect.gather [hbm4b:s4+s13], $0x10, s16, s13, $0xb8;
	[tilespmem:$0x1F400] =	vst v63  }
0x33: {  	_ =	swait.ge [sflag:s28], $0x2000  }
0x34: {  	[sflag:s28] =	ssyncset.done $0x0  }
0x35: {  	[sflag:s28] =	ssyncadd.s32 $0xFFFFE000  }
0x36: {  	[spmem:s1] =	stream.indirect.scatter.add.f32 [tilespmem:s22], [sflag:$0x8], $0x10, s29, s13, $0xb8;
	[tilespmem:$0x1F400] =	vst v63  }
0x37: {  	_ =	swait.ge [sflag:s30], $0x2000  }
0x38: {  	s10 =	sadd.s32 $0xFFF3E800, s12;
	[sflag:s30] =	ssyncset.done $0x0  }
0x39: {  	s8 =	sadd.s32 $0xC3000, s10;
	[sflag:s30] =	ssyncadd.s32 $0xFFFFE000  }
0x3a: {  	[tilespmem:s2], [sflag:$0x1] =	stream.strided.gather [hbm4b:s8+s13], $0x400, s14, s13, $0x38;
	[tilespmem:$0x1F400] =	vst v63  }
0x3b: {  	_ =	swait.ge [sflag:s31], $0x2000  }
0x3c: {  	[sflag:s31] =	ssyncset.done $0x0  }
0x3d: {  	[sflag:s31] =	ssyncadd.s32 $0xFFFFE000  }
0x3e: {  	[spmem:s1] =	stream.indirect.scatter.add.f32 [tilespmem:s26], [sflag:$0x9], $0x10, s0, s13, $0xb8;
	[tilespmem:$0x1F400] =	vst v63  }
0x3f: {  	_ =	swait.ge [sflag:s3], $0x2000  }
0x40: {  	[sflag:s3] =	ssyncset.done $0x0  }
0x41: {  	s11 =	sadd.s32 $0xC3800, s10;
	[sflag:s3] =	ssyncadd.s32 $0xFFFFE000  }
0x42: {  	[tilespmem:s15], [sflag:$0x2] =	stream.strided.gather [hbm4b:s11+s13], $0x400, s14, s13, $0x38;
	[tilespmem:$0x1F400] =	vst v63  }
0x43: {  	_ =	swait.ge [sflag:s5], $0x2000  }
0x44: {  	[sflag:s5] =	ssyncset.done $0x0  }
0x45: {  	s10 =	sadd.s32 $0xC4000, s10;
	s8 =	simm.s32 $0xFFF40000;
	[sflag:s5] =	ssyncadd.s32 $0xFFFFE000  }
.LBB2_2:
0x46: {  	[tilespmem:s16], [sflag:$0x3] =	stream.strided.gather [hbm4b:s10+s13], $0x400, s14, s13, $0x38;
	[tilespmem:$0x1F400] =	vst v63  }
0x47: {  	s10 =	smov.u32 s8  }
0x48: {  	p1 =	sne.s32 s8, $0xFFFFE800;
	s8 =	sadd.s32 $0x1800, s8;
	_ =	swait.ge [sflag:s19], $0x400  }
0x49: {  	[sflag:s19] =	ssyncset.done $0x0  }
0x4a: {  	[sflag:s19] =	ssyncadd.s32 $0xFFFFFC00  }
0x4b: {  	[tilespmem:s20], [sflag:$0x4] =	stream.indirect.gather [hbm4b:s4+s13], $0x10, s2, s13, $0xb8;
	[tilespmem:$0x1F400] =	vst v63  }
0x4c: {  	_ =	swait.ge [sflag:s21], $0x400  }
0x4d: {  	[sflag:s21] =	ssyncset.done $0x0  }
0x4e: {  	[sflag:s21] =	ssyncadd.s32 $0xFFFFFC00  }
0x4f: {  	[tilespmem:s22], [sflag:$0x5] =	stream.indirect.gather [hbm4b:s4+s13], $0x10, s15, s13, $0xb8;
	[tilespmem:$0x1F400] =	vst v63  }
0x50: {  	_ =	swait.ge [sflag:s23], $0x2000  }
0x51: {  	[sflag:s23] =	ssyncset.done $0x0  }
0x52: {  	[sflag:s23] =	ssyncadd.s32 $0xFFFFE000  }
0x53: {  	[spmem:s1] =	stream.indirect.scatter.add.f32 [tilespmem:s20], [sflag:$0x7], $0x10, s13, s13, $0xb8;
	[tilespmem:$0x1F400] =	vst v63  }
0x54: {  	_ =	swait.ge [sflag:s25], $0x400  }
0x55: {  	[sflag:s25] =	ssyncset.done $0x0  }
0x56: {  	[sflag:s25] =	ssyncadd.s32 $0xFFFFFC00  }
0x57: {  	[tilespmem:s26], [sflag:$0x6] =	stream.indirect.gather [hbm4b:s4+s13], $0x10, s16, s13, $0xb8;
	[tilespmem:$0x1F400] =	vst v63  }
0x58: {  	_ =	swait.ge [sflag:s28], $0x2000  }
0x59: {  	[sflag:s28] =	ssyncset.done $0x0  }
0x5a: {  	[sflag:s28] =	ssyncadd.s32 $0xFFFFE000  }
0x5b: {  	[spmem:s1] =	stream.indirect.scatter.add.f32 [tilespmem:s22], [sflag:$0x8], $0x10, s29, s13, $0xb8;
	[tilespmem:$0x1F400] =	vst v63  }
0x5c: {  	_ =	swait.ge [sflag:s30], $0x2000  }
0x5d: {  	s10 =	sadd.s32 s10, s12;
	[sflag:s30] =	ssyncset.done $0x0  }
0x5e: {  	s11 =	sadd.s32 $0xC3000, s10;
	[sflag:s30] =	ssyncadd.s32 $0xFFFFE000  }
0x5f: {  	[tilespmem:s2], [sflag:$0x1] =	stream.strided.gather [hbm4b:s11+s13], $0x400, s14, s13, $0x38;
	[tilespmem:$0x1F400] =	vst v63  }
0x60: {  	_ =	swait.ge [sflag:s31], $0x2000  }
0x61: {  	[sflag:s31] =	ssyncset.done $0x0  }
0x62: {  	[sflag:s31] =	ssyncadd.s32 $0xFFFFE000  }
0x63: {  	[spmem:s1] =	stream.indirect.scatter.add.f32 [tilespmem:s26], [sflag:$0x9], $0x10, s0, s13, $0xb8;
	[tilespmem:$0x1F400] =	vst v63  }
0x64: {  	_ =	swait.ge [sflag:s3], $0x2000  }
0x65: {  	[sflag:s3] =	ssyncset.done $0x0  }
.Ltmp0:
0x66: {  	s11 =	sadd.s32 $0xC3800, s10;
	[sflag:s3] =	ssyncadd.s32 $0xFFFFE000;
	(pc) =	sbr.rel @p1 .LBB2_2-.Ltmp0, $4  }
0x67: {  	[tilespmem:s15], [sflag:$0x2] =	stream.strided.gather [hbm4b:s11+s13], $0x400, s14, s13, $0x38;
	[tilespmem:$0x1F400] =	vst v63  }
0x68: {  	_ =	swait.ge [sflag:s5], $0x2000  }
0x69: {  	[sflag:s5] =	ssyncset.done $0x0  }
0x6a: {  	s10 =	sadd.s32 $0xC4000, s10;
	[sflag:s5] =	ssyncadd.s32 $0xFFFFE000  }
0x6b: {  	[tilespmem:s16], [sflag:$0x3] =	stream.strided.gather [hbm4b:s10+s13], $0x400, s14, s13, $0x38;
	[tilespmem:$0x1F400] =	vst v63  }
0x6c: {  	_ =	swait.ge [sflag:s19], $0x400  }
0x6d: {  	[sflag:s19] =	ssyncset.done $0x0  }
0x6e: {  	[sflag:s19] =	ssyncadd.s32 $0xFFFFFC00  }
0x6f: {  	[tilespmem:s20], [sflag:$0x4] =	stream.indirect.gather [hbm4b:s4+s13], $0x10, s2, s13, $0xb8;
	[tilespmem:$0x1F400] =	vst v63  }
0x70: {  	_ =	swait.ge [sflag:s21], $0x400  }
0x71: {  	[sflag:s21] =	ssyncset.done $0x0  }
0x72: {  	[sflag:s21] =	ssyncadd.s32 $0xFFFFFC00  }
0x73: {  	[tilespmem:s22], [sflag:$0x5] =	stream.indirect.gather [hbm4b:s4+s13], $0x10, s15, s13, $0xb8;
	[tilespmem:$0x1F400] =	vst v63  }
0x74: {  	_ =	swait.ge [sflag:s23], $0x2000  }
0x75: {  	[sflag:s23] =	ssyncset.done $0x0  }
0x76: {  	[sflag:s23] =	ssyncadd.s32 $0xFFFFE000  }
0x77: {  	[spmem:s1] =	stream.indirect.scatter.add.f32 [tilespmem:s20], [sflag:$0x7], $0x10, s13, s13, $0xb8;
	[tilespmem:$0x1F400] =	vst v63  }
0x78: {  	_ =	swait.ge [sflag:s25], $0x400  }
0x79: {  	[sflag:s25] =	ssyncset.done $0x0  }
0x7a: {  	[sflag:s25] =	ssyncadd.s32 $0xFFFFFC00  }
0x7b: {  	[tilespmem:s26], [sflag:$0x6] =	stream.indirect.gather [hbm4b:s4+s13], $0x10, s16, s13, $0xb8;
	[tilespmem:$0x1F400] =	vst v63  }
0x7c: {  	_ =	swait.ge [sflag:s28], $0x2000  }
0x7d: {  	[sflag:s28] =	ssyncset.done $0x0  }
0x7e: {  	[sflag:s28] =	ssyncadd.s32 $0xFFFFE000  }
0x7f: {  	[spmem:s1] =	stream.indirect.scatter.add.f32 [tilespmem:s22], [sflag:$0x8], $0x10, s29, s13, $0xb8;
	[tilespmem:$0x1F400] =	vst v63  }
0x80: {  	_ =	swait.ge [sflag:s30], $0x2000  }
0x81: {  	[sflag:s30] =	ssyncset.done $0x0  }
0x82: {  	s8 =	simm.s32 @p0 $0x6;
	[sflag:s30] =	ssyncadd.s32 $0xFFFFE000  }
0x83: {  	_ =	swait.ge @p0 [sflag:s8], $0x2000  }
0x84: {  	s10 =	simm.s32 @p0 $0xA00;
	[sflag:s8] =	ssyncset.done @p0 $0x0  }
0x85: {  	s11 =	simm.s32 @p0 $0x4C00;
	[sflag:s8] =	ssyncadd.s32 @p0 $0xFFFFE000;
	s8 =	simm.s32 @p0 $0x200  }
0x86: {  	[spmem:s1] =	stream.indirect.scatter.add.f32 @p0 [tilespmem:s11], [sflag:$0x9], $0x10, s10, s8, $0xb8;
	[tilespmem:$0x1F400] =	vst v63  }
0x87: {  	s8 =	simm.s32 @p0 $0x8  }
0x88: {  	_ =	swait.ge @p0 [sflag:s8], $0x2000  }
0x89: {  	s10 =	simm.s32 @!p0 $0x61A800;
	s11 =	simm.s32 @!p0 $0x0;
	[sflag:s8] =	ssyncset.done @p0 $0x0  }
0x8a: {  	s6 =	rddreg [dreg:$0x8];
	[sflag:s8] =	ssyncadd.s32 @p0 $0xFFFFE000;
	s8 =	simm.s32 @!p0 $0x200  }
0x8b: {  	[tilespmem:s11], [sflag:$0x1] =	stream.strided.gather @!p0 [hbm4b:s6+s8], $0x400, s10, s8, $0x38;
	[tilespmem:$0x1F400] =	vst v63  }
0x8c: {  	s10 =	simm.s32 @!p0 $0x6  }
0x8d: {  	_ =	swait.ge @!p0 [sflag:s10], $0x2000  }
0x8e: {  	[sflag:s10] =	ssyncset.done @!p0 $0x0  }
0x8f: {  	s6 =	simm.s32 @!p0 $0x4C00;
	[sflag:s10] =	ssyncadd.s32 @!p0 $0xFFFFE000;
	s10 =	simm.s32 @!p0 $0xA00  }
0x90: {  	[spmem:s1] =	stream.indirect.scatter.add.f32 @!p0 [tilespmem:s6], [sflag:$0x9], $0x10, s10, s8, $0xb8;
	[tilespmem:$0x1F400] =	vst v63  }
0x91: {  	s6 =	simm.s32 @!p0 $0x8  }
0x92: {  	_ =	swait.ge @!p0 [sflag:s6], $0x2000  }
0x93: {  	[sflag:s6] =	ssyncset.done @!p0 $0x0  }
0x94: {  	[sflag:s6] =	ssyncadd.s32 @!p0 $0xFFFFE000;
	s6 =	simm.s32 @!p0 $0x9  }
0x95: {  	_ =	swait.ge @!p0 [sflag:s6], $0x2000  }
0x96: {  	[sflag:s6] =	ssyncset.done @!p0 $0x0  }
0x97: {  	[sflag:s6] =	ssyncadd.s32 @!p0 $0xFFFFE000;
	s6 =	simm.s32 @!p0 $0x1  }
0x98: {  	_ =	swait.ge @!p0 [sflag:s6], $0x400  }
0x99: {  	[sflag:s6] =	ssyncset.done @!p0 $0x0  }
0x9a: {  	s10 =	simm.s32 @!p0 $0x4;
	[sflag:s6] =	ssyncadd.s32 @!p0 $0xFFFFFC00;
	s6 =	simm.s32 @!p0 $0xC00  }
0x9b: {  	[tilespmem:s6], [sflag:$0x4] =	stream.indirect.gather @!p0 [hbm4b:s4+s8], $0x10, s11, s8, $0xb8;
	[tilespmem:$0x1F400] =	vst v63  }
0x9c: {  	_ =	swait.ge @!p0 [sflag:s10], $0x2000  }
0x9d: {  	[sflag:s10] =	ssyncset.done @!p0 $0x0  }
0x9e: {  	[sflag:s10] =	ssyncadd.s32 @!p0 $0xFFFFE000  }
0x9f: {  	[spmem:s1] =	stream.indirect.scatter.add.f32 @!p0 [tilespmem:s6], [sflag:$0x7], $0x10, s8, s8, $0xb8;
	[tilespmem:$0x1F400] =	vst v63  }
0xa0: {  	s6 =	simm.s32 @!p0 $0x7  }
0xa1: {  	s6 =	simm.s32 @p0 $0x9  }
0xa2: {  	_ =	swait.ge [sflag:s6], $0x2000  }
0xa3: {  	[sflag:s6] =	ssyncset.done $0x0  }
0xa4: {  	[sflag:s6] =	ssyncadd.s32 $0xFFFFE000  }
0xa5: {  	[bflag:$0x0] =	sbarrier.arrive $0xFFFF  }
0xa6: {  	[hbm:s24], [sflag:s9] =	dma.local [spmem:s17], $0x3100  }
0xa7: {  	_ =	swait.ge [sflag:s18], $0x3100  }
0xa8: {  	s7 =	sadd.s32 $0x1, s7;
	s11 =	rddreg [dreg:$0x7]  }
0xa9: {  	p1 =	sne.s32 s7, s11  }
.Ltmp1:
0xaa: {  	_ = 	snop;
	(pc) =	sbr.rel @p1 .LBB2_1-.Ltmp1, $3  }
0xab: {  	_ =	sdelay $0x1  }
0xac: {  	[sflag:s18] =	ssyncset.done $0x0  }
0xad: {  	[sflag:s18] =	ssyncadd.s32 $0xFFFFCF00  }
0xae: {  	_ =	sfence.sel $0x180000  }
0xaf: {  	[bflag:$0x0] =	sbarrier.arrive $0xFFFF  }
0xb0: {  	_ =	strace $0x9000004D  }
0xb1: {  	s0 =	stileid.u32;
	[bflag:$0x2] =	sbarrier.arrive $0xFFFF  }
0xb2: {  	p0 =	sne.s32 s0, $0x0;
	s0 =	rddreg [dreg:$0x2]  }
0xb3: {  	s0 =	sadd.s32 @!p0 $0x100000, s0  }
0xb4: {  	[sflag:s0] =	ssyncadd.tile.s32 @!p0 $0x1;
	_ =	shalt  }
.Lfunc_end2:
_tile_overlayer_lowered:
.L_overlay_start_2:
0xb5: {  	(tag) =	ssettag $0x2  }
0xb6: {  	s0 =	rddreg [dreg:$0x0];
	s2 =	stileid.u32  }
0xb7: {  	s1 =	rddreg [dreg:$0x1];
	p0 =	sne.s32 s2, $0x0  }
0xb8: {  	s3 =	rddreg [dreg:$0x2];
	[bflag:$0x3] =	sbarrier.arrive $0xFFFF;
	s2 =	simm.s32 @!p0 $0x1C0A  }
0xb9: {  	[timem:s3], [sflag:s2] =	dma.local @!p0 [hbm:s0], s1  }
0xba: {  	s0 =	simm.s32 @!p0 $0xA  }
0xbb: {  	_ =	swait.ge @!p0 [sflag:s0], s1  }
0xbc: {  	s1 =	ssub.s32 @!p0 $0x0, s1;
	[sflag:s0] =	ssyncset.done @!p0 $0x0  }
0xbd: {  	[sflag:s0] =	ssyncadd.s32 @!p0 s1  }
0xbe: {  	[bflag:$0x3] =	sbarrier.arrive $0xFFFF  }
0xbf: {  	_ =	shalt  }

// kernel: kernel.16.cloned.1.call-start
scs
__scs_entry_jumppad:
0x0: {  	(pc) =	sbr.rel $0x88, $3  }
0x1: {  	(tag) =	ssettag $0x0;
	lr =	simm.s32 $0x1  }
0x2: {  	[smem:$0x3F99] =	sst lr;
	_ =	strace $0xD0000000  }
0x3: {  	_ = 	snop  }
0x4: {  	_ = 	snop  }
0x5: {  	_ = 	snop  }
0x6: {  	_ = 	snop  }
0x7: {  	_ = 	snop  }
__scs_overlays_trampoline_lowered:
0x8: {  	[smem:$0x3FA8] =	sst s0  }
0x9: {  	[smem:$0x3FA9] =	sst s1  }
0xa: {  	[smem:$0x3FAA] =	sst s2  }
0xb: {  	[smem:$0x3FAB] =	sst s3  }
0xc: {  	[smem:$0x3FAC] =	sst s4  }
0xd: {  	[smem:$0x3FAD] =	sst s5  }
0xe: {  	[smem:$0x3FAE] =	sst s6  }
0xf: {  	[smem:$0x3FAF] =	sst s7  }
0x10: {  	[smem:$0x3FB0] =	sst s8  }
0x11: {  	[smem:$0x3FB1] =	sst s9;
	s0 =	simm.s32 @!p0 $0x0  }
0x12: {  	s1 =	sld [smem:$0x3F97];
	s0 =	simm.s32 @p0 $0x1  }
0x13: {  	[smem:$0x3FB2] =	sst s0;
	s0 =	simm.s32 @!p1 $0x0  }
0x14: {  	s2 =	sld [smem:$0x3F96];
	s0 =	simm.s32 @p1 $0x1  }
0x15: {  	[smem:$0x3FB3] =	sst s0;
	s0 =	simm.s32 @!p2 $0x0  }
0x16: {  	s3 =	sld [smem:$0x3FDB];
	s0 =	simm.s32 @p2 $0x1  }
0x17: {  	s4 =	simm.s32 $0x1BF5;
	[smem:$0x3FB5] =	sst s0  }
0x18: {  	s0 =	sld [smem:$0x3F98];
	_ =	swait.ge [sflag:s4], $0x0  }
0x19: {  	s7 =	sld [smem:$0x3F99]  }
0x1a: {  	s8 =	sadd.s32 $0xFFFFE003, lr  }
0x1b: {  	s9 =	sadd.s32 $0xFFFFFEF7, lr;
	s5 =	simm.s32 $0xFFFFFFFF;
	p2 =	slt.u32 s8, $0xFFFFF086  }
0x1c: {  	p1 =	slt.u32 s9, $0xF7A;
	s5 =	simm.s32 @!p2 $0x0  }
0x1d: {  	s5 =	simm.s32 @p1 $0x1;
	p0 =	seq.s32 s7, s2  }
0x1e: {  	s7 =	smul.u32 @!p0 $0xF7A, s2;
	p2 =	seq.s32 @!p0 s5, $0x0  }
0x1f: {  	s9 =	smul.u32 $0xF7A, s1;
	s8 =	simm.s32 @!p0 $0x1BF5;
	p2 =	por !p2, p0  }
0x20: {  	[sflag:s8] =	ssyncset.s32 @!p0 $0xFFFFF086;
	s6 =	sadd.s32 @!p0 s3, s7;
	s7 =	simm.s32 @!p0 $0x108  }
0x21: {  	s3 =	sadd.s32 s3, s9;
	s6 =	sadd.s32 @!p0 $0x88, s6;
	s7 =	simm.s32 @p2 $0x1082  }
0x22: {  	[simem:s7], [sflag:s8] =	dma.local @!p0 [hbm:s6], $0xF7A  }
0x23: {  	s9 =	sor.u32 $0xD0000000, s2;
	s6 =	simm.s32 $0x108;
	_ =	swait.ge @!p0 [sflag:s8], $0x0  }
0x24: {  	s3 =	sadd.s32 $0x88, s3;
	s6 =	simm.s32 @!p1 $0x1082;
	[sflag:s4] =	ssyncset.s32 $0xFFFFF086  }
0x25: {  	[simem:s6], [sflag:s4] =	dma.local [hbm:s3], $0xF7A  }
0x26: {  	[smem:$0x3F99] =	sst s1;
	(tag) =	ssettag s2;
	_ =	strace s9  }
0x27: {  	s1 =	sld [smem:$0x3FA9]  }
0x28: {  	s2 =	sld [smem:$0x3FAA]  }
0x29: {  	s4 =	sld [smem:$0x3FAC]  }
0x2a: {  	p0 =	seq.s32 s5, $0x0;
	s5 =	sld [smem:$0x3FAD]  }
0x2b: {  	s6 =	sld [smem:$0x3FAE]  }
0x2c: {  	s7 =	sld [smem:$0x3FAF]  }
0x2d: {  	s3 =	simm.s32 $0x108;
	s8 =	sld [smem:$0x3FB0]  }
0x2e: {  	s3 =	simm.s32 @!p0 $0x1082;
	s9 =	sld [smem:$0x3FB1]  }
0x2f: {  	lr =	sadd.s32 s0, s3;
	s0 =	sld [smem:$0x3FA8]  }
0x30: {  	s3 =	sld [smem:$0x3FAB]  }
0x31: {  	[smem:$0x3FB4] =	sst s10  }
0x32: {  	s10 =	sld [smem:$0x3FB2];
	_ =	sdelay $0x3  }
0x33: {  	p0 =	seq.s32 s10, $0x1;
	s10 =	sld [smem:$0x3FB4];
	_ =	sdelay $0x3  }
0x34: {  	[smem:$0x3FB4] =	sst s10  }
0x35: {  	s10 =	sld [smem:$0x3FB3];
	_ =	sdelay $0x3  }
0x36: {  	p1 =	seq.s32 s10, $0x1;
	s10 =	sld [smem:$0x3FB4];
	_ =	sdelay $0x3  }
0x37: {  	[smem:$0x3FB4] =	sst s10  }
0x38: {  	s10 =	sld [smem:$0x3FB5]  }
0x39: {  	_ = 	snop;
	(pc) =	sbr.ind lr, $3  }
0x3a: {  	_ = 	snop  }
0x3b: {  	_ = 	snop  }
0x3c: {  	p2 =	seq.s32 s10, $0x1;
	s10 =	sld [smem:$0x3FB4]  }
0x3d: {  	_ =	shalt  }
0x3e: {  	_ =	shalt  }
0x3f: {  	_ =	shalt  }
0x40: {  	_ =	shalt  }
0x41: {  	_ =	shalt  }
0x42: {  	_ =	shalt  }
0x43: {  	_ =	shalt  }
0x44: {  	_ =	shalt  }
0x45: {  	_ =	shalt  }
0x46: {  	_ =	shalt  }
0x47: {  	_ =	shalt  }
0x48: {  	_ =	shalt  }
0x49: {  	_ =	shalt  }
0x4a: {  	_ =	shalt  }
0x4b: {  	_ =	shalt  }
0x4c: {  	_ =	shalt  }
0x4d: {  	_ =	shalt  }
0x4e: {  	_ =	shalt  }
0x4f: {  	_ =	shalt  }
0x50: {  	_ =	shalt  }
0x51: {  	_ =	shalt  }
0x52: {  	_ =	shalt  }
0x53: {  	_ =	shalt  }
0x54: {  	_ =	shalt  }
0x55: {  	_ =	shalt  }
0x56: {  	_ =	shalt  }
0x57: {  	_ =	shalt  }
0x58: {  	_ =	shalt  }
0x59: {  	_ =	shalt  }
0x5a: {  	_ =	shalt  }
0x5b: {  	_ =	shalt  }
0x5c: {  	_ =	shalt  }
0x5d: {  	_ =	shalt  }
0x5e: {  	_ =	shalt  }
0x5f: {  	_ =	shalt  }
0x60: {  	_ =	shalt  }
0x61: {  	_ =	shalt  }
0x62: {  	_ =	shalt  }
0x63: {  	_ =	shalt  }
0x64: {  	_ =	shalt  }
0x65: {  	_ =	shalt  }
0x66: {  	_ =	shalt  }
0x67: {  	_ =	shalt  }
0x68: {  	_ =	shalt  }
0x69: {  	_ =	shalt  }
0x6a: {  	_ =	shalt  }
0x6b: {  	_ =	shalt  }
0x6c: {  	_ =	shalt  }
0x6d: {  	_ =	shalt  }
0x6e: {  	_ =	shalt  }
0x6f: {  	_ =	shalt  }
0x70: {  	_ =	shalt  }
0x71: {  	_ =	shalt  }
0x72: {  	_ =	shalt  }
0x73: {  	_ =	shalt  }
0x74: {  	_ =	shalt  }
0x75: {  	_ =	shalt  }
0x76: {  	_ =	shalt  }
0x77: {  	_ =	shalt  }
0x78: {  	_ =	shalt  }
0x79: {  	_ =	shalt  }
0x7a: {  	_ =	shalt  }
0x7b: {  	_ =	shalt  }
0x7c: {  	_ =	shalt  }
0x7d: {  	_ =	shalt  }
0x7e: {  	_ =	shalt  }
0x7f: {  	_ =	shalt  }
0x80: {  	_ =	shalt  }
0x81: {  	_ =	shalt  }
0x82: {  	_ =	shalt  }
0x83: {  	_ =	shalt  }
0x84: {  	_ =	shalt  }
0x85: {  	_ =	shalt  }
0x86: {  	_ =	shalt  }
0x87: {  	_ =	shalt  }
.Lfunc_end0:
.L_simem_size_0:
called_computation.3_lowered:
.L_overlay_start_0:
0x88: {  	s2 =	sld [smem:$0x3FD9]  }
0x89: {  	s3 =	sld [smem:$0x3FFE];
	_ =	sdelay $0x1  }
0x8a: {  	s1 =	srdreg.scid  }
0x8b: {  	s0 =	sand.u32 $0x1, s1  }
0x8c: {  	s16 =	sshll.u32 s0, $0xA;
	s2 =	sadd.s32 s3, s2  }
0x8d: {  	s2 =	sadd.s32 s2, s16  }
0x8e: {  	[smem:$0x3FC0] =	sst s2  }
0x8f: {  	_ = 	snop  }
0x90: {  	(tm) =	ssettm $0x1  }
0x91: {  	s17 =	sld [smem:$0x3FFB];
	_ =	sdelay $0x3  }
0x92: {  	_ =	strace s17  }
0x93: {  	s2 =	sld [smem:$0x3FFC];
	_ =	sdelay $0x3  }
0x94: {  	_ =	strace s2  }
0x95: {  	s2 =	sld [smem:$0x3FFD];
	_ =	sdelay $0x3  }
0x96: {  	_ =	strace s2  }
0x97: {  	_ =	strace $0x8FFFFFFF  }
0x98: {  	s18 =	sld [smem:$0x3FDB];
	_ =	sdelay $0x1  }
0x99: {  	s19 =	simm.s32 $_scs_section_size  }
0x9a: {  	s4 =	simm.s32 $_size__tile_overlayer_lowered;
	s5 =	simm.s32 $_tile_overlayer_lowered  }
0x9b: {  	s22 =	simm.s32 $0x1BFF;
	s21 =	sshll.u32 s5, $0x1;
	s2 =	sadd.s32 s19, s18  }
0x9c: {  	s6 =	simm.s32 $0x0;
	s20 =	sshll.u32 s4, $0x1;
	s4 =	sadd.s32 s21, s2  }
0x9d: {  	[timem:s6], [sflag:s22] =	dma.local [hbm:s4], s20  }
0x9e: {  	_ =	swait.ge [sflag:s22], s20  }
0x9f: {  	s3 =	ssub.s32 $0x0, s20;
	[sflag:s22] =	ssyncset.done $0x0  }
0xa0: {  	[sflag:s22] =	ssyncadd.s32 s3;
	_ =	sdelay $0x1  }
0xa1: {  	s23 =	simm.s32 $0x1B8B  }
0xa2: {  	_ =	swait.ge [sflag:s23], $0x1  }
0xa3: {  	[sflag:s23] =	ssyncset.done $0x0  }
0xa4: {  	s25 =	simm.s32 $0x1B8E;
	s24 =	sld [smem:$0x3FFE];
	[sflag:s23] =	ssyncadd.s32 $0xFFFFFFFF  }
0xa5: {  	s26 =	simm.s32 $execute0_lowered;
	[smem:$0x3FD2] =	sst s25  }
0xa6: {  	s4 =	sshll.u32 s26, $0x1;
	_ =	strace $0x8000004F;
	[dreg:$0x1] =	wrdreg $0xFFFFFFFF  }
0xa7: {  	s28 =	simm.s32 $_size_execute0_lowered;
	s2 =	sadd.s32 s2, s4;
	[dreg:$0x0] =	wrdreg $0x0  }
0xa8: {  	s4 =	sshll.u32 s28, $0x1;
	[dreg:$0x2] =	wrdreg s2  }
0xa9: {  	[dreg:$0x3] =	wrdreg s4  }
0xaa: {  	[dreg:$0x4] =	wrdreg $0xC0  }
0xab: {  	_ =	task [dreg:s6], $0x5FFFF  }
0xac: {  	[dreg:$0x1] =	wrdreg $0xFFFFFFFF  }
0xad: {  	[dreg:$0x0] =	wrdreg $0x60  }
0xae: {  	[dreg:$0x2] =	wrdreg s24  }
0xaf: {  	[dreg:$0x3] =	wrdreg $0x6C000  }
0xb0: {  	[dreg:$0x4] =	wrdreg $0x9  }
0xb1: {  	_ =	task.clear_ibuf [dreg:s6], $0x5FFFF;
	_ =	strace $0x9000004F  }
0xb2: {  	s29 =	simm.s32 $0x9;
	_ =	strace $0x80000051  }
0xb3: {  	_ =	swait.ge [sflag:s29], $0x1  }
0xb4: {  	[sflag:s29] =	ssyncadd.s32 $0xFFFFFFFF  }
0xb5: {  	_ =	strace $0x90000051  }
0xb6: {  	_ =	sfence  }
0xb7: {  	s30 =	sld [smem:$0x0];
	_ =	sdelay $0x2  }
0xb8: {  	s31 =	sshll.u32 s1, $0xD;
	s1 =	sshrl.u32 s1, $0x2  }
0xb9: {  	s3 =	sand.u32 $0x4000, s31;
	s1 =	sadd.s32 s1, s30  }
0xba: {  	s0 =	sor.u32 s3, s0;
	s1 =	sshll.u32 s1, $0x11  }
0xbb: {  	s0 =	sor.u32 s1, s0  }
0xbc: {  	s0 =	sadd.s32 $0x8F2B, s0  }
0xbd: {  	[sflag:s0] =	ssyncadd.remote.s32 $0x1  }
0xbe: {  	_ =	sfence.sel $0xFFFF  }
0xbf: {  	[dreg:$0x0] =	wrdreg $0xFFFFFFFF;
	(pc) =	sbr.abs _section_cstart, $3  }
0xc0: {  	[dreg:$0x1] =	wrdreg $0xFFFFFFFF  }
0xc1: {  	_ =	task.clear_ibuf [dreg:s6], $0x2FFFF;
	_ =	strace $0x9FFFFFFF  }
0xc2: {  	(tm) =	ssettm $0x7FFFFFFF  }
0xc3: {  	_ =	shalt  }
tec
execute0_lowered:
.L_overlay_start_1:
0x0: {  	(tag) =	ssettag $0x1  }
0x1: {  	s0 =	rddreg [dreg:$0x0]  }
0x2: {  	s2 =	rddreg [dreg:$0x1]  }
0x3: {  	s3 =	simm.s32 $0x0;
	s13 =	stileid.u32;
	s1 =	srdreg.scid  }
0x4: {  	s15 =	simm.s32 $0x200;
	s17 =	simm.s32 $0x400;
	s18 =	simm.s32 $0x800  }
0x5: {  	s28 =	simm.s32 $0x3;
	s29 =	simm.s32 $0x4C00;
	s30 =	simm.s32 $0x5  }
0x6: {  	s31 =	simm.s32 $0x600;
	[smem:$0x7FF] =	sst s3;
	s4 =	sshll.u32 s13, $0x6  }
0x7: {  	s1 =	sand.u32 $0x1, s1;
	s7 =	sadd.s32 $0x7A8000, s0;
	s5 =	sadd.s32 $0x189000, s0  }
0x8: {  	p0 =	slt.u32 s13, $0x4;
	s10 =	smul.u32 $0x18800, s13;
	_ =	strace $0x80000050  }
0x9: {  	s6 =	sadd.s32 s4, s0;
	s8 =	ssub.s32 $0x2, s1;
	[dreg:$0x3] =	wrdreg s5  }
0xa: {  	s0 =	sadd.s32 $0x86C000, s0;
	s5 =	simm.s32 $0x30E;
	s1 =	smul.u32 $0x62000, s1  }
0xb: {  	s14 =	sor.u32 $0x1C0A, s4;
	s9 =	sshrl.u32 s8, $0x1;
	s5 =	simm.s32 @!p0 $0x30D  }
0xc: {  	s19 =	sadd.s32 $0x2400, s6;
	s20 =	sadd.s32 $0x2800, s6;
	[dreg:$0x8] =	wrdreg s14  }
0xd: {  	s21 =	sadd.s32 $0x2C00, s6;
	s22 =	sadd.s32 s10, s2;
	[dreg:$0x4] =	wrdreg s19  }
0xe: {  	s24 =	sshrl.u32 s10, $0x3;
	p0 =	sgt.u32 s13, $0x3;
	[dreg:$0x5] =	wrdreg s20  }
0xf: {  	s13 =	simm.s32 $0x8;
	s8 =	ssub.s32 s8, s9;
	[dreg:$0x6] =	wrdreg s21  }
0x10: {  	[dreg:$0x7] =	wrdreg s22;
	s11 =	sadd.s32 s7, s1;
	s23 =	sadd.s32 s0, s1  }
0x11: {  	s1 =	sadd.s32 $0x31000, s1;
	s20 =	simm.s32 $0x1;
	s21 =	simm.s32 $0xC00  }
0x12: {  	s22 =	simm.s32 $0x2;
	s9 =	simm.s32 $0xA00;
	s12 =	sadd.s32 s7, s1  }
0x13: {  	s0 =	sadd.s32 s0, s1;
	s25 =	smax.u32 s8, $0x1;
	s8 =	sadd.s32 $0x3800, s6  }
0x14: {  	s7 =	simm.s32 $0xA;
	s26 =	sadd.s32 s24, s23;
	s1 =	simm.s32 $0x6  }
0x15: {  	s23 =	simm.s32 $0x9;
	s6 =	simm.s32 $0x0;
	[dreg:$0x9] =	wrdreg s25  }
0x16: {  	[dreg:$0xa] =	wrdreg s26;
	s0 =	sadd.s32 s24, s0;
	s25 =	simm.s32 $0x2C00  }
0x17: {  	s26 =	simm.s32 $0x4;
	[dreg:$0xb] =	wrdreg s0;
	s0 =	simm.s32 $0x7  }
.LBB2_1:
0x18: {  	[dreg:$0xc] =	wrdreg s6  }
0x19: {  	s4 =	rddreg [dreg:$0x4]  }
0x1a: {  	s19 =	simm.s32 $0x61A800;
	s24 =	rddreg [dreg:$0x5]  }
0x1b: {  	[tilespmem:s3], [sflag:$0x1] =	stream.strided.gather [hbm4b:s4+s15], $0x400, s19, s15, $0x38;
	[tilespmem:$0x1F400] =	vst v63  }
0x1c: {  	s10 =	rddreg [dreg:$0x6]  }
0x1d: {  	[tilespmem:s17], [sflag:$0x2] =	stream.strided.gather [hbm4b:s24+s15], $0x400, s19, s15, $0x38;
	[tilespmem:$0x1F400] =	vst v63  }
0x1e: {  	s16 =	rddreg [dreg:$0x7]  }
0x1f: {  	[tilespmem:s18], [sflag:$0x3] =	stream.strided.gather [hbm4b:s10+s15], $0x400, s19, s15, $0x38;
	[tilespmem:$0x1F400] =	vst v63  }
0x20: {  	s24 =	rddreg [dreg:$0x3];
	s19 =	sshrl.u32 s16, $0x3  }
0x21: {  	[dreg:$0xd] =	wrdreg s19  }
0x22: {  	[spmem:s19], [sflag:s14] =	dma.local [hbm:s24], $0x3100  }
0x23: {  	_ =	swait.ge [sflag:s7], $0x3100  }
0x24: {  	[sflag:s7] =	ssyncset.done $0x0  }
0x25: {  	[sflag:s7] =	ssyncadd.s32 $0xFFFFCF00  }
0x26: {  	[bflag:$0x0] =	sbarrier.arrive $0xFFFF  }
0x27: {  	_ =	swait.ge [sflag:s20], $0x400  }
0x28: {  	[sflag:s20] =	ssyncset.done $0x0  }
0x29: {  	[sflag:s20] =	ssyncadd.s32 $0xFFFFFC00  }
0x2a: {  	[tilespmem:s21], [sflag:$0x4] =	stream.indirect.gather [hbm4b:s11+s15], $0x10, s3, s15, $0xb8;
	[tilespmem:$0x1F400] =	vst v63  }
0x2b: {  	_ =	swait.ge [sflag:s22], $0x400  }
0x2c: {  	[sflag:s22] =	ssyncset.done $0x0  }
0x2d: {  	[sflag:s22] =	ssyncadd.s32 $0xFFFFFC00  }
0x2e: {  	[tilespmem:s25], [sflag:$0x5] =	stream.indirect.gather [hbm4b:s11+s15], $0x10, s17, s15, $0xb8;
	[tilespmem:$0x1F400] =	vst v63  }
0x2f: {  	_ =	swait.ge [sflag:s26], $0x2000  }
0x30: {  	[sflag:s26] =	ssyncset.done $0x0  }
0x31: {  	[sflag:s26] =	ssyncadd.s32 $0xFFFFE000  }
0x32: {  	[spmem:s2] =	stream.indirect.scatter.add.f32 [tilespmem:s21], [sflag:$0x7], $0x10, s15, s15, $0xb8;
	[tilespmem:$0x1F400] =	vst v63  }
0x33: {  	_ =	swait.ge [sflag:s28], $0x400  }
0x34: {  	[sflag:s28] =	ssyncset.done $0x0  }
0x35: {  	[sflag:s28] =	ssyncadd.s32 $0xFFFFFC00  }
0x36: {  	[tilespmem:s29], [sflag:$0x6] =	stream.indirect.gather [hbm4b:s11+s15], $0x10, s18, s15, $0xb8;
	[tilespmem:$0x1F400] =	vst v63  }
0x37: {  	_ =	swait.ge [sflag:s30], $0x2000  }
0x38: {  	[sflag:s30] =	ssyncset.done $0x0  }
0x39: {  	[sflag:s30] =	ssyncadd.s32 $0xFFFFE000  }
0x3a: {  	[spmem:s2] =	stream.indirect.scatter.add.f32 [tilespmem:s25], [sflag:$0x8], $0x10, s31, s15, $0xb8;
	[tilespmem:$0x1F400] =	vst v63  }
0x3b: {  	p1 =	sle.u32 s5, $0x3;
	_ =	swait.ge [sflag:s0], $0x2000  }
0x3c: {  	s4 =	sadd.s32 @!p1 $0xFFFFF800, s8;
	s6 =	simm.s32 @!p1 $0x0;
	[sflag:s0] =	ssyncset.done $0x0  }
0x3d: {  	s10 =	simm.s32 @!p1 $0x61A800;
	s7 =	simm.s32 @!p1 $0x200;
	[sflag:s0] =	ssyncadd.s32 $0xFFFFE000  }
0x3e: {  	[tilespmem:s6], [sflag:$0x1] =	stream.strided.gather @!p1 [hbm4b:s4+s7], $0x400, s10, s7, $0x38;
	[tilespmem:$0x1F400] =	vst v63  }
0x3f: {  	_ =	swait.ge [sflag:s1], $0x2000  }
0x40: {  	[sflag:s1] =	ssyncset.done $0x0  }
0x41: {  	p2 =	sle.u32 s5, $0x5;
	[sflag:s1] =	ssyncadd.s32 $0xFFFFE000  }
0x42: {  	[spmem:s2] =	stream.indirect.scatter.add.f32 [tilespmem:s29], [sflag:$0x9], $0x10, s9, s15, $0xb8;
	[tilespmem:$0x1F400] =	vst v63  }
0x43: {  	s6 =	simm.s32 $0x8;
	p1 =	sle.u32 s5, $0x4;
	_ =	swait.ge [sflag:s13], $0x2000  }
0x44: {  	s4 =	sadd.s32 @!p1 $0xFFFFFC00, s8;
	s7 =	simm.s32 @!p1 $0x400;
	[sflag:s13] =	ssyncset.done $0x0  }
0x45: {  	s10 =	simm.s32 @!p1 $0x200;
	s14 =	simm.s32 @!p1 $0x61A800;
	[sflag:s13] =	ssyncadd.s32 $0xFFFFE000  }
0x46: {  	[tilespmem:s7], [sflag:$0x2] =	stream.strided.gather @!p1 [hbm4b:s4+s10], $0x400, s14, s10, $0x38;
	[tilespmem:$0x1F400] =	vst v63  }
0x47: {  	s7 =	sadd.s32 $0xC00, s8;
	s10 =	simm.s32 @!p2 $0x200;
	_ =	swait.ge [sflag:s23], $0x2000  }
0x48: {  	s4 =	simm.s32 @!p2 $0x800;
	s14 =	smov.u32 s8;
	[sflag:s23] =	ssyncset.done $0x0  }
.LBB2_2:
0x49: {  	[sflag:s23] =	ssyncadd.s32 $0xFFFFE000  }
0x4a: {  	s19 =	simm.s32 @!p2 $0x61A800;
	s16 =	smov.u32 s6;
	s6 =	sadd.s32 $0x3, s6  }
0x4b: {  	[tilespmem:s4], [sflag:$0x3] =	stream.strided.gather @!p2 [hbm4b:s14+s10], $0x400, s19, s10, $0x38;
	[tilespmem:$0x1F400] =	vst v63  }
0x4c: {  	p1 =	sne.s32 s6, $0x311;
	s14 =	smov.u32 s7;
	_ =	swait.ge [sflag:s20], $0x400  }
0x4d: {  	[sflag:s20] =	ssyncset.done $0x0  }
0x4e: {  	[sflag:s20] =	ssyncadd.s32 $0xFFFFFC00  }
0x4f: {  	[tilespmem:s21], [sflag:$0x4] =	stream.indirect.gather [hbm4b:s11+s15], $0x10, s3, s15, $0xb8;
	[tilespmem:$0x1F400] =	vst v63  }
0x50: {  	_ =	swait.ge [sflag:s22], $0x400  }
0x51: {  	[sflag:s22] =	ssyncset.done $0x0  }
0x52: {  	[sflag:s22] =	ssyncadd.s32 $0xFFFFFC00  }
0x53: {  	[tilespmem:s25], [sflag:$0x5] =	stream.indirect.gather [hbm4b:s11+s15], $0x10, s17, s15, $0xb8;
	[tilespmem:$0x1F400] =	vst v63  }
0x54: {  	_ =	swait.ge [sflag:s26], $0x2000  }
0x55: {  	[sflag:s26] =	ssyncset.done $0x0  }
0x56: {  	[sflag:s26] =	ssyncadd.s32 $0xFFFFE000  }
0x57: {  	[spmem:s2] =	stream.indirect.scatter.add.f32 [tilespmem:s21], [sflag:$0x7], $0x10, s15, s15, $0xb8;
	[tilespmem:$0x1F400] =	vst v63  }
0x58: {  	_ =	swait.ge [sflag:s28], $0x400  }
0x59: {  	[sflag:s28] =	ssyncset.done $0x0  }
0x5a: {  	[sflag:s28] =	ssyncadd.s32 $0xFFFFFC00  }
0x5b: {  	[tilespmem:s29], [sflag:$0x6] =	stream.indirect.gather [hbm4b:s11+s15], $0x10, s18, s15, $0xb8;
	[tilespmem:$0x1F400] =	vst v63  }
0x5c: {  	_ =	swait.ge [sflag:s30], $0x2000  }
0x5d: {  	[sflag:s30] =	ssyncset.done $0x0  }
0x5e: {  	[sflag:s30] =	ssyncadd.s32 $0xFFFFE000  }
0x5f: {  	[spmem:s2] =	stream.indirect.scatter.add.f32 [tilespmem:s25], [sflag:$0x8], $0x10, s31, s15, $0xb8;
	[tilespmem:$0x1F400] =	vst v63  }
0x60: {  	s4 =	sadd.s32 $0xFFFFFFFE, s16;
	_ =	swait.ge [sflag:s0], $0x2000  }
0x61: {  	p2 =	sge.u32 s4, s5;
	[sflag:s0] =	ssyncset.done $0x0  }
0x62: {  	s4 =	sadd.s32 @!p2 $0xFFFFF800, s7;
	s10 =	simm.s32 @!p2 $0x0;
	[sflag:s0] =	ssyncadd.s32 $0xFFFFE000  }
0x63: {  	s19 =	simm.s32 @!p2 $0x200;
	s24 =	simm.s32 @!p2 $0x61A800  }
0x64: {  	[tilespmem:s10], [sflag:$0x1] =	stream.strided.gather @!p2 [hbm4b:s4+s19], $0x400, s24, s19, $0x38;
	[tilespmem:$0x1F400] =	vst v63  }
0x65: {  	_ =	swait.ge [sflag:s1], $0x2000  }
0x66: {  	s4 =	sadd.s32 $0xFFFFFFFF, s16;
	[sflag:s1] =	ssyncset.done $0x0  }
0x67: {  	p2 =	sge.u32 s4, s5;
	[sflag:s1] =	ssyncadd.s32 $0xFFFFE000  }
0x68: {  	[spmem:s2] =	stream.indirect.scatter.add.f32 [tilespmem:s29], [sflag:$0x9], $0x10, s9, s15, $0xb8;
	[tilespmem:$0x1F400] =	vst v63  }
0x69: {  	s4 =	sadd.s32 @!p2 $0xFFFFFC00, s7;
	_ =	swait.ge [sflag:s13], $0x2000  }
.Ltmp0:
0x6a: {  	s10 =	simm.s32 @!p2 $0x400;
	[sflag:s13] =	ssyncset.done $0x0;
	(pc) =	sbr.rel @p1 .LBB2_2-.Ltmp0, $4  }
0x6b: {  	s19 =	simm.s32 @!p2 $0x200;
	s24 =	simm.s32 @!p2 $0x61A800;
	[sflag:s13] =	ssyncadd.s32 $0xFFFFE000  }
0x6c: {  	[tilespmem:s10], [sflag:$0x2] =	stream.strided.gather @!p2 [hbm4b:s4+s19], $0x400, s24, s19, $0x38;
	[tilespmem:$0x1F400] =	vst v63  }
0x6d: {  	s7 =	sadd.s32 $0xC00, s7;
	p2 =	sge.u32 s16, s5;
	_ =	swait.ge [sflag:s23], $0x2000  }
0x6e: {  	s10 =	simm.s32 @!p2 $0x200;
	s4 =	simm.s32 @!p2 $0x800;
	[sflag:s23] =	ssyncset.done $0x0  }
0x6f: {  	[sflag:s23] =	ssyncadd.s32 $0xFFFFE000;
	s6 =	simm.s32 @!p2 $0x61A800  }
0x70: {  	[tilespmem:s4], [sflag:$0x3] =	stream.strided.gather @!p2 [hbm4b:s14+s10], $0x400, s6, s10, $0x38;
	[tilespmem:$0x1F400] =	vst v63  }
0x71: {  	_ =	swait.ge [sflag:s20], $0x400  }
0x72: {  	[sflag:s20] =	ssyncset.done $0x0  }
0x73: {  	[sflag:s20] =	ssyncadd.s32 $0xFFFFFC00  }
0x74: {  	[tilespmem:s21], [sflag:$0x4] =	stream.indirect.gather [hbm4b:s11+s15], $0x10, s3, s15, $0xb8;
	[tilespmem:$0x1F400] =	vst v63  }
0x75: {  	_ =	swait.ge [sflag:s26], $0x2000  }
0x76: {  	[sflag:s26] =	ssyncset.done $0x0  }
0x77: {  	[sflag:s26] =	ssyncadd.s32 $0xFFFFE000  }
0x78: {  	[spmem:s2] =	stream.indirect.scatter.add.f32 [tilespmem:s21], [sflag:$0x7], $0x10, s15, s15, $0xb8;
	[tilespmem:$0x1F400] =	vst v63  }
0x79: {  	_ =	swait.ge [sflag:s0], $0x2000  }
0x7a: {  	[sflag:s0] =	ssyncset.done $0x0  }
0x7b: {  	s4 =	simm.s32 @!p0 $0x2;
	[sflag:s0] =	ssyncadd.s32 $0xFFFFE000  }
0x7c: {  	_ =	swait.ge @!p0 [sflag:s4], $0x400  }
0x7d: {  	s7 =	simm.s32 @!p0 $0x2C00;
	[sflag:s4] =	ssyncset.done @!p0 $0x0  }
0x7e: {  	s6 =	simm.s32 @!p0 $0x400;
	[sflag:s4] =	ssyncadd.s32 @!p0 $0xFFFFFC00;
	s4 =	simm.s32 @!p0 $0x200  }
0x7f: {  	[tilespmem:s7], [sflag:$0x5] =	stream.indirect.gather @!p0 [hbm4b:s11+s4], $0x10, s6, s4, $0xb8;
	[tilespmem:$0x1F400] =	vst v63  }
0x80: {  	s6 =	simm.s32 @!p0 $0x5  }
0x81: {  	_ =	swait.ge @!p0 [sflag:s6], $0x2000  }
0x82: {  	[sflag:s6] =	ssyncset.done @!p0 $0x0  }
0x83: {  	[sflag:s6] =	ssyncadd.s32 @!p0 $0xFFFFE000;
	s6 =	simm.s32 @!p0 $0x600  }
0x84: {  	[spmem:s2] =	stream.indirect.scatter.add.f32 @!p0 [tilespmem:s7], [sflag:$0x8], $0x10, s6, s4, $0xb8;
	[tilespmem:$0x1F400] =	vst v63  }
0x85: {  	s4 =	simm.s32 @!p0 $0x8  }
0x86: {  	_ =	swait.ge @!p0 [sflag:s4], $0x2000  }
0x87: {  	[sflag:s4] =	ssyncset.done @!p0 $0x0  }
0x88: {  	[sflag:s4] =	ssyncadd.s32 @!p0 $0xFFFFE000  }
0x89: {  	[bflag:$0x0] =	sbarrier.arrive $0xFFFF  }
0x8a: {  	s6 =	rddreg [dreg:$0x8]  }
0x8b: {  	s16 =	rddreg [dreg:$0xa]  }
0x8c: {  	s10 =	simm.s32 $0xA;
	s14 =	rddreg [dreg:$0xd]  }
0x8d: {  	[hbm:s16], [sflag:s6] =	dma.local [spmem:s14], $0x3100  }
0x8e: {  	_ =	swait.ge [sflag:s10], $0x3100  }
0x8f: {  	[sflag:s10] =	ssyncset.done $0x0  }
0x90: {  	[sflag:s10] =	ssyncadd.s32 $0xFFFFCF00  }
0x91: {  	[bflag:$0x0] =	sbarrier.arrive $0xFFFF  }
0x92: {  	s24 =	simm.s32 $0x61A800;
	s19 =	rddreg [dreg:$0x4]  }
0x93: {  	[tilespmem:s3], [sflag:$0x1] =	stream.strided.gather [hbm4b:s19+s15], $0x400, s24, s15, $0x38;
	[tilespmem:$0x1F400] =	vst v63  }
0x94: {  	s16 =	rddreg [dreg:$0x5]  }
0x95: {  	[tilespmem:s17], [sflag:$0x2] =	stream.strided.gather [hbm4b:s16+s15], $0x400, s24, s15, $0x38;
	[tilespmem:$0x1F400] =	vst v63  }
0x96: {  	s19 =	rddreg [dreg:$0x6]  }
0x97: {  	[tilespmem:s18], [sflag:$0x3] =	stream.strided.gather [hbm4b:s19+s15], $0x400, s24, s15, $0x38;
	[tilespmem:$0x1F400] =	vst v63  }
0x98: {  	s24 =	rddreg [dreg:$0x3]  }
0x99: {  	[spmem:s14], [sflag:s6] =	dma.local [hbm:s24], $0x3100  }
0x9a: {  	_ =	swait.ge [sflag:s10], $0x3100  }
0x9b: {  	[sflag:s10] =	ssyncset.done $0x0  }
0x9c: {  	[sflag:s10] =	ssyncadd.s32 $0xFFFFCF00  }
0x9d: {  	[bflag:$0x0] =	sbarrier.arrive $0xFFFF  }
0x9e: {  	_ =	swait.ge [sflag:s20], $0x400  }
0x9f: {  	[sflag:s20] =	ssyncset.done $0x0  }
0xa0: {  	[sflag:s20] =	ssyncadd.s32 $0xFFFFFC00  }
0xa1: {  	[tilespmem:s21], [sflag:$0x4] =	stream.indirect.gather [hbm4b:s12+s15], $0x10, s3, s15, $0xb8;
	[tilespmem:$0x1F400] =	vst v63  }
0xa2: {  	_ =	swait.ge [sflag:s22], $0x400  }
0xa3: {  	[sflag:s22] =	ssyncset.done $0x0  }
0xa4: {  	[sflag:s22] =	ssyncadd.s32 $0xFFFFFC00  }
0xa5: {  	[tilespmem:s25], [sflag:$0x5] =	stream.indirect.gather [hbm4b:s12+s15], $0x10, s17, s15, $0xb8;
	[tilespmem:$0x1F400] =	vst v63  }
0xa6: {  	_ =	swait.ge [sflag:s26], $0x2000  }
0xa7: {  	[sflag:s26] =	ssyncset.done $0x0  }
0xa8: {  	[sflag:s26] =	ssyncadd.s32 $0xFFFFE000  }
0xa9: {  	[spmem:s2] =	stream.indirect.scatter.add.f32 [tilespmem:s21], [sflag:$0x7], $0x10, s15, s15, $0xb8;
	[tilespmem:$0x1F400] =	vst v63  }
0xaa: {  	_ =	swait.ge [sflag:s28], $0x400  }
0xab: {  	[sflag:s28] =	ssyncset.done $0x0  }
0xac: {  	[sflag:s28] =	ssyncadd.s32 $0xFFFFFC00  }
0xad: {  	[tilespmem:s29], [sflag:$0x6] =	stream.indirect.gather [hbm4b:s12+s15], $0x10, s18, s15, $0xb8;
	[tilespmem:$0x1F400] =	vst v63  }
0xae: {  	_ =	swait.ge [sflag:s30], $0x2000  }
0xaf: {  	[sflag:s30] =	ssyncset.done $0x0  }
0xb0: {  	[sflag:s30] =	ssyncadd.s32 $0xFFFFE000  }
0xb1: {  	[spmem:s2] =	stream.indirect.scatter.add.f32 [tilespmem:s25], [sflag:$0x8], $0x10, s31, s15, $0xb8;
	[tilespmem:$0x1F400] =	vst v63  }
0xb2: {  	p1 =	sle.u32 s5, $0x3;
	_ =	swait.ge [sflag:s0], $0x2000  }
0xb3: {  	s7 =	simm.s32 @!p1 $0x200;
	s4 =	sadd.s32 @!p1 $0xFFFFF800, s8;
	[sflag:s0] =	ssyncset.done $0x0  }
0xb4: {  	s6 =	simm.s32 @!p1 $0x0;
	s10 =	simm.s32 @!p1 $0x61A800;
	[sflag:s0] =	ssyncadd.s32 $0xFFFFE000  }
0xb5: {  	[tilespmem:s6], [sflag:$0x1] =	stream.strided.gather @!p1 [hbm4b:s4+s7], $0x400, s10, s7, $0x38;
	[tilespmem:$0x1F400] =	vst v63  }
0xb6: {  	_ =	swait.ge [sflag:s1], $0x2000  }
0xb7: {  	[sflag:s1] =	ssyncset.done $0x0  }
0xb8: {  	p2 =	sle.u32 s5, $0x5;
	[sflag:s1] =	ssyncadd.s32 $0xFFFFE000  }
0xb9: {  	[spmem:s2] =	stream.indirect.scatter.add.f32 [tilespmem:s29], [sflag:$0x9], $0x10, s9, s15, $0xb8;
	[tilespmem:$0x1F400] =	vst v63  }
0xba: {  	s6 =	simm.s32 $0x8;
	p1 =	sle.u32 s5, $0x4;
	_ =	swait.ge [sflag:s13], $0x2000  }
0xbb: {  	s4 =	sadd.s32 @!p1 $0xFFFFFC00, s8;
	s7 =	simm.s32 @!p1 $0x400;
	[sflag:s13] =	ssyncset.done $0x0  }
0xbc: {  	s10 =	simm.s32 @!p1 $0x200;
	s14 =	simm.s32 @!p1 $0x61A800;
	[sflag:s13] =	ssyncadd.s32 $0xFFFFE000  }
0xbd: {  	[tilespmem:s7], [sflag:$0x2] =	stream.strided.gather @!p1 [hbm4b:s4+s10], $0x400, s14, s10, $0x38;
	[tilespmem:$0x1F400] =	vst v63  }
0xbe: {  	s7 =	sadd.s32 $0xC00, s8;
	s10 =	simm.s32 @!p2 $0x200;
	_ =	swait.ge [sflag:s23], $0x2000  }
0xbf: {  	s4 =	simm.s32 @!p2 $0x800;
	s14 =	smov.u32 s8;
	[sflag:s23] =	ssyncset.done $0x0  }
.LBB2_4:
0xc0: {  	[sflag:s23] =	ssyncadd.s32 $0xFFFFE000  }
0xc1: {  	s19 =	simm.s32 @!p2 $0x61A800;
	s16 =	smov.u32 s6;
	s6 =	sadd.s32 $0x3, s6  }
0xc2: {  	[tilespmem:s4], [sflag:$0x3] =	stream.strided.gather @!p2 [hbm4b:s14+s10], $0x400, s19, s10, $0x38;
	[tilespmem:$0x1F400] =	vst v63  }
0xc3: {  	p1 =	sne.s32 s6, $0x311;
	s14 =	smov.u32 s7;
	_ =	swait.ge [sflag:s20], $0x400  }
0xc4: {  	[sflag:s20] =	ssyncset.done $0x0  }
0xc5: {  	[sflag:s20] =	ssyncadd.s32 $0xFFFFFC00  }
0xc6: {  	[tilespmem:s21], [sflag:$0x4] =	stream.indirect.gather [hbm4b:s12+s15], $0x10, s3, s15, $0xb8;
	[tilespmem:$0x1F400] =	vst v63  }
0xc7: {  	_ =	swait.ge [sflag:s22], $0x400  }
0xc8: {  	[sflag:s22] =	ssyncset.done $0x0  }
0xc9: {  	[sflag:s22] =	ssyncadd.s32 $0xFFFFFC00  }
0xca: {  	[tilespmem:s25], [sflag:$0x5] =	stream.indirect.gather [hbm4b:s12+s15], $0x10, s17, s15, $0xb8;
	[tilespmem:$0x1F400] =	vst v63  }
0xcb: {  	_ =	swait.ge [sflag:s26], $0x2000  }
0xcc: {  	[sflag:s26] =	ssyncset.done $0x0  }
0xcd: {  	[sflag:s26] =	ssyncadd.s32 $0xFFFFE000  }
0xce: {  	[spmem:s2] =	stream.indirect.scatter.add.f32 [tilespmem:s21], [sflag:$0x7], $0x10, s15, s15, $0xb8;
	[tilespmem:$0x1F400] =	vst v63  }
0xcf: {  	_ =	swait.ge [sflag:s28], $0x400  }
0xd0: {  	[sflag:s28] =	ssyncset.done $0x0  }
0xd1: {  	[sflag:s28] =	ssyncadd.s32 $0xFFFFFC00  }
0xd2: {  	[tilespmem:s29], [sflag:$0x6] =	stream.indirect.gather [hbm4b:s12+s15], $0x10, s18, s15, $0xb8;
	[tilespmem:$0x1F400] =	vst v63  }
0xd3: {  	_ =	swait.ge [sflag:s30], $0x2000  }
0xd4: {  	[sflag:s30] =	ssyncset.done $0x0  }
0xd5: {  	[sflag:s30] =	ssyncadd.s32 $0xFFFFE000  }
0xd6: {  	[spmem:s2] =	stream.indirect.scatter.add.f32 [tilespmem:s25], [sflag:$0x8], $0x10, s31, s15, $0xb8;
	[tilespmem:$0x1F400] =	vst v63  }
0xd7: {  	s4 =	sadd.s32 $0xFFFFFFFE, s16;
	_ =	swait.ge [sflag:s0], $0x2000  }
0xd8: {  	p2 =	sge.u32 s4, s5;
	[sflag:s0] =	ssyncset.done $0x0  }
0xd9: {  	s4 =	sadd.s32 @!p2 $0xFFFFF800, s7;
	s10 =	simm.s32 @!p2 $0x0;
	[sflag:s0] =	ssyncadd.s32 $0xFFFFE000  }
0xda: {  	s19 =	simm.s32 @!p2 $0x200;
	s24 =	simm.s32 @!p2 $0x61A800  }
0xdb: {  	[tilespmem:s10], [sflag:$0x1] =	stream.strided.gather @!p2 [hbm4b:s4+s19], $0x400, s24, s19, $0x38;
	[tilespmem:$0x1F400] =	vst v63  }
0xdc: {  	_ =	swait.ge [sflag:s1], $0x2000  }
0xdd: {  	s4 =	sadd.s32 $0xFFFFFFFF, s16;
	[sflag:s1] =	ssyncset.done $0x0  }
0xde: {  	p2 =	sge.u32 s4, s5;
	[sflag:s1] =	ssyncadd.s32 $0xFFFFE000  }
0xdf: {  	[spmem:s2] =	stream.indirect.scatter.add.f32 [tilespmem:s29], [sflag:$0x9], $0x10, s9, s15, $0xb8;
	[tilespmem:$0x1F400] =	vst v63  }
0xe0: {  	s4 =	sadd.s32 @!p2 $0xFFFFFC00, s7;
	_ =	swait.ge [sflag:s13], $0x2000  }
.Ltmp1:
0xe1: {  	s10 =	simm.s32 @!p2 $0x400;
	[sflag:s13] =	ssyncset.done $0x0;
	(pc) =	sbr.rel @p1 .LBB2_4-.Ltmp1, $4  }
0xe2: {  	s19 =	simm.s32 @!p2 $0x200;
	s24 =	simm.s32 @!p2 $0x61A800;
	[sflag:s13] =	ssyncadd.s32 $0xFFFFE000  }
0xe3: {  	[tilespmem:s10], [sflag:$0x2] =	stream.strided.gather @!p2 [hbm4b:s4+s19], $0x400, s24, s19, $0x38;
	[tilespmem:$0x1F400] =	vst v63  }
0xe4: {  	s7 =	sadd.s32 $0xC00, s7;
	p2 =	sge.u32 s16, s5;
	_ =	swait.ge [sflag:s23], $0x2000  }
0xe5: {  	s10 =	simm.s32 @!p2 $0x200;
	s4 =	simm.s32 @!p2 $0x800;
	[sflag:s23] =	ssyncset.done $0x0  }
0xe6: {  	[sflag:s23] =	ssyncadd.s32 $0xFFFFE000;
	s6 =	simm.s32 @!p2 $0x61A800  }
0xe7: {  	[tilespmem:s4], [sflag:$0x3] =	stream.strided.gather @!p2 [hbm4b:s14+s10], $0x400, s6, s10, $0x38;
	[tilespmem:$0x1F400] =	vst v63  }
0xe8: {  	_ =	swait.ge [sflag:s20], $0x400  }
0xe9: {  	[sflag:s20] =	ssyncset.done $0x0  }
0xea: {  	[sflag:s20] =	ssyncadd.s32 $0xFFFFFC00  }
0xeb: {  	[tilespmem:s21], [sflag:$0x4] =	stream.indirect.gather [hbm4b:s12+s15], $0x10, s3, s15, $0xb8;
	[tilespmem:$0x1F400] =	vst v63  }
0xec: {  	_ =	swait.ge [sflag:s26], $0x2000  }
0xed: {  	[sflag:s26] =	ssyncset.done $0x0  }
0xee: {  	[sflag:s26] =	ssyncadd.s32 $0xFFFFE000  }
0xef: {  	[spmem:s2] =	stream.indirect.scatter.add.f32 [tilespmem:s21], [sflag:$0x7], $0x10, s15, s15, $0xb8;
	[tilespmem:$0x1F400] =	vst v63  }
0xf0: {  	_ =	swait.ge [sflag:s0], $0x2000  }
0xf1: {  	[sflag:s0] =	ssyncset.done $0x0  }
0xf2: {  	s4 =	simm.s32 @!p0 $0x2;
	[sflag:s0] =	ssyncadd.s32 $0xFFFFE000  }
0xf3: {  	_ =	swait.ge @!p0 [sflag:s4], $0x400  }
0xf4: {  	s7 =	simm.s32 @!p0 $0x2C00;
	[sflag:s4] =	ssyncset.done @!p0 $0x0  }
0xf5: {  	s6 =	simm.s32 @!p0 $0x400;
	[sflag:s4] =	ssyncadd.s32 @!p0 $0xFFFFFC00;
	s4 =	simm.s32 @!p0 $0x200  }
0xf6: {  	[tilespmem:s7], [sflag:$0x5] =	stream.indirect.gather @!p0 [hbm4b:s12+s4], $0x10, s6, s4, $0xb8;
	[tilespmem:$0x1F400] =	vst v63  }
0xf7: {  	s6 =	simm.s32 @!p0 $0x5  }
0xf8: {  	_ =	swait.ge @!p0 [sflag:s6], $0x2000  }
0xf9: {  	[sflag:s6] =	ssyncset.done @!p0 $0x0  }
0xfa: {  	[sflag:s6] =	ssyncadd.s32 @!p0 $0xFFFFE000;
	s6 =	simm.s32 @!p0 $0x600  }
0xfb: {  	[spmem:s2] =	stream.indirect.scatter.add.f32 @!p0 [tilespmem:s7], [sflag:$0x8], $0x10, s6, s4, $0xb8;
	[tilespmem:$0x1F400] =	vst v63  }
0xfc: {  	s4 =	simm.s32 @!p0 $0x8  }
0xfd: {  	_ =	swait.ge @!p0 [sflag:s4], $0x2000  }
0xfe: {  	[sflag:s4] =	ssyncset.done @!p0 $0x0  }
0xff: {  	[sflag:s4] =	ssyncadd.s32 @!p0 $0xFFFFE000  }
0x100: {  	[bflag:$0x0] =	sbarrier.arrive $0xFFFF  }
0x101: {  	s14 =	rddreg [dreg:$0x8]  }
0x102: {  	s10 =	rddreg [dreg:$0xb]  }
0x103: {  	s7 =	simm.s32 $0xA;
	s16 =	rddreg [dreg:$0xd]  }
0x104: {  	[hbm:s10], [sflag:s14] =	dma.local [spmem:s16], $0x3100  }
0x105: {  	_ =	swait.ge [sflag:s7], $0x3100  }
0x106: {  	s19 =	rddreg [dreg:$0xc]  }
0x107: {  	s24 =	rddreg [dreg:$0x9];
	s6 =	sadd.s32 $0x1, s19  }
0x108: {  	p1 =	sne.s32 s6, s24  }
.Ltmp2:
0x109: {  	_ = 	snop;
	(pc) =	sbr.rel @p1 .LBB2_1-.Ltmp2, $3  }
0x10a: {  	[sflag:s7] =	ssyncset.done $0x0  }
0x10b: {  	[sflag:s7] =	ssyncadd.s32 $0xFFFFCF00  }
0x10c: {  	[bflag:$0x0] =	sbarrier.arrive $0xFFFF;
	_ =	sdelay $0x1  }
0x10d: {  	_ =	sfence.sel $0x180000  }
0x10e: {  	[bflag:$0x0] =	sbarrier.arrive $0xFFFF  }
0x10f: {  	_ =	strace $0x90000050  }
0x110: {  	s0 =	stileid.u32;
	[bflag:$0x2] =	sbarrier.arrive $0xFFFF  }
0x111: {  	p0 =	sne.s32 s0, $0x0;
	s0 =	rddreg [dreg:$0x2]  }
0x112: {  	s0 =	sadd.s32 @!p0 $0x100000, s0  }
0x113: {  	[sflag:s0] =	ssyncadd.tile.s32 @!p0 $0x1;
	_ =	shalt  }
.Lfunc_end2:
_tile_overlayer_lowered:
.L_overlay_start_2:
0x114: {  	(tag) =	ssettag $0x2  }
0x115: {  	s0 =	rddreg [dreg:$0x0];
	s2 =	stileid.u32  }
0x116: {  	s1 =	rddreg [dreg:$0x1];
	p0 =	sne.s32 s2, $0x0  }
0x117: {  	s3 =	rddreg [dreg:$0x2];
	[bflag:$0x3] =	sbarrier.arrive $0xFFFF;
	s2 =	simm.s32 @!p0 $0x1C0A  }
0x118: {  	[timem:s3], [sflag:s2] =	dma.local @!p0 [hbm:s0], s1  }
0x119: {  	s0 =	simm.s32 @!p0 $0xA  }
0x11a: {  	_ =	swait.ge @!p0 [sflag:s0], s1  }
0x11b: {  	s1 =	ssub.s32 @!p0 $0x0, s1;
	[sflag:s0] =	ssyncset.done @!p0 $0x0  }
0x11c: {  	[sflag:s0] =	ssyncadd.s32 @!p0 s1  }
0x11d: {  	[bflag:$0x3] =	sbarrier.arrive $0xFFFF  }
0x11e: {  	_ =	shalt  }

// kernel: kernel.19.cloned.1.call-start
scs
__scs_entry_jumppad:
0x0: {  	(pc) =	sbr.rel $0x88, $3  }
0x1: {  	(tag) =	ssettag $0x0;
	lr =	simm.s32 $0x1  }
0x2: {  	[smem:$0x3F99] =	sst lr;
	_ =	strace $0xD0000000  }
0x3: {  	_ = 	snop  }
0x4: {  	_ = 	snop  }
0x5: {  	_ = 	snop  }
0x6: {  	_ = 	snop  }
0x7: {  	_ = 	snop  }
__scs_overlays_trampoline_lowered:
0x8: {  	[smem:$0x3FA8] =	sst s0  }
0x9: {  	[smem:$0x3FA9] =	sst s1  }
0xa: {  	[smem:$0x3FAA] =	sst s2  }
0xb: {  	[smem:$0x3FAB] =	sst s3  }
0xc: {  	[smem:$0x3FAC] =	sst s4  }
0xd: {  	[smem:$0x3FAD] =	sst s5  }
0xe: {  	[smem:$0x3FAE] =	sst s6  }
0xf: {  	[smem:$0x3FAF] =	sst s7  }
0x10: {  	[smem:$0x3FB0] =	sst s8  }
0x11: {  	[smem:$0x3FB1] =	sst s9;
	s0 =	simm.s32 @!p0 $0x0  }
0x12: {  	s1 =	sld [smem:$0x3F97];
	s0 =	simm.s32 @p0 $0x1  }
0x13: {  	[smem:$0x3FB2] =	sst s0;
	s0 =	simm.s32 @!p1 $0x0  }
0x14: {  	s2 =	sld [smem:$0x3F96];
	s0 =	simm.s32 @p1 $0x1  }
0x15: {  	[smem:$0x3FB3] =	sst s0;
	s0 =	simm.s32 @!p2 $0x0  }
0x16: {  	s3 =	sld [smem:$0x3FDB];
	s0 =	simm.s32 @p2 $0x1  }
0x17: {  	s4 =	simm.s32 $0x1BF5;
	[smem:$0x3FB5] =	sst s0  }
0x18: {  	s0 =	sld [smem:$0x3F98];
	_ =	swait.ge [sflag:s4], $0x0  }
0x19: {  	s7 =	sld [smem:$0x3F99]  }
0x1a: {  	s8 =	sadd.s32 $0xFFFFE003, lr  }
0x1b: {  	s9 =	sadd.s32 $0xFFFFFEF7, lr;
	s5 =	simm.s32 $0xFFFFFFFF;
	p2 =	slt.u32 s8, $0xFFFFF086  }
0x1c: {  	p1 =	slt.u32 s9, $0xF7A;
	s5 =	simm.s32 @!p2 $0x0  }
0x1d: {  	s5 =	simm.s32 @p1 $0x1;
	p0 =	seq.s32 s7, s2  }
0x1e: {  	s7 =	smul.u32 @!p0 $0xF7A, s2;
	p2 =	seq.s32 @!p0 s5, $0x0  }
0x1f: {  	s9 =	smul.u32 $0xF7A, s1;
	s8 =	simm.s32 @!p0 $0x1BF5;
	p2 =	por !p2, p0  }
0x20: {  	[sflag:s8] =	ssyncset.s32 @!p0 $0xFFFFF086;
	s6 =	sadd.s32 @!p0 s3, s7;
	s7 =	simm.s32 @!p0 $0x108  }
0x21: {  	s3 =	sadd.s32 s3, s9;
	s6 =	sadd.s32 @!p0 $0x88, s6;
	s7 =	simm.s32 @p2 $0x1082  }
0x22: {  	[simem:s7], [sflag:s8] =	dma.local @!p0 [hbm:s6], $0xF7A  }
0x23: {  	s9 =	sor.u32 $0xD0000000, s2;
	s6 =	simm.s32 $0x108;
	_ =	swait.ge @!p0 [sflag:s8], $0x0  }
0x24: {  	s3 =	sadd.s32 $0x88, s3;
	s6 =	simm.s32 @!p1 $0x1082;
	[sflag:s4] =	ssyncset.s32 $0xFFFFF086  }
0x25: {  	[simem:s6], [sflag:s4] =	dma.local [hbm:s3], $0xF7A  }
0x26: {  	[smem:$0x3F99] =	sst s1;
	(tag) =	ssettag s2;
	_ =	strace s9  }
0x27: {  	s1 =	sld [smem:$0x3FA9]  }
0x28: {  	s2 =	sld [smem:$0x3FAA]  }
0x29: {  	s4 =	sld [smem:$0x3FAC]  }
0x2a: {  	p0 =	seq.s32 s5, $0x0;
	s5 =	sld [smem:$0x3FAD]  }
0x2b: {  	s6 =	sld [smem:$0x3FAE]  }
0x2c: {  	s7 =	sld [smem:$0x3FAF]  }
0x2d: {  	s3 =	simm.s32 $0x108;
	s8 =	sld [smem:$0x3FB0]  }
0x2e: {  	s3 =	simm.s32 @!p0 $0x1082;
	s9 =	sld [smem:$0x3FB1]  }
0x2f: {  	lr =	sadd.s32 s0, s3;
	s0 =	sld [smem:$0x3FA8]  }
0x30: {  	s3 =	sld [smem:$0x3FAB]  }
0x31: {  	[smem:$0x3FB4] =	sst s10  }
0x32: {  	s10 =	sld [smem:$0x3FB2];
	_ =	sdelay $0x3  }
0x33: {  	p0 =	seq.s32 s10, $0x1;
	s10 =	sld [smem:$0x3FB4];
	_ =	sdelay $0x3  }
0x34: {  	[smem:$0x3FB4] =	sst s10  }
0x35: {  	s10 =	sld [smem:$0x3FB3];
	_ =	sdelay $0x3  }
0x36: {  	p1 =	seq.s32 s10, $0x1;
	s10 =	sld [smem:$0x3FB4];
	_ =	sdelay $0x3  }
0x37: {  	[smem:$0x3FB4] =	sst s10  }
0x38: {  	s10 =	sld [smem:$0x3FB5]  }
0x39: {  	_ = 	snop;
	(pc) =	sbr.ind lr, $3  }
0x3a: {  	_ = 	snop  }
0x3b: {  	_ = 	snop  }
0x3c: {  	p2 =	seq.s32 s10, $0x1;
	s10 =	sld [smem:$0x3FB4]  }
0x3d: {  	_ =	shalt  }
0x3e: {  	_ =	shalt  }
0x3f: {  	_ =	shalt  }
0x40: {  	_ =	shalt  }
0x41: {  	_ =	shalt  }
0x42: {  	_ =	shalt  }
0x43: {  	_ =	shalt  }
0x44: {  	_ =	shalt  }
0x45: {  	_ =	shalt  }
0x46: {  	_ =	shalt  }
0x47: {  	_ =	shalt  }
0x48: {  	_ =	shalt  }
0x49: {  	_ =	shalt  }
0x4a: {  	_ =	shalt  }
0x4b: {  	_ =	shalt  }
0x4c: {  	_ =	shalt  }
0x4d: {  	_ =	shalt  }
0x4e: {  	_ =	shalt  }
0x4f: {  	_ =	shalt  }
0x50: {  	_ =	shalt  }
0x51: {  	_ =	shalt  }
0x52: {  	_ =	shalt  }
0x53: {  	_ =	shalt  }
0x54: {  	_ =	shalt  }
0x55: {  	_ =	shalt  }
0x56: {  	_ =	shalt  }
0x57: {  	_ =	shalt  }
0x58: {  	_ =	shalt  }
0x59: {  	_ =	shalt  }
0x5a: {  	_ =	shalt  }
0x5b: {  	_ =	shalt  }
0x5c: {  	_ =	shalt  }
0x5d: {  	_ =	shalt  }
0x5e: {  	_ =	shalt  }
0x5f: {  	_ =	shalt  }
0x60: {  	_ =	shalt  }
0x61: {  	_ =	shalt  }
0x62: {  	_ =	shalt  }
0x63: {  	_ =	shalt  }
0x64: {  	_ =	shalt  }
0x65: {  	_ =	shalt  }
0x66: {  	_ =	shalt  }
0x67: {  	_ =	shalt  }
0x68: {  	_ =	shalt  }
0x69: {  	_ =	shalt  }
0x6a: {  	_ =	shalt  }
0x6b: {  	_ =	shalt  }
0x6c: {  	_ =	shalt  }
0x6d: {  	_ =	shalt  }
0x6e: {  	_ =	shalt  }
0x6f: {  	_ =	shalt  }
0x70: {  	_ =	shalt  }
0x71: {  	_ =	shalt  }
0x72: {  	_ =	shalt  }
0x73: {  	_ =	shalt  }
0x74: {  	_ =	shalt  }
0x75: {  	_ =	shalt  }
0x76: {  	_ =	shalt  }
0x77: {  	_ =	shalt  }
0x78: {  	_ =	shalt  }
0x79: {  	_ =	shalt  }
0x7a: {  	_ =	shalt  }
0x7b: {  	_ =	shalt  }
0x7c: {  	_ =	shalt  }
0x7d: {  	_ =	shalt  }
0x7e: {  	_ =	shalt  }
0x7f: {  	_ =	shalt  }
0x80: {  	_ =	shalt  }
0x81: {  	_ =	shalt  }
0x82: {  	_ =	shalt  }
0x83: {  	_ =	shalt  }
0x84: {  	_ =	shalt  }
0x85: {  	_ =	shalt  }
0x86: {  	_ =	shalt  }
0x87: {  	_ =	shalt  }
.Lfunc_end0:
.L_simem_size_0:
called_computation.4_lowered:
.L_overlay_start_0:
0x88: {  	s2 =	sld [smem:$0x3FD9]  }
0x89: {  	s3 =	sld [smem:$0x3FFE];
	_ =	sdelay $0x1  }
0x8a: {  	s1 =	srdreg.scid  }
0x8b: {  	s0 =	sand.u32 $0x1, s1  }
0x8c: {  	s16 =	sshll.u32 s0, $0xA;
	s2 =	sadd.s32 s3, s2  }
0x8d: {  	s2 =	sadd.s32 s2, s16  }
0x8e: {  	[smem:$0x3FC0] =	sst s2  }
0x8f: {  	_ = 	snop  }
0x90: {  	(tm) =	ssettm $0x1  }
0x91: {  	s17 =	sld [smem:$0x3FFB];
	_ =	sdelay $0x3  }
0x92: {  	_ =	strace s17  }
0x93: {  	s2 =	sld [smem:$0x3FFC];
	_ =	sdelay $0x3  }
0x94: {  	_ =	strace s2  }
0x95: {  	s2 =	sld [smem:$0x3FFD];
	_ =	sdelay $0x3  }
0x96: {  	_ =	strace s2  }
0x97: {  	_ =	strace $0x8FFFFFFF  }
0x98: {  	s18 =	sld [smem:$0x3FDB];
	_ =	sdelay $0x1  }
0x99: {  	s19 =	simm.s32 $_scs_section_size  }
0x9a: {  	s4 =	simm.s32 $_size__tile_overlayer_lowered;
	s5 =	simm.s32 $_tile_overlayer_lowered  }
0x9b: {  	s22 =	simm.s32 $0x1BFF;
	s21 =	sshll.u32 s5, $0x1;
	s2 =	sadd.s32 s19, s18  }
0x9c: {  	s6 =	simm.s32 $0x0;
	s20 =	sshll.u32 s4, $0x1;
	s4 =	sadd.s32 s21, s2  }
0x9d: {  	[timem:s6], [sflag:s22] =	dma.local [hbm:s4], s20  }
0x9e: {  	_ =	swait.ge [sflag:s22], s20  }
0x9f: {  	s3 =	ssub.s32 $0x0, s20;
	[sflag:s22] =	ssyncset.done $0x0  }
0xa0: {  	[sflag:s22] =	ssyncadd.s32 s3;
	_ =	sdelay $0x1  }
0xa1: {  	s23 =	simm.s32 $0x1B8B  }
0xa2: {  	_ =	swait.ge [sflag:s23], $0x1  }
0xa3: {  	[sflag:s23] =	ssyncset.done $0x0  }
0xa4: {  	s25 =	simm.s32 $0x1B8E;
	s24 =	sld [smem:$0x3FFE];
	[sflag:s23] =	ssyncadd.s32 $0xFFFFFFFF  }
0xa5: {  	s26 =	simm.s32 $execute0_lowered;
	[smem:$0x3FD2] =	sst s25  }
0xa6: {  	s4 =	sshll.u32 s26, $0x1;
	_ =	strace $0x80000052;
	[dreg:$0x1] =	wrdreg $0xFFFFFFFF  }
0xa7: {  	s28 =	simm.s32 $_size_execute0_lowered;
	s2 =	sadd.s32 s2, s4;
	[dreg:$0x0] =	wrdreg $0x0  }
0xa8: {  	s4 =	sshll.u32 s28, $0x1;
	[dreg:$0x2] =	wrdreg s2  }
0xa9: {  	[dreg:$0x3] =	wrdreg s4  }
0xaa: {  	[dreg:$0x4] =	wrdreg $0xC0  }
0xab: {  	_ =	task [dreg:s6], $0x5FFFF  }
0xac: {  	[dreg:$0x1] =	wrdreg $0xFFFFFFFF  }
0xad: {  	[dreg:$0x0] =	wrdreg $0x60  }
0xae: {  	[dreg:$0x2] =	wrdreg s24  }
0xaf: {  	[dreg:$0x3] =	wrdreg $0x6C000  }
0xb0: {  	[dreg:$0x4] =	wrdreg $0x9  }
0xb1: {  	_ =	task.clear_ibuf [dreg:s6], $0x5FFFF;
	_ =	strace $0x90000052  }
0xb2: {  	s29 =	simm.s32 $0x9;
	_ =	strace $0x80000054  }
0xb3: {  	_ =	swait.ge [sflag:s29], $0x1  }
0xb4: {  	[sflag:s29] =	ssyncadd.s32 $0xFFFFFFFF  }
0xb5: {  	_ =	strace $0x90000054  }
0xb6: {  	_ =	sfence  }
0xb7: {  	s30 =	sld [smem:$0x0];
	_ =	sdelay $0x2  }
0xb8: {  	s31 =	sshll.u32 s1, $0xD;
	s1 =	sshrl.u32 s1, $0x2  }
0xb9: {  	s3 =	sand.u32 $0x4000, s31;
	s1 =	sadd.s32 s1, s30  }
0xba: {  	s0 =	sor.u32 s3, s0;
	s1 =	sshll.u32 s1, $0x11  }
0xbb: {  	s0 =	sor.u32 s1, s0  }
0xbc: {  	s0 =	sadd.s32 $0x8F2B, s0  }
0xbd: {  	[sflag:s0] =	ssyncadd.remote.s32 $0x1  }
0xbe: {  	_ =	sfence.sel $0xFFFF  }
0xbf: {  	[dreg:$0x0] =	wrdreg $0xFFFFFFFF;
	(pc) =	sbr.abs _section_cstart, $3  }
0xc0: {  	[dreg:$0x1] =	wrdreg $0xFFFFFFFF  }
0xc1: {  	_ =	task.clear_ibuf [dreg:s6], $0x2FFFF;
	_ =	strace $0x9FFFFFFF  }
0xc2: {  	(tm) =	ssettm $0x7FFFFFFF  }
0xc3: {  	_ =	shalt  }
tec
execute0_lowered:
.L_overlay_start_1:
0x0: {  	(tag) =	ssettag $0x1  }
0x1: {  	s0 =	rddreg [dreg:$0x0]  }
0x2: {  	s1 =	rddreg [dreg:$0x1]  }
0x3: {  	s2 =	simm.s32 $0x0;
	s3 =	srdreg.scid;
	s11 =	stileid.u32  }
0x4: {  	s13 =	simm.s32 $0x200;
	s14 =	simm.s32 $0x61A800;
	s15 =	simm.s32 $0x400  }
0x5: {  	s16 =	simm.s32 $0x800;
	s18 =	simm.s32 $0xA;
	s19 =	simm.s32 $0x1  }
0x6: {  	s20 =	simm.s32 $0xC00;
	s21 =	simm.s32 $0x2;
	s22 =	simm.s32 $0x2C00  }
0x7: {  	s28 =	simm.s32 $0x5;
	s29 =	simm.s32 $0x600;
	s30 =	simm.s32 $0x7  }
0x8: {  	s31 =	simm.s32 $0x6;
	[smem:$0x7FF] =	sst s2;
	s5 =	sadd.s32 $0x2400, s0  }
0x9: {  	s3 =	sand.u32 $0x1, s3;
	s4 =	sadd.s32 $0x18C200, s0;
	s8 =	sadd.s32 $0x189000, s0  }
0xa: {  	s10 =	smul.u32 $0x18800, s11;
	s12 =	sshll.u32 s11, $0x6;
	_ =	strace $0x80000053  }
0xb: {  	s6 =	smul.u32 $0x31000, s3;
	s7 =	sshll.u32 s3, $0x4;
	[dreg:$0x3] =	wrdreg s8  }
0xc: {  	s23 =	ssub.s32 $0x2, s3;
	s3 =	sshll.u32 s3, $0xA;
	s7 =	sor.u32 s11, s7  }
0xd: {  	s9 =	sshrl.u32 s23, $0x1;
	s17 =	sadd.s32 s10, s1;
	s10 =	sshrl.u32 s10, $0x3  }
0xe: {  	s3 =	sadd.s32 s3, s5;
	s0 =	sadd.s32 s6, s0;
	s24 =	sshll.u32 s7, $0x6  }
0xf: {  	s8 =	ssub.s32 s23, s9;
	s9 =	sor.u32 $0x1C0A, s12;
	s12 =	sadd.s32 s12, s3  }
0x10: {  	s17 =	sshrl.u32 s17, $0x3;
	p0 =	sgt.u32 s7, $0x13;
	s23 =	simm.s32 $0x4  }
0x11: {  	s3 =	simm.s32 $0x8;
	s7 =	simm.s32 $0x0;
	s8 =	smax.u32 s8, $0x1  }
0x12: {  	s6 =	sadd.s32 s5, s24;
	s0 =	sadd.s32 $0x1BD200, s0;
	[dreg:$0x7] =	wrdreg s8  }
0x13: {  	s5 =	simm.s32 $0x9;
	s25 =	sadd.s32 $0x800, s6;
	[dreg:$0x4] =	wrdreg s6  }
0x14: {  	s26 =	sadd.s32 $0x1000, s6;
	s6 =	sadd.s32 $0xC3000, s6;
	[dreg:$0x5] =	wrdreg s25  }
0x15: {  	s24 =	sadd.s32 s10, s0;
	s0 =	simm.s32 $0xA00;
	[dreg:$0x6] =	wrdreg s26  }
0x16: {  	[dreg:$0x8] =	wrdreg s6;
	s25 =	simm.s32 $0x3;
	s26 =	simm.s32 $0x4C00  }
.LBB2_1:
0x17: {  	s6 =	rddreg [dreg:$0x4]  }
0x18: {  	s11 =	rddreg [dreg:$0x5]  }
0x19: {  	[tilespmem:s2], [sflag:$0x1] =	stream.strided.gather [hbm4b:s6+s13], $0x400, s14, s13, $0x38;
	[tilespmem:$0x1F400] =	vst v63  }
0x1a: {  	s8 =	rddreg [dreg:$0x6]  }
0x1b: {  	[tilespmem:s15], [sflag:$0x2] =	stream.strided.gather [hbm4b:s11+s13], $0x400, s14, s13, $0x38;
	[tilespmem:$0x1F400] =	vst v63  }
0x1c: {  	s10 =	rddreg [dreg:$0x3]  }
0x1d: {  	[tilespmem:s16], [sflag:$0x3] =	stream.strided.gather [hbm4b:s8+s13], $0x400, s14, s13, $0x38;
	[tilespmem:$0x1F400] =	vst v63  }
0x1e: {  	[spmem:s17], [sflag:s9] =	dma.local [hbm:s10], $0x3100  }
0x1f: {  	_ =	swait.ge [sflag:s18], $0x3100  }
0x20: {  	[sflag:s18] =	ssyncset.done $0x0  }
0x21: {  	[sflag:s18] =	ssyncadd.s32 $0xFFFFCF00  }
0x22: {  	[bflag:$0x0] =	sbarrier.arrive $0xFFFF  }
0x23: {  	_ =	swait.ge [sflag:s19], $0x400  }
0x24: {  	[sflag:s19] =	ssyncset.done $0x0  }
0x25: {  	[sflag:s19] =	ssyncadd.s32 $0xFFFFFC00  }
0x26: {  	[tilespmem:s20], [sflag:$0x4] =	stream.indirect.gather [hbm4b:s4+s13], $0x10, s2, s13, $0xb8;
	[tilespmem:$0x1F400] =	vst v63  }
0x27: {  	_ =	swait.ge [sflag:s21], $0x400  }
0x28: {  	[sflag:s21] =	ssyncset.done $0x0  }
0x29: {  	[sflag:s21] =	ssyncadd.s32 $0xFFFFFC00  }
0x2a: {  	[tilespmem:s22], [sflag:$0x5] =	stream.indirect.gather [hbm4b:s4+s13], $0x10, s15, s13, $0xb8;
	[tilespmem:$0x1F400] =	vst v63  }
0x2b: {  	_ =	swait.ge [sflag:s23], $0x2000  }
0x2c: {  	[sflag:s23] =	ssyncset.done $0x0  }
0x2d: {  	[sflag:s23] =	ssyncadd.s32 $0xFFFFE000  }
0x2e: {  	[spmem:s1] =	stream.indirect.scatter.add.f32 [tilespmem:s20], [sflag:$0x7], $0x10, s13, s13, $0xb8;
	[tilespmem:$0x1F400] =	vst v63  }
0x2f: {  	_ =	swait.ge [sflag:s25], $0x400  }
0x30: {  	[sflag:s25] =	ssyncset.done $0x0  }
0x31: {  	[sflag:s25] =	ssyncadd.s32 $0xFFFFFC00  }
0x32: {  	[tilespmem:s26], [sflag:$0x6] =	stream.indirect.gather [hbm4b:s4+s13], $0x10, s16, s13, $0xb8;
	[tilespmem:$0x1F400] =	vst v63  }
0x33: {  	_ =	swait.ge [sflag:s28], $0x2000  }
0x34: {  	[sflag:s28] =	ssyncset.done $0x0  }
0x35: {  	[sflag:s28] =	ssyncadd.s32 $0xFFFFE000  }
0x36: {  	[spmem:s1] =	stream.indirect.scatter.add.f32 [tilespmem:s22], [sflag:$0x8], $0x10, s29, s13, $0xb8;
	[tilespmem:$0x1F400] =	vst v63  }
0x37: {  	_ =	swait.ge [sflag:s30], $0x2000  }
0x38: {  	s10 =	sadd.s32 $0xFFF3E800, s12;
	[sflag:s30] =	ssyncset.done $0x0  }
0x39: {  	s8 =	sadd.s32 $0xC3000, s10;
	[sflag:s30] =	ssyncadd.s32 $0xFFFFE000  }
0x3a: {  	[tilespmem:s2], [sflag:$0x1] =	stream.strided.gather [hbm4b:s8+s13], $0x400, s14, s13, $0x38;
	[tilespmem:$0x1F400] =	vst v63  }
0x3b: {  	_ =	swait.ge [sflag:s31], $0x2000  }
0x3c: {  	[sflag:s31] =	ssyncset.done $0x0  }
0x3d: {  	[sflag:s31] =	ssyncadd.s32 $0xFFFFE000  }
0x3e: {  	[spmem:s1] =	stream.indirect.scatter.add.f32 [tilespmem:s26], [sflag:$0x9], $0x10, s0, s13, $0xb8;
	[tilespmem:$0x1F400] =	vst v63  }
0x3f: {  	_ =	swait.ge [sflag:s3], $0x2000  }
0x40: {  	[sflag:s3] =	ssyncset.done $0x0  }
0x41: {  	s11 =	sadd.s32 $0xC3800, s10;
	[sflag:s3] =	ssyncadd.s32 $0xFFFFE000  }
0x42: {  	[tilespmem:s15], [sflag:$0x2] =	stream.strided.gather [hbm4b:s11+s13], $0x400, s14, s13, $0x38;
	[tilespmem:$0x1F400] =	vst v63  }
0x43: {  	_ =	swait.ge [sflag:s5], $0x2000  }
0x44: {  	[sflag:s5] =	ssyncset.done $0x0  }
0x45: {  	s10 =	sadd.s32 $0xC4000, s10;
	s8 =	simm.s32 $0xFFF40000;
	[sflag:s5] =	ssyncadd.s32 $0xFFFFE000  }
.LBB2_2:
0x46: {  	[tilespmem:s16], [sflag:$0x3] =	stream.strided.gather [hbm4b:s10+s13], $0x400, s14, s13, $0x38;
	[tilespmem:$0x1F400] =	vst v63  }
0x47: {  	s10 =	smov.u32 s8  }
0x48: {  	p1 =	sne.s32 s8, $0xFFFFE800;
	s8 =	sadd.s32 $0x1800, s8;
	_ =	swait.ge [sflag:s19], $0x400  }
0x49: {  	[sflag:s19] =	ssyncset.done $0x0  }
0x4a: {  	[sflag:s19] =	ssyncadd.s32 $0xFFFFFC00  }
0x4b: {  	[tilespmem:s20], [sflag:$0x4] =	stream.indirect.gather [hbm4b:s4+s13], $0x10, s2, s13, $0xb8;
	[tilespmem:$0x1F400] =	vst v63  }
0x4c: {  	_ =	swait.ge [sflag:s21], $0x400  }
0x4d: {  	[sflag:s21] =	ssyncset.done $0x0  }
0x4e: {  	[sflag:s21] =	ssyncadd.s32 $0xFFFFFC00  }
0x4f: {  	[tilespmem:s22], [sflag:$0x5] =	stream.indirect.gather [hbm4b:s4+s13], $0x10, s15, s13, $0xb8;
	[tilespmem:$0x1F400] =	vst v63  }
0x50: {  	_ =	swait.ge [sflag:s23], $0x2000  }
0x51: {  	[sflag:s23] =	ssyncset.done $0x0  }
0x52: {  	[sflag:s23] =	ssyncadd.s32 $0xFFFFE000  }
0x53: {  	[spmem:s1] =	stream.indirect.scatter.add.f32 [tilespmem:s20], [sflag:$0x7], $0x10, s13, s13, $0xb8;
	[tilespmem:$0x1F400] =	vst v63  }
0x54: {  	_ =	swait.ge [sflag:s25], $0x400  }
0x55: {  	[sflag:s25] =	ssyncset.done $0x0  }
0x56: {  	[sflag:s25] =	ssyncadd.s32 $0xFFFFFC00  }
0x57: {  	[tilespmem:s26], [sflag:$0x6] =	stream.indirect.gather [hbm4b:s4+s13], $0x10, s16, s13, $0xb8;
	[tilespmem:$0x1F400] =	vst v63  }
0x58: {  	_ =	swait.ge [sflag:s28], $0x2000  }
0x59: {  	[sflag:s28] =	ssyncset.done $0x0  }
0x5a: {  	[sflag:s28] =	ssyncadd.s32 $0xFFFFE000  }
0x5b: {  	[spmem:s1] =	stream.indirect.scatter.add.f32 [tilespmem:s22], [sflag:$0x8], $0x10, s29, s13, $0xb8;
	[tilespmem:$0x1F400] =	vst v63  }
0x5c: {  	_ =	swait.ge [sflag:s30], $0x2000  }
0x5d: {  	s10 =	sadd.s32 s10, s12;
	[sflag:s30] =	ssyncset.done $0x0  }
0x5e: {  	s11 =	sadd.s32 $0xC3000, s10;
	[sflag:s30] =	ssyncadd.s32 $0xFFFFE000  }
0x5f: {  	[tilespmem:s2], [sflag:$0x1] =	stream.strided.gather [hbm4b:s11+s13], $0x400, s14, s13, $0x38;
	[tilespmem:$0x1F400] =	vst v63  }
0x60: {  	_ =	swait.ge [sflag:s31], $0x2000  }
0x61: {  	[sflag:s31] =	ssyncset.done $0x0  }
0x62: {  	[sflag:s31] =	ssyncadd.s32 $0xFFFFE000  }
0x63: {  	[spmem:s1] =	stream.indirect.scatter.add.f32 [tilespmem:s26], [sflag:$0x9], $0x10, s0, s13, $0xb8;
	[tilespmem:$0x1F400] =	vst v63  }
0x64: {  	_ =	swait.ge [sflag:s3], $0x2000  }
0x65: {  	[sflag:s3] =	ssyncset.done $0x0  }
.Ltmp0:
0x66: {  	s11 =	sadd.s32 $0xC3800, s10;
	[sflag:s3] =	ssyncadd.s32 $0xFFFFE000;
	(pc) =	sbr.rel @p1 .LBB2_2-.Ltmp0, $4  }
0x67: {  	[tilespmem:s15], [sflag:$0x2] =	stream.strided.gather [hbm4b:s11+s13], $0x400, s14, s13, $0x38;
	[tilespmem:$0x1F400] =	vst v63  }
0x68: {  	_ =	swait.ge [sflag:s5], $0x2000  }
0x69: {  	[sflag:s5] =	ssyncset.done $0x0  }
0x6a: {  	s10 =	sadd.s32 $0xC4000, s10;
	[sflag:s5] =	ssyncadd.s32 $0xFFFFE000  }
0x6b: {  	[tilespmem:s16], [sflag:$0x3] =	stream.strided.gather [hbm4b:s10+s13], $0x400, s14, s13, $0x38;
	[tilespmem:$0x1F400] =	vst v63  }
0x6c: {  	_ =	swait.ge [sflag:s19], $0x400  }
0x6d: {  	[sflag:s19] =	ssyncset.done $0x0  }
0x6e: {  	[sflag:s19] =	ssyncadd.s32 $0xFFFFFC00  }
0x6f: {  	[tilespmem:s20], [sflag:$0x4] =	stream.indirect.gather [hbm4b:s4+s13], $0x10, s2, s13, $0xb8;
	[tilespmem:$0x1F400] =	vst v63  }
0x70: {  	_ =	swait.ge [sflag:s21], $0x400  }
0x71: {  	[sflag:s21] =	ssyncset.done $0x0  }
0x72: {  	[sflag:s21] =	ssyncadd.s32 $0xFFFFFC00  }
0x73: {  	[tilespmem:s22], [sflag:$0x5] =	stream.indirect.gather [hbm4b:s4+s13], $0x10, s15, s13, $0xb8;
	[tilespmem:$0x1F400] =	vst v63  }
0x74: {  	_ =	swait.ge [sflag:s23], $0x2000  }
0x75: {  	[sflag:s23] =	ssyncset.done $0x0  }
0x76: {  	[sflag:s23] =	ssyncadd.s32 $0xFFFFE000  }
0x77: {  	[spmem:s1] =	stream.indirect.scatter.add.f32 [tilespmem:s20], [sflag:$0x7], $0x10, s13, s13, $0xb8;
	[tilespmem:$0x1F400] =	vst v63  }
0x78: {  	_ =	swait.ge [sflag:s25], $0x400  }
0x79: {  	[sflag:s25] =	ssyncset.done $0x0  }
0x7a: {  	[sflag:s25] =	ssyncadd.s32 $0xFFFFFC00  }
0x7b: {  	[tilespmem:s26], [sflag:$0x6] =	stream.indirect.gather [hbm4b:s4+s13], $0x10, s16, s13, $0xb8;
	[tilespmem:$0x1F400] =	vst v63  }
0x7c: {  	_ =	swait.ge [sflag:s28], $0x2000  }
0x7d: {  	[sflag:s28] =	ssyncset.done $0x0  }
0x7e: {  	[sflag:s28] =	ssyncadd.s32 $0xFFFFE000  }
0x7f: {  	[spmem:s1] =	stream.indirect.scatter.add.f32 [tilespmem:s22], [sflag:$0x8], $0x10, s29, s13, $0xb8;
	[tilespmem:$0x1F400] =	vst v63  }
0x80: {  	_ =	swait.ge [sflag:s30], $0x2000  }
0x81: {  	[sflag:s30] =	ssyncset.done $0x0  }
0x82: {  	s8 =	simm.s32 @p0 $0x6;
	[sflag:s30] =	ssyncadd.s32 $0xFFFFE000  }
0x83: {  	_ =	swait.ge @p0 [sflag:s8], $0x2000  }
0x84: {  	s10 =	simm.s32 @p0 $0xA00;
	[sflag:s8] =	ssyncset.done @p0 $0x0  }
0x85: {  	s11 =	simm.s32 @p0 $0x4C00;
	[sflag:s8] =	ssyncadd.s32 @p0 $0xFFFFE000;
	s8 =	simm.s32 @p0 $0x200  }
0x86: {  	[spmem:s1] =	stream.indirect.scatter.add.f32 @p0 [tilespmem:s11], [sflag:$0x9], $0x10, s10, s8, $0xb8;
	[tilespmem:$0x1F400] =	vst v63  }
0x87: {  	s8 =	simm.s32 @p0 $0x8  }
0x88: {  	_ =	swait.ge @p0 [sflag:s8], $0x2000  }
0x89: {  	s10 =	simm.s32 @!p0 $0x61A800;
	s11 =	simm.s32 @!p0 $0x0;
	[sflag:s8] =	ssyncset.done @p0 $0x0  }
0x8a: {  	s6 =	rddreg [dreg:$0x8];
	[sflag:s8] =	ssyncadd.s32 @p0 $0xFFFFE000;
	s8 =	simm.s32 @!p0 $0x200  }
0x8b: {  	[tilespmem:s11], [sflag:$0x1] =	stream.strided.gather @!p0 [hbm4b:s6+s8], $0x400, s10, s8, $0x38;
	[tilespmem:$0x1F400] =	vst v63  }
0x8c: {  	s10 =	simm.s32 @!p0 $0x6  }
0x8d: {  	_ =	swait.ge @!p0 [sflag:s10], $0x2000  }
0x8e: {  	[sflag:s10] =	ssyncset.done @!p0 $0x0  }
0x8f: {  	s6 =	simm.s32 @!p0 $0x4C00;
	[sflag:s10] =	ssyncadd.s32 @!p0 $0xFFFFE000;
	s10 =	simm.s32 @!p0 $0xA00  }
0x90: {  	[spmem:s1] =	stream.indirect.scatter.add.f32 @!p0 [tilespmem:s6], [sflag:$0x9], $0x10, s10, s8, $0xb8;
	[tilespmem:$0x1F400] =	vst v63  }
0x91: {  	s6 =	simm.s32 @!p0 $0x8  }
0x92: {  	_ =	swait.ge @!p0 [sflag:s6], $0x2000  }
0x93: {  	[sflag:s6] =	ssyncset.done @!p0 $0x0  }
0x94: {  	[sflag:s6] =	ssyncadd.s32 @!p0 $0xFFFFE000;
	s6 =	simm.s32 @!p0 $0x9  }
0x95: {  	_ =	swait.ge @!p0 [sflag:s6], $0x2000  }
0x96: {  	[sflag:s6] =	ssyncset.done @!p0 $0x0  }
0x97: {  	[sflag:s6] =	ssyncadd.s32 @!p0 $0xFFFFE000;
	s6 =	simm.s32 @!p0 $0x1  }
0x98: {  	_ =	swait.ge @!p0 [sflag:s6], $0x400  }
0x99: {  	[sflag:s6] =	ssyncset.done @!p0 $0x0  }
0x9a: {  	s10 =	simm.s32 @!p0 $0x4;
	[sflag:s6] =	ssyncadd.s32 @!p0 $0xFFFFFC00;
	s6 =	simm.s32 @!p0 $0xC00  }
0x9b: {  	[tilespmem:s6], [sflag:$0x4] =	stream.indirect.gather @!p0 [hbm4b:s4+s8], $0x10, s11, s8, $0xb8;
	[tilespmem:$0x1F400] =	vst v63  }
0x9c: {  	_ =	swait.ge @!p0 [sflag:s10], $0x2000  }
0x9d: {  	[sflag:s10] =	ssyncset.done @!p0 $0x0  }
0x9e: {  	[sflag:s10] =	ssyncadd.s32 @!p0 $0xFFFFE000  }
0x9f: {  	[spmem:s1] =	stream.indirect.scatter.add.f32 @!p0 [tilespmem:s6], [sflag:$0x7], $0x10, s8, s8, $0xb8;
	[tilespmem:$0x1F400] =	vst v63  }
0xa0: {  	s6 =	simm.s32 @!p0 $0x7  }
0xa1: {  	s6 =	simm.s32 @p0 $0x9  }
0xa2: {  	_ =	swait.ge [sflag:s6], $0x2000  }
0xa3: {  	[sflag:s6] =	ssyncset.done $0x0  }
0xa4: {  	[sflag:s6] =	ssyncadd.s32 $0xFFFFE000  }
0xa5: {  	[bflag:$0x0] =	sbarrier.arrive $0xFFFF  }
0xa6: {  	[hbm:s24], [sflag:s9] =	dma.local [spmem:s17], $0x3100  }
0xa7: {  	_ =	swait.ge [sflag:s18], $0x3100  }
0xa8: {  	s7 =	sadd.s32 $0x1, s7;
	s11 =	rddreg [dreg:$0x7]  }
0xa9: {  	p1 =	sne.s32 s7, s11  }
.Ltmp1:
0xaa: {  	_ = 	snop;
	(pc) =	sbr.rel @p1 .LBB2_1-.Ltmp1, $3  }
0xab: {  	_ =	sdelay $0x1  }
0xac: {  	[sflag:s18] =	ssyncset.done $0x0  }
0xad: {  	[sflag:s18] =	ssyncadd.s32 $0xFFFFCF00  }
0xae: {  	_ =	sfence.sel $0x180000  }
0xaf: {  	[bflag:$0x0] =	sbarrier.arrive $0xFFFF  }
0xb0: {  	_ =	strace $0x90000053  }
0xb1: {  	s0 =	stileid.u32;
	[bflag:$0x2] =	sbarrier.arrive $0xFFFF  }
0xb2: {  	p0 =	sne.s32 s0, $0x0;
	s0 =	rddreg [dreg:$0x2]  }
0xb3: {  	s0 =	sadd.s32 @!p0 $0x100000, s0  }
0xb4: {  	[sflag:s0] =	ssyncadd.tile.s32 @!p0 $0x1;
	_ =	shalt  }
.Lfunc_end2:
_tile_overlayer_lowered:
.L_overlay_start_2:
0xb5: {  	(tag) =	ssettag $0x2  }
0xb6: {  	s0 =	rddreg [dreg:$0x0];
	s2 =	stileid.u32  }
0xb7: {  	s1 =	rddreg [dreg:$0x1];
	p0 =	sne.s32 s2, $0x0  }
0xb8: {  	s3 =	rddreg [dreg:$0x2];
	[bflag:$0x3] =	sbarrier.arrive $0xFFFF;
	s2 =	simm.s32 @!p0 $0x1C0A  }
0xb9: {  	[timem:s3], [sflag:s2] =	dma.local @!p0 [hbm:s0], s1  }
0xba: {  	s0 =	simm.s32 @!p0 $0xA  }
0xbb: {  	_ =	swait.ge @!p0 [sflag:s0], s1  }
0xbc: {  	s1 =	ssub.s32 @!p0 $0x0, s1;
	[sflag:s0] =	ssyncset.done @!p0 $0x0  }
0xbd: {  	[sflag:s0] =	ssyncadd.s32 @!p0 s1  }
0xbe: {  	[bflag:$0x3] =	sbarrier.arrive $0xFFFF  }
0xbf: {  	_ =	shalt  }

// kernel: sparse-core-data-format-call.cloned.1.call-start
scs
called_computation_lowered:
.L_overlay_start_0:
0x0: {  	s2 =	sld [smem:$0x3FD9]  }
0x1: {  	s3 =	sld [smem:$0x3FFE];
	_ =	sdelay $0x1  }
0x2: {  	s1 =	srdreg.scid  }
0x3: {  	s0 =	sand.u32 $0x1, s1  }
0x4: {  	s18 =	sshll.u32 s0, $0xA;
	s2 =	sadd.s32 s3, s2  }
0x5: {  	s2 =	sadd.s32 s2, s18  }
0x6: {  	[smem:$0x3FC0] =	sst s2  }
0x7: {  	_ = 	snop  }
0x8: {  	s2 =	sld [smem:$0x3FC8];
	(tm) =	ssettm $0x1  }
0x9: {  	s19 =	sld [smem:$0x3FFB];
	_ =	sdelay $0x3  }
0xa: {  	_ =	strace s19  }
0xb: {  	s3 =	sld [smem:$0x3FFC];
	_ =	sdelay $0x3  }
0xc: {  	_ =	strace s3  }
0xd: {  	s3 =	sld [smem:$0x3FFD];
	_ =	sdelay $0x3  }
0xe: {  	_ =	strace s3  }
0xf: {  	_ =	strace $0x8FFFFFFF  }
0x10: {  	s20 =	sld [smem:$0x3FDB];
	_ =	sdelay $0x1  }
0x11: {  	s4 =	simm.s32 $_scs_section_size  }
0x12: {  	s5 =	simm.s32 $_size__tile_overlayer_lowered;
	s6 =	simm.s32 $_tile_overlayer_lowered  }
0x13: {  	s23 =	simm.s32 $0x1BFF;
	s22 =	sshll.u32 s6, $0x1;
	s3 =	sadd.s32 s4, s20  }
0x14: {  	s7 =	simm.s32 $0x0;
	s21 =	sshll.u32 s5, $0x1;
	s5 =	sadd.s32 s22, s3  }
0x15: {  	[timem:s7], [sflag:s23] =	dma.local [hbm:s5], s21  }
0x16: {  	_ =	swait.ge [sflag:s23], s21  }
0x17: {  	s4 =	ssub.s32 $0x0, s21;
	[sflag:s23] =	ssyncset.done $0x0  }
0x18: {  	[sflag:s23] =	ssyncadd.s32 s4;
	_ =	sdelay $0x1  }
0x19: {  	s24 =	simm.s32 $0x1B8B  }
0x1a: {  	_ =	swait.ge [sflag:s24], $0x1  }
0x1b: {  	[sflag:s24] =	ssyncset.done $0x0  }
0x1c: {  	s26 =	simm.s32 $0x1B8E;
	s25 =	sld [smem:$0x3FFE];
	[sflag:s24] =	ssyncadd.s32 $0xFFFFFFFF  }
0x1d: {  	s27 =	simm.s32 $execute0_lowered;
	[smem:$0x3FD2] =	sst s26  }
0x1e: {  	s5 =	sshll.u32 s27, $0x1;
	_ =	strace $0x80000046;
	[dreg:$0x1] =	wrdreg $0xFFFFFFFF  }
0x1f: {  	s28 =	simm.s32 $_size_execute0_lowered;
	s3 =	sadd.s32 s3, s5;
	[dreg:$0x0] =	wrdreg $0x0  }
0x20: {  	s5 =	sshll.u32 s28, $0x1;
	[dreg:$0x2] =	wrdreg s3  }
0x21: {  	[dreg:$0x3] =	wrdreg s5  }
0x22: {  	[dreg:$0x4] =	wrdreg $0xC0  }
0x23: {  	_ =	task [dreg:s7], $0x5FFFF  }
0x24: {  	[dreg:$0x1] =	wrdreg $0xFFFFFFFF  }
0x25: {  	[dreg:$0x0] =	wrdreg $0x60  }
0x26: {  	[dreg:$0x2] =	wrdreg s2  }
0x27: {  	[dreg:$0x3] =	wrdreg s25  }
0x28: {  	[dreg:$0x4] =	wrdreg $0x9  }
0x29: {  	_ =	task.clear_ibuf [dreg:s7], $0x5FFFF;
	_ =	strace $0x90000046  }
0x2a: {  	s29 =	simm.s32 $0x9;
	_ =	strace $0x80000048  }
0x2b: {  	_ =	swait.ge [sflag:s29], $0x1  }
0x2c: {  	[sflag:s29] =	ssyncadd.s32 $0xFFFFFFFF  }
0x2d: {  	_ =	strace $0x90000048  }
0x2e: {  	_ =	sfence  }
0x2f: {  	s30 =	sld [smem:$0x0];
	_ =	sdelay $0x2  }
0x30: {  	s31 =	sshll.u32 s1, $0xD;
	s1 =	sshrl.u32 s1, $0x2  }
0x31: {  	s3 =	sand.u32 $0x4000, s31;
	s1 =	sadd.s32 s1, s30  }
0x32: {  	s0 =	sor.u32 s3, s0;
	s1 =	sshll.u32 s1, $0x11  }
0x33: {  	s0 =	sor.u32 s1, s0  }
0x34: {  	s0 =	sadd.s32 $0x8F2B, s0  }
0x35: {  	[sflag:s0] =	ssyncadd.remote.s32 $0x1  }
0x36: {  	_ =	sfence.sel $0xFFFF  }
0x37: {  	[dreg:$0x0] =	wrdreg $0xFFFFFFFF;
	(pc) =	sbr.abs _section_cstart, $3  }
0x38: {  	[dreg:$0x1] =	wrdreg $0xFFFFFFFF  }
0x39: {  	_ =	task.clear_ibuf [dreg:s7], $0x2FFFF;
	_ =	strace $0x9FFFFFFF  }
0x3a: {  	(tm) =	ssettm $0x7FFFFFFF  }
0x3b: {  	_ =	shalt  }
tec
execute0_lowered:
.L_overlay_start_1:
0x0: {  	(tag) =	ssettag $0x1  }
0x1: {  	s0 =	stileid.u32;
	s7 =	rddreg [dreg:$0x0]  }
0x2: {  	s1 =	srdreg.scid;
	s4 =	rddreg [dreg:$0x1]  }
0x3: {  	s30 =	simm.s32 $0x2;
	s10 =	simm.s32 $0x0;
	s14 =	simm.s32 $0x0  }
0x4: {  	s15 =	simm.s32 $0x0;
	s11 =	simm.s32 $0x0;
	s13 =	simm.s32 $0x0  }
0x5: {  	s2 =	sand.u32 $0x1, s1;
	s3 =	sshll.u32 s0, $0x7;
	s1 =	rddreg [dreg:$0x2]  }
0x6: {  	_ =	strace $0x80000047;
	s5 =	ssub.s32 $0xC300, s3;
	s6 =	ssub.s32 $0x2, s2  }
.Ltmp0:
0x7: {  	s5 =	sshrl.u32 s5, $0xB;
	s8 =	sshrl.u32 s6, $0x1;
	(pc) =	sbr.rel .LBB1_1-.Ltmp0, $4  }
0x8: {  	s4 =	sadd.s32 $0x2400, s4;
	s9 =	sadd.s32 $0x1, s5;
	s6 =	ssub.s32 s6, s8  }
0x9: {  	s31 =	sshll.u32 s2, $0x4;
	s5 =	simm.s32 $0x1;
	s6 =	smul.u32 s9, s6  }
0xa: {  	s12 =	smov.u32 s3;
	s7 =	sadd.s32 s7, s31;
	[sflag:s5] =	ssyncpa.u1 $0x0  }
0xb: {  	s9 =	simm.s32 $0x0;
	[sflag:s30] =	ssyncpa.u1 $0x0;
	s8 =	sadd.s32 $0x1, s6  }
.LBB1_4:
0xc: {  	s21 =	simm.s32 $0x0  }
.LBB1_8:
0xd: {  	_ =	sdelay $0x3  }
0xe: {  	v6 =	vld [tilespmem:s18+$0xFFFFFFC0];
	[tilespmem:v0+s20+$0x30 ss:$0x1] =	vst.idx.msk @p0 $0xffff, v2  }
0xf: {  	v58 =	vld [tilespmem:s18+$0xFFFFFFD0];
	[tilespmem:v0+s20+$0x40 ss:$0x1] =	vst.idx.msk @p0 $0xffff, v3;
	s21 =	sadd.s32 @p0 $0x80, s21  }
0x10: {  	v59 =	vld [tilespmem:s18+$0xFFFFFFE0];
	[tilespmem:v0+s20+$0x50 ss:$0x1] =	vst.idx.msk @p0 $0xffff, v5;
	s19 =	smov.u32 @p0 s21  }
0x11: {  	v60 =	vld [tilespmem:s18+$0xFFFFFFF0];
	[tilespmem:v0+s20+$0x60 ss:$0x1] =	vst.idx.msk @p0 $0xffff, v4;
	s19 =	sand.u32 $0x3F80, s19  }
0x12: {  	v61 =	vld [tilespmem:s18+$0x0];
	[tilespmem:v0+s19+$0x70 ss:$0x1] =	vst.idx.msk $0xffff, v1  }
0x13: {  	v62 =	vld [tilespmem:s18+$0x10];
	[tilespmem:v0+s19+$0x0 ss:$0x1] =	vst.idx.msk $0xffff, v6  }
0x14: {  	v63 =	vld [tilespmem:s18+$0x20];
	[tilespmem:v0+s19+$0x10 ss:$0x1] =	vst.idx.msk $0xffff, v58  }
0x15: {  	[tilespmem:v0+s19+$0x20 ss:$0x1] =	vst.idx.msk $0xffff, v59  }
0x16: {  	[tilespmem:v0+s19+$0x30 ss:$0x1] =	vst.idx.msk $0xffff, v60  }
0x17: {  	[tilespmem:v0+s19+$0x40 ss:$0x1] =	vst.idx.msk $0xffff, v61  }
0x18: {  	[tilespmem:v0+s19+$0x50 ss:$0x1] =	vst.idx.msk $0xffff, v62  }
0x19: {  	[tilespmem:v0+s19+$0x60 ss:$0x1] =	vst.idx.msk $0xffff, v63  }
.LBB1_9:
0x1a: {  	s18 =	sand.u32 $0x1FFFFFF, s11  }
0x1b: {  	s19 =	smulhi.u32 $0x14F8B59, s18;
	_ =	sdelay $0x1  }
0x1c: {  	s19 =	sshrl.u32 s19, $0x8  }
0x1d: {  	s19 =	smul.u32 $0xC350, s19  }
0x1e: {  	s15 =	smul.u32 $0xC3500, s15  }
0x1f: {  	s18 =	ssub.s32 s18, s19  }
0x20: {  	s15 =	sadd.s32 s4, s15;
	s18 =	sshll.u32 s18, $0x4  }
0x21: {  	s15 =	sadd.s32 s18, s15  }
0x22: {  	[hbm4b:s15+s9] =	stream.linear.scatter [tilespmem:s17], [sflag:$0x2], s16, $0x38;
	[tilespmem:$0x10000] =	vst v63  }
.LBB1_10:
0x23: {  	p0 =	slt.u32 s13, $0x2  }
0x24: {  	p1 =	sgt.s32 @!p0 s14, $0xC2D0  }
0x25: {  	s15 =	smov.u32 s14;
	s16 =	sshra.s32 @!p0 s14, $0x1F;
	p1 =	por !p1, p0  }
0x26: {  	s14 =	sand.u32 @!p0 s16, s14;
	s15 =	simm.s32 @p1 $0xC2D0  }
0x27: {  	s14 =	ssub.s32 @!p0 s15, s14  }
0x28: {  	s14 =	sadd.s32 @!p0 $0xFFFF3D30, s14  }
0x29: {  	s15 =	sshll.u32 @!p0 s14, $0x7  }
0x2a: {  	p1 =	sgt.s32 @!p0 s14, $0x7F;
	s14 =	ssub.s32 @!p0 $0x4000, s15  }
0x2b: {  	s16 =	sadd.s32 $0x800, s12;
	p1 =	por !p1, p0;
	s14 =	sand.u32 @!p0 $0x3FFFFF80, s14  }
0x2c: {  	s14 =	simm.s32 @!p1 $0x0;
	p1 =	sgt.s32 s16, $0xC34F  }
0x2d: {  	s16 =	smov.u32 @p1 s3;
	p1 =	sne.s32 s13, s8  }
.Ltmp1:
0x2e: {  	_ = 	snop;
	(pc) =	sbr.rel @!p1 .LBB1_11-.Ltmp1, $4  }
0x2f: {  	s10 =	sadd.s32 $0x4000, s10;
	s15 =	simm.s32 @!p0 $0x2  }
0x30: {  	_ =	swait.ge @!p0 [sflag:s15], s14;
	s17 =	ssub.s32 @!p0 $0x0, s14;
	s14 =	smov.u32 s11  }
0x31: {  	s13 =	sadd.s32 $0x1, s13;
	s11 =	smov.u32 s12;
	[sflag:s15] =	ssyncset.done @!p0 $0x0  }
0x32: {  	s12 =	smov.u32 s16;
	[sflag:s15] =	ssyncadd.s32 @!p0 s17;
	s15 =	smov.u32 s2  }
.LBB1_1:
0x33: {  	p0 =	sge.u32 s13, s6  }
0x34: {  	p1 =	sgt.s32 @!p0 s12, $0xC2D0  }
0x35: {  	s16 =	smov.u32 s12;
	s17 =	sshra.s32 @!p0 s12, $0x1F;
	p1 =	por !p1, p0  }
0x36: {  	s17 =	sand.u32 @!p0 s17, s12;
	s16 =	simm.s32 @p1 $0xC2D0  }
0x37: {  	s16 =	ssub.s32 @!p0 s16, s17  }
0x38: {  	s31 =	sadd.s32 $0xFFFFFFFF, s13;
	s18 =	sxor.u32 @!p0 $0xFFFFFFFF, s13;
	s16 =	sadd.s32 @!p0 $0xFFFF3D30, s16  }
0x39: {  	s19 =	simm.s32 @!p0 $0x80;
	s20 =	simm.s32 @!p0 $0x100;
	s17 =	sshll.u32 @!p0 s16, $0x7  }
0x3a: {  	p1 =	sgt.s32 @!p0 s16, $0x7F;
	s16 =	ssub.s32 @!p0 $0x4000, s17;
	s17 =	sshll.u32 @!p0 s18, $0xE  }
0x3b: {  	p1 =	por !p1, p0;
	s18 =	sshll.u32 @!p0 s12, $0x5;
	s16 =	sand.u32 @!p0 $0x3FFFFF80, s16  }
0x3c: {  	s17 =	sand.u32 @!p0 $0x4000, s17;
	s18 =	sadd.s32 @!p0 s18, s7;
	s16 =	simm.s32 @!p1 $0x0  }
0x3d: {  	[tilespmem:s17], [sflag:$0x1] =	stream.strided.gather @!p0 [hbm4b:s18+s19], s16, s20, s19, $0x38;
	[tilespmem:$0x10000] =	vst v63  }
0x3e: {  	p0 =	sge.u32 s31, s6  }
.Ltmp2:
0x3f: {  	_ = 	snop;
	(pc) =	sbr.rel @p0 .LBB1_10-.Ltmp2, $1  }
0x40: {  	_ =	sdelay $0x3  }
0x41: {  	p0 =	sgt.s32 s11, $0xC2D0;
	s16 =	smov.u32 s11;
	s17 =	sshra.s32 s11, $0x1F  }
0x42: {  	s16 =	simm.s32 @!p0 $0xC2D0;
	s17 =	sand.u32 s17, s11  }
0x43: {  	s16 =	ssub.s32 s16, s17  }
0x44: {  	s16 =	sadd.s32 $0xFFFF3D30, s16  }
0x45: {  	s30 =	sshll.u32 s16, $0x7  }
0x46: {  	s17 =	ssub.s32 $0x4000, s30  }
0x47: {  	p0 =	sgt.s32 s16, $0x7F;
	s16 =	sand.u32 $0x3FFFFF80, s17;
	s17 =	sadd.s32 $0x80, s11  }
0x48: {  	s16 =	simm.s32 @p0 $0x0;
	p0 =	slt.s32 s17, $0xC350  }
0x49: {  	s17 =	simm.s32 @!p0 $0xC350  }
0x4a: {  	s20 =	ssub.s32 s17, s11  }
0x4b: {  	p0 =	slt.s32 s20, $0x1  }
.Ltmp3:
0x4c: {  	_ = 	snop;
	(pc) =	sbr.rel @p0 .LBB1_9-.Ltmp3, $4  }
0x4d: {  	_ = 	snop  }
0x4e: {  	s19 =	sshll.u32 s13, $0xE;
	_ =	swait.ge [sflag:s5], s16  }
0x4f: {  	s31 =	sand.u32 $0x4000, s19;
	s18 =	ssub.s32 $0x0, s16;
	[sflag:s5] =	ssyncset.done $0x0  }
0x50: {  	s17 =	sor.u32 $0x8000, s31;
	[sflag:s5] =	ssyncadd.s32 s18  }
0x51: {  	p1 =	sne.s32 s20, $0x1  }
.Ltmp4:
0x52: {  	v0 =	vmov s17;
	(pc) =	sbr.rel @!p1 .LBB1_4-.Ltmp4, $4  }
0x53: {  	_ = 	snop  }
0x54: {  	s18 =	sand.u32 $0x4000, s10  }
0x55: {  	s18 =	sor.u32 $0x40, s18  }
0x56: {  	s19 =	simm.s32 $0x0;
	s21 =	sadd.s32 $0xFFFFFFFF, s20;
	p0 =	por $0x0, $0x0;
	v1 =	vld [tilespmem:s18+$0x30]  }
0x57: {  	v4 =	vld [tilespmem:s18+$0xFFFFFFC0]  }
0x58: {  	v6 =	vld [tilespmem:s18+$0xFFFFFFD0]  }
0x59: {  	v7 =	vld [tilespmem:s18+$0xFFFFFFE0];
	p1 =	sne.s32 s21, $0x1  }
.Ltmp5:
0x5a: {  	v2 =	vld [tilespmem:s18+$0xFFFFFFF0];
	s20 =	sand.u32 $0x3F80, s19;
	(pc) =	sbr.rel @!p1 .LBB1_6-.Ltmp5, $4  }
0x5b: {  	v3 =	vld [tilespmem:s18+$0x0];
	[tilespmem:v0+s20+$0x70 ss:$0x1] =	vst.idx.msk $0xffff, v1  }
0x5c: {  	v5 =	vld [tilespmem:s18+$0x10];
	[tilespmem:v0+s20+$0x0 ss:$0x1] =	vst.idx.msk $0xffff, v4  }
0x5d: {  	v4 =	vld [tilespmem:s18+$0x20];
	[tilespmem:v0+s20+$0x10 ss:$0x1] =	vst.idx.msk $0xffff, v6;
	s18 =	sadd.s32 $0x80, s18  }
0x5e: {  	s22 =	sadd.s32 $0xFFFFFFFF, s21;
	p0 =	por $0x1, $0x1;
	s21 =	simm.s32 $0x0;
	[tilespmem:v0+s20+$0x20 ss:$0x1] =	vst.idx.msk $0xffff, v7;
	v1 =	vld [tilespmem:s18+$0x30]  }
.LBB1_7:
0x5f: {  	p1 =	sne.s32 s22, $0x1;
	v6 =	vld [tilespmem:s18+$0xFFFFFFC0];
	[tilespmem:v0+s20+$0x30 ss:$0x1] =	vst.idx.msk $0xffff, v2  }
0x60: {  	v7 =	vld [tilespmem:s18+$0xFFFFFFD0];
	[tilespmem:v0+s20+$0x40 ss:$0x1] =	vst.idx.msk $0xffff, v3  }
0x61: {  	s21 =	sadd.s32 $0x80, s21;
	v8 =	vld [tilespmem:s18+$0xFFFFFFE0];
	[tilespmem:v0+s20+$0x50 ss:$0x1] =	vst.idx.msk $0xffff, v5  }
.Ltmp6:
0x62: {  	v2 =	vld [tilespmem:s18+$0xFFFFFFF0];
	[tilespmem:v0+s20+$0x60 ss:$0x1] =	vst.idx.msk $0xffff, v4;
	s20 =	sand.u32 $0x3F80, s21;
	(pc) =	sbr.rel @p1 .LBB1_7-.Ltmp6, $4  }
0x63: {  	v3 =	vld [tilespmem:s18+$0x0];
	[tilespmem:v0+s20+$0x70 ss:$0x1] =	vst.idx.msk $0xffff, v1  }
0x64: {  	[tilespmem:v0+s20+$0x0 ss:$0x1] =	vst.idx.msk $0xffff, v6;
	v5 =	vld [tilespmem:s18+$0x10]  }
0x65: {  	[tilespmem:v0+s20+$0x10 ss:$0x1] =	vst.idx.msk $0xffff, v7;
	v4 =	vld [tilespmem:s18+$0x20];
	s18 =	sadd.s32 $0x80, s18  }
0x66: {  	s22 =	sadd.s32 $0xFFFFFFFF, s22;
	v1 =	vld [tilespmem:s18+$0x30];
	[tilespmem:v0+s20+$0x20 ss:$0x1] =	vst.idx.msk $0xffff, v8  }
.Ltmp7:
0x67: {  	_ = 	snop;
	(pc) =	sbr.rel .LBB1_8-.Ltmp7, $1  }
0x68: {  	_ =	sdelay $0x3  }
.LBB1_6:
.Ltmp8:
0x69: {  	(pc) =	sbr.rel .LBB1_8-.Ltmp8, $2  }
0x6a: {  	_ =	sdelay $0x2  }
0x6b: {  	s21 =	simm.s32 $0x0  }
.LBB1_11:
0x6c: {  	_ =	sfence.sel $0x180000  }
0x6d: {  	s2 =	simm.s32 $0x1;
	[bflag:$0x0] =	sbarrier.arrive $0xFFFF  }
0x6e: {  	s31 =	simm.s32 $0x2;
	[sflag:s2] =	ssyncpa.u1 $0x1  }
0x6f: {  	[sflag:s31] =	ssyncpa.u1 $0x1  }
0x70: {  	p0 =	sne.s32 s0, $0x0;
	_ =	strace $0x90000047  }
0x71: {  	s0 =	sadd.s32 @!p0 $0x100000, s1;
	[bflag:$0x2] =	sbarrier.arrive $0xFFFF  }
0x72: {  	[sflag:s0] =	ssyncadd.tile.s32 @!p0 $0x1;
	_ =	shalt  }
.Lfunc_end1:
_tile_overlayer_lowered:
.L_overlay_start_2:
0x73: {  	(tag) =	ssettag $0x2  }
0x74: {  	s0 =	rddreg [dreg:$0x0];
	s2 =	stileid.u32  }
0x75: {  	s1 =	rddreg [dreg:$0x1];
	p0 =	sne.s32 s2, $0x0  }
0x76: {  	s3 =	rddreg [dreg:$0x2];
	[bflag:$0x3] =	sbarrier.arrive $0xFFFF;
	s2 =	simm.s32 @!p0 $0x1C01  }
0x77: {  	[timem:s3], [sflag:s2] =	dma.local @!p0 [hbm:s0], s1  }
0x78: {  	s0 =	simm.s32 @!p0 $0x1  }
0x79: {  	_ =	swait.ge @!p0 [sflag:s0], s1  }
0x7a: {  	s1 =	ssub.s32 @!p0 $0x0, s1;
	[sflag:s0] =	ssyncset.done @!p0 $0x0  }
0x7b: {  	[sflag:s0] =	ssyncadd.s32 @!p0 s1  }
0x7c: {  	[bflag:$0x3] =	sbarrier.arrive $0xFFFF  }
0x7d: {  	_ =	shalt  }

</sc_bundles>
